<compile_context>
chip_gen: v7x
topology: tpu7x:2x2x1
jax: 0.10.2.dev20260603
libtpu: 0.0.44.dev20260713+nightly
codegen_flags: <defaults>
</compile_context>

<pallas_src>
import functools

import jax
import jax.numpy as jnp
from jax import lax
from jax.experimental import pallas as pl
from jax.experimental.pallas import tpu as pltpu
from jax.experimental.pallas import tpu_sc as plsc

LOW_THRESH = 0.3
HIGH_THRESH = 0.7

_NW = 32
_LANES = 16
_B = 2560


def _matcher_body(an_ref, gt_ref, out_ref, q_ref, gm_ref, *, n, gp, g, nb):
    gx1 = gt_ref[:, 0:1]
    gy1 = gt_ref[:, 1:2]
    gx2 = gt_ref[:, 2:3]
    gy2 = gt_ref[:, 3:4]
    ga = (gx2 - gx1) * (gy2 - gy1)
    widths = [min(_B, n - j * _B) for j in range(nb)]
    for j in range(nb):
        w_ = widths[j]
        sl = pl.ds(j * _B, w_)
        ax1 = an_ref[0:1, sl]
        ay1 = an_ref[1:2, sl]
        ax2 = an_ref[2:3, sl]
        ay2 = an_ref[3:4, sl]
        ab = (ax2 - ax1) * (ay2 - ay1)
        w = jnp.maximum(jnp.minimum(gx2, ax2) - jnp.maximum(gx1, ax1), 0.0)
        h = jnp.maximum(jnp.minimum(gy2, ay2) - jnp.maximum(gy1, ay1), 0.0)
        inter = w * h
        q = inter / (ga + ab - inter)
        q_ref[j, :, 0:w_] = q
        bm = jnp.max(q, axis=1, keepdims=True)
        if j == 0:
            gm_ref[:, 0:1] = bm
        else:
            gm_ref[:, 0:1] = jnp.maximum(gm_ref[:, 0:1], bm)
    gm = gm_ref[:, 0:1]
    for j in range(nb):
        w_ = widths[j]
        q = q_ref[j, :, 0:w_]
        giota = lax.broadcasted_iota(jnp.int32, (g, w_), 0)
        mv = jnp.max(q, axis=0, keepdims=True)
        am = jnp.min(jnp.where(q == mv, giota, g), axis=0, keepdims=True)
        restore = jnp.any(q == gm, axis=0, keepdims=True)
        m = jnp.where(mv < LOW_THRESH, -1, jnp.where(mv < HIGH_THRESH, -2, am))
        m = jnp.where(restore, am, m)
        out_ref[j:j + 1, 0:w_] = m


def _sc_labels_body(m_hbm, gt_hbm, s_hbm, c_hbm, out_hbm,
                    m_v, tbl_v, s_v, c_v, o_v, sem0, sem1, sem2, sem3,
                    *, n, g, nc):
    wid = lax.axis_index("s") * nc + lax.axis_index("c")
    chunk = _B // 4
    j = wid // 4
    off = (wid % 4) * chunk
    base = wid * chunk
    d0 = pltpu.async_copy(m_hbm.at[pl.ds(j, 1), pl.ds(off, chunk)], m_v, sem0)
    d1 = pltpu.async_copy(gt_hbm, tbl_v, sem1)
    d2 = pltpu.async_copy(s_hbm, s_v, sem2)
    d3 = pltpu.async_copy(c_hbm, c_v, sem3)
    d0.wait()
    d1.wait()
    d2.wait()
    d3.wait()
    lanes = lax.iota(jnp.int32, _LANES)
    zeros = jnp.zeros((_LANES,), jnp.int32)
    for i in range(chunk // _LANES):
        idx = plsc.load_gather(m_v, [zeros, lanes + i * _LANES])
        cl = jnp.clip(idx, 0, g - 1)
        s = plsc.load_gather(s_v, [cl])
        c = plsc.load_gather(c_v, [cl])
        fg = idx >= 0
        lab = jnp.minimum(jnp.where(fg, 1.0, 0.0), s)
        lab = jnp.where(idx == -1, 0.0, lab)
        lab = jnp.where(idx == -2, -1.0, lab)
        lab = jnp.where(fg & (s < 1.0), -1.0, lab)
        lab = jnp.where(fg & (c == 0), -1.0, lab)
        rows = lanes + i * _LANES
        plsc.store_scatter(o_v, [rows, jnp.zeros((_LANES,), jnp.int32)], lab)
        for k in range(4):
            col = jnp.full((_LANES,), k, jnp.int32)
            bk = plsc.load_gather(tbl_v, [cl, col])
            plsc.store_scatter(o_v, [rows, col + 1], bk)
    tail = n - (_NW - 1) * chunk
    @pl.when(wid < _NW - 1)
    def _():
        pltpu.sync_copy(o_v, out_hbm.at[pl.ds(base, chunk), :])
    @pl.when(wid == _NW - 1)
    def _():
        pltpu.sync_copy(o_v.at[pl.ds(0, tail), :],
                        out_hbm.at[pl.ds(base, tail), :])


def kernel(gt_boxes, anchors, score_labels, confidence_labels):
    n, g = anchors.shape[0], gt_boxes.shape[0]
    f32 = jnp.float32
    np_ = -(-n // _B) * _B
    nb = np_ // _B

    matcher = pl.pallas_call(
        functools.partial(_matcher_body, n=n, gp=g, g=g, nb=nb),
        out_shape=jax.ShapeDtypeStruct((nb, _B), jnp.int32),
        scratch_shapes=[
            pltpu.VMEM((nb, g, _B), f32),
            pltpu.VMEM((g, 128), f32),
        ],
    )
    matches = matcher(anchors.T, gt_boxes)
    matches = jnp.where(matches == -999999, matches + 1, matches)

    sc_labels = functools.partial(
        pl.kernel,
        mesh=plsc.VectorSubcoreMesh(core_axis_name="c", subcore_axis_name="s"),
        compiler_params=pltpu.CompilerParams(needs_layout_passes=False),
        out_type=jax.ShapeDtypeStruct((n, 5), f32),
        scratch_types=[
            pltpu.VMEM((1, _B // 4), jnp.int32),
            pltpu.VMEM((g, 4), f32),
            pltpu.VMEM((g,), f32),
            pltpu.VMEM((g,), jnp.int32),
            pltpu.VMEM((_B // 4, 5), f32),
            pltpu.SemaphoreType.DMA,
            pltpu.SemaphoreType.DMA,
            pltpu.SemaphoreType.DMA,
            pltpu.SemaphoreType.DMA,
        ],
    )(functools.partial(_sc_labels_body, n=n, g=g, nc=2))
    return sc_labels(matches, gt_boxes, score_labels, confidence_labels)

# --- scband reference (transcript-rebuilt; emitter-appended) ---
"""Pipeline reference for scband-faster-rcnnsofter-labels-43198781063711 (READ-ONLY COPY).

The authoritative reference and input builder live on the scoring server;
editing this copy changes nothing except your own understanding.
"""

import jax, jax.numpy as jnp
import numpy as np

HIGH_THRESH = 0.7
LOW_THRESH = 0.3
BELOW_LOW_THRESHOLD = -1
BETWEEN_THRESHOLDS = -2


def box_iou(a, b):
    # a: [G,4], b: [N,4] in (x1,y1,x2,y2)
    area_a = (a[:, 2] - a[:, 0]) * (a[:, 3] - a[:, 1])
    area_b = (b[:, 2] - b[:, 0]) * (b[:, 3] - b[:, 1])
    lt = jnp.maximum(a[:, None, :2], b[None, :, :2])
    rb = jnp.minimum(a[:, None, 2:], b[None, :, 2:])
    wh = jnp.clip(rb - lt, 0.0)
    inter = wh[..., 0] * wh[..., 1]
    return inter / (area_a[:, None] + area_b[None, :] - inter)


def setup_inputs(seed: int = 0) -> dict:
    key = jax.random.key(seed)
    k1, k2, k3, k4, k5, k6 = jax.random.split(key, 6)
    N, G = 20000, 100
    axy = jax.random.uniform(k1, (N, 2), dtype=jnp.float32) * 760.0
    awh = jax.random.uniform(k2, (N, 2), dtype=jnp.float32) * 80.0 + 4.0
    anchors = jnp.concatenate([axy, axy + awh], axis=1)
    gxy = jax.random.uniform(k3, (G, 2), dtype=jnp.float32) * 700.0
    gwh = jax.random.uniform(k4, (G, 2), dtype=jnp.float32) * 96.0 + 8.0
    gt_boxes = jnp.concatenate([gxy, gxy + gwh], axis=1)
    score_labels = jax.random.randint(k5, (G,), 0, 2).astype(jnp.float32)
    confidence_labels = jax.random.randint(k6, (G,), 0, 2).astype(jnp.int32)
    return {"gt_boxes": gt_boxes, "anchors": anchors,
            "score_labels": score_labels, "confidence_labels": confidence_labels}


def reference(gt_boxes, anchors, score_labels, confidence_labels):
    # match_quality_matrix = box_similarity(gt_boxes, anchors)
    quality = box_iou(gt_boxes, anchors)  # [G, N]
    # torchvision Matcher with allow_low_quality_matches=True
    matched_vals = quality.max(axis=0)
    all_matches = jnp.argmax(quality, axis=0)
    matches = jnp.where(matched_vals < LOW_THRESH, BELOW_LOW_THRESHOLD, all_matches)
    matches = jnp.where((matched_vals >= LOW_THRESH) & (matched_vals < HIGH_THRESH),
                        BETWEEN_THRESHOLDS, matches)
    highest_foreach_gt = quality.max(axis=1)
    restore = jnp.any(quality == highest_foreach_gt[:, None], axis=0)
    matches = jnp.where(restore, all_matches, matches)
    # assign_targets_to_anchors body
    clamped = jnp.clip(matches, 0)
    matched_gt_boxes = gt_boxes[clamped]  # [N,4] gather
    labels = (matches >= 0).astype(jnp.float32)
    labels = jnp.minimum(labels, score_labels[clamped])
    labels = jnp.where(matches == BELOW_LOW_THRESHOLD, 0.0, labels)
    labels = jnp.where(matches == BETWEEN_THRESHOLDS, -1.0, labels)
    labels = jnp.where((score_labels[clamped] < 1) & (matches >= 0), -1.0, labels)
    labels = jnp.where((confidence_labels[clamped] == 0) & (matches >= 0), -1.0, labels)
    return jnp.concatenate([labels[:, None], matched_gt_boxes], axis=1)  # [N,5]

if __name__ == "__main__":
    import jax
    _d = setup_inputs()
    print(jax.jit(kernel)(*tuple(_d.values())))

</pallas_src>

<mosaic_0001>
#map = affine_map<(d0, d1) -> (0, 0)>
#map1 = affine_map<(d0, d1) -> (0)>
module attributes {stable_mosaic.version = 14 : i64} {
  func.func @_sc_labels_body(%arg0: i32, %arg1: i32, %arg2: memref<8x2560xi32, #tpu.memory_space<hbm>>, %arg3: memref<100x4xf32, #tpu.memory_space<hbm>>, %arg4: memref<100xf32, #tpu.memory_space<hbm>>, %arg5: memref<100xi32, #tpu.memory_space<hbm>>, %arg6: memref<20000x5xf32, #tpu.memory_space<hbm>>, %arg7: memref<1x640xi32, #tpu.memory_space<vmem>>, %arg8: memref<100x4xf32, #tpu.memory_space<vmem>>, %arg9: memref<100xf32, #tpu.memory_space<vmem>>, %arg10: memref<100xi32, #tpu.memory_space<vmem>>, %arg11: memref<640x5xf32, #tpu.memory_space<vmem>>, %arg12: memref<!tpu.dma_semaphore, #tpu.memory_space<semaphore_mem>>, %arg13: memref<!tpu.dma_semaphore, #tpu.memory_space<semaphore_mem>>, %arg14: memref<!tpu.dma_semaphore, #tpu.memory_space<semaphore_mem>>, %arg15: memref<!tpu.dma_semaphore, #tpu.memory_space<semaphore_mem>>) attributes {dimension_semantics = [#tpu.dimension_semantics<core_parallel>, #tpu.dimension_semantics<subcore_parallel>], iteration_bounds = array<i64: 2, 16>, scalar_prefetch = 0 : i64, scratch_operands = 9 : i64, tpu.core_type = #tpu.core_type<sc_vector_subcore>, window_params = [{transform_indices = #map}, {transform_indices = #map}, {transform_indices = #map1}, {transform_indices = #map1}, {transform_indices = #map}]} {
    %mul3A = arith.constant 2 : i32
    %mul3A_0 = arith.muli %arg1, %mul3A : i32
    %add3A = arith.addi %mul3A_0, %arg0 : i32
    %jit3A = arith.constant 4 : i32
    %div3A = arith.divsi %add3A, %jit3A : i32
    %sign3A = arith.constant 0 : i32
    %sign3A_1 = arith.cmpi sgt, %add3A, %sign3A : i32
    %sign3A_2 = arith.extui %sign3A_1 : i1 to i32
    %sign3A_3 = arith.constant 0 : i32
    %sign3A_4 = arith.cmpi slt, %add3A, %sign3A_3 : i32
    %sign3A_5 = arith.extui %sign3A_4 : i1 to i32
    %sign3A_6 = arith.subi %sign3A_2, %sign3A_5 : i32
    %sign3A_7 = arith.constant 0 : i32
    %sign3A_8 = arith.cmpi sgt, %jit3A, %sign3A_7 : i32
    %sign3A_9 = arith.extui %sign3A_8 : i1 to i32
    %sign3A_10 = arith.constant 0 : i32
    %sign3A_11 = arith.cmpi slt, %jit3A, %sign3A_10 : i32
    %sign3A_12 = arith.extui %sign3A_11 : i1 to i32
    %sign3A_13 = arith.subi %sign3A_9, %sign3A_12 : i32
    %ne3A = arith.cmpi ne, %sign3A_6, %sign3A_13 : i32
    %rem3A = arith.remsi %add3A, %jit3A : i32
    %ne3A_14 = arith.constant 0 : i32
    %ne3A_15 = arith.cmpi ne, %rem3A, %ne3A_14 : i32
    %and3A = arith.andi %ne3A, %ne3A_15 : i1
    %sub3A = arith.constant 1 : i32
    %sub3A_16 = arith.subi %div3A, %sub3A : i32
    %select_n3A = arith.select %and3A, %sub3A_16, %div3A : i32
    %jit3A_17 = arith.constant 4 : i32
    %eq3A = arith.constant 0 : i32
    %eq3A_18 = arith.cmpi eq, %jit3A_17, %eq3A : i32
    %jit3A_19 = arith.constant 1 : i32
    %select_n3A_20 = arith.select %eq3A_18, %jit3A_19, %jit3A_17 : i32
    %rem3A_21 = arith.remsi %add3A, %select_n3A_20 : i32
    %ne3A_22 = arith.constant 0 : i32
    %ne3A_23 = arith.cmpi ne, %rem3A_21, %ne3A_22 : i32
    %lt3A = arith.constant 0 : i32
    %lt3A_24 = arith.cmpi slt, %rem3A_21, %lt3A : i32
    %lt3A_25 = arith.constant 0 : i32
    %lt3A_26 = arith.cmpi slt, %select_n3A_20, %lt3A_25 : i32
    %ne3A_27 = arith.xori %lt3A_24, %lt3A_26 : i1
    %and3A_28 = arith.andi %ne3A_27, %ne3A_23 : i1
    %add3A_29 = arith.addi %rem3A_21, %select_n3A_20 : i32
    %select_n3A_30 = arith.select %and3A_28, %add3A_29, %rem3A_21 : i32
    %mul3A_31 = arith.constant 640 : i32
    %mul3A_32 = arith.muli %select_n3A_30, %mul3A_31 : i32
    %mul3A_33 = arith.constant 640 : i32
    %mul3A_34 = arith.muli %add3A, %mul3A_33 : i32
    %dma_start3A = tpu.memref_slice %arg2[%select_n3A, %mul3A_32] : memref<8x2560xi32, #tpu.memory_space<hbm>> -> memref<1x640xi32, #tpu.memory_space<hbm>>
    %dma_start3A_35 = tpu.memref_slice %arg2[%select_n3A, %mul3A_32] : memref<8x2560xi32, #tpu.memory_space<hbm>> -> memref<1x640xi32, #tpu.memory_space<hbm>>
    tpu.enqueue_dma source(%dma_start3A_35 : memref<1x640xi32, #tpu.memory_space<hbm>>) target(%arg7 : memref<1x640xi32, #tpu.memory_space<vmem>>) target_semaphore(%arg12 : memref<!tpu.dma_semaphore, #tpu.memory_space<semaphore_mem>>)
    tpu.enqueue_dma source(%arg3 : memref<100x4xf32, #tpu.memory_space<hbm>>) target(%arg8 : memref<100x4xf32, #tpu.memory_space<vmem>>) target_semaphore(%arg13 : memref<!tpu.dma_semaphore, #tpu.memory_space<semaphore_mem>>)
    tpu.enqueue_dma source(%arg4 : memref<100xf32, #tpu.memory_space<hbm>>) target(%arg9 : memref<100xf32, #tpu.memory_space<vmem>>) target_semaphore(%arg14 : memref<!tpu.dma_semaphore, #tpu.memory_space<semaphore_mem>>)
    tpu.enqueue_dma source(%arg5 : memref<100xi32, #tpu.memory_space<hbm>>) target(%arg10 : memref<100xi32, #tpu.memory_space<vmem>>) target_semaphore(%arg15 : memref<!tpu.dma_semaphore, #tpu.memory_space<semaphore_mem>>)
    %dma_wait3A = tpu.memref_slice %arg2[%select_n3A, %mul3A_32] : memref<8x2560xi32, #tpu.memory_space<hbm>> -> memref<1x640xi32, #tpu.memory_space<hbm>>
    %dma_wait3A_36 = tpu.memref_slice %arg2[%select_n3A, %mul3A_32] : memref<8x2560xi32, #tpu.memory_space<hbm>> -> memref<1x640xi32, #tpu.memory_space<hbm>>
    tpu.wait_dma2 semaphore(%arg12 : memref<!tpu.dma_semaphore, #tpu.memory_space<semaphore_mem>>) src(%dma_wait3A_36 : memref<1x640xi32, #tpu.memory_space<hbm>>) dst(%arg7 : memref<1x640xi32, #tpu.memory_space<vmem>>)
    tpu.wait_dma2 semaphore(%arg13 : memref<!tpu.dma_semaphore, #tpu.memory_space<semaphore_mem>>) src(%arg3 : memref<100x4xf32, #tpu.memory_space<hbm>>) dst(%arg8 : memref<100x4xf32, #tpu.memory_space<vmem>>)
    tpu.wait_dma2 semaphore(%arg14 : memref<!tpu.dma_semaphore, #tpu.memory_space<semaphore_mem>>) src(%arg4 : memref<100xf32, #tpu.memory_space<hbm>>) dst(%arg9 : memref<100xf32, #tpu.memory_space<vmem>>)
    tpu.wait_dma2 semaphore(%arg15 : memref<!tpu.dma_semaphore, #tpu.memory_space<semaphore_mem>>) src(%arg5 : memref<100xi32, #tpu.memory_space<hbm>>) dst(%arg10 : memref<100xi32, #tpu.memory_space<vmem>>)
    %iota3A = tpu.iota {dimensions = array<i32: 0>} : vector<16xi32>
    %broadcast_in_dim3A = arith.constant 0 : i32
    %broadcast_in_dim3A_37 = vector.broadcast %broadcast_in_dim3A : i32 to vector<16xi32>
    %add3A_38 = arith.constant 0 : i32
    %add3A_39 = vector.broadcast %add3A_38 : i32 to vector<16xi32>
    %add3A_40 = arith.addi %iota3A, %add3A_39 : vector<16xi32>
    %gather3A = tpu.vector_load_idx %arg7[%broadcast_in_dim3A_37, %add3A_40] : memref<1x640xi32, #tpu.memory_space<vmem>>[vector<16xi32>, vector<16xi32>], vector<16xi32>,
    %jit3A_41 = arith.constant 0 : i32
    %jit3A_42 = arith.constant 99 : i32
    %max3A = vector.broadcast %jit3A_41 : i32 to vector<16xi32>
    %max3A_43 = arith.maxsi %max3A, %gather3A : vector<16xi32>
    %min3A = vector.broadcast %jit3A_42 : i32 to vector<16xi32>
    %min3A_44 = arith.minsi %min3A, %max3A_43 : vector<16xi32>
    %gather3A_45 = tpu.vector_load_idx %arg9[%min3A_44] : memref<100xf32, #tpu.memory_space<vmem>>[vector<16xi32>], vector<16xf32>,
    %gather3A_46 = tpu.vector_load_idx %arg10[%min3A_44] : memref<100xi32, #tpu.memory_space<vmem>>[vector<16xi32>], vector<16xi32>,
    %ge3A = arith.constant 0 : i32
    %ge3A_47 = vector.broadcast %ge3A : i32 to vector<16xi32>
    %ge3A_48 = arith.cmpi sge, %gather3A, %ge3A_47 : vector<16xi32>
    %jit3A_49 = arith.constant 1.000000e+00 : f32
    %jit3A_50 = arith.constant 0.000000e+00 : f32
    %broadcast_in_dim3A_51 = vector.broadcast %jit3A_49 : f32 to vector<16xf32>
    %broadcast_in_dim3A_52 = vector.broadcast %jit3A_50 : f32 to vector<16xf32>
    %select_n3A_53 = arith.select %ge3A_48, %broadcast_in_dim3A_51, %broadcast_in_dim3A_52 : vector<16xi1>, vector<16xf32>
    %min3A_54 = arith.minimumf %select_n3A_53, %gather3A_45 : vector<16xf32>
    %eq3A_55 = arith.constant -1 : i32
    %eq3A_56 = vector.broadcast %eq3A_55 : i32 to vector<16xi32>
    %eq3A_57 = arith.cmpi eq, %gather3A, %eq3A_56 : vector<16xi32>
    %jit3A_58 = arith.constant 0.000000e+00 : f32
    %broadcast_in_dim3A_59 = vector.broadcast %jit3A_58 : f32 to vector<16xf32>
    %select_n3A_60 = arith.select %eq3A_57, %broadcast_in_dim3A_59, %min3A_54 : vector<16xi1>, vector<16xf32>
    %eq3A_61 = arith.constant -2 : i32
    %eq3A_62 = vector.broadcast %eq3A_61 : i32 to vector<16xi32>
    %eq3A_63 = arith.cmpi eq, %gather3A, %eq3A_62 : vector<16xi32>
    %jit3A_64 = arith.constant -1.000000e+00 : f32
    %broadcast_in_dim3A_65 = vector.broadcast %jit3A_64 : f32 to vector<16xf32>
    %select_n3A_66 = arith.select %eq3A_63, %broadcast_in_dim3A_65, %select_n3A_60 : vector<16xi1>, vector<16xf32>
    %lt3A_67 = arith.constant 1.000000e+00 : f32
    %lt3A_68 = vector.broadcast %lt3A_67 : f32 to vector<16xf32>
    %lt3A_69 = arith.cmpf olt, %gather3A_45, %lt3A_68 : vector<16xf32>
    %and3A_70 = arith.andi %ge3A_48, %lt3A_69 : vector<16xi1>
    %jit3A_71 = arith.constant -1.000000e+00 : f32
    %broadcast_in_dim3A_72 = vector.broadcast %jit3A_71 : f32 to vector<16xf32>
    %select_n3A_73 = arith.select %and3A_70, %broadcast_in_dim3A_72, %select_n3A_66 : vector<16xi1>, vector<16xf32>
    %eq3A_74 = arith.constant 0 : i32
    %eq3A_75 = vector.broadcast %eq3A_74 : i32 to vector<16xi32>
    %eq3A_76 = arith.cmpi eq, %gather3A_46, %eq3A_75 : vector<16xi32>
    %and3A_77 = arith.andi %ge3A_48, %eq3A_76 : vector<16xi1>
    %jit3A_78 = arith.constant -1.000000e+00 : f32
    %broadcast_in_dim3A_79 = vector.broadcast %jit3A_78 : f32 to vector<16xf32>
    %select_n3A_80 = arith.select %and3A_77, %broadcast_in_dim3A_79, %select_n3A_73 : vector<16xi1>, vector<16xf32>
    %add3A_81 = arith.constant 0 : i32
    %add3A_82 = vector.broadcast %add3A_81 : i32 to vector<16xi32>
    %add3A_83 = arith.addi %iota3A, %add3A_82 : vector<16xi32>
    %broadcast_in_dim3A_84 = arith.constant 0 : i32
    %broadcast_in_dim3A_85 = vector.broadcast %broadcast_in_dim3A_84 : i32 to vector<16xi32>
    tpu.vector_store_idx %arg11[%add3A_83, %broadcast_in_dim3A_85], %select_n3A_80 : memref<640x5xf32, #tpu.memory_space<vmem>>[vector<16xi32>, vector<16xi32>], vector<16xf32>,
    %broadcast_in_dim3A_86 = arith.constant 0 : i32
    %broadcast_in_dim3A_87 = vector.broadcast %broadcast_in_dim3A_86 : i32 to vector<16xi32>
    %gather3A_88 = tpu.vector_load_idx %arg8[%min3A_44, %broadcast_in_dim3A_87] : memref<100x4xf32, #tpu.memory_space<vmem>>[vector<16xi32>, vector<16xi32>], vector<16xf32>,
    %add3A_89 = arith.constant 1 : i32
    %add3A_90 = vector.broadcast %add3A_89 : i32 to vector<16xi32>
    %add3A_91 = arith.addi %broadcast_in_dim3A_87, %add3A_90 : vector<16xi32>
    tpu.vector_store_idx %arg11[%add3A_83, %add3A_91], %gather3A_88 : memref<640x5xf32, #tpu.memory_space<vmem>>[vector<16xi32>, vector<16xi32>], vector<16xf32>,
    %broadcast_in_dim3A_92 = arith.constant 1 : i32
    %broadcast_in_dim3A_93 = vector.broadcast %broadcast_in_dim3A_92 : i32 to vector<16xi32>
    %gather3A_94 = tpu.vector_load_idx %arg8[%min3A_44, %broadcast_in_dim3A_93] : memref<100x4xf32, #tpu.memory_space<vmem>>[vector<16xi32>, vector<16xi32>], vector<16xf32>,
    %add3A_95 = arith.constant 1 : i32
    %add3A_96 = vector.broadcast %add3A_95 : i32 to vector<16xi32>
    %add3A_97 = arith.addi %broadcast_in_dim3A_93, %add3A_96 : vector<16xi32>
    tpu.vector_store_idx %arg11[%add3A_83, %add3A_97], %gather3A_94 : memref<640x5xf32, #tpu.memory_space<vmem>>[vector<16xi32>, vector<16xi32>], vector<16xf32>,
    %broadcast_in_dim3A_98 = arith.constant 2 : i32
    %broadcast_in_dim3A_99 = vector.broadcast %broadcast_in_dim3A_98 : i32 to vector<16xi32>
    %gather3A_100 = tpu.vector_load_idx %arg8[%min3A_44, %broadcast_in_dim3A_99] : memref<100x4xf32, #tpu.memory_space<vmem>>[vector<16xi32>, vector<16xi32>], vector<16xf32>,
    %add3A_101 = arith.constant 1 : i32
    %add3A_102 = vector.broadcast %add3A_101 : i32 to vector<16xi32>
    %add3A_103 = arith.addi %broadcast_in_dim3A_99, %add3A_102 : vector<16xi32>
    tpu.vector_store_idx %arg11[%add3A_83, %add3A_103], %gather3A_100 : memref<640x5xf32, #tpu.memory_space<vmem>>[vector<16xi32>, vector<16xi32>], vector<16xf32>,
    %broadcast_in_dim3A_104 = arith.constant 3 : i32
    %broadcast_in_dim3A_105 = vector.broadcast %broadcast_in_dim3A_104 : i32 to vector<16xi32>
    %gather3A_106 = tpu.vector_load_idx %arg8[%min3A_44, %broadcast_in_dim3A_105] : memref<100x4xf32, #tpu.memory_space<vmem>>[vector<16xi32>, vector<16xi32>], vector<16xf32>,
    %add3A_107 = arith.constant 1 : i32
    %add3A_108 = vector.broadcast %add3A_107 : i32 to vector<16xi32>
    %add3A_109 = arith.addi %broadcast_in_dim3A_105, %add3A_108 : vector<16xi32>
    tpu.vector_store_idx %arg11[%add3A_83, %add3A_109], %gather3A_106 : memref<640x5xf32, #tpu.memory_space<vmem>>[vector<16xi32>, vector<16xi32>], vector<16xf32>,
    %add3A_110 = arith.constant 16 : i32
    %add3A_111 = vector.broadcast %add3A_110 : i32 to vector<16xi32>
    %add3A_112 = arith.addi %iota3A, %add3A_111 : vector<16xi32>
    %gather3A_113 = tpu.vector_load_idx %arg7[%broadcast_in_dim3A_37, %add3A_112] : memref<1x640xi32, #tpu.memory_space<vmem>>[vector<16xi32>, vector<16xi32>], vector<16xi32>,
    %jit3A_114 = arith.constant 0 : i32
    %jit3A_115 = arith.constant 99 : i32
    %max3A_116 = vector.broadcast %jit3A_114 : i32 to vector<16xi32>
    %max3A_117 = arith.maxsi %max3A_116, %gather3A_113 : vector<16xi32>
    %min3A_118 = vector.broadcast %jit3A_115 : i32 to vector<16xi32>
    %min3A_119 = arith.minsi %min3A_118, %max3A_117 : vector<16xi32>
    %gather3A_120 = tpu.vector_load_idx %arg9[%min3A_119] : memref<100xf32, #tpu.memory_space<vmem>>[vector<16xi32>], vector<16xf32>,
    %gather3A_121 = tpu.vector_load_idx %arg10[%min3A_119] : memref<100xi32, #tpu.memory_space<vmem>>[vector<16xi32>], vector<16xi32>,
    %ge3A_122 = arith.constant 0 : i32
    %ge3A_123 = vector.broadcast %ge3A_122 : i32 to vector<16xi32>
    %ge3A_124 = arith.cmpi sge, %gather3A_113, %ge3A_123 : vector<16xi32>
    %jit3A_125 = arith.constant 1.000000e+00 : f32
    %jit3A_126 = arith.constant 0.000000e+00 : f32
    %broadcast_in_dim3A_127 = vector.broadcast %jit3A_125 : f32 to vector<16xf32>
    %broadcast_in_dim3A_128 = vector.broadcast %jit3A_126 : f32 to vector<16xf32>
    %select_n3A_129 = arith.select %ge3A_124, %broadcast_in_dim3A_127, %broadcast_in_dim3A_128 : vector<16xi1>, vector<16xf32>
    %min3A_130 = arith.minimumf %select_n3A_129, %gather3A_120 : vector<16xf32>
    %eq3A_131 = arith.constant -1 : i32
    %eq3A_132 = vector.broadcast %eq3A_131 : i32 to vector<16xi32>
    %eq3A_133 = arith.cmpi eq, %gather3A_113, %eq3A_132 : vector<16xi32>
    %jit3A_134 = arith.constant 0.000000e+00 : f32
    %broadcast_in_dim3A_135 = vector.broadcast %jit3A_134 : f32 to vector<16xf32>
    %select_n3A_136 = arith.select %eq3A_133, %broadcast_in_dim3A_135, %min3A_130 : vector<16xi1>, vector<16xf32>
    %eq3A_137 = arith.constant -2 : i32
    %eq3A_138 = vector.broadcast %eq3A_137 : i32 to vector<16xi32>
    %eq3A_139 = arith.cmpi eq, %gather3A_113, %eq3A_138 : vector<16xi32>
    %jit3A_140 = arith.constant -1.000000e+00 : f32
    %broadcast_in_dim3A_141 = vector.broadcast %jit3A_140 : f32 to vector<16xf32>
    %select_n3A_142 = arith.select %eq3A_139, %broadcast_in_dim3A_141, %select_n3A_136 : vector<16xi1>, vector<16xf32>
    %lt3A_143 = arith.constant 1.000000e+00 : f32
    %lt3A_144 = vector.broadcast %lt3A_143 : f32 to vector<16xf32>
    %lt3A_145 = arith.cmpf olt, %gather3A_120, %lt3A_144 : vector<16xf32>
    %and3A_146 = arith.andi %ge3A_124, %lt3A_145 : vector<16xi1>
    %jit3A_147 = arith.constant -1.000000e+00 : f32
    %broadcast_in_dim3A_148 = vector.broadcast %jit3A_147 : f32 to vector<16xf32>
    %select_n3A_149 = arith.select %and3A_146, %broadcast_in_dim3A_148, %select_n3A_142 : vector<16xi1>, vector<16xf32>
    %eq3A_150 = arith.constant 0 : i32
    %eq3A_151 = vector.broadcast %eq3A_150 : i32 to vector<16xi32>
    %eq3A_152 = arith.cmpi eq, %gather3A_121, %eq3A_151 : vector<16xi32>
    %and3A_153 = arith.andi %ge3A_124, %eq3A_152 : vector<16xi1>
    %jit3A_154 = arith.constant -1.000000e+00 : f32
    %broadcast_in_dim3A_155 = vector.broadcast %jit3A_154 : f32 to vector<16xf32>
    %select_n3A_156 = arith.select %and3A_153, %broadcast_in_dim3A_155, %select_n3A_149 : vector<16xi1>, vector<16xf32>
    %add3A_157 = arith.constant 16 : i32
    %add3A_158 = vector.broadcast %add3A_157 : i32 to vector<16xi32>
    %add3A_159 = arith.addi %iota3A, %add3A_158 : vector<16xi32>
    %broadcast_in_dim3A_160 = arith.constant 0 : i32
    %broadcast_in_dim3A_161 = vector.broadcast %broadcast_in_dim3A_160 : i32 to vector<16xi32>
    tpu.vector_store_idx %arg11[%add3A_159, %broadcast_in_dim3A_161], %select_n3A_156 : memref<640x5xf32, #tpu.memory_space<vmem>>[vector<16xi32>, vector<16xi32>], vector<16xf32>,
    %broadcast_in_dim3A_162 = arith.constant 0 : i32
    %broadcast_in_dim3A_163 = vector.broadcast %broadcast_in_dim3A_162 : i32 to vector<16xi32>
    %gather3A_164 = tpu.vector_load_idx %arg8[%min3A_119, %broadcast_in_dim3A_163] : memref<100x4xf32, #tpu.memory_space<vmem>>[vector<16xi32>, vector<16xi32>], vector<16xf32>,
    %add3A_165 = arith.constant 1 : i32
    %add3A_166 = vector.broadcast %add3A_165 : i32 to vector<16xi32>
    %add3A_167 = arith.addi %broadcast_in_dim3A_163, %add3A_166 : vector<16xi32>
    tpu.vector_store_idx %arg11[%add3A_159, %add3A_167], %gather3A_164 : memref<640x5xf32, #tpu.memory_space<vmem>>[vector<16xi32>, vector<16xi32>], vector<16xf32>,
    %broadcast_in_dim3A_168 = arith.constant 1 : i32
    %broadcast_in_dim3A_169 = vector.broadcast %broadcast_in_dim3A_168 : i32 to vector<16xi32>
    %gather3A_170 = tpu.vector_load_idx %arg8[%min3A_119, %broadcast_in_dim3A_169] : memref<100x4xf32, #tpu.memory_space<vmem>>[vector<16xi32>, vector<16xi32>], vector<16xf32>,
    %add3A_171 = arith.constant 1 : i32
    %add3A_172 = vector.broadcast %add3A_171 : i32 to vector<16xi32>
    %add3A_173 = arith.addi %broadcast_in_dim3A_169, %add3A_172 : vector<16xi32>
    tpu.vector_store_idx %arg11[%add3A_159, %add3A_173], %gather3A_170 : memref<640x5xf32, #tpu.memory_space<vmem>>[vector<16xi32>, vector<16xi32>], vector<16xf32>,
    %broadcast_in_dim3A_174 = arith.constant 2 : i32
    %broadcast_in_dim3A_175 = vector.broadcast %broadcast_in_dim3A_174 : i32 to vector<16xi32>
    %gather3A_176 = tpu.vector_load_idx %arg8[%min3A_119, %broadcast_in_dim3A_175] : memref<100x4xf32, #tpu.memory_space<vmem>>[vector<16xi32>, vector<16xi32>], vector<16xf32>,
    %add3A_177 = arith.constant 1 : i32
    %add3A_178 = vector.broadcast %add3A_177 : i32 to vector<16xi32>
    %add3A_179 = arith.addi %broadcast_in_dim3A_175, %add3A_178 : vector<16xi32>
    tpu.vector_store_idx %arg11[%add3A_159, %add3A_179], %gather3A_176 : memref<640x5xf32, #tpu.memory_space<vmem>>[vector<16xi32>, vector<16xi32>], vector<16xf32>,
    %broadcast_in_dim3A_180 = arith.constant 3 : i32
    %broadcast_in_dim3A_181 = vector.broadcast %broadcast_in_dim3A_180 : i32 to vector<16xi32>
    %gather3A_182 = tpu.vector_load_idx %arg8[%min3A_119, %broadcast_in_dim3A_181] : memref<100x4xf32, #tpu.memory_space<vmem>>[vector<16xi32>, vector<16xi32>], vector<16xf32>,
    %add3A_183 = arith.constant 1 : i32
    %add3A_184 = vector.broadcast %add3A_183 : i32 to vector<16xi32>
    %add3A_185 = arith.addi %broadcast_in_dim3A_181, %add3A_184 : vector<16xi32>
    tpu.vector_store_idx %arg11[%add3A_159, %add3A_185], %gather3A_182 : memref<640x5xf32, #tpu.memory_space<vmem>>[vector<16xi32>, vector<16xi32>], vector<16xf32>,
    %add3A_186 = arith.constant 32 : i32
    %add3A_187 = vector.broadcast %add3A_186 : i32 to vector<16xi32>
    %add3A_188 = arith.addi %iota3A, %add3A_187 : vector<16xi32>
    %gather3A_189 = tpu.vector_load_idx %arg7[%broadcast_in_dim3A_37, %add3A_188] : memref<1x640xi32, #tpu.memory_space<vmem>>[vector<16xi32>, vector<16xi32>], vector<16xi32>,
    %jit3A_190 = arith.constant 0 : i32
    %jit3A_191 = arith.constant 99 : i32
    %max3A_192 = vector.broadcast %jit3A_190 : i32 to vector<16xi32>
    %max3A_193 = arith.maxsi %max3A_192, %gather3A_189 : vector<16xi32>
    %min3A_194 = vector.broadcast %jit3A_191 : i32 to vector<16xi32>
    %min3A_195 = arith.minsi %min3A_194, %max3A_193 : vector<16xi32>
    %gather3A_196 = tpu.vector_load_idx %arg9[%min3A_195] : memref<100xf32, #tpu.memory_space<vmem>>[vector<16xi32>], vector<16xf32>,
    %gather3A_197 = tpu.vector_load_idx %arg10[%min3A_195] : memref<100xi32, #tpu.memory_space<vmem>>[vector<16xi32>], vector<16xi32>,
    %ge3A_198 = arith.constant 0 : i32
    %ge3A_199 = vector.broadcast %ge3A_198 : i32 to vector<16xi32>
    %ge3A_200 = arith.cmpi sge, %gather3A_189, %ge3A_199 : vector<16xi32>
    %jit3A_201 = arith.constant 1.000000e+00 : f32
    %jit3A_202 = arith.constant 0.000000e+00 : f32
    %broadcast_in_dim3A_203 = vector.broadcast %jit3A_201 : f32 to vector<16xf32>
    %broadcast_in_dim3A_204 = vector.broadcast %jit3A_202 : f32 to vector<16xf32>
    %select_n3A_205 = arith.select %ge3A_200, %broadcast_in_dim3A_203, %broadcast_in_dim3A_204 : vector<16xi1>, vector<16xf32>
    %min3A_206 = arith.minimumf %select_n3A_205, %gather3A_196 : vector<16xf32>
    %eq3A_207 = arith.constant -1 : i32
    %eq3A_208 = vector.broadcast %eq3A_207 : i32 to vector<16xi32>
    %eq3A_209 = arith.cmpi eq, %gather3A_189, %eq3A_208 : vector<16xi32>
    %jit3A_210 = arith.constant 0.000000e+00 : f32
    %broadcast_in_dim3A_211 = vector.broadcast %jit3A_210 : f32 to vector<16xf32>
    %select_n3A_212 = arith.select %eq3A_209, %broadcast_in_dim3A_211, %min3A_206 : vector<16xi1>, vector<16xf32>
    %eq3A_213 = arith.constant -2 : i32
    %eq3A_214 = vector.broadcast %eq3A_213 : i32 to vector<16xi32>
    %eq3A_215 = arith.cmpi eq, %gather3A_189, %eq3A_214 : vector<16xi32>
    %jit3A_216 = arith.constant -1.000000e+00 : f32
    %broadcast_in_dim3A_217 = vector.broadcast %jit3A_216 : f32 to vector<16xf32>
    %select_n3A_218 = arith.select %eq3A_215, %broadcast_in_dim3A_217, %select_n3A_212 : vector<16xi1>, vector<16xf32>
    %lt3A_219 = arith.constant 1.000000e+00 : f32
    %lt3A_220 = vector.broadcast %lt3A_219 : f32 to vector<16xf32>
    %lt3A_221 = arith.cmpf olt, %gather3A_196, %lt3A_220 : vector<16xf32>
    %and3A_222 = arith.andi %ge3A_200, %lt3A_221 : vector<16xi1>
    %jit3A_223 = arith.constant -1.000000e+00 : f32
    %broadcast_in_dim3A_224 = vector.broadcast %jit3A_223 : f32 to vector<16xf32>
    %select_n3A_225 = arith.select %and3A_222, %broadcast_in_dim3A_224, %select_n3A_218 : vector<16xi1>, vector<16xf32>
    %eq3A_226 = arith.constant 0 : i32
    %eq3A_227 = vector.broadcast %eq3A_226 : i32 to vector<16xi32>
    %eq3A_228 = arith.cmpi eq, %gather3A_197, %eq3A_227 : vector<16xi32>
    %and3A_229 = arith.andi %ge3A_200, %eq3A_228 : vector<16xi1>
    %jit3A_230 = arith.constant -1.000000e+00 : f32
    %broadcast_in_dim3A_231 = vector.broadcast %jit3A_230 : f32 to vector<16xf32>
    %select_n3A_232 = arith.select %and3A_229, %broadcast_in_dim3A_231, %select_n3A_225 : vector<16xi1>, vector<16xf32>
    %add3A_233 = arith.constant 32 : i32
    %add3A_234 = vector.broadcast %add3A_233 : i32 to vector<16xi32>
    %add3A_235 = arith.addi %iota3A, %add3A_234 : vector<16xi32>
    %broadcast_in_dim3A_236 = arith.constant 0 : i32
    %broadcast_in_dim3A_237 = vector.broadcast %broadcast_in_dim3A_236 : i32 to vector<16xi32>
    tpu.vector_store_idx %arg11[%add3A_235, %broadcast_in_dim3A_237], %select_n3A_232 : memref<640x5xf32, #tpu.memory_space<vmem>>[vector<16xi32>, vector<16xi32>], vector<16xf32>,
    %broadcast_in_dim3A_238 = arith.constant 0 : i32
    %broadcast_in_dim3A_239 = vector.broadcast %broadcast_in_dim3A_238 : i32 to vector<16xi32>
    %gather3A_240 = tpu.vector_load_idx %arg8[%min3A_195, %broadcast_in_dim3A_239] : memref<100x4xf32, #tpu.memory_space<vmem>>[vector<16xi32>, vector<16xi32>], vector<16xf32>,
    %add3A_241 = arith.constant 1 : i32
    %add3A_242 = vector.broadcast %add3A_241 : i32 to vector<16xi32>
    %add3A_243 = arith.addi %broadcast_in_dim3A_239, %add3A_242 : vector<16xi32>
    tpu.vector_store_idx %arg11[%add3A_235, %add3A_243], %gather3A_240 : memref<640x5xf32, #tpu.memory_space<vmem>>[vector<16xi32>, vector<16xi32>], vector<16xf32>,
    %broadcast_in_dim3A_244 = arith.constant 1 : i32
    %broadcast_in_dim3A_245 = vector.broadcast %broadcast_in_dim3A_244 : i32 to vector<16xi32>
    %gather3A_246 = tpu.vector_load_idx %arg8[%min3A_195, %broadcast_in_dim3A_245] : memref<100x4xf32, #tpu.memory_space<vmem>>[vector<16xi32>, vector<16xi32>], vector<16xf32>,
    %add3A_247 = arith.constant 1 : i32
    %add3A_248 = vector.broadcast %add3A_247 : i32 to vector<16xi32>
    %add3A_249 = arith.addi %broadcast_in_dim3A_245, %add3A_248 : vector<16xi32>
    tpu.vector_store_idx %arg11[%add3A_235, %add3A_249], %gather3A_246 : memref<640x5xf32, #tpu.memory_space<vmem>>[vector<16xi32>, vector<16xi32>], vector<16xf32>,
    %broadcast_in_dim3A_250 = arith.constant 2 : i32
    %broadcast_in_dim3A_251 = vector.broadcast %broadcast_in_dim3A_250 : i32 to vector<16xi32>
    %gather3A_252 = tpu.vector_load_idx %arg8[%min3A_195, %broadcast_in_dim3A_251] : memref<100x4xf32, #tpu.memory_space<vmem>>[vector<16xi32>, vector<16xi32>], vector<16xf32>,
    %add3A_253 = arith.constant 1 : i32
    %add3A_254 = vector.broadcast %add3A_253 : i32 to vector<16xi32>
    %add3A_255 = arith.addi %broadcast_in_dim3A_251, %add3A_254 : vector<16xi32>
    tpu.vector_store_idx %arg11[%add3A_235, %add3A_255], %gather3A_252 : memref<640x5xf32, #tpu.memory_space<vmem>>[vector<16xi32>, vector<16xi32>], vector<16xf32>,
    %broadcast_in_dim3A_256 = arith.constant 3 : i32
    %broadcast_in_dim3A_257 = vector.broadcast %broadcast_in_dim3A_256 : i32 to vector<16xi32>
    %gather3A_258 = tpu.vector_load_idx %arg8[%min3A_195, %broadcast_in_dim3A_257] : memref<100x4xf32, #tpu.memory_space<vmem>>[vector<16xi32>, vector<16xi32>], vector<16xf32>,
    %add3A_259 = arith.constant 1 : i32
    %add3A_260 = vector.broadcast %add3A_259 : i32 to vector<16xi32>
    %add3A_261 = arith.addi %broadcast_in_dim3A_257, %add3A_260 : vector<16xi32>
    tpu.vector_store_idx %arg11[%add3A_235, %add3A_261], %gather3A_258 : memref<640x5xf32, #tpu.memory_space<vmem>>[vector<16xi32>, vector<16xi32>], vector<16xf32>,
    %add3A_262 = arith.constant 48 : i32
    %add3A_263 = vector.broadcast %add3A_262 : i32 to vector<16xi32>
    %add3A_264 = arith.addi %iota3A, %add3A_263 : vector<16xi32>
    %gather3A_265 = tpu.vector_load_idx %arg7[%broadcast_in_dim3A_37, %add3A_264] : memref<1x640xi32, #tpu.memory_space<vmem>>[vector<16xi32>, vector<16xi32>], vector<16xi32>,
    %jit3A_266 = arith.constant 0 : i32
    %jit3A_267 = arith.constant 99 : i32
    %max3A_268 = vector.broadcast %jit3A_266 : i32 to vector<16xi32>
    %max3A_269 = arith.maxsi %max3A_268, %gather3A_265 : vector<16xi32>
    %min3A_270 = vector.broadcast %jit3A_267 : i32 to vector<16xi32>
    %min3A_271 = arith.minsi %min3A_270, %max3A_269 : vector<16xi32>
    %gather3A_272 = tpu.vector_load_idx %arg9[%min3A_271] : memref<100xf32, #tpu.memory_space<vmem>>[vector<16xi32>], vector<16xf32>,
    %gather3A_273 = tpu.vector_load_idx %arg10[%min3A_271] : memref<100xi32, #tpu.memory_space<vmem>>[vector<16xi32>], vector<16xi32>,
    %ge3A_274 = arith.constant 0 : i32
    %ge3A_275 = vector.broadcast %ge3A_274 : i32 to vector<16xi32>
    %ge3A_276 = arith.cmpi sge, %gather3A_265, %ge3A_275 : vector<16xi32>
    %jit3A_277 = arith.constant 1.000000e+00 : f32
    %jit3A_278 = arith.constant 0.000000e+00 : f32
    %broadcast_in_dim3A_279 = vector.broadcast %jit3A_277 : f32 to vector<16xf32>
    %broadcast_in_dim3A_280 = vector.broadcast %jit3A_278 : f32 to vector<16xf32>
    %select_n3A_281 = arith.select %ge3A_276, %broadcast_in_dim3A_279, %broadcast_in_dim3A_280 : vector<16xi1>, vector<16xf32>
    %min3A_282 = arith.minimumf %select_n3A_281, %gather3A_272 : vector<16xf32>
    %eq3A_283 = arith.constant -1 : i32
    %eq3A_284 = vector.broadcast %eq3A_283 : i32 to vector<16xi32>
    %eq3A_285 = arith.cmpi eq, %gather3A_265, %eq3A_284 : vector<16xi32>
    %jit3A_286 = arith.constant 0.000000e+00 : f32
    %broadcast_in_dim3A_287 = vector.broadcast %jit3A_286 : f32 to vector<16xf32>
    %select_n3A_288 = arith.select %eq3A_285, %broadcast_in_dim3A_287, %min3A_282 : vector<16xi1>, vector<16xf32>
    %eq3A_289 = arith.constant -2 : i32
    %eq3A_290 = vector.broadcast %eq3A_289 : i32 to vector<16xi32>
    %eq3A_291 = arith.cmpi eq, %gather3A_265, %eq3A_290 : vector<16xi32>
    %jit3A_292 = arith.constant -1.000000e+00 : f32
    %broadcast_in_dim3A_293 = vector.broadcast %jit3A_292 : f32 to vector<16xf32>
    %select_n3A_294 = arith.select %eq3A_291, %broadcast_in_dim3A_293, %select_n3A_288 : vector<16xi1>, vector<16xf32>
    %lt3A_295 = arith.constant 1.000000e+00 : f32
    %lt3A_296 = vector.broadcast %lt3A_295 : f32 to vector<16xf32>
    %lt3A_297 = arith.cmpf olt, %gather3A_272, %lt3A_296 : vector<16xf32>
    %and3A_298 = arith.andi %ge3A_276, %lt3A_297 : vector<16xi1>
    %jit3A_299 = arith.constant -1.000000e+00 : f32
    %broadcast_in_dim3A_300 = vector.broadcast %jit3A_299 : f32 to vector<16xf32>
    %select_n3A_301 = arith.select %and3A_298, %broadcast_in_dim3A_300, %select_n3A_294 : vector<16xi1>, vector<16xf32>
    %eq3A_302 = arith.constant 0 : i32
    %eq3A_303 = vector.broadcast %eq3A_302 : i32 to vector<16xi32>
    %eq3A_304 = arith.cmpi eq, %gather3A_273, %eq3A_303 : vector<16xi32>
    %and3A_305 = arith.andi %ge3A_276, %eq3A_304 : vector<16xi1>
    %jit3A_306 = arith.constant -1.000000e+00 : f32
    %broadcast_in_dim3A_307 = vector.broadcast %jit3A_306 : f32 to vector<16xf32>
    %select_n3A_308 = arith.select %and3A_305, %broadcast_in_dim3A_307, %select_n3A_301 : vector<16xi1>, vector<16xf32>
    %add3A_309 = arith.constant 48 : i32
    %add3A_310 = vector.broadcast %add3A_309 : i32 to vector<16xi32>
    %add3A_311 = arith.addi %iota3A, %add3A_310 : vector<16xi32>
    %broadcast_in_dim3A_312 = arith.constant 0 : i32
    %broadcast_in_dim3A_313 = vector.broadcast %broadcast_in_dim3A_312 : i32 to vector<16xi32>
    tpu.vector_store_idx %arg11[%add3A_311, %broadcast_in_dim3A_313], %select_n3A_308 : memref<640x5xf32, #tpu.memory_space<vmem>>[vector<16xi32>, vector<16xi32>], vector<16xf32>,
    %broadcast_in_dim3A_314 = arith.constant 0 : i32
    %broadcast_in_dim3A_315 = vector.broadcast %broadcast_in_dim3A_314 : i32 to vector<16xi32>
    %gather3A_316 = tpu.vector_load_idx %arg8[%min3A_271, %broadcast_in_dim3A_315] : memref<100x4xf32, #tpu.memory_space<vmem>>[vector<16xi32>, vector<16xi32>], vector<16xf32>,
    %add3A_317 = arith.constant 1 : i32
    %add3A_318 = vector.broadcast %add3A_317 : i32 to vector<16xi32>
    %add3A_319 = arith.addi %broadcast_in_dim3A_315, %add3A_318 : vector<16xi32>
    tpu.vector_store_idx %arg11[%add3A_311, %add3A_319], %gather3A_316 : memref<640x5xf32, #tpu.memory_space<vmem>>[vector<16xi32>, vector<16xi32>], vector<16xf32>,
    %broadcast_in_dim3A_320 = arith.constant 1 : i32
    %broadcast_in_dim3A_321 = vector.broadcast %broadcast_in_dim3A_320 : i32 to vector<16xi32>
    %gather3A_322 = tpu.vector_load_idx %arg8[%min3A_271, %broadcast_in_dim3A_321] : memref<100x4xf32, #tpu.memory_space<vmem>>[vector<16xi32>, vector<16xi32>], vector<16xf32>,
    %add3A_323 = arith.constant 1 : i32
    %add3A_324 = vector.broadcast %add3A_323 : i32 to vector<16xi32>
    %add3A_325 = arith.addi %broadcast_in_dim3A_321, %add3A_324 : vector<16xi32>
    tpu.vector_store_idx %arg11[%add3A_311, %add3A_325], %gather3A_322 : memref<640x5xf32, #tpu.memory_space<vmem>>[vector<16xi32>, vector<16xi32>], vector<16xf32>,
    %broadcast_in_dim3A_326 = arith.constant 2 : i32
    %broadcast_in_dim3A_327 = vector.broadcast %broadcast_in_dim3A_326 : i32 to vector<16xi32>
    %gather3A_328 = tpu.vector_load_idx %arg8[%min3A_271, %broadcast_in_dim3A_327] : memref<100x4xf32, #tpu.memory_space<vmem>>[vector<16xi32>, vector<16xi32>], vector<16xf32>,
    %add3A_329 = arith.constant 1 : i32
    %add3A_330 = vector.broadcast %add3A_329 : i32 to vector<16xi32>
    %add3A_331 = arith.addi %broadcast_in_dim3A_327, %add3A_330 : vector<16xi32>
    tpu.vector_store_idx %arg11[%add3A_311, %add3A_331], %gather3A_328 : memref<640x5xf32, #tpu.memory_space<vmem>>[vector<16xi32>, vector<16xi32>], vector<16xf32>,
    %broadcast_in_dim3A_332 = arith.constant 3 : i32
    %broadcast_in_dim3A_333 = vector.broadcast %broadcast_in_dim3A_332 : i32 to vector<16xi32>
    %gather3A_334 = tpu.vector_load_idx %arg8[%min3A_271, %broadcast_in_dim3A_333] : memref<100x4xf32, #tpu.memory_space<vmem>>[vector<16xi32>, vector<16xi32>], vector<16xf32>,
    %add3A_335 = arith.constant 1 : i32
    %add3A_336 = vector.broadcast %add3A_335 : i32 to vector<16xi32>
    %add3A_337 = arith.addi %broadcast_in_dim3A_333, %add3A_336 : vector<16xi32>
    tpu.vector_store_idx %arg11[%add3A_311, %add3A_337], %gather3A_334 : memref<640x5xf32, #tpu.memory_space<vmem>>[vector<16xi32>, vector<16xi32>], vector<16xf32>,
    %add3A_338 = arith.constant 64 : i32
    %add3A_339 = vector.broadcast %add3A_338 : i32 to vector<16xi32>
    %add3A_340 = arith.addi %iota3A, %add3A_339 : vector<16xi32>
    %gather3A_341 = tpu.vector_load_idx %arg7[%broadcast_in_dim3A_37, %add3A_340] : memref<1x640xi32, #tpu.memory_space<vmem>>[vector<16xi32>, vector<16xi32>], vector<16xi32>,
    %jit3A_342 = arith.constant 0 : i32
    %jit3A_343 = arith.constant 99 : i32
    %max3A_344 = vector.broadcast %jit3A_342 : i32 to vector<16xi32>
    %max3A_345 = arith.maxsi %max3A_344, %gather3A_341 : vector<16xi32>
    %min3A_346 = vector.broadcast %jit3A_343 : i32 to vector<16xi32>
    %min3A_347 = arith.minsi %min3A_346, %max3A_345 : vector<16xi32>
    %gather3A_348 = tpu.vector_load_idx %arg9[%min3A_347] : memref<100xf32, #tpu.memory_space<vmem>>[vector<16xi32>], vector<16xf32>,
    %gather3A_349 = tpu.vector_load_idx %arg10[%min3A_347] : memref<100xi32, #tpu.memory_space<vmem>>[vector<16xi32>], vector<16xi32>,
    %ge3A_350 = arith.constant 0 : i32
    %ge3A_351 = vector.broadcast %ge3A_350 : i32 to vector<16xi32>
    %ge3A_352 = arith.cmpi sge, %gather3A_341, %ge3A_351 : vector<16xi32>
    %jit3A_353 = arith.constant 1.000000e+00 : f32
    %jit3A_354 = arith.constant 0.000000e+00 : f32
    %broadcast_in_dim3A_355 = vector.broadcast %jit3A_353 : f32 to vector<16xf32>
    %broadcast_in_dim3A_356 = vector.broadcast %jit3A_354 : f32 to vector<16xf32>
    %select_n3A_357 = arith.select %ge3A_352, %broadcast_in_dim3A_355, %broadcast_in_dim3A_356 : vector<16xi1>, vector<16xf32>
    %min3A_358 = arith.minimumf %select_n3A_357, %gather3A_348 : vector<16xf32>
    %eq3A_359 = arith.constant -1 : i32
    %eq3A_360 = vector.broadcast %eq3A_359 : i32 to vector<16xi32>
    %eq3A_361 = arith.cmpi eq, %gather3A_341, %eq3A_360 : vector<16xi32>
    %jit3A_362 = arith.constant 0.000000e+00 : f32
    %broadcast_in_dim3A_363 = vector.broadcast %jit3A_362 : f32 to vector<16xf32>
    %select_n3A_364 = arith.select %eq3A_361, %broadcast_in_dim3A_363, %min3A_358 : vector<16xi1>, vector<16xf32>
    %eq3A_365 = arith.constant -2 : i32
    %eq3A_366 = vector.broadcast %eq3A_365 : i32 to vector<16xi32>
    %eq3A_367 = arith.cmpi eq, %gather3A_341, %eq3A_366 : vector<16xi32>
    %jit3A_368 = arith.constant -1.000000e+00 : f32
    %broadcast_in_dim3A_369 = vector.broadcast %jit3A_368 : f32 to vector<16xf32>
    %select_n3A_370 = arith.select %eq3A_367, %broadcast_in_dim3A_369, %select_n3A_364 : vector<16xi1>, vector<16xf32>
    %lt3A_371 = arith.constant 1.000000e+00 : f32
    %lt3A_372 = vector.broadcast %lt3A_371 : f32 to vector<16xf32>
    %lt3A_373 = arith.cmpf olt, %gather3A_348, %lt3A_372 : vector<16xf32>
    %and3A_374 = arith.andi %ge3A_352, %lt3A_373 : vector<16xi1>
    %jit3A_375 = arith.constant -1.000000e+00 : f32
    %broadcast_in_dim3A_376 = vector.broadcast %jit3A_375 : f32 to vector<16xf32>
    %select_n3A_377 = arith.select %and3A_374, %broadcast_in_dim3A_376, %select_n3A_370 : vector<16xi1>, vector<16xf32>
    %eq3A_378 = arith.constant 0 : i32
    %eq3A_379 = vector.broadcast %eq3A_378 : i32 to vector<16xi32>
    %eq3A_380 = arith.cmpi eq, %gather3A_349, %eq3A_379 : vector<16xi32>
    %and3A_381 = arith.andi %ge3A_352, %eq3A_380 : vector<16xi1>
    %jit3A_382 = arith.constant -1.000000e+00 : f32
    %broadcast_in_dim3A_383 = vector.broadcast %jit3A_382 : f32 to vector<16xf32>
    %select_n3A_384 = arith.select %and3A_381, %broadcast_in_dim3A_383, %select_n3A_377 : vector<16xi1>, vector<16xf32>
    %add3A_385 = arith.constant 64 : i32
    %add3A_386 = vector.broadcast %add3A_385 : i32 to vector<16xi32>
    %add3A_387 = arith.addi %iota3A, %add3A_386 : vector<16xi32>
    %broadcast_in_dim3A_388 = arith.constant 0 : i32
    %broadcast_in_dim3A_389 = vector.broadcast %broadcast_in_dim3A_388 : i32 to vector<16xi32>
    tpu.vector_store_idx %arg11[%add3A_387, %broadcast_in_dim3A_389], %select_n3A_384 : memref<640x5xf32, #tpu.memory_space<vmem>>[vector<16xi32>, vector<16xi32>], vector<16xf32>,
    %broadcast_in_dim3A_390 = arith.constant 0 : i32
    %broadcast_in_dim3A_391 = vector.broadcast %broadcast_in_dim3A_390 : i32 to vector<16xi32>
    %gather3A_392 = tpu.vector_load_idx %arg8[%min3A_347, %broadcast_in_dim3A_391] : memref<100x4xf32, #tpu.memory_space<vmem>>[vector<16xi32>, vector<16xi32>], vector<16xf32>,
    %add3A_393 = arith.constant 1 : i32
    %add3A_394 = vector.broadcast %add3A_393 : i32 to vector<16xi32>
    %add3A_395 = arith.addi %broadcast_in_dim3A_391, %add3A_394 : vector<16xi32>
    tpu.vector_store_idx %arg11[%add3A_387, %add3A_395], %gather3A_392 : memref<640x5xf32, #tpu.memory_space<vmem>>[vector<16xi32>, vector<16xi32>], vector<16xf32>,
    %broadcast_in_dim3A_396 = arith.constant 1 : i32
    %broadcast_in_dim3A_397 = vector.broadcast %broadcast_in_dim3A_396 : i32 to vector<16xi32>
    %gather3A_398 = tpu.vector_load_idx %arg8[%min3A_347, %broadcast_in_dim3A_397] : memref<100x4xf32, #tpu.memory_space<vmem>>[vector<16xi32>, vector<16xi32>], vector<16xf32>,
    %add3A_399 = arith.constant 1 : i32
    %add3A_400 = vector.broadcast %add3A_399 : i32 to vector<16xi32>
    %add3A_401 = arith.addi %broadcast_in_dim3A_397, %add3A_400 : vector<16xi32>
    tpu.vector_store_idx %arg11[%add3A_387, %add3A_401], %gather3A_398 : memref<640x5xf32, #tpu.memory_space<vmem>>[vector<16xi32>, vector<16xi32>], vector<16xf32>,
    %broadcast_in_dim3A_402 = arith.constant 2 : i32
    %broadcast_in_dim3A_403 = vector.broadcast %broadcast_in_dim3A_402 : i32 to vector<16xi32>
    %gather3A_404 = tpu.vector_load_idx %arg8[%min3A_347, %broadcast_in_dim3A_403] : memref<100x4xf32, #tpu.memory_space<vmem>>[vector<16xi32>, vector<16xi32>], vector<16xf32>,
    %add3A_405 = arith.constant 1 : i32
    %add3A_406 = vector.broadcast %add3A_405 : i32 to vector<16xi32>
    %add3A_407 = arith.addi %broadcast_in_dim3A_403, %add3A_406 : vector<16xi32>
    tpu.vector_store_idx %arg11[%add3A_387, %add3A_407], %gather3A_404 : memref<640x5xf32, #tpu.memory_space<vmem>>[vector<16xi32>, vector<16xi32>], vector<16xf32>,
    %broadcast_in_dim3A_408 = arith.constant 3 : i32
    %broadcast_in_dim3A_409 = vector.broadcast %broadcast_in_dim3A_408 : i32 to vector<16xi32>
    %gather3A_410 = tpu.vector_load_idx %arg8[%min3A_347, %broadcast_in_dim3A_409] : memref<100x4xf32, #tpu.memory_space<vmem>>[vector<16xi32>, vector<16xi32>], vector<16xf32>,
    %add3A_411 = arith.constant 1 : i32
    %add3A_412 = vector.broadcast %add3A_411 : i32 to vector<16xi32>
    %add3A_413 = arith.addi %broadcast_in_dim3A_409, %add3A_412 : vector<16xi32>
    tpu.vector_store_idx %arg11[%add3A_387, %add3A_413], %gather3A_410 : memref<640x5xf32, #tpu.memory_space<vmem>>[vector<16xi32>, vector<16xi32>], vector<16xf32>,
    %add3A_414 = arith.constant 80 : i32
    %add3A_415 = vector.broadcast %add3A_414 : i32 to vector<16xi32>
    %add3A_416 = arith.addi %iota3A, %add3A_415 : vector<16xi32>
    %gather3A_417 = tpu.vector_load_idx %arg7[%broadcast_in_dim3A_37, %add3A_416] : memref<1x640xi32, #tpu.memory_space<vmem>>[vector<16xi32>, vector<16xi32>], vector<16xi32>,
    %jit3A_418 = arith.constant 0 : i32
    %jit3A_419 = arith.constant 99 : i32
    %max3A_420 = vector.broadcast %jit3A_418 : i32 to vector<16xi32>
    %max3A_421 = arith.maxsi %max3A_420, %gather3A_417 : vector<16xi32>
    %min3A_422 = vector.broadcast %jit3A_419 : i32 to vector<16xi32>
    %min3A_423 = arith.minsi %min3A_422, %max3A_421 : vector<16xi32>
    %gather3A_424 = tpu.vector_load_idx %arg9[%min3A_423] : memref<100xf32, #tpu.memory_space<vmem>>[vector<16xi32>], vector<16xf32>,
    %gather3A_425 = tpu.vector_load_idx %arg10[%min3A_423] : memref<100xi32, #tpu.memory_space<vmem>>[vector<16xi32>], vector<16xi32>,
    %ge3A_426 = arith.constant 0 : i32
    %ge3A_427 = vector.broadcast %ge3A_426 : i32 to vector<16xi32>
    %ge3A_428 = arith.cmpi sge, %gather3A_417, %ge3A_427 : vector<16xi32>
    %jit3A_429 = arith.constant 1.000000e+00 : f32
    %jit3A_430 = arith.constant 0.000000e+00 : f32
    %broadcast_in_dim3A_431 = vector.broadcast %jit3A_429 : f32 to vector<16xf32>
    %broadcast_in_dim3A_432 = vector.broadcast %jit3A_430 : f32 to vector<16xf32>
    %select_n3A_433 = arith.select %ge3A_428, %broadcast_in_dim3A_431, %broadcast_in_dim3A_432 : vector<16xi1>, vector<16xf32>
    %min3A_434 = arith.minimumf %select_n3A_433, %gather3A_424 : vector<16xf32>
    %eq3A_435 = arith.constant -1 : i32
    %eq3A_436 = vector.broadcast %eq3A_435 : i32 to vector<16xi32>
    %eq3A_437 = arith.cmpi eq, %gather3A_417, %eq3A_436 : vector<16xi32>
    %jit3A_438 = arith.constant 0.000000e+00 : f32
    %broadcast_in_dim3A_439 = vector.broadcast %jit3A_438 : f32 to vector<16xf32>
    %select_n3A_440 = arith.select %eq3A_437, %broadcast_in_dim3A_439, %min3A_434 : vector<16xi1>, vector<16xf32>
    %eq3A_441 = arith.constant -2 : i32
    %eq3A_442 = vector.broadcast %eq3A_441 : i32 to vector<16xi32>
    %eq3A_443 = arith.cmpi eq, %gather3A_417, %eq3A_442 : vector<16xi32>
    %jit3A_444 = arith.constant -1.000000e+00 : f32
    %broadcast_in_dim3A_445 = vector.broadcast %jit3A_444 : f32 to vector<16xf32>
    %select_n3A_446 = arith.select %eq3A_443, %broadcast_in_dim3A_445, %select_n3A_440 : vector<16xi1>, vector<16xf32>
    %lt3A_447 = arith.constant 1.000000e+00 : f32
    %lt3A_448 = vector.broadcast %lt3A_447 : f32 to vector<16xf32>
    %lt3A_449 = arith.cmpf olt, %gather3A_424, %lt3A_448 : vector<16xf32>
    %and3A_450 = arith.andi %ge3A_428, %lt3A_449 : vector<16xi1>
    %jit3A_451 = arith.constant -1.000000e+00 : f32
    %broadcast_in_dim3A_452 = vector.broadcast %jit3A_451 : f32 to vector<16xf32>
    %select_n3A_453 = arith.select %and3A_450, %broadcast_in_dim3A_452, %select_n3A_446 : vector<16xi1>, vector<16xf32>
    %eq3A_454 = arith.constant 0 : i32
    %eq3A_455 = vector.broadcast %eq3A_454 : i32 to vector<16xi32>
    %eq3A_456 = arith.cmpi eq, %gather3A_425, %eq3A_455 : vector<16xi32>
    %and3A_457 = arith.andi %ge3A_428, %eq3A_456 : vector<16xi1>
    %jit3A_458 = arith.constant -1.000000e+00 : f32
    %broadcast_in_dim3A_459 = vector.broadcast %jit3A_458 : f32 to vector<16xf32>
    %select_n3A_460 = arith.select %and3A_457, %broadcast_in_dim3A_459, %select_n3A_453 : vector<16xi1>, vector<16xf32>
    %add3A_461 = arith.constant 80 : i32
    %add3A_462 = vector.broadcast %add3A_461 : i32 to vector<16xi32>
    %add3A_463 = arith.addi %iota3A, %add3A_462 : vector<16xi32>
    %broadcast_in_dim3A_464 = arith.constant 0 : i32
    %broadcast_in_dim3A_465 = vector.broadcast %broadcast_in_dim3A_464 : i32 to vector<16xi32>
    tpu.vector_store_idx %arg11[%add3A_463, %broadcast_in_dim3A_465], %select_n3A_460 : memref<640x5xf32, #tpu.memory_space<vmem>>[vector<16xi32>, vector<16xi32>], vector<16xf32>,
    %broadcast_in_dim3A_466 = arith.constant 0 : i32
    %broadcast_in_dim3A_467 = vector.broadcast %broadcast_in_dim3A_466 : i32 to vector<16xi32>
    %gather3A_468 = tpu.vector_load_idx %arg8[%min3A_423, %broadcast_in_dim3A_467] : memref<100x4xf32, #tpu.memory_space<vmem>>[vector<16xi32>, vector<16xi32>], vector<16xf32>,
    %add3A_469 = arith.constant 1 : i32
    %add3A_470 = vector.broadcast %add3A_469 : i32 to vector<16xi32>
    %add3A_471 = arith.addi %broadcast_in_dim3A_467, %add3A_470 : vector<16xi32>
    tpu.vector_store_idx %arg11[%add3A_463, %add3A_471], %gather3A_468 : memref<640x5xf32, #tpu.memory_space<vmem>>[vector<16xi32>, vector<16xi32>], vector<16xf32>,
    %broadcast_in_dim3A_472 = arith.constant 1 : i32
    %broadcast_in_dim3A_473 = vector.broadcast %broadcast_in_dim3A_472 : i32 to vector<16xi32>
    %gather3A_474 = tpu.vector_load_idx %arg8[%min3A_423, %broadcast_in_dim3A_473] : memref<100x4xf32, #tpu.memory_space<vmem>>[vector<16xi32>, vector<16xi32>], vector<16xf32>,
    %add3A_475 = arith.constant 1 : i32
    %add3A_476 = vector.broadcast %add3A_475 : i32 to vector<16xi32>
    %add3A_477 = arith.addi %broadcast_in_dim3A_473, %add3A_476 : vector<16xi32>
    tpu.vector_store_idx %arg11[%add3A_463, %add3A_477], %gather3A_474 : memref<640x5xf32, #tpu.memory_space<vmem>>[vector<16xi32>, vector<16xi32>], vector<16xf32>,
    %broadcast_in_dim3A_478 = arith.constant 2 : i32
    %broadcast_in_dim3A_479 = vector.broadcast %broadcast_in_dim3A_478 : i32 to vector<16xi32>
    %gather3A_480 = tpu.vector_load_idx %arg8[%min3A_423, %broadcast_in_dim3A_479] : memref<100x4xf32, #tpu.memory_space<vmem>>[vector<16xi32>, vector<16xi32>], vector<16xf32>,
    %add3A_481 = arith.constant 1 : i32
    %add3A_482 = vector.broadcast %add3A_481 : i32 to vector<16xi32>
    %add3A_483 = arith.addi %broadcast_in_dim3A_479, %add3A_482 : vector<16xi32>
    tpu.vector_store_idx %arg11[%add3A_463, %add3A_483], %gather3A_480 : memref<640x5xf32, #tpu.memory_space<vmem>>[vector<16xi32>, vector<16xi32>], vector<16xf32>,
    %broadcast_in_dim3A_484 = arith.constant 3 : i32
    %broadcast_in_dim3A_485 = vector.broadcast %broadcast_in_dim3A_484 : i32 to vector<16xi32>
    %gather3A_486 = tpu.vector_load_idx %arg8[%min3A_423, %broadcast_in_dim3A_485] : memref<100x4xf32, #tpu.memory_space<vmem>>[vector<16xi32>, vector<16xi32>], vector<16xf32>,
    %add3A_487 = arith.constant 1 : i32
    %add3A_488 = vector.broadcast %add3A_487 : i32 to vector<16xi32>
    %add3A_489 = arith.addi %broadcast_in_dim3A_485, %add3A_488 : vector<16xi32>
    tpu.vector_store_idx %arg11[%add3A_463, %add3A_489], %gather3A_486 : memref<640x5xf32, #tpu.memory_space<vmem>>[vector<16xi32>, vector<16xi32>], vector<16xf32>,
    %add3A_490 = arith.constant 96 : i32
    %add3A_491 = vector.broadcast %add3A_490 : i32 to vector<16xi32>
    %add3A_492 = arith.addi %iota3A, %add3A_491 : vector<16xi32>
    %gather3A_493 = tpu.vector_load_idx %arg7[%broadcast_in_dim3A_37, %add3A_492] : memref<1x640xi32, #tpu.memory_space<vmem>>[vector<16xi32>, vector<16xi32>], vector<16xi32>,
    %jit3A_494 = arith.constant 0 : i32
    %jit3A_495 = arith.constant 99 : i32
    %max3A_496 = vector.broadcast %jit3A_494 : i32 to vector<16xi32>
    %max3A_497 = arith.maxsi %max3A_496, %gather3A_493 : vector<16xi32>
    %min3A_498 = vector.broadcast %jit3A_495 : i32 to vector<16xi32>
    %min3A_499 = arith.minsi %min3A_498, %max3A_497 : vector<16xi32>
    %gather3A_500 = tpu.vector_load_idx %arg9[%min3A_499] : memref<100xf32, #tpu.memory_space<vmem>>[vector<16xi32>], vector<16xf32>,
    %gather3A_501 = tpu.vector_load_idx %arg10[%min3A_499] : memref<100xi32, #tpu.memory_space<vmem>>[vector<16xi32>], vector<16xi32>,
    %ge3A_502 = arith.constant 0 : i32
    %ge3A_503 = vector.broadcast %ge3A_502 : i32 to vector<16xi32>
    %ge3A_504 = arith.cmpi sge, %gather3A_493, %ge3A_503 : vector<16xi32>
    %jit3A_505 = arith.constant 1.000000e+00 : f32
    %jit3A_506 = arith.constant 0.000000e+00 : f32
    %broadcast_in_dim3A_507 = vector.broadcast %jit3A_505 : f32 to vector<16xf32>
    %broadcast_in_dim3A_508 = vector.broadcast %jit3A_506 : f32 to vector<16xf32>
    %select_n3A_509 = arith.select %ge3A_504, %broadcast_in_dim3A_507, %broadcast_in_dim3A_508 : vector<16xi1>, vector<16xf32>
    %min3A_510 = arith.minimumf %select_n3A_509, %gather3A_500 : vector<16xf32>
    %eq3A_511 = arith.constant -1 : i32
    %eq3A_512 = vector.broadcast %eq3A_511 : i32 to vector<16xi32>
    %eq3A_513 = arith.cmpi eq, %gather3A_493, %eq3A_512 : vector<16xi32>
    %jit3A_514 = arith.constant 0.000000e+00 : f32
    %broadcast_in_dim3A_515 = vector.broadcast %jit3A_514 : f32 to vector<16xf32>
    %select_n3A_516 = arith.select %eq3A_513, %broadcast_in_dim3A_515, %min3A_510 : vector<16xi1>, vector<16xf32>
    %eq3A_517 = arith.constant -2 : i32
    %eq3A_518 = vector.broadcast %eq3A_517 : i32 to vector<16xi32>
    %eq3A_519 = arith.cmpi eq, %gather3A_493, %eq3A_518 : vector<16xi32>
    %jit3A_520 = arith.constant -1.000000e+00 : f32
    %broadcast_in_dim3A_521 = vector.broadcast %jit3A_520 : f32 to vector<16xf32>
    %select_n3A_522 = arith.select %eq3A_519, %broadcast_in_dim3A_521, %select_n3A_516 : vector<16xi1>, vector<16xf32>
    %lt3A_523 = arith.constant 1.000000e+00 : f32
    %lt3A_524 = vector.broadcast %lt3A_523 : f32 to vector<16xf32>
    %lt3A_525 = arith.cmpf olt, %gather3A_500, %lt3A_524 : vector<16xf32>
    %and3A_526 = arith.andi %ge3A_504, %lt3A_525 : vector<16xi1>
    %jit3A_527 = arith.constant -1.000000e+00 : f32
    %broadcast_in_dim3A_528 = vector.broadcast %jit3A_527 : f32 to vector<16xf32>
    %select_n3A_529 = arith.select %and3A_526, %broadcast_in_dim3A_528, %select_n3A_522 : vector<16xi1>, vector<16xf32>
    %eq3A_530 = arith.constant 0 : i32
    %eq3A_531 = vector.broadcast %eq3A_530 : i32 to vector<16xi32>
    %eq3A_532 = arith.cmpi eq, %gather3A_501, %eq3A_531 : vector<16xi32>
    %and3A_533 = arith.andi %ge3A_504, %eq3A_532 : vector<16xi1>
    %jit3A_534 = arith.constant -1.000000e+00 : f32
    %broadcast_in_dim3A_535 = vector.broadcast %jit3A_534 : f32 to vector<16xf32>
    %select_n3A_536 = arith.select %and3A_533, %broadcast_in_dim3A_535, %select_n3A_529 : vector<16xi1>, vector<16xf32>
    %add3A_537 = arith.constant 96 : i32
    %add3A_538 = vector.broadcast %add3A_537 : i32 to vector<16xi32>
    %add3A_539 = arith.addi %iota3A, %add3A_538 : vector<16xi32>
    %broadcast_in_dim3A_540 = arith.constant 0 : i32
    %broadcast_in_dim3A_541 = vector.broadcast %broadcast_in_dim3A_540 : i32 to vector<16xi32>
    tpu.vector_store_idx %arg11[%add3A_539, %broadcast_in_dim3A_541], %select_n3A_536 : memref<640x5xf32, #tpu.memory_space<vmem>>[vector<16xi32>, vector<16xi32>], vector<16xf32>,
    %broadcast_in_dim3A_542 = arith.constant 0 : i32
    %broadcast_in_dim3A_543 = vector.broadcast %broadcast_in_dim3A_542 : i32 to vector<16xi32>
    %gather3A_544 = tpu.vector_load_idx %arg8[%min3A_499, %broadcast_in_dim3A_543] : memref<100x4xf32, #tpu.memory_space<vmem>>[vector<16xi32>, vector<16xi32>], vector<16xf32>,
    %add3A_545 = arith.constant 1 : i32
    %add3A_546 = vector.broadcast %add3A_545 : i32 to vector<16xi32>
    %add3A_547 = arith.addi %broadcast_in_dim3A_543, %add3A_546 : vector<16xi32>
    tpu.vector_store_idx %arg11[%add3A_539, %add3A_547], %gather3A_544 : memref<640x5xf32, #tpu.memory_space<vmem>>[vector<16xi32>, vector<16xi32>], vector<16xf32>,
    %broadcast_in_dim3A_548 = arith.constant 1 : i32
    %broadcast_in_dim3A_549 = vector.broadcast %broadcast_in_dim3A_548 : i32 to vector<16xi32>
    %gather3A_550 = tpu.vector_load_idx %arg8[%min3A_499, %broadcast_in_dim3A_549] : memref<100x4xf32, #tpu.memory_space<vmem>>[vector<16xi32>, vector<16xi32>], vector<16xf32>,
    %add3A_551 = arith.constant 1 : i32
    %add3A_552 = vector.broadcast %add3A_551 : i32 to vector<16xi32>
    %add3A_553 = arith.addi %broadcast_in_dim3A_549, %add3A_552 : vector<16xi32>
    tpu.vector_store_idx %arg11[%add3A_539, %add3A_553], %gather3A_550 : memref<640x5xf32, #tpu.memory_space<vmem>>[vector<16xi32>, vector<16xi32>], vector<16xf32>,
    %broadcast_in_dim3A_554 = arith.constant 2 : i32
    %broadcast_in_dim3A_555 = vector.broadcast %broadcast_in_dim3A_554 : i32 to vector<16xi32>
    %gather3A_556 = tpu.vector_load_idx %arg8[%min3A_499, %broadcast_in_dim3A_555] : memref<100x4xf32, #tpu.memory_space<vmem>>[vector<16xi32>, vector<16xi32>], vector<16xf32>,
    %add3A_557 = arith.constant 1 : i32
    %add3A_558 = vector.broadcast %add3A_557 : i32 to vector<16xi32>
    %add3A_559 = arith.addi %broadcast_in_dim3A_555, %add3A_558 : vector<16xi32>
    tpu.vector_store_idx %arg11[%add3A_539, %add3A_559], %gather3A_556 : memref<640x5xf32, #tpu.memory_space<vmem>>[vector<16xi32>, vector<16xi32>], vector<16xf32>,
    %broadcast_in_dim3A_560 = arith.constant 3 : i32
    %broadcast_in_dim3A_561 = vector.broadcast %broadcast_in_dim3A_560 : i32 to vector<16xi32>
    %gather3A_562 = tpu.vector_load_idx %arg8[%min3A_499, %broadcast_in_dim3A_561] : memref<100x4xf32, #tpu.memory_space<vmem>>[vector<16xi32>, vector<16xi32>], vector<16xf32>,
    %add3A_563 = arith.constant 1 : i32
    %add3A_564 = vector.broadcast %add3A_563 : i32 to vector<16xi32>
    %add3A_565 = arith.addi %broadcast_in_dim3A_561, %add3A_564 : vector<16xi32>
    tpu.vector_store_idx %arg11[%add3A_539, %add3A_565], %gather3A_562 : memref<640x5xf32, #tpu.memory_space<vmem>>[vector<16xi32>, vector<16xi32>], vector<16xf32>,
    %add3A_566 = arith.constant 112 : i32
    %add3A_567 = vector.broadcast %add3A_566 : i32 to vector<16xi32>
    %add3A_568 = arith.addi %iota3A, %add3A_567 : vector<16xi32>
    %gather3A_569 = tpu.vector_load_idx %arg7[%broadcast_in_dim3A_37, %add3A_568] : memref<1x640xi32, #tpu.memory_space<vmem>>[vector<16xi32>, vector<16xi32>], vector<16xi32>,
    %jit3A_570 = arith.constant 0 : i32
    %jit3A_571 = arith.constant 99 : i32
    %max3A_572 = vector.broadcast %jit3A_570 : i32 to vector<16xi32>
    %max3A_573 = arith.maxsi %max3A_572, %gather3A_569 : vector<16xi32>
    %min3A_574 = vector.broadcast %jit3A_571 : i32 to vector<16xi32>
    %min3A_575 = arith.minsi %min3A_574, %max3A_573 : vector<16xi32>
    %gather3A_576 = tpu.vector_load_idx %arg9[%min3A_575] : memref<100xf32, #tpu.memory_space<vmem>>[vector<16xi32>], vector<16xf32>,
    %gather3A_577 = tpu.vector_load_idx %arg10[%min3A_575] : memref<100xi32, #tpu.memory_space<vmem>>[vector<16xi32>], vector<16xi32>,
    %ge3A_578 = arith.constant 0 : i32
    %ge3A_579 = vector.broadcast %ge3A_578 : i32 to vector<16xi32>
    %ge3A_580 = arith.cmpi sge, %gather3A_569, %ge3A_579 : vector<16xi32>
    %jit3A_581 = arith.constant 1.000000e+00 : f32
    %jit3A_582 = arith.constant 0.000000e+00 : f32
    %broadcast_in_dim3A_583 = vector.broadcast %jit3A_581 : f32 to vector<16xf32>
    %broadcast_in_dim3A_584 = vector.broadcast %jit3A_582 : f32 to vector<16xf32>
    %select_n3A_585 = arith.select %ge3A_580, %broadcast_in_dim3A_583, %broadcast_in_dim3A_584 : vector<16xi1>, vector<16xf32>
    %min3A_586 = arith.minimumf %select_n3A_585, %gather3A_576 : vector<16xf32>
    %eq3A_587 = arith.constant -1 : i32
    %eq3A_588 = vector.broadcast %eq3A_587 : i32 to vector<16xi32>
    %eq3A_589 = arith.cmpi eq, %gather3A_569, %eq3A_588 : vector<16xi32>
    %jit3A_590 = arith.constant 0.000000e+00 : f32
    %broadcast_in_dim3A_591 = vector.broadcast %jit3A_590 : f32 to vector<16xf32>
    %select_n3A_592 = arith.select %eq3A_589, %broadcast_in_dim3A_591, %min3A_586 : vector<16xi1>, vector<16xf32>
    %eq3A_593 = arith.constant -2 : i32
    %eq3A_594 = vector.broadcast %eq3A_593 : i32 to vector<16xi32>
    %eq3A_595 = arith.cmpi eq, %gather3A_569, %eq3A_594 : vector<16xi32>
    %jit3A_596 = arith.constant -1.000000e+00 : f32
    %broadcast_in_dim3A_597 = vector.broadcast %jit3A_596 : f32 to vector<16xf32>
    %select_n3A_598 = arith.select %eq3A_595, %broadcast_in_dim3A_597, %select_n3A_592 : vector<16xi1>, vector<16xf32>
    %lt3A_599 = arith.constant 1.000000e+00 : f32
    %lt3A_600 = vector.broadcast %lt3A_599 : f32 to vector<16xf32>
    %lt3A_601 = arith.cmpf olt, %gather3A_576, %lt3A_600 : vector<16xf32>
    %and3A_602 = arith.andi %ge3A_580, %lt3A_601 : vector<16xi1>
    %jit3A_603 = arith.constant -1.000000e+00 : f32
    %broadcast_in_dim3A_604 = vector.broadcast %jit3A_603 : f32 to vector<16xf32>
    %select_n3A_605 = arith.select %and3A_602, %broadcast_in_dim3A_604, %select_n3A_598 : vector<16xi1>, vector<16xf32>
    %eq3A_606 = arith.constant 0 : i32
    %eq3A_607 = vector.broadcast %eq3A_606 : i32 to vector<16xi32>
    %eq3A_608 = arith.cmpi eq, %gather3A_577, %eq3A_607 : vector<16xi32>
    %and3A_609 = arith.andi %ge3A_580, %eq3A_608 : vector<16xi1>
    %jit3A_610 = arith.constant -1.000000e+00 : f32
    %broadcast_in_dim3A_611 = vector.broadcast %jit3A_610 : f32 to vector<16xf32>
    %select_n3A_612 = arith.select %and3A_609, %broadcast_in_dim3A_611, %select_n3A_605 : vector<16xi1>, vector<16xf32>
    %add3A_613 = arith.constant 112 : i32
    %add3A_614 = vector.broadcast %add3A_613 : i32 to vector<16xi32>
    %add3A_615 = arith.addi %iota3A, %add3A_614 : vector<16xi32>
    %broadcast_in_dim3A_616 = arith.constant 0 : i32
    %broadcast_in_dim3A_617 = vector.broadcast %broadcast_in_dim3A_616 : i32 to vector<16xi32>
    tpu.vector_store_idx %arg11[%add3A_615, %broadcast_in_dim3A_617], %select_n3A_612 : memref<640x5xf32, #tpu.memory_space<vmem>>[vector<16xi32>, vector<16xi32>], vector<16xf32>,
    %broadcast_in_dim3A_618 = arith.constant 0 : i32
    %broadcast_in_dim3A_619 = vector.broadcast %broadcast_in_dim3A_618 : i32 to vector<16xi32>
    %gather3A_620 = tpu.vector_load_idx %arg8[%min3A_575, %broadcast_in_dim3A_619] : memref<100x4xf32, #tpu.memory_space<vmem>>[vector<16xi32>, vector<16xi32>], vector<16xf32>,
    %add3A_621 = arith.constant 1 : i32
    %add3A_622 = vector.broadcast %add3A_621 : i32 to vector<16xi32>
    %add3A_623 = arith.addi %broadcast_in_dim3A_619, %add3A_622 : vector<16xi32>
    tpu.vector_store_idx %arg11[%add3A_615, %add3A_623], %gather3A_620 : memref<640x5xf32, #tpu.memory_space<vmem>>[vector<16xi32>, vector<16xi32>], vector<16xf32>,
    %broadcast_in_dim3A_624 = arith.constant 1 : i32
    %broadcast_in_dim3A_625 = vector.broadcast %broadcast_in_dim3A_624 : i32 to vector<16xi32>
    %gather3A_626 = tpu.vector_load_idx %arg8[%min3A_575, %broadcast_in_dim3A_625] : memref<100x4xf32, #tpu.memory_space<vmem>>[vector<16xi32>, vector<16xi32>], vector<16xf32>,
    %add3A_627 = arith.constant 1 : i32
    %add3A_628 = vector.broadcast %add3A_627 : i32 to vector<16xi32>
    %add3A_629 = arith.addi %broadcast_in_dim3A_625, %add3A_628 : vector<16xi32>
    tpu.vector_store_idx %arg11[%add3A_615, %add3A_629], %gather3A_626 : memref<640x5xf32, #tpu.memory_space<vmem>>[vector<16xi32>, vector<16xi32>], vector<16xf32>,
    %broadcast_in_dim3A_630 = arith.constant 2 : i32
    %broadcast_in_dim3A_631 = vector.broadcast %broadcast_in_dim3A_630 : i32 to vector<16xi32>
    %gather3A_632 = tpu.vector_load_idx %arg8[%min3A_575, %broadcast_in_dim3A_631] : memref<100x4xf32, #tpu.memory_space<vmem>>[vector<16xi32>, vector<16xi32>], vector<16xf32>,
    %add3A_633 = arith.constant 1 : i32
    %add3A_634 = vector.broadcast %add3A_633 : i32 to vector<16xi32>
    %add3A_635 = arith.addi %broadcast_in_dim3A_631, %add3A_634 : vector<16xi32>
    tpu.vector_store_idx %arg11[%add3A_615, %add3A_635], %gather3A_632 : memref<640x5xf32, #tpu.memory_space<vmem>>[vector<16xi32>, vector<16xi32>], vector<16xf32>,
    %broadcast_in_dim3A_636 = arith.constant 3 : i32
    %broadcast_in_dim3A_637 = vector.broadcast %broadcast_in_dim3A_636 : i32 to vector<16xi32>
    %gather3A_638 = tpu.vector_load_idx %arg8[%min3A_575, %broadcast_in_dim3A_637] : memref<100x4xf32, #tpu.memory_space<vmem>>[vector<16xi32>, vector<16xi32>], vector<16xf32>,
    %add3A_639 = arith.constant 1 : i32
    %add3A_640 = vector.broadcast %add3A_639 : i32 to vector<16xi32>
    %add3A_641 = arith.addi %broadcast_in_dim3A_637, %add3A_640 : vector<16xi32>
    tpu.vector_store_idx %arg11[%add3A_615, %add3A_641], %gather3A_638 : memref<640x5xf32, #tpu.memory_space<vmem>>[vector<16xi32>, vector<16xi32>], vector<16xf32>,
    %add3A_642 = arith.constant 128 : i32
    %add3A_643 = vector.broadcast %add3A_642 : i32 to vector<16xi32>
    %add3A_644 = arith.addi %iota3A, %add3A_643 : vector<16xi32>
    %gather3A_645 = tpu.vector_load_idx %arg7[%broadcast_in_dim3A_37, %add3A_644] : memref<1x640xi32, #tpu.memory_space<vmem>>[vector<16xi32>, vector<16xi32>], vector<16xi32>,
    %jit3A_646 = arith.constant 0 : i32
    %jit3A_647 = arith.constant 99 : i32
    %max3A_648 = vector.broadcast %jit3A_646 : i32 to vector<16xi32>
    %max3A_649 = arith.maxsi %max3A_648, %gather3A_645 : vector<16xi32>
    %min3A_650 = vector.broadcast %jit3A_647 : i32 to vector<16xi32>
    %min3A_651 = arith.minsi %min3A_650, %max3A_649 : vector<16xi32>
    %gather3A_652 = tpu.vector_load_idx %arg9[%min3A_651] : memref<100xf32, #tpu.memory_space<vmem>>[vector<16xi32>], vector<16xf32>,
    %gather3A_653 = tpu.vector_load_idx %arg10[%min3A_651] : memref<100xi32, #tpu.memory_space<vmem>>[vector<16xi32>], vector<16xi32>,
    %ge3A_654 = arith.constant 0 : i32
    %ge3A_655 = vector.broadcast %ge3A_654 : i32 to vector<16xi32>
    %ge3A_656 = arith.cmpi sge, %gather3A_645, %ge3A_655 : vector<16xi32>
    %jit3A_657 = arith.constant 1.000000e+00 : f32
    %jit3A_658 = arith.constant 0.000000e+00 : f32
    %broadcast_in_dim3A_659 = vector.broadcast %jit3A_657 : f32 to vector<16xf32>
    %broadcast_in_dim3A_660 = vector.broadcast %jit3A_658 : f32 to vector<16xf32>
    %select_n3A_661 = arith.select %ge3A_656, %broadcast_in_dim3A_659, %broadcast_in_dim3A_660 : vector<16xi1>, vector<16xf32>
    %min3A_662 = arith.minimumf %select_n3A_661, %gather3A_652 : vector<16xf32>
    %eq3A_663 = arith.constant -1 : i32
    %eq3A_664 = vector.broadcast %eq3A_663 : i32 to vector<16xi32>
    %eq3A_665 = arith.cmpi eq, %gather3A_645, %eq3A_664 : vector<16xi32>
    %jit3A_666 = arith.constant 0.000000e+00 : f32
    %broadcast_in_dim3A_667 = vector.broadcast %jit3A_666 : f32 to vector<16xf32>
    %select_n3A_668 = arith.select %eq3A_665, %broadcast_in_dim3A_667, %min3A_662 : vector<16xi1>, vector<16xf32>
    %eq3A_669 = arith.constant -2 : i32
    %eq3A_670 = vector.broadcast %eq3A_669 : i32 to vector<16xi32>
    %eq3A_671 = arith.cmpi eq, %gather3A_645, %eq3A_670 : vector<16xi32>
    %jit3A_672 = arith.constant -1.000000e+00 : f32
    %broadcast_in_dim3A_673 = vector.broadcast %jit3A_672 : f32 to vector<16xf32>
    %select_n3A_674 = arith.select %eq3A_671, %broadcast_in_dim3A_673, %select_n3A_668 : vector<16xi1>, vector<16xf32>
    %lt3A_675 = arith.constant 1.000000e+00 : f32
    %lt3A_676 = vector.broadcast %lt3A_675 : f32 to vector<16xf32>
    %lt3A_677 = arith.cmpf olt, %gather3A_652, %lt3A_676 : vector<16xf32>
    %and3A_678 = arith.andi %ge3A_656, %lt3A_677 : vector<16xi1>
    %jit3A_679 = arith.constant -1.000000e+00 : f32
    %broadcast_in_dim3A_680 = vector.broadcast %jit3A_679 : f32 to vector<16xf32>
    %select_n3A_681 = arith.select %and3A_678, %broadcast_in_dim3A_680, %select_n3A_674 : vector<16xi1>, vector<16xf32>
    %eq3A_682 = arith.constant 0 : i32
    %eq3A_683 = vector.broadcast %eq3A_682 : i32 to vector<16xi32>
    %eq3A_684 = arith.cmpi eq, %gather3A_653, %eq3A_683 : vector<16xi32>
    %and3A_685 = arith.andi %ge3A_656, %eq3A_684 : vector<16xi1>
    %jit3A_686 = arith.constant -1.000000e+00 : f32
    %broadcast_in_dim3A_687 = vector.broadcast %jit3A_686 : f32 to vector<16xf32>
    %select_n3A_688 = arith.select %and3A_685, %broadcast_in_dim3A_687, %select_n3A_681 : vector<16xi1>, vector<16xf32>
    %add3A_689 = arith.constant 128 : i32
    %add3A_690 = vector.broadcast %add3A_689 : i32 to vector<16xi32>
    %add3A_691 = arith.addi %iota3A, %add3A_690 : vector<16xi32>
    %broadcast_in_dim3A_692 = arith.constant 0 : i32
    %broadcast_in_dim3A_693 = vector.broadcast %broadcast_in_dim3A_692 : i32 to vector<16xi32>
    tpu.vector_store_idx %arg11[%add3A_691, %broadcast_in_dim3A_693], %select_n3A_688 : memref<640x5xf32, #tpu.memory_space<vmem>>[vector<16xi32>, vector<16xi32>], vector<16xf32>,
    %broadcast_in_dim3A_694 = arith.constant 0 : i32
    %broadcast_in_dim3A_695 = vector.broadcast %broadcast_in_dim3A_694 : i32 to vector<16xi32>
    %gather3A_696 = tpu.vector_load_idx %arg8[%min3A_651, %broadcast_in_dim3A_695] : memref<100x4xf32, #tpu.memory_space<vmem>>[vector<16xi32>, vector<16xi32>], vector<16xf32>,
    %add3A_697 = arith.constant 1 : i32
    %add3A_698 = vector.broadcast %add3A_697 : i32 to vector<16xi32>
    %add3A_699 = arith.addi %broadcast_in_dim3A_695, %add3A_698 : vector<16xi32>
    tpu.vector_store_idx %arg11[%add3A_691, %add3A_699], %gather3A_696 : memref<640x5xf32, #tpu.memory_space<vmem>>[vector<16xi32>, vector<16xi32>], vector<16xf32>,
    %broadcast_in_dim3A_700 = arith.constant 1 : i32
    %broadcast_in_dim3A_701 = vector.broadcast %broadcast_in_dim3A_700 : i32 to vector<16xi32>
    %gather3A_702 = tpu.vector_load_idx %arg8[%min3A_651, %broadcast_in_dim3A_701] : memref<100x4xf32, #tpu.memory_space<vmem>>[vector<16xi32>, vector<16xi32>], vector<16xf32>,
    %add3A_703 = arith.constant 1 : i32
    %add3A_704 = vector.broadcast %add3A_703 : i32 to vector<16xi32>
    %add3A_705 = arith.addi %broadcast_in_dim3A_701, %add3A_704 : vector<16xi32>
    tpu.vector_store_idx %arg11[%add3A_691, %add3A_705], %gather3A_702 : memref<640x5xf32, #tpu.memory_space<vmem>>[vector<16xi32>, vector<16xi32>], vector<16xf32>,
    %broadcast_in_dim3A_706 = arith.constant 2 : i32
    %broadcast_in_dim3A_707 = vector.broadcast %broadcast_in_dim3A_706 : i32 to vector<16xi32>
    %gather3A_708 = tpu.vector_load_idx %arg8[%min3A_651, %broadcast_in_dim3A_707] : memref<100x4xf32, #tpu.memory_space<vmem>>[vector<16xi32>, vector<16xi32>], vector<16xf32>,
    %add3A_709 = arith.constant 1 : i32
    %add3A_710 = vector.broadcast %add3A_709 : i32 to vector<16xi32>
    %add3A_711 = arith.addi %broadcast_in_dim3A_707, %add3A_710 : vector<16xi32>
    tpu.vector_store_idx %arg11[%add3A_691, %add3A_711], %gather3A_708 : memref<640x5xf32, #tpu.memory_space<vmem>>[vector<16xi32>, vector<16xi32>], vector<16xf32>,
    %broadcast_in_dim3A_712 = arith.constant 3 : i32
    %broadcast_in_dim3A_713 = vector.broadcast %broadcast_in_dim3A_712 : i32 to vector<16xi32>
    %gather3A_714 = tpu.vector_load_idx %arg8[%min3A_651, %broadcast_in_dim3A_713] : memref<100x4xf32, #tpu.memory_space<vmem>>[vector<16xi32>, vector<16xi32>], vector<16xf32>,
    %add3A_715 = arith.constant 1 : i32
    %add3A_716 = vector.broadcast %add3A_715 : i32 to vector<16xi32>
    %add3A_717 = arith.addi %broadcast_in_dim3A_713, %add3A_716 : vector<16xi32>
    tpu.vector_store_idx %arg11[%add3A_691, %add3A_717], %gather3A_714 : memref<640x5xf32, #tpu.memory_space<vmem>>[vector<16xi32>, vector<16xi32>], vector<16xf32>,
    %add3A_718 = arith.constant 144 : i32
    %add3A_719 = vector.broadcast %add3A_718 : i32 to vector<16xi32>
    %add3A_720 = arith.addi %iota3A, %add3A_719 : vector<16xi32>
    %gather3A_721 = tpu.vector_load_idx %arg7[%broadcast_in_dim3A_37, %add3A_720] : memref<1x640xi32, #tpu.memory_space<vmem>>[vector<16xi32>, vector<16xi32>], vector<16xi32>,
    %jit3A_722 = arith.constant 0 : i32
    %jit3A_723 = arith.constant 99 : i32
    %max3A_724 = vector.broadcast %jit3A_722 : i32 to vector<16xi32>
    %max3A_725 = arith.maxsi %max3A_724, %gather3A_721 : vector<16xi32>
    %min3A_726 = vector.broadcast %jit3A_723 : i32 to vector<16xi32>
    %min3A_727 = arith.minsi %min3A_726, %max3A_725 : vector<16xi32>
    %gather3A_728 = tpu.vector_load_idx %arg9[%min3A_727] : memref<100xf32, #tpu.memory_space<vmem>>[vector<16xi32>], vector<16xf32>,
    %gather3A_729 = tpu.vector_load_idx %arg10[%min3A_727] : memref<100xi32, #tpu.memory_space<vmem>>[vector<16xi32>], vector<16xi32>,
    %ge3A_730 = arith.constant 0 : i32
    %ge3A_731 = vector.broadcast %ge3A_730 : i32 to vector<16xi32>
    %ge3A_732 = arith.cmpi sge, %gather3A_721, %ge3A_731 : vector<16xi32>
    %jit3A_733 = arith.constant 1.000000e+00 : f32
    %jit3A_734 = arith.constant 0.000000e+00 : f32
    %broadcast_in_dim3A_735 = vector.broadcast %jit3A_733 : f32 to vector<16xf32>
    %broadcast_in_dim3A_736 = vector.broadcast %jit3A_734 : f32 to vector<16xf32>
    %select_n3A_737 = arith.select %ge3A_732, %broadcast_in_dim3A_735, %broadcast_in_dim3A_736 : vector<16xi1>, vector<16xf32>
    %min3A_738 = arith.minimumf %select_n3A_737, %gather3A_728 : vector<16xf32>
    %eq3A_739 = arith.constant -1 : i32
    %eq3A_740 = vector.broadcast %eq3A_739 : i32 to vector<16xi32>
    %eq3A_741 = arith.cmpi eq, %gather3A_721, %eq3A_740 : vector<16xi32>
    %jit3A_742 = arith.constant 0.000000e+00 : f32
    %broadcast_in_dim3A_743 = vector.broadcast %jit3A_742 : f32 to vector<16xf32>
    %select_n3A_744 = arith.select %eq3A_741, %broadcast_in_dim3A_743, %min3A_738 : vector<16xi1>, vector<16xf32>
    %eq3A_745 = arith.constant -2 : i32
    %eq3A_746 = vector.broadcast %eq3A_745 : i32 to vector<16xi32>
    %eq3A_747 = arith.cmpi eq, %gather3A_721, %eq3A_746 : vector<16xi32>
    %jit3A_748 = arith.constant -1.000000e+00 : f32
    %broadcast_in_dim3A_749 = vector.broadcast %jit3A_748 : f32 to vector<16xf32>
    %select_n3A_750 = arith.select %eq3A_747, %broadcast_in_dim3A_749, %select_n3A_744 : vector<16xi1>, vector<16xf32>
    %lt3A_751 = arith.constant 1.000000e+00 : f32
    %lt3A_752 = vector.broadcast %lt3A_751 : f32 to vector<16xf32>
    %lt3A_753 = arith.cmpf olt, %gather3A_728, %lt3A_752 : vector<16xf32>
    %and3A_754 = arith.andi %ge3A_732, %lt3A_753 : vector<16xi1>
    %jit3A_755 = arith.constant -1.000000e+00 : f32
    %broadcast_in_dim3A_756 = vector.broadcast %jit3A_755 : f32 to vector<16xf32>
    %select_n3A_757 = arith.select %and3A_754, %broadcast_in_dim3A_756, %select_n3A_750 : vector<16xi1>, vector<16xf32>
    %eq3A_758 = arith.constant 0 : i32
    %eq3A_759 = vector.broadcast %eq3A_758 : i32 to vector<16xi32>
    %eq3A_760 = arith.cmpi eq, %gather3A_729, %eq3A_759 : vector<16xi32>
    %and3A_761 = arith.andi %ge3A_732, %eq3A_760 : vector<16xi1>
    %jit3A_762 = arith.constant -1.000000e+00 : f32
    %broadcast_in_dim3A_763 = vector.broadcast %jit3A_762 : f32 to vector<16xf32>
    %select_n3A_764 = arith.select %and3A_761, %broadcast_in_dim3A_763, %select_n3A_757 : vector<16xi1>, vector<16xf32>
    %add3A_765 = arith.constant 144 : i32
    %add3A_766 = vector.broadcast %add3A_765 : i32 to vector<16xi32>
    %add3A_767 = arith.addi %iota3A, %add3A_766 : vector<16xi32>
    %broadcast_in_dim3A_768 = arith.constant 0 : i32
    %broadcast_in_dim3A_769 = vector.broadcast %broadcast_in_dim3A_768 : i32 to vector<16xi32>
    tpu.vector_store_idx %arg11[%add3A_767, %broadcast_in_dim3A_769], %select_n3A_764 : memref<640x5xf32, #tpu.memory_space<vmem>>[vector<16xi32>, vector<16xi32>], vector<16xf32>,
    %broadcast_in_dim3A_770 = arith.constant 0 : i32
    %broadcast_in_dim3A_771 = vector.broadcast %broadcast_in_dim3A_770 : i32 to vector<16xi32>
    %gather3A_772 = tpu.vector_load_idx %arg8[%min3A_727, %broadcast_in_dim3A_771] : memref<100x4xf32, #tpu.memory_space<vmem>>[vector<16xi32>, vector<16xi32>], vector<16xf32>,
    %add3A_773 = arith.constant 1 : i32
    %add3A_774 = vector.broadcast %add3A_773 : i32 to vector<16xi32>
    %add3A_775 = arith.addi %broadcast_in_dim3A_771, %add3A_774 : vector<16xi32>
    tpu.vector_store_idx %arg11[%add3A_767, %add3A_775], %gather3A_772 : memref<640x5xf32, #tpu.memory_space<vmem>>[vector<16xi32>, vector<16xi32>], vector<16xf32>,
    %broadcast_in_dim3A_776 = arith.constant 1 : i32
    %broadcast_in_dim3A_777 = vector.broadcast %broadcast_in_dim3A_776 : i32 to vector<16xi32>
    %gather3A_778 = tpu.vector_load_idx %arg8[%min3A_727, %broadcast_in_dim3A_777] : memref<100x4xf32, #tpu.memory_space<vmem>>[vector<16xi32>, vector<16xi32>], vector<16xf32>,
    %add3A_779 = arith.constant 1 : i32
    %add3A_780 = vector.broadcast %add3A_779 : i32 to vector<16xi32>
    %add3A_781 = arith.addi %broadcast_in_dim3A_777, %add3A_780 : vector<16xi32>
    tpu.vector_store_idx %arg11[%add3A_767, %add3A_781], %gather3A_778 : memref<640x5xf32, #tpu.memory_space<vmem>>[vector<16xi32>, vector<16xi32>], vector<16xf32>,
    %broadcast_in_dim3A_782 = arith.constant 2 : i32
    %broadcast_in_dim3A_783 = vector.broadcast %broadcast_in_dim3A_782 : i32 to vector<16xi32>
    %gather3A_784 = tpu.vector_load_idx %arg8[%min3A_727, %broadcast_in_dim3A_783] : memref<100x4xf32, #tpu.memory_space<vmem>>[vector<16xi32>, vector<16xi32>], vector<16xf32>,
    %add3A_785 = arith.constant 1 : i32
    %add3A_786 = vector.broadcast %add3A_785 : i32 to vector<16xi32>
    %add3A_787 = arith.addi %broadcast_in_dim3A_783, %add3A_786 : vector<16xi32>
    tpu.vector_store_idx %arg11[%add3A_767, %add3A_787], %gather3A_784 : memref<640x5xf32, #tpu.memory_space<vmem>>[vector<16xi32>, vector<16xi32>], vector<16xf32>,
    %broadcast_in_dim3A_788 = arith.constant 3 : i32
    %broadcast_in_dim3A_789 = vector.broadcast %broadcast_in_dim3A_788 : i32 to vector<16xi32>
    %gather3A_790 = tpu.vector_load_idx %arg8[%min3A_727, %broadcast_in_dim3A_789] : memref<100x4xf32, #tpu.memory_space<vmem>>[vector<16xi32>, vector<16xi32>], vector<16xf32>,
    %add3A_791 = arith.constant 1 : i32
    %add3A_792 = vector.broadcast %add3A_791 : i32 to vector<16xi32>
    %add3A_793 = arith.addi %broadcast_in_dim3A_789, %add3A_792 : vector<16xi32>
    tpu.vector_store_idx %arg11[%add3A_767, %add3A_793], %gather3A_790 : memref<640x5xf32, #tpu.memory_space<vmem>>[vector<16xi32>, vector<16xi32>], vector<16xf32>,
    %add3A_794 = arith.constant 160 : i32
    %add3A_795 = vector.broadcast %add3A_794 : i32 to vector<16xi32>
    %add3A_796 = arith.addi %iota3A, %add3A_795 : vector<16xi32>
    %gather3A_797 = tpu.vector_load_idx %arg7[%broadcast_in_dim3A_37, %add3A_796] : memref<1x640xi32, #tpu.memory_space<vmem>>[vector<16xi32>, vector<16xi32>], vector<16xi32>,
    %jit3A_798 = arith.constant 0 : i32
    %jit3A_799 = arith.constant 99 : i32
    %max3A_800 = vector.broadcast %jit3A_798 : i32 to vector<16xi32>
    %max3A_801 = arith.maxsi %max3A_800, %gather3A_797 : vector<16xi32>
    %min3A_802 = vector.broadcast %jit3A_799 : i32 to vector<16xi32>
    %min3A_803 = arith.minsi %min3A_802, %max3A_801 : vector<16xi32>
    %gather3A_804 = tpu.vector_load_idx %arg9[%min3A_803] : memref<100xf32, #tpu.memory_space<vmem>>[vector<16xi32>], vector<16xf32>,
    %gather3A_805 = tpu.vector_load_idx %arg10[%min3A_803] : memref<100xi32, #tpu.memory_space<vmem>>[vector<16xi32>], vector<16xi32>,
    %ge3A_806 = arith.constant 0 : i32
    %ge3A_807 = vector.broadcast %ge3A_806 : i32 to vector<16xi32>
    %ge3A_808 = arith.cmpi sge, %gather3A_797, %ge3A_807 : vector<16xi32>
    %jit3A_809 = arith.constant 1.000000e+00 : f32
    %jit3A_810 = arith.constant 0.000000e+00 : f32
    %broadcast_in_dim3A_811 = vector.broadcast %jit3A_809 : f32 to vector<16xf32>
    %broadcast_in_dim3A_812 = vector.broadcast %jit3A_810 : f32 to vector<16xf32>
    %select_n3A_813 = arith.select %ge3A_808, %broadcast_in_dim3A_811, %broadcast_in_dim3A_812 : vector<16xi1>, vector<16xf32>
    %min3A_814 = arith.minimumf %select_n3A_813, %gather3A_804 : vector<16xf32>
    %eq3A_815 = arith.constant -1 : i32
    %eq3A_816 = vector.broadcast %eq3A_815 : i32 to vector<16xi32>
    %eq3A_817 = arith.cmpi eq, %gather3A_797, %eq3A_816 : vector<16xi32>
    %jit3A_818 = arith.constant 0.000000e+00 : f32
    %broadcast_in_dim3A_819 = vector.broadcast %jit3A_818 : f32 to vector<16xf32>
    %select_n3A_820 = arith.select %eq3A_817, %broadcast_in_dim3A_819, %min3A_814 : vector<16xi1>, vector<16xf32>
    %eq3A_821 = arith.constant -2 : i32
    %eq3A_822 = vector.broadcast %eq3A_821 : i32 to vector<16xi32>
    %eq3A_823 = arith.cmpi eq, %gather3A_797, %eq3A_822 : vector<16xi32>
    %jit3A_824 = arith.constant -1.000000e+00 : f32
    %broadcast_in_dim3A_825 = vector.broadcast %jit3A_824 : f32 to vector<16xf32>
    %select_n3A_826 = arith.select %eq3A_823, %broadcast_in_dim3A_825, %select_n3A_820 : vector<16xi1>, vector<16xf32>
    %lt3A_827 = arith.constant 1.000000e+00 : f32
    %lt3A_828 = vector.broadcast %lt3A_827 : f32 to vector<16xf32>
    %lt3A_829 = arith.cmpf olt, %gather3A_804, %lt3A_828 : vector<16xf32>
    %and3A_830 = arith.andi %ge3A_808, %lt3A_829 : vector<16xi1>
    %jit3A_831 = arith.constant -1.000000e+00 : f32
    %broadcast_in_dim3A_832 = vector.broadcast %jit3A_831 : f32 to vector<16xf32>
    %select_n3A_833 = arith.select %and3A_830, %broadcast_in_dim3A_832, %select_n3A_826 : vector<16xi1>, vector<16xf32>
    %eq3A_834 = arith.constant 0 : i32
    %eq3A_835 = vector.broadcast %eq3A_834 : i32 to vector<16xi32>
    %eq3A_836 = arith.cmpi eq, %gather3A_805, %eq3A_835 : vector<16xi32>
    %and3A_837 = arith.andi %ge3A_808, %eq3A_836 : vector<16xi1>
    %jit3A_838 = arith.constant -1.000000e+00 : f32
    %broadcast_in_dim3A_839 = vector.broadcast %jit3A_838 : f32 to vector<16xf32>
    %select_n3A_840 = arith.select %and3A_837, %broadcast_in_dim3A_839, %select_n3A_833 : vector<16xi1>, vector<16xf32>
    %add3A_841 = arith.constant 160 : i32
    %add3A_842 = vector.broadcast %add3A_841 : i32 to vector<16xi32>
    %add3A_843 = arith.addi %iota3A, %add3A_842 : vector<16xi32>
    %broadcast_in_dim3A_844 = arith.constant 0 : i32
    %broadcast_in_dim3A_845 = vector.broadcast %broadcast_in_dim3A_844 : i32 to vector<16xi32>
    tpu.vector_store_idx %arg11[%add3A_843, %broadcast_in_dim3A_845], %select_n3A_840 : memref<640x5xf32, #tpu.memory_space<vmem>>[vector<16xi32>, vector<16xi32>], vector<16xf32>,
    %broadcast_in_dim3A_846 = arith.constant 0 : i32
    %broadcast_in_dim3A_847 = vector.broadcast %broadcast_in_dim3A_846 : i32 to vector<16xi32>
    %gather3A_848 = tpu.vector_load_idx %arg8[%min3A_803, %broadcast_in_dim3A_847] : memref<100x4xf32, #tpu.memory_space<vmem>>[vector<16xi32>, vector<16xi32>], vector<16xf32>,
    %add3A_849 = arith.constant 1 : i32
    %add3A_850 = vector.broadcast %add3A_849 : i32 to vector<16xi32>
    %add3A_851 = arith.addi %broadcast_in_dim3A_847, %add3A_850 : vector<16xi32>
    tpu.vector_store_idx %arg11[%add3A_843, %add3A_851], %gather3A_848 : memref<640x5xf32, #tpu.memory_space<vmem>>[vector<16xi32>, vector<16xi32>], vector<16xf32>,
    %broadcast_in_dim3A_852 = arith.constant 1 : i32
    %broadcast_in_dim3A_853 = vector.broadcast %broadcast_in_dim3A_852 : i32 to vector<16xi32>
    %gather3A_854 = tpu.vector_load_idx %arg8[%min3A_803, %broadcast_in_dim3A_853] : memref<100x4xf32, #tpu.memory_space<vmem>>[vector<16xi32>, vector<16xi32>], vector<16xf32>,
    %add3A_855 = arith.constant 1 : i32
    %add3A_856 = vector.broadcast %add3A_855 : i32 to vector<16xi32>
    %add3A_857 = arith.addi %broadcast_in_dim3A_853, %add3A_856 : vector<16xi32>
    tpu.vector_store_idx %arg11[%add3A_843, %add3A_857], %gather3A_854 : memref<640x5xf32, #tpu.memory_space<vmem>>[vector<16xi32>, vector<16xi32>], vector<16xf32>,
    %broadcast_in_dim3A_858 = arith.constant 2 : i32
    %broadcast_in_dim3A_859 = vector.broadcast %broadcast_in_dim3A_858 : i32 to vector<16xi32>
    %gather3A_860 = tpu.vector_load_idx %arg8[%min3A_803, %broadcast_in_dim3A_859] : memref<100x4xf32, #tpu.memory_space<vmem>>[vector<16xi32>, vector<16xi32>], vector<16xf32>,
    %add3A_861 = arith.constant 1 : i32
    %add3A_862 = vector.broadcast %add3A_861 : i32 to vector<16xi32>
    %add3A_863 = arith.addi %broadcast_in_dim3A_859, %add3A_862 : vector<16xi32>
    tpu.vector_store_idx %arg11[%add3A_843, %add3A_863], %gather3A_860 : memref<640x5xf32, #tpu.memory_space<vmem>>[vector<16xi32>, vector<16xi32>], vector<16xf32>,
    %broadcast_in_dim3A_864 = arith.constant 3 : i32
    %broadcast_in_dim3A_865 = vector.broadcast %broadcast_in_dim3A_864 : i32 to vector<16xi32>
    %gather3A_866 = tpu.vector_load_idx %arg8[%min3A_803, %broadcast_in_dim3A_865] : memref<100x4xf32, #tpu.memory_space<vmem>>[vector<16xi32>, vector<16xi32>], vector<16xf32>,
    %add3A_867 = arith.constant 1 : i32
    %add3A_868 = vector.broadcast %add3A_867 : i32 to vector<16xi32>
    %add3A_869 = arith.addi %broadcast_in_dim3A_865, %add3A_868 : vector<16xi32>
    tpu.vector_store_idx %arg11[%add3A_843, %add3A_869], %gather3A_866 : memref<640x5xf32, #tpu.memory_space<vmem>>[vector<16xi32>, vector<16xi32>], vector<16xf32>,
    %add3A_870 = arith.constant 176 : i32
    %add3A_871 = vector.broadcast %add3A_870 : i32 to vector<16xi32>
    %add3A_872 = arith.addi %iota3A, %add3A_871 : vector<16xi32>
    %gather3A_873 = tpu.vector_load_idx %arg7[%broadcast_in_dim3A_37, %add3A_872] : memref<1x640xi32, #tpu.memory_space<vmem>>[vector<16xi32>, vector<16xi32>], vector<16xi32>,
    %jit3A_874 = arith.constant 0 : i32
    %jit3A_875 = arith.constant 99 : i32
    %max3A_876 = vector.broadcast %jit3A_874 : i32 to vector<16xi32>
    %max3A_877 = arith.maxsi %max3A_876, %gather3A_873 : vector<16xi32>
    %min3A_878 = vector.broadcast %jit3A_875 : i32 to vector<16xi32>
    %min3A_879 = arith.minsi %min3A_878, %max3A_877 : vector<16xi32>
    %gather3A_880 = tpu.vector_load_idx %arg9[%min3A_879] : memref<100xf32, #tpu.memory_space<vmem>>[vector<16xi32>], vector<16xf32>,
    %gather3A_881 = tpu.vector_load_idx %arg10[%min3A_879] : memref<100xi32, #tpu.memory_space<vmem>>[vector<16xi32>], vector<16xi32>,
    %ge3A_882 = arith.constant 0 : i32
    %ge3A_883 = vector.broadcast %ge3A_882 : i32 to vector<16xi32>
    %ge3A_884 = arith.cmpi sge, %gather3A_873, %ge3A_883 : vector<16xi32>
    %jit3A_885 = arith.constant 1.000000e+00 : f32
    %jit3A_886 = arith.constant 0.000000e+00 : f32
    %broadcast_in_dim3A_887 = vector.broadcast %jit3A_885 : f32 to vector<16xf32>
    %broadcast_in_dim3A_888 = vector.broadcast %jit3A_886 : f32 to vector<16xf32>
    %select_n3A_889 = arith.select %ge3A_884, %broadcast_in_dim3A_887, %broadcast_in_dim3A_888 : vector<16xi1>, vector<16xf32>
    %min3A_890 = arith.minimumf %select_n3A_889, %gather3A_880 : vector<16xf32>
    %eq3A_891 = arith.constant -1 : i32
    %eq3A_892 = vector.broadcast %eq3A_891 : i32 to vector<16xi32>
    %eq3A_893 = arith.cmpi eq, %gather3A_873, %eq3A_892 : vector<16xi32>
    %jit3A_894 = arith.constant 0.000000e+00 : f32
    %broadcast_in_dim3A_895 = vector.broadcast %jit3A_894 : f32 to vector<16xf32>
    %select_n3A_896 = arith.select %eq3A_893, %broadcast_in_dim3A_895, %min3A_890 : vector<16xi1>, vector<16xf32>
    %eq3A_897 = arith.constant -2 : i32
    %eq3A_898 = vector.broadcast %eq3A_897 : i32 to vector<16xi32>
    %eq3A_899 = arith.cmpi eq, %gather3A_873, %eq3A_898 : vector<16xi32>
    %jit3A_900 = arith.constant -1.000000e+00 : f32
    %broadcast_in_dim3A_901 = vector.broadcast %jit3A_900 : f32 to vector<16xf32>
    %select_n3A_902 = arith.select %eq3A_899, %broadcast_in_dim3A_901, %select_n3A_896 : vector<16xi1>, vector<16xf32>
    %lt3A_903 = arith.constant 1.000000e+00 : f32
    %lt3A_904 = vector.broadcast %lt3A_903 : f32 to vector<16xf32>
    %lt3A_905 = arith.cmpf olt, %gather3A_880, %lt3A_904 : vector<16xf32>
    %and3A_906 = arith.andi %ge3A_884, %lt3A_905 : vector<16xi1>
    %jit3A_907 = arith.constant -1.000000e+00 : f32
    %broadcast_in_dim3A_908 = vector.broadcast %jit3A_907 : f32 to vector<16xf32>
    %select_n3A_909 = arith.select %and3A_906, %broadcast_in_dim3A_908, %select_n3A_902 : vector<16xi1>, vector<16xf32>
    %eq3A_910 = arith.constant 0 : i32
    %eq3A_911 = vector.broadcast %eq3A_910 : i32 to vector<16xi32>
    %eq3A_912 = arith.cmpi eq, %gather3A_881, %eq3A_911 : vector<16xi32>
    %and3A_913 = arith.andi %ge3A_884, %eq3A_912 : vector<16xi1>
    %jit3A_914 = arith.constant -1.000000e+00 : f32
    %broadcast_in_dim3A_915 = vector.broadcast %jit3A_914 : f32 to vector<16xf32>
    %select_n3A_916 = arith.select %and3A_913, %broadcast_in_dim3A_915, %select_n3A_909 : vector<16xi1>, vector<16xf32>
    %add3A_917 = arith.constant 176 : i32
    %add3A_918 = vector.broadcast %add3A_917 : i32 to vector<16xi32>
    %add3A_919 = arith.addi %iota3A, %add3A_918 : vector<16xi32>
    %broadcast_in_dim3A_920 = arith.constant 0 : i32
    %broadcast_in_dim3A_921 = vector.broadcast %broadcast_in_dim3A_920 : i32 to vector<16xi32>
    tpu.vector_store_idx %arg11[%add3A_919, %broadcast_in_dim3A_921], %select_n3A_916 : memref<640x5xf32, #tpu.memory_space<vmem>>[vector<16xi32>, vector<16xi32>], vector<16xf32>,
    %broadcast_in_dim3A_922 = arith.constant 0 : i32
    %broadcast_in_dim3A_923 = vector.broadcast %broadcast_in_dim3A_922 : i32 to vector<16xi32>
    %gather3A_924 = tpu.vector_load_idx %arg8[%min3A_879, %broadcast_in_dim3A_923] : memref<100x4xf32, #tpu.memory_space<vmem>>[vector<16xi32>, vector<16xi32>], vector<16xf32>,
    %add3A_925 = arith.constant 1 : i32
    %add3A_926 = vector.broadcast %add3A_925 : i32 to vector<16xi32>
    %add3A_927 = arith.addi %broadcast_in_dim3A_923, %add3A_926 : vector<16xi32>
    tpu.vector_store_idx %arg11[%add3A_919, %add3A_927], %gather3A_924 : memref<640x5xf32, #tpu.memory_space<vmem>>[vector<16xi32>, vector<16xi32>], vector<16xf32>,
    %broadcast_in_dim3A_928 = arith.constant 1 : i32
    %broadcast_in_dim3A_929 = vector.broadcast %broadcast_in_dim3A_928 : i32 to vector<16xi32>
    %gather3A_930 = tpu.vector_load_idx %arg8[%min3A_879, %broadcast_in_dim3A_929] : memref<100x4xf32, #tpu.memory_space<vmem>>[vector<16xi32>, vector<16xi32>], vector<16xf32>,
    %add3A_931 = arith.constant 1 : i32
    %add3A_932 = vector.broadcast %add3A_931 : i32 to vector<16xi32>
    %add3A_933 = arith.addi %broadcast_in_dim3A_929, %add3A_932 : vector<16xi32>
    tpu.vector_store_idx %arg11[%add3A_919, %add3A_933], %gather3A_930 : memref<640x5xf32, #tpu.memory_space<vmem>>[vector<16xi32>, vector<16xi32>], vector<16xf32>,
    %broadcast_in_dim3A_934 = arith.constant 2 : i32
    %broadcast_in_dim3A_935 = vector.broadcast %broadcast_in_dim3A_934 : i32 to vector<16xi32>
    %gather3A_936 = tpu.vector_load_idx %arg8[%min3A_879, %broadcast_in_dim3A_935] : memref<100x4xf32, #tpu.memory_space<vmem>>[vector<16xi32>, vector<16xi32>], vector<16xf32>,
    %add3A_937 = arith.constant 1 : i32
    %add3A_938 = vector.broadcast %add3A_937 : i32 to vector<16xi32>
    %add3A_939 = arith.addi %broadcast_in_dim3A_935, %add3A_938 : vector<16xi32>
    tpu.vector_store_idx %arg11[%add3A_919, %add3A_939], %gather3A_936 : memref<640x5xf32, #tpu.memory_space<vmem>>[vector<16xi32>, vector<16xi32>], vector<16xf32>,
    %broadcast_in_dim3A_940 = arith.constant 3 : i32
    %broadcast_in_dim3A_941 = vector.broadcast %broadcast_in_dim3A_940 : i32 to vector<16xi32>
    %gather3A_942 = tpu.vector_load_idx %arg8[%min3A_879, %broadcast_in_dim3A_941] : memref<100x4xf32, #tpu.memory_space<vmem>>[vector<16xi32>, vector<16xi32>], vector<16xf32>,
    %add3A_943 = arith.constant 1 : i32
    %add3A_944 = vector.broadcast %add3A_943 : i32 to vector<16xi32>
    %add3A_945 = arith.addi %broadcast_in_dim3A_941, %add3A_944 : vector<16xi32>
    tpu.vector_store_idx %arg11[%add3A_919, %add3A_945], %gather3A_942 : memref<640x5xf32, #tpu.memory_space<vmem>>[vector<16xi32>, vector<16xi32>], vector<16xf32>,
    %add3A_946 = arith.constant 192 : i32
    %add3A_947 = vector.broadcast %add3A_946 : i32 to vector<16xi32>
    %add3A_948 = arith.addi %iota3A, %add3A_947 : vector<16xi32>
    %gather3A_949 = tpu.vector_load_idx %arg7[%broadcast_in_dim3A_37, %add3A_948] : memref<1x640xi32, #tpu.memory_space<vmem>>[vector<16xi32>, vector<16xi32>], vector<16xi32>,
    %jit3A_950 = arith.constant 0 : i32
    %jit3A_951 = arith.constant 99 : i32
    %max3A_952 = vector.broadcast %jit3A_950 : i32 to vector<16xi32>
    %max3A_953 = arith.maxsi %max3A_952, %gather3A_949 : vector<16xi32>
    %min3A_954 = vector.broadcast %jit3A_951 : i32 to vector<16xi32>
    %min3A_955 = arith.minsi %min3A_954, %max3A_953 : vector<16xi32>
    %gather3A_956 = tpu.vector_load_idx %arg9[%min3A_955] : memref<100xf32, #tpu.memory_space<vmem>>[vector<16xi32>], vector<16xf32>,
    %gather3A_957 = tpu.vector_load_idx %arg10[%min3A_955] : memref<100xi32, #tpu.memory_space<vmem>>[vector<16xi32>], vector<16xi32>,
    %ge3A_958 = arith.constant 0 : i32
    %ge3A_959 = vector.broadcast %ge3A_958 : i32 to vector<16xi32>
    %ge3A_960 = arith.cmpi sge, %gather3A_949, %ge3A_959 : vector<16xi32>
    %jit3A_961 = arith.constant 1.000000e+00 : f32
    %jit3A_962 = arith.constant 0.000000e+00 : f32
    %broadcast_in_dim3A_963 = vector.broadcast %jit3A_961 : f32 to vector<16xf32>
    %broadcast_in_dim3A_964 = vector.broadcast %jit3A_962 : f32 to vector<16xf32>
    %select_n3A_965 = arith.select %ge3A_960, %broadcast_in_dim3A_963, %broadcast_in_dim3A_964 : vector<16xi1>, vector<16xf32>
    %min3A_966 = arith.minimumf %select_n3A_965, %gather3A_956 : vector<16xf32>
    %eq3A_967 = arith.constant -1 : i32
    %eq3A_968 = vector.broadcast %eq3A_967 : i32 to vector<16xi32>
    %eq3A_969 = arith.cmpi eq, %gather3A_949, %eq3A_968 : vector<16xi32>
    %jit3A_970 = arith.constant 0.000000e+00 : f32
    %broadcast_in_dim3A_971 = vector.broadcast %jit3A_970 : f32 to vector<16xf32>
    %select_n3A_972 = arith.select %eq3A_969, %broadcast_in_dim3A_971, %min3A_966 : vector<16xi1>, vector<16xf32>
    %eq3A_973 = arith.constant -2 : i32
    %eq3A_974 = vector.broadcast %eq3A_973 : i32 to vector<16xi32>
    %eq3A_975 = arith.cmpi eq, %gather3A_949, %eq3A_974 : vector<16xi32>
    %jit3A_976 = arith.constant -1.000000e+00 : f32
    %broadcast_in_dim3A_977 = vector.broadcast %jit3A_976 : f32 to vector<16xf32>
    %select_n3A_978 = arith.select %eq3A_975, %broadcast_in_dim3A_977, %select_n3A_972 : vector<16xi1>, vector<16xf32>
    %lt3A_979 = arith.constant 1.000000e+00 : f32
    %lt3A_980 = vector.broadcast %lt3A_979 : f32 to vector<16xf32>
    %lt3A_981 = arith.cmpf olt, %gather3A_956, %lt3A_980 : vector<16xf32>
    %and3A_982 = arith.andi %ge3A_960, %lt3A_981 : vector<16xi1>
    %jit3A_983 = arith.constant -1.000000e+00 : f32
    %broadcast_in_dim3A_984 = vector.broadcast %jit3A_983 : f32 to vector<16xf32>
    %select_n3A_985 = arith.select %and3A_982, %broadcast_in_dim3A_984, %select_n3A_978 : vector<16xi1>, vector<16xf32>
    %eq3A_986 = arith.constant 0 : i32
    %eq3A_987 = vector.broadcast %eq3A_986 : i32 to vector<16xi32>
    %eq3A_988 = arith.cmpi eq, %gather3A_957, %eq3A_987 : vector<16xi32>
    %and3A_989 = arith.andi %ge3A_960, %eq3A_988 : vector<16xi1>
    %jit3A_990 = arith.constant -1.000000e+00 : f32
    %broadcast_in_dim3A_991 = vector.broadcast %jit3A_990 : f32 to vector<16xf32>
    %select_n3A_992 = arith.select %and3A_989, %broadcast_in_dim3A_991, %select_n3A_985 : vector<16xi1>, vector<16xf32>
    %add3A_993 = arith.constant 192 : i32
    %add3A_994 = vector.broadcast %add3A_993 : i32 to vector<16xi32>
    %add3A_995 = arith.addi %iota3A, %add3A_994 : vector<16xi32>
    %broadcast_in_dim3A_996 = arith.constant 0 : i32
    %broadcast_in_dim3A_997 = vector.broadcast %broadcast_in_dim3A_996 : i32 to vector<16xi32>
    tpu.vector_store_idx %arg11[%add3A_995, %broadcast_in_dim3A_997], %select_n3A_992 : memref<640x5xf32, #tpu.memory_space<vmem>>[vector<16xi32>, vector<16xi32>], vector<16xf32>,
    %broadcast_in_dim3A_998 = arith.constant 0 : i32
    %broadcast_in_dim3A_999 = vector.broadcast %broadcast_in_dim3A_998 : i32 to vector<16xi32>
    %gather3A_1000 = tpu.vector_load_idx %arg8[%min3A_955, %broadcast_in_dim3A_999] : memref<100x4xf32, #tpu.memory_space<vmem>>[vector<16xi32>, vector<16xi32>], vector<16xf32>,
    %add3A_1001 = arith.constant 1 : i32
    %add3A_1002 = vector.broadcast %add3A_1001 : i32 to vector<16xi32>
    %add3A_1003 = arith.addi %broadcast_in_dim3A_999, %add3A_1002 : vector<16xi32>
    tpu.vector_store_idx %arg11[%add3A_995, %add3A_1003], %gather3A_1000 : memref<640x5xf32, #tpu.memory_space<vmem>>[vector<16xi32>, vector<16xi32>], vector<16xf32>,
    %broadcast_in_dim3A_1004 = arith.constant 1 : i32
    %broadcast_in_dim3A_1005 = vector.broadcast %broadcast_in_dim3A_1004 : i32 to vector<16xi32>
    %gather3A_1006 = tpu.vector_load_idx %arg8[%min3A_955, %broadcast_in_dim3A_1005] : memref<100x4xf32, #tpu.memory_space<vmem>>[vector<16xi32>, vector<16xi32>], vector<16xf32>,
    %add3A_1007 = arith.constant 1 : i32
    %add3A_1008 = vector.broadcast %add3A_1007 : i32 to vector<16xi32>
    %add3A_1009 = arith.addi %broadcast_in_dim3A_1005, %add3A_1008 : vector<16xi32>
    tpu.vector_store_idx %arg11[%add3A_995, %add3A_1009], %gather3A_1006 : memref<640x5xf32, #tpu.memory_space<vmem>>[vector<16xi32>, vector<16xi32>], vector<16xf32>,
    %broadcast_in_dim3A_1010 = arith.constant 2 : i32
    %broadcast_in_dim3A_1011 = vector.broadcast %broadcast_in_dim3A_1010 : i32 to vector<16xi32>
    %gather3A_1012 = tpu.vector_load_idx %arg8[%min3A_955, %broadcast_in_dim3A_1011] : memref<100x4xf32, #tpu.memory_space<vmem>>[vector<16xi32>, vector<16xi32>], vector<16xf32>,
    %add3A_1013 = arith.constant 1 : i32
    %add3A_1014 = vector.broadcast %add3A_1013 : i32 to vector<16xi32>
    %add3A_1015 = arith.addi %broadcast_in_dim3A_1011, %add3A_1014 : vector<16xi32>
    tpu.vector_store_idx %arg11[%add3A_995, %add3A_1015], %gather3A_1012 : memref<640x5xf32, #tpu.memory_space<vmem>>[vector<16xi32>, vector<16xi32>], vector<16xf32>,
    %broadcast_in_dim3A_1016 = arith.constant 3 : i32
    %broadcast_in_dim3A_1017 = vector.broadcast %broadcast_in_dim3A_1016 : i32 to vector<16xi32>
    %gather3A_1018 = tpu.vector_load_idx %arg8[%min3A_955, %broadcast_in_dim3A_1017] : memref<100x4xf32, #tpu.memory_space<vmem>>[vector<16xi32>, vector<16xi32>], vector<16xf32>,
    %add3A_1019 = arith.constant 1 : i32
    %add3A_1020 = vector.broadcast %add3A_1019 : i32 to vector<16xi32>
    %add3A_1021 = arith.addi %broadcast_in_dim3A_1017, %add3A_1020 : vector<16xi32>
    tpu.vector_store_idx %arg11[%add3A_995, %add3A_1021], %gather3A_1018 : memref<640x5xf32, #tpu.memory_space<vmem>>[vector<16xi32>, vector<16xi32>], vector<16xf32>,
    %add3A_1022 = arith.constant 208 : i32
    %add3A_1023 = vector.broadcast %add3A_1022 : i32 to vector<16xi32>
    %add3A_1024 = arith.addi %iota3A, %add3A_1023 : vector<16xi32>
    %gather3A_1025 = tpu.vector_load_idx %arg7[%broadcast_in_dim3A_37, %add3A_1024] : memref<1x640xi32, #tpu.memory_space<vmem>>[vector<16xi32>, vector<16xi32>], vector<16xi32>,
    %jit3A_1026 = arith.constant 0 : i32
    %jit3A_1027 = arith.constant 99 : i32
    %max3A_1028 = vector.broadcast %jit3A_1026 : i32 to vector<16xi32>
    %max3A_1029 = arith.maxsi %max3A_1028, %gather3A_1025 : vector<16xi32>
    %min3A_1030 = vector.broadcast %jit3A_1027 : i32 to vector<16xi32>
    %min3A_1031 = arith.minsi %min3A_1030, %max3A_1029 : vector<16xi32>
    %gather3A_1032 = tpu.vector_load_idx %arg9[%min3A_1031] : memref<100xf32, #tpu.memory_space<vmem>>[vector<16xi32>], vector<16xf32>,
    %gather3A_1033 = tpu.vector_load_idx %arg10[%min3A_1031] : memref<100xi32, #tpu.memory_space<vmem>>[vector<16xi32>], vector<16xi32>,
    %ge3A_1034 = arith.constant 0 : i32
    %ge3A_1035 = vector.broadcast %ge3A_1034 : i32 to vector<16xi32>
    %ge3A_1036 = arith.cmpi sge, %gather3A_1025, %ge3A_1035 : vector<16xi32>
    %jit3A_1037 = arith.constant 1.000000e+00 : f32
    %jit3A_1038 = arith.constant 0.000000e+00 : f32
    %broadcast_in_dim3A_1039 = vector.broadcast %jit3A_1037 : f32 to vector<16xf32>
    %broadcast_in_dim3A_1040 = vector.broadcast %jit3A_1038 : f32 to vector<16xf32>
    %select_n3A_1041 = arith.select %ge3A_1036, %broadcast_in_dim3A_1039, %broadcast_in_dim3A_1040 : vector<16xi1>, vector<16xf32>
    %min3A_1042 = arith.minimumf %select_n3A_1041, %gather3A_1032 : vector<16xf32>
    %eq3A_1043 = arith.constant -1 : i32
    %eq3A_1044 = vector.broadcast %eq3A_1043 : i32 to vector<16xi32>
    %eq3A_1045 = arith.cmpi eq, %gather3A_1025, %eq3A_1044 : vector<16xi32>
    %jit3A_1046 = arith.constant 0.000000e+00 : f32
    %broadcast_in_dim3A_1047 = vector.broadcast %jit3A_1046 : f32 to vector<16xf32>
    %select_n3A_1048 = arith.select %eq3A_1045, %broadcast_in_dim3A_1047, %min3A_1042 : vector<16xi1>, vector<16xf32>
    %eq3A_1049 = arith.constant -2 : i32
    %eq3A_1050 = vector.broadcast %eq3A_1049 : i32 to vector<16xi32>
    %eq3A_1051 = arith.cmpi eq, %gather3A_1025, %eq3A_1050 : vector<16xi32>
    %jit3A_1052 = arith.constant -1.000000e+00 : f32
    %broadcast_in_dim3A_1053 = vector.broadcast %jit3A_1052 : f32 to vector<16xf32>
    %select_n3A_1054 = arith.select %eq3A_1051, %broadcast_in_dim3A_1053, %select_n3A_1048 : vector<16xi1>, vector<16xf32>
    %lt3A_1055 = arith.constant 1.000000e+00 : f32
    %lt3A_1056 = vector.broadcast %lt3A_1055 : f32 to vector<16xf32>
    %lt3A_1057 = arith.cmpf olt, %gather3A_1032, %lt3A_1056 : vector<16xf32>
    %and3A_1058 = arith.andi %ge3A_1036, %lt3A_1057 : vector<16xi1>
    %jit3A_1059 = arith.constant -1.000000e+00 : f32
    %broadcast_in_dim3A_1060 = vector.broadcast %jit3A_1059 : f32 to vector<16xf32>
    %select_n3A_1061 = arith.select %and3A_1058, %broadcast_in_dim3A_1060, %select_n3A_1054 : vector<16xi1>, vector<16xf32>
    %eq3A_1062 = arith.constant 0 : i32
    %eq3A_1063 = vector.broadcast %eq3A_1062 : i32 to vector<16xi32>
    %eq3A_1064 = arith.cmpi eq, %gather3A_1033, %eq3A_1063 : vector<16xi32>
    %and3A_1065 = arith.andi %ge3A_1036, %eq3A_1064 : vector<16xi1>
    %jit3A_1066 = arith.constant -1.000000e+00 : f32
    %broadcast_in_dim3A_1067 = vector.broadcast %jit3A_1066 : f32 to vector<16xf32>
    %select_n3A_1068 = arith.select %and3A_1065, %broadcast_in_dim3A_1067, %select_n3A_1061 : vector<16xi1>, vector<16xf32>
    %add3A_1069 = arith.constant 208 : i32
    %add3A_1070 = vector.broadcast %add3A_1069 : i32 to vector<16xi32>
    %add3A_1071 = arith.addi %iota3A, %add3A_1070 : vector<16xi32>
    %broadcast_in_dim3A_1072 = arith.constant 0 : i32
    %broadcast_in_dim3A_1073 = vector.broadcast %broadcast_in_dim3A_1072 : i32 to vector<16xi32>
    tpu.vector_store_idx %arg11[%add3A_1071, %broadcast_in_dim3A_1073], %select_n3A_1068 : memref<640x5xf32, #tpu.memory_space<vmem>>[vector<16xi32>, vector<16xi32>], vector<16xf32>,
    %broadcast_in_dim3A_1074 = arith.constant 0 : i32
    %broadcast_in_dim3A_1075 = vector.broadcast %broadcast_in_dim3A_1074 : i32 to vector<16xi32>
    %gather3A_1076 = tpu.vector_load_idx %arg8[%min3A_1031, %broadcast_in_dim3A_1075] : memref<100x4xf32, #tpu.memory_space<vmem>>[vector<16xi32>, vector<16xi32>], vector<16xf32>,
    %add3A_1077 = arith.constant 1 : i32
    %add3A_1078 = vector.broadcast %add3A_1077 : i32 to vector<16xi32>
    %add3A_1079 = arith.addi %broadcast_in_dim3A_1075, %add3A_1078 : vector<16xi32>
    tpu.vector_store_idx %arg11[%add3A_1071, %add3A_1079], %gather3A_1076 : memref<640x5xf32, #tpu.memory_space<vmem>>[vector<16xi32>, vector<16xi32>], vector<16xf32>,
    %broadcast_in_dim3A_1080 = arith.constant 1 : i32
    %broadcast_in_dim3A_1081 = vector.broadcast %broadcast_in_dim3A_1080 : i32 to vector<16xi32>
    %gather3A_1082 = tpu.vector_load_idx %arg8[%min3A_1031, %broadcast_in_dim3A_1081] : memref<100x4xf32, #tpu.memory_space<vmem>>[vector<16xi32>, vector<16xi32>], vector<16xf32>,
    %add3A_1083 = arith.constant 1 : i32
    %add3A_1084 = vector.broadcast %add3A_1083 : i32 to vector<16xi32>
    %add3A_1085 = arith.addi %broadcast_in_dim3A_1081, %add3A_1084 : vector<16xi32>
    tpu.vector_store_idx %arg11[%add3A_1071, %add3A_1085], %gather3A_1082 : memref<640x5xf32, #tpu.memory_space<vmem>>[vector<16xi32>, vector<16xi32>], vector<16xf32>,
    %broadcast_in_dim3A_1086 = arith.constant 2 : i32
    %broadcast_in_dim3A_1087 = vector.broadcast %broadcast_in_dim3A_1086 : i32 to vector<16xi32>
    %gather3A_1088 = tpu.vector_load_idx %arg8[%min3A_1031, %broadcast_in_dim3A_1087] : memref<100x4xf32, #tpu.memory_space<vmem>>[vector<16xi32>, vector<16xi32>], vector<16xf32>,
    %add3A_1089 = arith.constant 1 : i32
    %add3A_1090 = vector.broadcast %add3A_1089 : i32 to vector<16xi32>
    %add3A_1091 = arith.addi %broadcast_in_dim3A_1087, %add3A_1090 : vector<16xi32>
    tpu.vector_store_idx %arg11[%add3A_1071, %add3A_1091], %gather3A_1088 : memref<640x5xf32, #tpu.memory_space<vmem>>[vector<16xi32>, vector<16xi32>], vector<16xf32>,
    %broadcast_in_dim3A_1092 = arith.constant 3 : i32
    %broadcast_in_dim3A_1093 = vector.broadcast %broadcast_in_dim3A_1092 : i32 to vector<16xi32>
    %gather3A_1094 = tpu.vector_load_idx %arg8[%min3A_1031, %broadcast_in_dim3A_1093] : memref<100x4xf32, #tpu.memory_space<vmem>>[vector<16xi32>, vector<16xi32>], vector<16xf32>,
    %add3A_1095 = arith.constant 1 : i32
    %add3A_1096 = vector.broadcast %add3A_1095 : i32 to vector<16xi32>
    %add3A_1097 = arith.addi %broadcast_in_dim3A_1093, %add3A_1096 : vector<16xi32>
    tpu.vector_store_idx %arg11[%add3A_1071, %add3A_1097], %gather3A_1094 : memref<640x5xf32, #tpu.memory_space<vmem>>[vector<16xi32>, vector<16xi32>], vector<16xf32>,
    %add3A_1098 = arith.constant 224 : i32
    %add3A_1099 = vector.broadcast %add3A_1098 : i32 to vector<16xi32>
    %add3A_1100 = arith.addi %iota3A, %add3A_1099 : vector<16xi32>
    %gather3A_1101 = tpu.vector_load_idx %arg7[%broadcast_in_dim3A_37, %add3A_1100] : memref<1x640xi32, #tpu.memory_space<vmem>>[vector<16xi32>, vector<16xi32>], vector<16xi32>,
    %jit3A_1102 = arith.constant 0 : i32
    %jit3A_1103 = arith.constant 99 : i32
    %max3A_1104 = vector.broadcast %jit3A_1102 : i32 to vector<16xi32>
    %max3A_1105 = arith.maxsi %max3A_1104, %gather3A_1101 : vector<16xi32>
    %min3A_1106 = vector.broadcast %jit3A_1103 : i32 to vector<16xi32>
    %min3A_1107 = arith.minsi %min3A_1106, %max3A_1105 : vector<16xi32>
    %gather3A_1108 = tpu.vector_load_idx %arg9[%min3A_1107] : memref<100xf32, #tpu.memory_space<vmem>>[vector<16xi32>], vector<16xf32>,
    %gather3A_1109 = tpu.vector_load_idx %arg10[%min3A_1107] : memref<100xi32, #tpu.memory_space<vmem>>[vector<16xi32>], vector<16xi32>,
    %ge3A_1110 = arith.constant 0 : i32
    %ge3A_1111 = vector.broadcast %ge3A_1110 : i32 to vector<16xi32>
    %ge3A_1112 = arith.cmpi sge, %gather3A_1101, %ge3A_1111 : vector<16xi32>
    %jit3A_1113 = arith.constant 1.000000e+00 : f32
    %jit3A_1114 = arith.constant 0.000000e+00 : f32
    %broadcast_in_dim3A_1115 = vector.broadcast %jit3A_1113 : f32 to vector<16xf32>
    %broadcast_in_dim3A_1116 = vector.broadcast %jit3A_1114 : f32 to vector<16xf32>
    %select_n3A_1117 = arith.select %ge3A_1112, %broadcast_in_dim3A_1115, %broadcast_in_dim3A_1116 : vector<16xi1>, vector<16xf32>
    %min3A_1118 = arith.minimumf %select_n3A_1117, %gather3A_1108 : vector<16xf32>
    %eq3A_1119 = arith.constant -1 : i32
    %eq3A_1120 = vector.broadcast %eq3A_1119 : i32 to vector<16xi32>
    %eq3A_1121 = arith.cmpi eq, %gather3A_1101, %eq3A_1120 : vector<16xi32>
    %jit3A_1122 = arith.constant 0.000000e+00 : f32
    %broadcast_in_dim3A_1123 = vector.broadcast %jit3A_1122 : f32 to vector<16xf32>
    %select_n3A_1124 = arith.select %eq3A_1121, %broadcast_in_dim3A_1123, %min3A_1118 : vector<16xi1>, vector<16xf32>
    %eq3A_1125 = arith.constant -2 : i32
    %eq3A_1126 = vector.broadcast %eq3A_1125 : i32 to vector<16xi32>
    %eq3A_1127 = arith.cmpi eq, %gather3A_1101, %eq3A_1126 : vector<16xi32>
    %jit3A_1128 = arith.constant -1.000000e+00 : f32
    %broadcast_in_dim3A_1129 = vector.broadcast %jit3A_1128 : f32 to vector<16xf32>
    %select_n3A_1130 = arith.select %eq3A_1127, %broadcast_in_dim3A_1129, %select_n3A_1124 : vector<16xi1>, vector<16xf32>
    %lt3A_1131 = arith.constant 1.000000e+00 : f32
    %lt3A_1132 = vector.broadcast %lt3A_1131 : f32 to vector<16xf32>
    %lt3A_1133 = arith.cmpf olt, %gather3A_1108, %lt3A_1132 : vector<16xf32>
    %and3A_1134 = arith.andi %ge3A_1112, %lt3A_1133 : vector<16xi1>
    %jit3A_1135 = arith.constant -1.000000e+00 : f32
    %broadcast_in_dim3A_1136 = vector.broadcast %jit3A_1135 : f32 to vector<16xf32>
    %select_n3A_1137 = arith.select %and3A_1134, %broadcast_in_dim3A_1136, %select_n3A_1130 : vector<16xi1>, vector<16xf32>
    %eq3A_1138 = arith.constant 0 : i32
    %eq3A_1139 = vector.broadcast %eq3A_1138 : i32 to vector<16xi32>
    %eq3A_1140 = arith.cmpi eq, %gather3A_1109, %eq3A_1139 : vector<16xi32>
    %and3A_1141 = arith.andi %ge3A_1112, %eq3A_1140 : vector<16xi1>
    %jit3A_1142 = arith.constant -1.000000e+00 : f32
    %broadcast_in_dim3A_1143 = vector.broadcast %jit3A_1142 : f32 to vector<16xf32>
    %select_n3A_1144 = arith.select %and3A_1141, %broadcast_in_dim3A_1143, %select_n3A_1137 : vector<16xi1>, vector<16xf32>
    %add3A_1145 = arith.constant 224 : i32
    %add3A_1146 = vector.broadcast %add3A_1145 : i32 to vector<16xi32>
    %add3A_1147 = arith.addi %iota3A, %add3A_1146 : vector<16xi32>
    %broadcast_in_dim3A_1148 = arith.constant 0 : i32
    %broadcast_in_dim3A_1149 = vector.broadcast %broadcast_in_dim3A_1148 : i32 to vector<16xi32>
    tpu.vector_store_idx %arg11[%add3A_1147, %broadcast_in_dim3A_1149], %select_n3A_1144 : memref<640x5xf32, #tpu.memory_space<vmem>>[vector<16xi32>, vector<16xi32>], vector<16xf32>,
    %broadcast_in_dim3A_1150 = arith.constant 0 : i32
    %broadcast_in_dim3A_1151 = vector.broadcast %broadcast_in_dim3A_1150 : i32 to vector<16xi32>
    %gather3A_1152 = tpu.vector_load_idx %arg8[%min3A_1107, %broadcast_in_dim3A_1151] : memref<100x4xf32, #tpu.memory_space<vmem>>[vector<16xi32>, vector<16xi32>], vector<16xf32>,
    %add3A_1153 = arith.constant 1 : i32
    %add3A_1154 = vector.broadcast %add3A_1153 : i32 to vector<16xi32>
    %add3A_1155 = arith.addi %broadcast_in_dim3A_1151, %add3A_1154 : vector<16xi32>
    tpu.vector_store_idx %arg11[%add3A_1147, %add3A_1155], %gather3A_1152 : memref<640x5xf32, #tpu.memory_space<vmem>>[vector<16xi32>, vector<16xi32>], vector<16xf32>,
    %broadcast_in_dim3A_1156 = arith.constant 1 : i32
    %broadcast_in_dim3A_1157 = vector.broadcast %broadcast_in_dim3A_1156 : i32 to vector<16xi32>
    %gather3A_1158 = tpu.vector_load_idx %arg8[%min3A_1107, %broadcast_in_dim3A_1157] : memref<100x4xf32, #tpu.memory_space<vmem>>[vector<16xi32>, vector<16xi32>], vector<16xf32>,
    %add3A_1159 = arith.constant 1 : i32
    %add3A_1160 = vector.broadcast %add3A_1159 : i32 to vector<16xi32>
    %add3A_1161 = arith.addi %broadcast_in_dim3A_1157, %add3A_1160 : vector<16xi32>
    tpu.vector_store_idx %arg11[%add3A_1147, %add3A_1161], %gather3A_1158 : memref<640x5xf32, #tpu.memory_space<vmem>>[vector<16xi32>, vector<16xi32>], vector<16xf32>,
    %broadcast_in_dim3A_1162 = arith.constant 2 : i32
    %broadcast_in_dim3A_1163 = vector.broadcast %broadcast_in_dim3A_1162 : i32 to vector<16xi32>
    %gather3A_1164 = tpu.vector_load_idx %arg8[%min3A_1107, %broadcast_in_dim3A_1163] : memref<100x4xf32, #tpu.memory_space<vmem>>[vector<16xi32>, vector<16xi32>], vector<16xf32>,
    %add3A_1165 = arith.constant 1 : i32
    %add3A_1166 = vector.broadcast %add3A_1165 : i32 to vector<16xi32>
    %add3A_1167 = arith.addi %broadcast_in_dim3A_1163, %add3A_1166 : vector<16xi32>
    tpu.vector_store_idx %arg11[%add3A_1147, %add3A_1167], %gather3A_1164 : memref<640x5xf32, #tpu.memory_space<vmem>>[vector<16xi32>, vector<16xi32>], vector<16xf32>,
    %broadcast_in_dim3A_1168 = arith.constant 3 : i32
    %broadcast_in_dim3A_1169 = vector.broadcast %broadcast_in_dim3A_1168 : i32 to vector<16xi32>
    %gather3A_1170 = tpu.vector_load_idx %arg8[%min3A_1107, %broadcast_in_dim3A_1169] : memref<100x4xf32, #tpu.memory_space<vmem>>[vector<16xi32>, vector<16xi32>], vector<16xf32>,
    %add3A_1171 = arith.constant 1 : i32
    %add3A_1172 = vector.broadcast %add3A_1171 : i32 to vector<16xi32>
    %add3A_1173 = arith.addi %broadcast_in_dim3A_1169, %add3A_1172 : vector<16xi32>
    tpu.vector_store_idx %arg11[%add3A_1147, %add3A_1173], %gather3A_1170 : memref<640x5xf32, #tpu.memory_space<vmem>>[vector<16xi32>, vector<16xi32>], vector<16xf32>,
    %add3A_1174 = arith.constant 240 : i32
    %add3A_1175 = vector.broadcast %add3A_1174 : i32 to vector<16xi32>
    %add3A_1176 = arith.addi %iota3A, %add3A_1175 : vector<16xi32>
    %gather3A_1177 = tpu.vector_load_idx %arg7[%broadcast_in_dim3A_37, %add3A_1176] : memref<1x640xi32, #tpu.memory_space<vmem>>[vector<16xi32>, vector<16xi32>], vector<16xi32>,
    %jit3A_1178 = arith.constant 0 : i32
    %jit3A_1179 = arith.constant 99 : i32
    %max3A_1180 = vector.broadcast %jit3A_1178 : i32 to vector<16xi32>
    %max3A_1181 = arith.maxsi %max3A_1180, %gather3A_1177 : vector<16xi32>
    %min3A_1182 = vector.broadcast %jit3A_1179 : i32 to vector<16xi32>
    %min3A_1183 = arith.minsi %min3A_1182, %max3A_1181 : vector<16xi32>
    %gather3A_1184 = tpu.vector_load_idx %arg9[%min3A_1183] : memref<100xf32, #tpu.memory_space<vmem>>[vector<16xi32>], vector<16xf32>,
    %gather3A_1185 = tpu.vector_load_idx %arg10[%min3A_1183] : memref<100xi32, #tpu.memory_space<vmem>>[vector<16xi32>], vector<16xi32>,
    %ge3A_1186 = arith.constant 0 : i32
    %ge3A_1187 = vector.broadcast %ge3A_1186 : i32 to vector<16xi32>
    %ge3A_1188 = arith.cmpi sge, %gather3A_1177, %ge3A_1187 : vector<16xi32>
    %jit3A_1189 = arith.constant 1.000000e+00 : f32
    %jit3A_1190 = arith.constant 0.000000e+00 : f32
    %broadcast_in_dim3A_1191 = vector.broadcast %jit3A_1189 : f32 to vector<16xf32>
    %broadcast_in_dim3A_1192 = vector.broadcast %jit3A_1190 : f32 to vector<16xf32>
    %select_n3A_1193 = arith.select %ge3A_1188, %broadcast_in_dim3A_1191, %broadcast_in_dim3A_1192 : vector<16xi1>, vector<16xf32>
    %min3A_1194 = arith.minimumf %select_n3A_1193, %gather3A_1184 : vector<16xf32>
    %eq3A_1195 = arith.constant -1 : i32
    %eq3A_1196 = vector.broadcast %eq3A_1195 : i32 to vector<16xi32>
    %eq3A_1197 = arith.cmpi eq, %gather3A_1177, %eq3A_1196 : vector<16xi32>
    %jit3A_1198 = arith.constant 0.000000e+00 : f32
    %broadcast_in_dim3A_1199 = vector.broadcast %jit3A_1198 : f32 to vector<16xf32>
    %select_n3A_1200 = arith.select %eq3A_1197, %broadcast_in_dim3A_1199, %min3A_1194 : vector<16xi1>, vector<16xf32>
    %eq3A_1201 = arith.constant -2 : i32
    %eq3A_1202 = vector.broadcast %eq3A_1201 : i32 to vector<16xi32>
    %eq3A_1203 = arith.cmpi eq, %gather3A_1177, %eq3A_1202 : vector<16xi32>
    %jit3A_1204 = arith.constant -1.000000e+00 : f32
    %broadcast_in_dim3A_1205 = vector.broadcast %jit3A_1204 : f32 to vector<16xf32>
    %select_n3A_1206 = arith.select %eq3A_1203, %broadcast_in_dim3A_1205, %select_n3A_1200 : vector<16xi1>, vector<16xf32>
    %lt3A_1207 = arith.constant 1.000000e+00 : f32
    %lt3A_1208 = vector.broadcast %lt3A_1207 : f32 to vector<16xf32>
    %lt3A_1209 = arith.cmpf olt, %gather3A_1184, %lt3A_1208 : vector<16xf32>
    %and3A_1210 = arith.andi %ge3A_1188, %lt3A_1209 : vector<16xi1>
    %jit3A_1211 = arith.constant -1.000000e+00 : f32
    %broadcast_in_dim3A_1212 = vector.broadcast %jit3A_1211 : f32 to vector<16xf32>
    %select_n3A_1213 = arith.select %and3A_1210, %broadcast_in_dim3A_1212, %select_n3A_1206 : vector<16xi1>, vector<16xf32>
    %eq3A_1214 = arith.constant 0 : i32
    %eq3A_1215 = vector.broadcast %eq3A_1214 : i32 to vector<16xi32>
    %eq3A_1216 = arith.cmpi eq, %gather3A_1185, %eq3A_1215 : vector<16xi32>
    %and3A_1217 = arith.andi %ge3A_1188, %eq3A_1216 : vector<16xi1>
    %jit3A_1218 = arith.constant -1.000000e+00 : f32
    %broadcast_in_dim3A_1219 = vector.broadcast %jit3A_1218 : f32 to vector<16xf32>
    %select_n3A_1220 = arith.select %and3A_1217, %broadcast_in_dim3A_1219, %select_n3A_1213 : vector<16xi1>, vector<16xf32>
    %add3A_1221 = arith.constant 240 : i32
    %add3A_1222 = vector.broadcast %add3A_1221 : i32 to vector<16xi32>
    %add3A_1223 = arith.addi %iota3A, %add3A_1222 : vector<16xi32>
    %broadcast_in_dim3A_1224 = arith.constant 0 : i32
    %broadcast_in_dim3A_1225 = vector.broadcast %broadcast_in_dim3A_1224 : i32 to vector<16xi32>
    tpu.vector_store_idx %arg11[%add3A_1223, %broadcast_in_dim3A_1225], %select_n3A_1220 : memref<640x5xf32, #tpu.memory_space<vmem>>[vector<16xi32>, vector<16xi32>], vector<16xf32>,
    %broadcast_in_dim3A_1226 = arith.constant 0 : i32
    %broadcast_in_dim3A_1227 = vector.broadcast %broadcast_in_dim3A_1226 : i32 to vector<16xi32>
    %gather3A_1228 = tpu.vector_load_idx %arg8[%min3A_1183, %broadcast_in_dim3A_1227] : memref<100x4xf32, #tpu.memory_space<vmem>>[vector<16xi32>, vector<16xi32>], vector<16xf32>,
    %add3A_1229 = arith.constant 1 : i32
    %add3A_1230 = vector.broadcast %add3A_1229 : i32 to vector<16xi32>
    %add3A_1231 = arith.addi %broadcast_in_dim3A_1227, %add3A_1230 : vector<16xi32>
    tpu.vector_store_idx %arg11[%add3A_1223, %add3A_1231], %gather3A_1228 : memref<640x5xf32, #tpu.memory_space<vmem>>[vector<16xi32>, vector<16xi32>], vector<16xf32>,
    %broadcast_in_dim3A_1232 = arith.constant 1 : i32
    %broadcast_in_dim3A_1233 = vector.broadcast %broadcast_in_dim3A_1232 : i32 to vector<16xi32>
    %gather3A_1234 = tpu.vector_load_idx %arg8[%min3A_1183, %broadcast_in_dim3A_1233] : memref<100x4xf32, #tpu.memory_space<vmem>>[vector<16xi32>, vector<16xi32>], vector<16xf32>,
    %add3A_1235 = arith.constant 1 : i32
    %add3A_1236 = vector.broadcast %add3A_1235 : i32 to vector<16xi32>
    %add3A_1237 = arith.addi %broadcast_in_dim3A_1233, %add3A_1236 : vector<16xi32>
    tpu.vector_store_idx %arg11[%add3A_1223, %add3A_1237], %gather3A_1234 : memref<640x5xf32, #tpu.memory_space<vmem>>[vector<16xi32>, vector<16xi32>], vector<16xf32>,
    %broadcast_in_dim3A_1238 = arith.constant 2 : i32
    %broadcast_in_dim3A_1239 = vector.broadcast %broadcast_in_dim3A_1238 : i32 to vector<16xi32>
    %gather3A_1240 = tpu.vector_load_idx %arg8[%min3A_1183, %broadcast_in_dim3A_1239] : memref<100x4xf32, #tpu.memory_space<vmem>>[vector<16xi32>, vector<16xi32>], vector<16xf32>,
    %add3A_1241 = arith.constant 1 : i32
    %add3A_1242 = vector.broadcast %add3A_1241 : i32 to vector<16xi32>
    %add3A_1243 = arith.addi %broadcast_in_dim3A_1239, %add3A_1242 : vector<16xi32>
    tpu.vector_store_idx %arg11[%add3A_1223, %add3A_1243], %gather3A_1240 : memref<640x5xf32, #tpu.memory_space<vmem>>[vector<16xi32>, vector<16xi32>], vector<16xf32>,
    %broadcast_in_dim3A_1244 = arith.constant 3 : i32
    %broadcast_in_dim3A_1245 = vector.broadcast %broadcast_in_dim3A_1244 : i32 to vector<16xi32>
    %gather3A_1246 = tpu.vector_load_idx %arg8[%min3A_1183, %broadcast_in_dim3A_1245] : memref<100x4xf32, #tpu.memory_space<vmem>>[vector<16xi32>, vector<16xi32>], vector<16xf32>,
    %add3A_1247 = arith.constant 1 : i32
    %add3A_1248 = vector.broadcast %add3A_1247 : i32 to vector<16xi32>
    %add3A_1249 = arith.addi %broadcast_in_dim3A_1245, %add3A_1248 : vector<16xi32>
    tpu.vector_store_idx %arg11[%add3A_1223, %add3A_1249], %gather3A_1246 : memref<640x5xf32, #tpu.memory_space<vmem>>[vector<16xi32>, vector<16xi32>], vector<16xf32>,
    %add3A_1250 = arith.constant 256 : i32
    %add3A_1251 = vector.broadcast %add3A_1250 : i32 to vector<16xi32>
    %add3A_1252 = arith.addi %iota3A, %add3A_1251 : vector<16xi32>
    %gather3A_1253 = tpu.vector_load_idx %arg7[%broadcast_in_dim3A_37, %add3A_1252] : memref<1x640xi32, #tpu.memory_space<vmem>>[vector<16xi32>, vector<16xi32>], vector<16xi32>,
    %jit3A_1254 = arith.constant 0 : i32
    %jit3A_1255 = arith.constant 99 : i32
    %max3A_1256 = vector.broadcast %jit3A_1254 : i32 to vector<16xi32>
    %max3A_1257 = arith.maxsi %max3A_1256, %gather3A_1253 : vector<16xi32>
    %min3A_1258 = vector.broadcast %jit3A_1255 : i32 to vector<16xi32>
    %min3A_1259 = arith.minsi %min3A_1258, %max3A_1257 : vector<16xi32>
    %gather3A_1260 = tpu.vector_load_idx %arg9[%min3A_1259] : memref<100xf32, #tpu.memory_space<vmem>>[vector<16xi32>], vector<16xf32>,
    %gather3A_1261 = tpu.vector_load_idx %arg10[%min3A_1259] : memref<100xi32, #tpu.memory_space<vmem>>[vector<16xi32>], vector<16xi32>,
    %ge3A_1262 = arith.constant 0 : i32
    %ge3A_1263 = vector.broadcast %ge3A_1262 : i32 to vector<16xi32>
    %ge3A_1264 = arith.cmpi sge, %gather3A_1253, %ge3A_1263 : vector<16xi32>
    %jit3A_1265 = arith.constant 1.000000e+00 : f32
    %jit3A_1266 = arith.constant 0.000000e+00 : f32
    %broadcast_in_dim3A_1267 = vector.broadcast %jit3A_1265 : f32 to vector<16xf32>
    %broadcast_in_dim3A_1268 = vector.broadcast %jit3A_1266 : f32 to vector<16xf32>
    %select_n3A_1269 = arith.select %ge3A_1264, %broadcast_in_dim3A_1267, %broadcast_in_dim3A_1268 : vector<16xi1>, vector<16xf32>
    %min3A_1270 = arith.minimumf %select_n3A_1269, %gather3A_1260 : vector<16xf32>
    %eq3A_1271 = arith.constant -1 : i32
    %eq3A_1272 = vector.broadcast %eq3A_1271 : i32 to vector<16xi32>
    %eq3A_1273 = arith.cmpi eq, %gather3A_1253, %eq3A_1272 : vector<16xi32>
    %jit3A_1274 = arith.constant 0.000000e+00 : f32
    %broadcast_in_dim3A_1275 = vector.broadcast %jit3A_1274 : f32 to vector<16xf32>
    %select_n3A_1276 = arith.select %eq3A_1273, %broadcast_in_dim3A_1275, %min3A_1270 : vector<16xi1>, vector<16xf32>
    %eq3A_1277 = arith.constant -2 : i32
    %eq3A_1278 = vector.broadcast %eq3A_1277 : i32 to vector<16xi32>
    %eq3A_1279 = arith.cmpi eq, %gather3A_1253, %eq3A_1278 : vector<16xi32>
    %jit3A_1280 = arith.constant -1.000000e+00 : f32
    %broadcast_in_dim3A_1281 = vector.broadcast %jit3A_1280 : f32 to vector<16xf32>
    %select_n3A_1282 = arith.select %eq3A_1279, %broadcast_in_dim3A_1281, %select_n3A_1276 : vector<16xi1>, vector<16xf32>
    %lt3A_1283 = arith.constant 1.000000e+00 : f32
    %lt3A_1284 = vector.broadcast %lt3A_1283 : f32 to vector<16xf32>
    %lt3A_1285 = arith.cmpf olt, %gather3A_1260, %lt3A_1284 : vector<16xf32>
    %and3A_1286 = arith.andi %ge3A_1264, %lt3A_1285 : vector<16xi1>
    %jit3A_1287 = arith.constant -1.000000e+00 : f32
    %broadcast_in_dim3A_1288 = vector.broadcast %jit3A_1287 : f32 to vector<16xf32>
    %select_n3A_1289 = arith.select %and3A_1286, %broadcast_in_dim3A_1288, %select_n3A_1282 : vector<16xi1>, vector<16xf32>
    %eq3A_1290 = arith.constant 0 : i32
    %eq3A_1291 = vector.broadcast %eq3A_1290 : i32 to vector<16xi32>
    %eq3A_1292 = arith.cmpi eq, %gather3A_1261, %eq3A_1291 : vector<16xi32>
    %and3A_1293 = arith.andi %ge3A_1264, %eq3A_1292 : vector<16xi1>
    %jit3A_1294 = arith.constant -1.000000e+00 : f32
    %broadcast_in_dim3A_1295 = vector.broadcast %jit3A_1294 : f32 to vector<16xf32>
    %select_n3A_1296 = arith.select %and3A_1293, %broadcast_in_dim3A_1295, %select_n3A_1289 : vector<16xi1>, vector<16xf32>
    %add3A_1297 = arith.constant 256 : i32
    %add3A_1298 = vector.broadcast %add3A_1297 : i32 to vector<16xi32>
    %add3A_1299 = arith.addi %iota3A, %add3A_1298 : vector<16xi32>
    %broadcast_in_dim3A_1300 = arith.constant 0 : i32
    %broadcast_in_dim3A_1301 = vector.broadcast %broadcast_in_dim3A_1300 : i32 to vector<16xi32>
    tpu.vector_store_idx %arg11[%add3A_1299, %broadcast_in_dim3A_1301], %select_n3A_1296 : memref<640x5xf32, #tpu.memory_space<vmem>>[vector<16xi32>, vector<16xi32>], vector<16xf32>,
    %broadcast_in_dim3A_1302 = arith.constant 0 : i32
    %broadcast_in_dim3A_1303 = vector.broadcast %broadcast_in_dim3A_1302 : i32 to vector<16xi32>
    %gather3A_1304 = tpu.vector_load_idx %arg8[%min3A_1259, %broadcast_in_dim3A_1303] : memref<100x4xf32, #tpu.memory_space<vmem>>[vector<16xi32>, vector<16xi32>], vector<16xf32>,
    %add3A_1305 = arith.constant 1 : i32
    %add3A_1306 = vector.broadcast %add3A_1305 : i32 to vector<16xi32>
    %add3A_1307 = arith.addi %broadcast_in_dim3A_1303, %add3A_1306 : vector<16xi32>
    tpu.vector_store_idx %arg11[%add3A_1299, %add3A_1307], %gather3A_1304 : memref<640x5xf32, #tpu.memory_space<vmem>>[vector<16xi32>, vector<16xi32>], vector<16xf32>,
    %broadcast_in_dim3A_1308 = arith.constant 1 : i32
    %broadcast_in_dim3A_1309 = vector.broadcast %broadcast_in_dim3A_1308 : i32 to vector<16xi32>
    %gather3A_1310 = tpu.vector_load_idx %arg8[%min3A_1259, %broadcast_in_dim3A_1309] : memref<100x4xf32, #tpu.memory_space<vmem>>[vector<16xi32>, vector<16xi32>], vector<16xf32>,
    %add3A_1311 = arith.constant 1 : i32
    %add3A_1312 = vector.broadcast %add3A_1311 : i32 to vector<16xi32>
    %add3A_1313 = arith.addi %broadcast_in_dim3A_1309, %add3A_1312 : vector<16xi32>
    tpu.vector_store_idx %arg11[%add3A_1299, %add3A_1313], %gather3A_1310 : memref<640x5xf32, #tpu.memory_space<vmem>>[vector<16xi32>, vector<16xi32>], vector<16xf32>,
    %broadcast_in_dim3A_1314 = arith.constant 2 : i32
    %broadcast_in_dim3A_1315 = vector.broadcast %broadcast_in_dim3A_1314 : i32 to vector<16xi32>
    %gather3A_1316 = tpu.vector_load_idx %arg8[%min3A_1259, %broadcast_in_dim3A_1315] : memref<100x4xf32, #tpu.memory_space<vmem>>[vector<16xi32>, vector<16xi32>], vector<16xf32>,
    %add3A_1317 = arith.constant 1 : i32
    %add3A_1318 = vector.broadcast %add3A_1317 : i32 to vector<16xi32>
    %add3A_1319 = arith.addi %broadcast_in_dim3A_1315, %add3A_1318 : vector<16xi32>
    tpu.vector_store_idx %arg11[%add3A_1299, %add3A_1319], %gather3A_1316 : memref<640x5xf32, #tpu.memory_space<vmem>>[vector<16xi32>, vector<16xi32>], vector<16xf32>,
    %broadcast_in_dim3A_1320 = arith.constant 3 : i32
    %broadcast_in_dim3A_1321 = vector.broadcast %broadcast_in_dim3A_1320 : i32 to vector<16xi32>
    %gather3A_1322 = tpu.vector_load_idx %arg8[%min3A_1259, %broadcast_in_dim3A_1321] : memref<100x4xf32, #tpu.memory_space<vmem>>[vector<16xi32>, vector<16xi32>], vector<16xf32>,
    %add3A_1323 = arith.constant 1 : i32
    %add3A_1324 = vector.broadcast %add3A_1323 : i32 to vector<16xi32>
    %add3A_1325 = arith.addi %broadcast_in_dim3A_1321, %add3A_1324 : vector<16xi32>
    tpu.vector_store_idx %arg11[%add3A_1299, %add3A_1325], %gather3A_1322 : memref<640x5xf32, #tpu.memory_space<vmem>>[vector<16xi32>, vector<16xi32>], vector<16xf32>,
    %add3A_1326 = arith.constant 272 : i32
    %add3A_1327 = vector.broadcast %add3A_1326 : i32 to vector<16xi32>
    %add3A_1328 = arith.addi %iota3A, %add3A_1327 : vector<16xi32>
    %gather3A_1329 = tpu.vector_load_idx %arg7[%broadcast_in_dim3A_37, %add3A_1328] : memref<1x640xi32, #tpu.memory_space<vmem>>[vector<16xi32>, vector<16xi32>], vector<16xi32>,
    %jit3A_1330 = arith.constant 0 : i32
    %jit3A_1331 = arith.constant 99 : i32
    %max3A_1332 = vector.broadcast %jit3A_1330 : i32 to vector<16xi32>
    %max3A_1333 = arith.maxsi %max3A_1332, %gather3A_1329 : vector<16xi32>
    %min3A_1334 = vector.broadcast %jit3A_1331 : i32 to vector<16xi32>
    %min3A_1335 = arith.minsi %min3A_1334, %max3A_1333 : vector<16xi32>
    %gather3A_1336 = tpu.vector_load_idx %arg9[%min3A_1335] : memref<100xf32, #tpu.memory_space<vmem>>[vector<16xi32>], vector<16xf32>,
    %gather3A_1337 = tpu.vector_load_idx %arg10[%min3A_1335] : memref<100xi32, #tpu.memory_space<vmem>>[vector<16xi32>], vector<16xi32>,
    %ge3A_1338 = arith.constant 0 : i32
    %ge3A_1339 = vector.broadcast %ge3A_1338 : i32 to vector<16xi32>
    %ge3A_1340 = arith.cmpi sge, %gather3A_1329, %ge3A_1339 : vector<16xi32>
    %jit3A_1341 = arith.constant 1.000000e+00 : f32
    %jit3A_1342 = arith.constant 0.000000e+00 : f32
    %broadcast_in_dim3A_1343 = vector.broadcast %jit3A_1341 : f32 to vector<16xf32>
    %broadcast_in_dim3A_1344 = vector.broadcast %jit3A_1342 : f32 to vector<16xf32>
    %select_n3A_1345 = arith.select %ge3A_1340, %broadcast_in_dim3A_1343, %broadcast_in_dim3A_1344 : vector<16xi1>, vector<16xf32>
    %min3A_1346 = arith.minimumf %select_n3A_1345, %gather3A_1336 : vector<16xf32>
    %eq3A_1347 = arith.constant -1 : i32
    %eq3A_1348 = vector.broadcast %eq3A_1347 : i32 to vector<16xi32>
    %eq3A_1349 = arith.cmpi eq, %gather3A_1329, %eq3A_1348 : vector<16xi32>
    %jit3A_1350 = arith.constant 0.000000e+00 : f32
    %broadcast_in_dim3A_1351 = vector.broadcast %jit3A_1350 : f32 to vector<16xf32>
    %select_n3A_1352 = arith.select %eq3A_1349, %broadcast_in_dim3A_1351, %min3A_1346 : vector<16xi1>, vector<16xf32>
    %eq3A_1353 = arith.constant -2 : i32
    %eq3A_1354 = vector.broadcast %eq3A_1353 : i32 to vector<16xi32>
    %eq3A_1355 = arith.cmpi eq, %gather3A_1329, %eq3A_1354 : vector<16xi32>
    %jit3A_1356 = arith.constant -1.000000e+00 : f32
    %broadcast_in_dim3A_1357 = vector.broadcast %jit3A_1356 : f32 to vector<16xf32>
    %select_n3A_1358 = arith.select %eq3A_1355, %broadcast_in_dim3A_1357, %select_n3A_1352 : vector<16xi1>, vector<16xf32>
    %lt3A_1359 = arith.constant 1.000000e+00 : f32
    %lt3A_1360 = vector.broadcast %lt3A_1359 : f32 to vector<16xf32>
    %lt3A_1361 = arith.cmpf olt, %gather3A_1336, %lt3A_1360 : vector<16xf32>
    %and3A_1362 = arith.andi %ge3A_1340, %lt3A_1361 : vector<16xi1>
    %jit3A_1363 = arith.constant -1.000000e+00 : f32
    %broadcast_in_dim3A_1364 = vector.broadcast %jit3A_1363 : f32 to vector<16xf32>
    %select_n3A_1365 = arith.select %and3A_1362, %broadcast_in_dim3A_1364, %select_n3A_1358 : vector<16xi1>, vector<16xf32>
    %eq3A_1366 = arith.constant 0 : i32
    %eq3A_1367 = vector.broadcast %eq3A_1366 : i32 to vector<16xi32>
    %eq3A_1368 = arith.cmpi eq, %gather3A_1337, %eq3A_1367 : vector<16xi32>
    %and3A_1369 = arith.andi %ge3A_1340, %eq3A_1368 : vector<16xi1>
    %jit3A_1370 = arith.constant -1.000000e+00 : f32
    %broadcast_in_dim3A_1371 = vector.broadcast %jit3A_1370 : f32 to vector<16xf32>
    %select_n3A_1372 = arith.select %and3A_1369, %broadcast_in_dim3A_1371, %select_n3A_1365 : vector<16xi1>, vector<16xf32>
    %add3A_1373 = arith.constant 272 : i32
    %add3A_1374 = vector.broadcast %add3A_1373 : i32 to vector<16xi32>
    %add3A_1375 = arith.addi %iota3A, %add3A_1374 : vector<16xi32>
    %broadcast_in_dim3A_1376 = arith.constant 0 : i32
    %broadcast_in_dim3A_1377 = vector.broadcast %broadcast_in_dim3A_1376 : i32 to vector<16xi32>
    tpu.vector_store_idx %arg11[%add3A_1375, %broadcast_in_dim3A_1377], %select_n3A_1372 : memref<640x5xf32, #tpu.memory_space<vmem>>[vector<16xi32>, vector<16xi32>], vector<16xf32>,
    %broadcast_in_dim3A_1378 = arith.constant 0 : i32
    %broadcast_in_dim3A_1379 = vector.broadcast %broadcast_in_dim3A_1378 : i32 to vector<16xi32>
    %gather3A_1380 = tpu.vector_load_idx %arg8[%min3A_1335, %broadcast_in_dim3A_1379] : memref<100x4xf32, #tpu.memory_space<vmem>>[vector<16xi32>, vector<16xi32>], vector<16xf32>,
    %add3A_1381 = arith.constant 1 : i32
    %add3A_1382 = vector.broadcast %add3A_1381 : i32 to vector<16xi32>
    %add3A_1383 = arith.addi %broadcast_in_dim3A_1379, %add3A_1382 : vector<16xi32>
    tpu.vector_store_idx %arg11[%add3A_1375, %add3A_1383], %gather3A_1380 : memref<640x5xf32, #tpu.memory_space<vmem>>[vector<16xi32>, vector<16xi32>], vector<16xf32>,
    %broadcast_in_dim3A_1384 = arith.constant 1 : i32
    %broadcast_in_dim3A_1385 = vector.broadcast %broadcast_in_dim3A_1384 : i32 to vector<16xi32>
    %gather3A_1386 = tpu.vector_load_idx %arg8[%min3A_1335, %broadcast_in_dim3A_1385] : memref<100x4xf32, #tpu.memory_space<vmem>>[vector<16xi32>, vector<16xi32>], vector<16xf32>,
    %add3A_1387 = arith.constant 1 : i32
    %add3A_1388 = vector.broadcast %add3A_1387 : i32 to vector<16xi32>
    %add3A_1389 = arith.addi %broadcast_in_dim3A_1385, %add3A_1388 : vector<16xi32>
    tpu.vector_store_idx %arg11[%add3A_1375, %add3A_1389], %gather3A_1386 : memref<640x5xf32, #tpu.memory_space<vmem>>[vector<16xi32>, vector<16xi32>], vector<16xf32>,
    %broadcast_in_dim3A_1390 = arith.constant 2 : i32
    %broadcast_in_dim3A_1391 = vector.broadcast %broadcast_in_dim3A_1390 : i32 to vector<16xi32>
    %gather3A_1392 = tpu.vector_load_idx %arg8[%min3A_1335, %broadcast_in_dim3A_1391] : memref<100x4xf32, #tpu.memory_space<vmem>>[vector<16xi32>, vector<16xi32>], vector<16xf32>,
    %add3A_1393 = arith.constant 1 : i32
    %add3A_1394 = vector.broadcast %add3A_1393 : i32 to vector<16xi32>
    %add3A_1395 = arith.addi %broadcast_in_dim3A_1391, %add3A_1394 : vector<16xi32>
    tpu.vector_store_idx %arg11[%add3A_1375, %add3A_1395], %gather3A_1392 : memref<640x5xf32, #tpu.memory_space<vmem>>[vector<16xi32>, vector<16xi32>], vector<16xf32>,
    %broadcast_in_dim3A_1396 = arith.constant 3 : i32
    %broadcast_in_dim3A_1397 = vector.broadcast %broadcast_in_dim3A_1396 : i32 to vector<16xi32>
    %gather3A_1398 = tpu.vector_load_idx %arg8[%min3A_1335, %broadcast_in_dim3A_1397] : memref<100x4xf32, #tpu.memory_space<vmem>>[vector<16xi32>, vector<16xi32>], vector<16xf32>,
    %add3A_1399 = arith.constant 1 : i32
    %add3A_1400 = vector.broadcast %add3A_1399 : i32 to vector<16xi32>
    %add3A_1401 = arith.addi %broadcast_in_dim3A_1397, %add3A_1400 : vector<16xi32>
    tpu.vector_store_idx %arg11[%add3A_1375, %add3A_1401], %gather3A_1398 : memref<640x5xf32, #tpu.memory_space<vmem>>[vector<16xi32>, vector<16xi32>], vector<16xf32>,
    %add3A_1402 = arith.constant 288 : i32
    %add3A_1403 = vector.broadcast %add3A_1402 : i32 to vector<16xi32>
    %add3A_1404 = arith.addi %iota3A, %add3A_1403 : vector<16xi32>
    %gather3A_1405 = tpu.vector_load_idx %arg7[%broadcast_in_dim3A_37, %add3A_1404] : memref<1x640xi32, #tpu.memory_space<vmem>>[vector<16xi32>, vector<16xi32>], vector<16xi32>,
    %jit3A_1406 = arith.constant 0 : i32
    %jit3A_1407 = arith.constant 99 : i32
    %max3A_1408 = vector.broadcast %jit3A_1406 : i32 to vector<16xi32>
    %max3A_1409 = arith.maxsi %max3A_1408, %gather3A_1405 : vector<16xi32>
    %min3A_1410 = vector.broadcast %jit3A_1407 : i32 to vector<16xi32>
    %min3A_1411 = arith.minsi %min3A_1410, %max3A_1409 : vector<16xi32>
    %gather3A_1412 = tpu.vector_load_idx %arg9[%min3A_1411] : memref<100xf32, #tpu.memory_space<vmem>>[vector<16xi32>], vector<16xf32>,
    %gather3A_1413 = tpu.vector_load_idx %arg10[%min3A_1411] : memref<100xi32, #tpu.memory_space<vmem>>[vector<16xi32>], vector<16xi32>,
    %ge3A_1414 = arith.constant 0 : i32
    %ge3A_1415 = vector.broadcast %ge3A_1414 : i32 to vector<16xi32>
    %ge3A_1416 = arith.cmpi sge, %gather3A_1405, %ge3A_1415 : vector<16xi32>
    %jit3A_1417 = arith.constant 1.000000e+00 : f32
    %jit3A_1418 = arith.constant 0.000000e+00 : f32
    %broadcast_in_dim3A_1419 = vector.broadcast %jit3A_1417 : f32 to vector<16xf32>
    %broadcast_in_dim3A_1420 = vector.broadcast %jit3A_1418 : f32 to vector<16xf32>
    %select_n3A_1421 = arith.select %ge3A_1416, %broadcast_in_dim3A_1419, %broadcast_in_dim3A_1420 : vector<16xi1>, vector<16xf32>
    %min3A_1422 = arith.minimumf %select_n3A_1421, %gather3A_1412 : vector<16xf32>
    %eq3A_1423 = arith.constant -1 : i32
    %eq3A_1424 = vector.broadcast %eq3A_1423 : i32 to vector<16xi32>
    %eq3A_1425 = arith.cmpi eq, %gather3A_1405, %eq3A_1424 : vector<16xi32>
    %jit3A_1426 = arith.constant 0.000000e+00 : f32
    %broadcast_in_dim3A_1427 = vector.broadcast %jit3A_1426 : f32 to vector<16xf32>
    %select_n3A_1428 = arith.select %eq3A_1425, %broadcast_in_dim3A_1427, %min3A_1422 : vector<16xi1>, vector<16xf32>
    %eq3A_1429 = arith.constant -2 : i32
    %eq3A_1430 = vector.broadcast %eq3A_1429 : i32 to vector<16xi32>
    %eq3A_1431 = arith.cmpi eq, %gather3A_1405, %eq3A_1430 : vector<16xi32>
    %jit3A_1432 = arith.constant -1.000000e+00 : f32
    %broadcast_in_dim3A_1433 = vector.broadcast %jit3A_1432 : f32 to vector<16xf32>
    %select_n3A_1434 = arith.select %eq3A_1431, %broadcast_in_dim3A_1433, %select_n3A_1428 : vector<16xi1>, vector<16xf32>
    %lt3A_1435 = arith.constant 1.000000e+00 : f32
    %lt3A_1436 = vector.broadcast %lt3A_1435 : f32 to vector<16xf32>
    %lt3A_1437 = arith.cmpf olt, %gather3A_1412, %lt3A_1436 : vector<16xf32>
    %and3A_1438 = arith.andi %ge3A_1416, %lt3A_1437 : vector<16xi1>
    %jit3A_1439 = arith.constant -1.000000e+00 : f32
    %broadcast_in_dim3A_1440 = vector.broadcast %jit3A_1439 : f32 to vector<16xf32>
    %select_n3A_1441 = arith.select %and3A_1438, %broadcast_in_dim3A_1440, %select_n3A_1434 : vector<16xi1>, vector<16xf32>
    %eq3A_1442 = arith.constant 0 : i32
    %eq3A_1443 = vector.broadcast %eq3A_1442 : i32 to vector<16xi32>
    %eq3A_1444 = arith.cmpi eq, %gather3A_1413, %eq3A_1443 : vector<16xi32>
    %and3A_1445 = arith.andi %ge3A_1416, %eq3A_1444 : vector<16xi1>
    %jit3A_1446 = arith.constant -1.000000e+00 : f32
    %broadcast_in_dim3A_1447 = vector.broadcast %jit3A_1446 : f32 to vector<16xf32>
    %select_n3A_1448 = arith.select %and3A_1445, %broadcast_in_dim3A_1447, %select_n3A_1441 : vector<16xi1>, vector<16xf32>
    %add3A_1449 = arith.constant 288 : i32
    %add3A_1450 = vector.broadcast %add3A_1449 : i32 to vector<16xi32>
    %add3A_1451 = arith.addi %iota3A, %add3A_1450 : vector<16xi32>
    %broadcast_in_dim3A_1452 = arith.constant 0 : i32
    %broadcast_in_dim3A_1453 = vector.broadcast %broadcast_in_dim3A_1452 : i32 to vector<16xi32>
    tpu.vector_store_idx %arg11[%add3A_1451, %broadcast_in_dim3A_1453], %select_n3A_1448 : memref<640x5xf32, #tpu.memory_space<vmem>>[vector<16xi32>, vector<16xi32>], vector<16xf32>,
    %broadcast_in_dim3A_1454 = arith.constant 0 : i32
    %broadcast_in_dim3A_1455 = vector.broadcast %broadcast_in_dim3A_1454 : i32 to vector<16xi32>
    %gather3A_1456 = tpu.vector_load_idx %arg8[%min3A_1411, %broadcast_in_dim3A_1455] : memref<100x4xf32, #tpu.memory_space<vmem>>[vector<16xi32>, vector<16xi32>], vector<16xf32>,
    %add3A_1457 = arith.constant 1 : i32
    %add3A_1458 = vector.broadcast %add3A_1457 : i32 to vector<16xi32>
    %add3A_1459 = arith.addi %broadcast_in_dim3A_1455, %add3A_1458 : vector<16xi32>
    tpu.vector_store_idx %arg11[%add3A_1451, %add3A_1459], %gather3A_1456 : memref<640x5xf32, #tpu.memory_space<vmem>>[vector<16xi32>, vector<16xi32>], vector<16xf32>,
    %broadcast_in_dim3A_1460 = arith.constant 1 : i32
    %broadcast_in_dim3A_1461 = vector.broadcast %broadcast_in_dim3A_1460 : i32 to vector<16xi32>
    %gather3A_1462 = tpu.vector_load_idx %arg8[%min3A_1411, %broadcast_in_dim3A_1461] : memref<100x4xf32, #tpu.memory_space<vmem>>[vector<16xi32>, vector<16xi32>], vector<16xf32>,
    %add3A_1463 = arith.constant 1 : i32
    %add3A_1464 = vector.broadcast %add3A_1463 : i32 to vector<16xi32>
    %add3A_1465 = arith.addi %broadcast_in_dim3A_1461, %add3A_1464 : vector<16xi32>
    tpu.vector_store_idx %arg11[%add3A_1451, %add3A_1465], %gather3A_1462 : memref<640x5xf32, #tpu.memory_space<vmem>>[vector<16xi32>, vector<16xi32>], vector<16xf32>,
    %broadcast_in_dim3A_1466 = arith.constant 2 : i32
    %broadcast_in_dim3A_1467 = vector.broadcast %broadcast_in_dim3A_1466 : i32 to vector<16xi32>
    %gather3A_1468 = tpu.vector_load_idx %arg8[%min3A_1411, %broadcast_in_dim3A_1467] : memref<100x4xf32, #tpu.memory_space<vmem>>[vector<16xi32>, vector<16xi32>], vector<16xf32>,
    %add3A_1469 = arith.constant 1 : i32
    %add3A_1470 = vector.broadcast %add3A_1469 : i32 to vector<16xi32>
    %add3A_1471 = arith.addi %broadcast_in_dim3A_1467, %add3A_1470 : vector<16xi32>
    tpu.vector_store_idx %arg11[%add3A_1451, %add3A_1471], %gather3A_1468 : memref<640x5xf32, #tpu.memory_space<vmem>>[vector<16xi32>, vector<16xi32>], vector<16xf32>,
    %broadcast_in_dim3A_1472 = arith.constant 3 : i32
    %broadcast_in_dim3A_1473 = vector.broadcast %broadcast_in_dim3A_1472 : i32 to vector<16xi32>
    %gather3A_1474 = tpu.vector_load_idx %arg8[%min3A_1411, %broadcast_in_dim3A_1473] : memref<100x4xf32, #tpu.memory_space<vmem>>[vector<16xi32>, vector<16xi32>], vector<16xf32>,
    %add3A_1475 = arith.constant 1 : i32
    %add3A_1476 = vector.broadcast %add3A_1475 : i32 to vector<16xi32>
    %add3A_1477 = arith.addi %broadcast_in_dim3A_1473, %add3A_1476 : vector<16xi32>
    tpu.vector_store_idx %arg11[%add3A_1451, %add3A_1477], %gather3A_1474 : memref<640x5xf32, #tpu.memory_space<vmem>>[vector<16xi32>, vector<16xi32>], vector<16xf32>,
    %add3A_1478 = arith.constant 304 : i32
    %add3A_1479 = vector.broadcast %add3A_1478 : i32 to vector<16xi32>
    %add3A_1480 = arith.addi %iota3A, %add3A_1479 : vector<16xi32>
    %gather3A_1481 = tpu.vector_load_idx %arg7[%broadcast_in_dim3A_37, %add3A_1480] : memref<1x640xi32, #tpu.memory_space<vmem>>[vector<16xi32>, vector<16xi32>], vector<16xi32>,
    %jit3A_1482 = arith.constant 0 : i32
    %jit3A_1483 = arith.constant 99 : i32
    %max3A_1484 = vector.broadcast %jit3A_1482 : i32 to vector<16xi32>
    %max3A_1485 = arith.maxsi %max3A_1484, %gather3A_1481 : vector<16xi32>
    %min3A_1486 = vector.broadcast %jit3A_1483 : i32 to vector<16xi32>
    %min3A_1487 = arith.minsi %min3A_1486, %max3A_1485 : vector<16xi32>
    %gather3A_1488 = tpu.vector_load_idx %arg9[%min3A_1487] : memref<100xf32, #tpu.memory_space<vmem>>[vector<16xi32>], vector<16xf32>,
    %gather3A_1489 = tpu.vector_load_idx %arg10[%min3A_1487] : memref<100xi32, #tpu.memory_space<vmem>>[vector<16xi32>], vector<16xi32>,
    %ge3A_1490 = arith.constant 0 : i32
    %ge3A_1491 = vector.broadcast %ge3A_1490 : i32 to vector<16xi32>
    %ge3A_1492 = arith.cmpi sge, %gather3A_1481, %ge3A_1491 : vector<16xi32>
    %jit3A_1493 = arith.constant 1.000000e+00 : f32
    %jit3A_1494 = arith.constant 0.000000e+00 : f32
    %broadcast_in_dim3A_1495 = vector.broadcast %jit3A_1493 : f32 to vector<16xf32>
    %broadcast_in_dim3A_1496 = vector.broadcast %jit3A_1494 : f32 to vector<16xf32>
    %select_n3A_1497 = arith.select %ge3A_1492, %broadcast_in_dim3A_1495, %broadcast_in_dim3A_1496 : vector<16xi1>, vector<16xf32>
    %min3A_1498 = arith.minimumf %select_n3A_1497, %gather3A_1488 : vector<16xf32>
    %eq3A_1499 = arith.constant -1 : i32
    %eq3A_1500 = vector.broadcast %eq3A_1499 : i32 to vector<16xi32>
    %eq3A_1501 = arith.cmpi eq, %gather3A_1481, %eq3A_1500 : vector<16xi32>
    %jit3A_1502 = arith.constant 0.000000e+00 : f32
    %broadcast_in_dim3A_1503 = vector.broadcast %jit3A_1502 : f32 to vector<16xf32>
    %select_n3A_1504 = arith.select %eq3A_1501, %broadcast_in_dim3A_1503, %min3A_1498 : vector<16xi1>, vector<16xf32>
    %eq3A_1505 = arith.constant -2 : i32
    %eq3A_1506 = vector.broadcast %eq3A_1505 : i32 to vector<16xi32>
    %eq3A_1507 = arith.cmpi eq, %gather3A_1481, %eq3A_1506 : vector<16xi32>
    %jit3A_1508 = arith.constant -1.000000e+00 : f32
    %broadcast_in_dim3A_1509 = vector.broadcast %jit3A_1508 : f32 to vector<16xf32>
    %select_n3A_1510 = arith.select %eq3A_1507, %broadcast_in_dim3A_1509, %select_n3A_1504 : vector<16xi1>, vector<16xf32>
    %lt3A_1511 = arith.constant 1.000000e+00 : f32
    %lt3A_1512 = vector.broadcast %lt3A_1511 : f32 to vector<16xf32>
    %lt3A_1513 = arith.cmpf olt, %gather3A_1488, %lt3A_1512 : vector<16xf32>
    %and3A_1514 = arith.andi %ge3A_1492, %lt3A_1513 : vector<16xi1>
    %jit3A_1515 = arith.constant -1.000000e+00 : f32
    %broadcast_in_dim3A_1516 = vector.broadcast %jit3A_1515 : f32 to vector<16xf32>
    %select_n3A_1517 = arith.select %and3A_1514, %broadcast_in_dim3A_1516, %select_n3A_1510 : vector<16xi1>, vector<16xf32>
    %eq3A_1518 = arith.constant 0 : i32
    %eq3A_1519 = vector.broadcast %eq3A_1518 : i32 to vector<16xi32>
    %eq3A_1520 = arith.cmpi eq, %gather3A_1489, %eq3A_1519 : vector<16xi32>
    %and3A_1521 = arith.andi %ge3A_1492, %eq3A_1520 : vector<16xi1>
    %jit3A_1522 = arith.constant -1.000000e+00 : f32
    %broadcast_in_dim3A_1523 = vector.broadcast %jit3A_1522 : f32 to vector<16xf32>
    %select_n3A_1524 = arith.select %and3A_1521, %broadcast_in_dim3A_1523, %select_n3A_1517 : vector<16xi1>, vector<16xf32>
    %add3A_1525 = arith.constant 304 : i32
    %add3A_1526 = vector.broadcast %add3A_1525 : i32 to vector<16xi32>
    %add3A_1527 = arith.addi %iota3A, %add3A_1526 : vector<16xi32>
    %broadcast_in_dim3A_1528 = arith.constant 0 : i32
    %broadcast_in_dim3A_1529 = vector.broadcast %broadcast_in_dim3A_1528 : i32 to vector<16xi32>
    tpu.vector_store_idx %arg11[%add3A_1527, %broadcast_in_dim3A_1529], %select_n3A_1524 : memref<640x5xf32, #tpu.memory_space<vmem>>[vector<16xi32>, vector<16xi32>], vector<16xf32>,
    %broadcast_in_dim3A_1530 = arith.constant 0 : i32
    %broadcast_in_dim3A_1531 = vector.broadcast %broadcast_in_dim3A_1530 : i32 to vector<16xi32>
    %gather3A_1532 = tpu.vector_load_idx %arg8[%min3A_1487, %broadcast_in_dim3A_1531] : memref<100x4xf32, #tpu.memory_space<vmem>>[vector<16xi32>, vector<16xi32>], vector<16xf32>,
    %add3A_1533 = arith.constant 1 : i32
    %add3A_1534 = vector.broadcast %add3A_1533 : i32 to vector<16xi32>
    %add3A_1535 = arith.addi %broadcast_in_dim3A_1531, %add3A_1534 : vector<16xi32>
    tpu.vector_store_idx %arg11[%add3A_1527, %add3A_1535], %gather3A_1532 : memref<640x5xf32, #tpu.memory_space<vmem>>[vector<16xi32>, vector<16xi32>], vector<16xf32>,
    %broadcast_in_dim3A_1536 = arith.constant 1 : i32
    %broadcast_in_dim3A_1537 = vector.broadcast %broadcast_in_dim3A_1536 : i32 to vector<16xi32>
    %gather3A_1538 = tpu.vector_load_idx %arg8[%min3A_1487, %broadcast_in_dim3A_1537] : memref<100x4xf32, #tpu.memory_space<vmem>>[vector<16xi32>, vector<16xi32>], vector<16xf32>,
    %add3A_1539 = arith.constant 1 : i32
    %add3A_1540 = vector.broadcast %add3A_1539 : i32 to vector<16xi32>
    %add3A_1541 = arith.addi %broadcast_in_dim3A_1537, %add3A_1540 : vector<16xi32>
    tpu.vector_store_idx %arg11[%add3A_1527, %add3A_1541], %gather3A_1538 : memref<640x5xf32, #tpu.memory_space<vmem>>[vector<16xi32>, vector<16xi32>], vector<16xf32>,
    %broadcast_in_dim3A_1542 = arith.constant 2 : i32
    %broadcast_in_dim3A_1543 = vector.broadcast %broadcast_in_dim3A_1542 : i32 to vector<16xi32>
    %gather3A_1544 = tpu.vector_load_idx %arg8[%min3A_1487, %broadcast_in_dim3A_1543] : memref<100x4xf32, #tpu.memory_space<vmem>>[vector<16xi32>, vector<16xi32>], vector<16xf32>,
    %add3A_1545 = arith.constant 1 : i32
    %add3A_1546 = vector.broadcast %add3A_1545 : i32 to vector<16xi32>
    %add3A_1547 = arith.addi %broadcast_in_dim3A_1543, %add3A_1546 : vector<16xi32>
    tpu.vector_store_idx %arg11[%add3A_1527, %add3A_1547], %gather3A_1544 : memref<640x5xf32, #tpu.memory_space<vmem>>[vector<16xi32>, vector<16xi32>], vector<16xf32>,
    %broadcast_in_dim3A_1548 = arith.constant 3 : i32
    %broadcast_in_dim3A_1549 = vector.broadcast %broadcast_in_dim3A_1548 : i32 to vector<16xi32>
    %gather3A_1550 = tpu.vector_load_idx %arg8[%min3A_1487, %broadcast_in_dim3A_1549] : memref<100x4xf32, #tpu.memory_space<vmem>>[vector<16xi32>, vector<16xi32>], vector<16xf32>,
    %add3A_1551 = arith.constant 1 : i32
    %add3A_1552 = vector.broadcast %add3A_1551 : i32 to vector<16xi32>
    %add3A_1553 = arith.addi %broadcast_in_dim3A_1549, %add3A_1552 : vector<16xi32>
    tpu.vector_store_idx %arg11[%add3A_1527, %add3A_1553], %gather3A_1550 : memref<640x5xf32, #tpu.memory_space<vmem>>[vector<16xi32>, vector<16xi32>], vector<16xf32>,
    %add3A_1554 = arith.constant 320 : i32
    %add3A_1555 = vector.broadcast %add3A_1554 : i32 to vector<16xi32>
    %add3A_1556 = arith.addi %iota3A, %add3A_1555 : vector<16xi32>
    %gather3A_1557 = tpu.vector_load_idx %arg7[%broadcast_in_dim3A_37, %add3A_1556] : memref<1x640xi32, #tpu.memory_space<vmem>>[vector<16xi32>, vector<16xi32>], vector<16xi32>,
    %jit3A_1558 = arith.constant 0 : i32
    %jit3A_1559 = arith.constant 99 : i32
    %max3A_1560 = vector.broadcast %jit3A_1558 : i32 to vector<16xi32>
    %max3A_1561 = arith.maxsi %max3A_1560, %gather3A_1557 : vector<16xi32>
    %min3A_1562 = vector.broadcast %jit3A_1559 : i32 to vector<16xi32>
    %min3A_1563 = arith.minsi %min3A_1562, %max3A_1561 : vector<16xi32>
    %gather3A_1564 = tpu.vector_load_idx %arg9[%min3A_1563] : memref<100xf32, #tpu.memory_space<vmem>>[vector<16xi32>], vector<16xf32>,
    %gather3A_1565 = tpu.vector_load_idx %arg10[%min3A_1563] : memref<100xi32, #tpu.memory_space<vmem>>[vector<16xi32>], vector<16xi32>,
    %ge3A_1566 = arith.constant 0 : i32
    %ge3A_1567 = vector.broadcast %ge3A_1566 : i32 to vector<16xi32>
    %ge3A_1568 = arith.cmpi sge, %gather3A_1557, %ge3A_1567 : vector<16xi32>
    %jit3A_1569 = arith.constant 1.000000e+00 : f32
    %jit3A_1570 = arith.constant 0.000000e+00 : f32
    %broadcast_in_dim3A_1571 = vector.broadcast %jit3A_1569 : f32 to vector<16xf32>
    %broadcast_in_dim3A_1572 = vector.broadcast %jit3A_1570 : f32 to vector<16xf32>
    %select_n3A_1573 = arith.select %ge3A_1568, %broadcast_in_dim3A_1571, %broadcast_in_dim3A_1572 : vector<16xi1>, vector<16xf32>
    %min3A_1574 = arith.minimumf %select_n3A_1573, %gather3A_1564 : vector<16xf32>
    %eq3A_1575 = arith.constant -1 : i32
    %eq3A_1576 = vector.broadcast %eq3A_1575 : i32 to vector<16xi32>
    %eq3A_1577 = arith.cmpi eq, %gather3A_1557, %eq3A_1576 : vector<16xi32>
    %jit3A_1578 = arith.constant 0.000000e+00 : f32
    %broadcast_in_dim3A_1579 = vector.broadcast %jit3A_1578 : f32 to vector<16xf32>
    %select_n3A_1580 = arith.select %eq3A_1577, %broadcast_in_dim3A_1579, %min3A_1574 : vector<16xi1>, vector<16xf32>
    %eq3A_1581 = arith.constant -2 : i32
    %eq3A_1582 = vector.broadcast %eq3A_1581 : i32 to vector<16xi32>
    %eq3A_1583 = arith.cmpi eq, %gather3A_1557, %eq3A_1582 : vector<16xi32>
    %jit3A_1584 = arith.constant -1.000000e+00 : f32
    %broadcast_in_dim3A_1585 = vector.broadcast %jit3A_1584 : f32 to vector<16xf32>
    %select_n3A_1586 = arith.select %eq3A_1583, %broadcast_in_dim3A_1585, %select_n3A_1580 : vector<16xi1>, vector<16xf32>
    %lt3A_1587 = arith.constant 1.000000e+00 : f32
    %lt3A_1588 = vector.broadcast %lt3A_1587 : f32 to vector<16xf32>
    %lt3A_1589 = arith.cmpf olt, %gather3A_1564, %lt3A_1588 : vector<16xf32>
    %and3A_1590 = arith.andi %ge3A_1568, %lt3A_1589 : vector<16xi1>
    %jit3A_1591 = arith.constant -1.000000e+00 : f32
    %broadcast_in_dim3A_1592 = vector.broadcast %jit3A_1591 : f32 to vector<16xf32>
    %select_n3A_1593 = arith.select %and3A_1590, %broadcast_in_dim3A_1592, %select_n3A_1586 : vector<16xi1>, vector<16xf32>
    %eq3A_1594 = arith.constant 0 : i32
    %eq3A_1595 = vector.broadcast %eq3A_1594 : i32 to vector<16xi32>
    %eq3A_1596 = arith.cmpi eq, %gather3A_1565, %eq3A_1595 : vector<16xi32>
    %and3A_1597 = arith.andi %ge3A_1568, %eq3A_1596 : vector<16xi1>
    %jit3A_1598 = arith.constant -1.000000e+00 : f32
    %broadcast_in_dim3A_1599 = vector.broadcast %jit3A_1598 : f32 to vector<16xf32>
    %select_n3A_1600 = arith.select %and3A_1597, %broadcast_in_dim3A_1599, %select_n3A_1593 : vector<16xi1>, vector<16xf32>
    %add3A_1601 = arith.constant 320 : i32
    %add3A_1602 = vector.broadcast %add3A_1601 : i32 to vector<16xi32>
    %add3A_1603 = arith.addi %iota3A, %add3A_1602 : vector<16xi32>
    %broadcast_in_dim3A_1604 = arith.constant 0 : i32
    %broadcast_in_dim3A_1605 = vector.broadcast %broadcast_in_dim3A_1604 : i32 to vector<16xi32>
    tpu.vector_store_idx %arg11[%add3A_1603, %broadcast_in_dim3A_1605], %select_n3A_1600 : memref<640x5xf32, #tpu.memory_space<vmem>>[vector<16xi32>, vector<16xi32>], vector<16xf32>,
    %broadcast_in_dim3A_1606 = arith.constant 0 : i32
    %broadcast_in_dim3A_1607 = vector.broadcast %broadcast_in_dim3A_1606 : i32 to vector<16xi32>
    %gather3A_1608 = tpu.vector_load_idx %arg8[%min3A_1563, %broadcast_in_dim3A_1607] : memref<100x4xf32, #tpu.memory_space<vmem>>[vector<16xi32>, vector<16xi32>], vector<16xf32>,
    %add3A_1609 = arith.constant 1 : i32
    %add3A_1610 = vector.broadcast %add3A_1609 : i32 to vector<16xi32>
    %add3A_1611 = arith.addi %broadcast_in_dim3A_1607, %add3A_1610 : vector<16xi32>
    tpu.vector_store_idx %arg11[%add3A_1603, %add3A_1611], %gather3A_1608 : memref<640x5xf32, #tpu.memory_space<vmem>>[vector<16xi32>, vector<16xi32>], vector<16xf32>,
    %broadcast_in_dim3A_1612 = arith.constant 1 : i32
    %broadcast_in_dim3A_1613 = vector.broadcast %broadcast_in_dim3A_1612 : i32 to vector<16xi32>
    %gather3A_1614 = tpu.vector_load_idx %arg8[%min3A_1563, %broadcast_in_dim3A_1613] : memref<100x4xf32, #tpu.memory_space<vmem>>[vector<16xi32>, vector<16xi32>], vector<16xf32>,
    %add3A_1615 = arith.constant 1 : i32
    %add3A_1616 = vector.broadcast %add3A_1615 : i32 to vector<16xi32>
    %add3A_1617 = arith.addi %broadcast_in_dim3A_1613, %add3A_1616 : vector<16xi32>
    tpu.vector_store_idx %arg11[%add3A_1603, %add3A_1617], %gather3A_1614 : memref<640x5xf32, #tpu.memory_space<vmem>>[vector<16xi32>, vector<16xi32>], vector<16xf32>,
    %broadcast_in_dim3A_1618 = arith.constant 2 : i32
    %broadcast_in_dim3A_1619 = vector.broadcast %broadcast_in_dim3A_1618 : i32 to vector<16xi32>
    %gather3A_1620 = tpu.vector_load_idx %arg8[%min3A_1563, %broadcast_in_dim3A_1619] : memref<100x4xf32, #tpu.memory_space<vmem>>[vector<16xi32>, vector<16xi32>], vector<16xf32>,
    %add3A_1621 = arith.constant 1 : i32
    %add3A_1622 = vector.broadcast %add3A_1621 : i32 to vector<16xi32>
    %add3A_1623 = arith.addi %broadcast_in_dim3A_1619, %add3A_1622 : vector<16xi32>
    tpu.vector_store_idx %arg11[%add3A_1603, %add3A_1623], %gather3A_1620 : memref<640x5xf32, #tpu.memory_space<vmem>>[vector<16xi32>, vector<16xi32>], vector<16xf32>,
    %broadcast_in_dim3A_1624 = arith.constant 3 : i32
    %broadcast_in_dim3A_1625 = vector.broadcast %broadcast_in_dim3A_1624 : i32 to vector<16xi32>
    %gather3A_1626 = tpu.vector_load_idx %arg8[%min3A_1563, %broadcast_in_dim3A_1625] : memref<100x4xf32, #tpu.memory_space<vmem>>[vector<16xi32>, vector<16xi32>], vector<16xf32>,
    %add3A_1627 = arith.constant 1 : i32
    %add3A_1628 = vector.broadcast %add3A_1627 : i32 to vector<16xi32>
    %add3A_1629 = arith.addi %broadcast_in_dim3A_1625, %add3A_1628 : vector<16xi32>
    tpu.vector_store_idx %arg11[%add3A_1603, %add3A_1629], %gather3A_1626 : memref<640x5xf32, #tpu.memory_space<vmem>>[vector<16xi32>, vector<16xi32>], vector<16xf32>,
    %add3A_1630 = arith.constant 336 : i32
    %add3A_1631 = vector.broadcast %add3A_1630 : i32 to vector<16xi32>
    %add3A_1632 = arith.addi %iota3A, %add3A_1631 : vector<16xi32>
    %gather3A_1633 = tpu.vector_load_idx %arg7[%broadcast_in_dim3A_37, %add3A_1632] : memref<1x640xi32, #tpu.memory_space<vmem>>[vector<16xi32>, vector<16xi32>], vector<16xi32>,
    %jit3A_1634 = arith.constant 0 : i32
    %jit3A_1635 = arith.constant 99 : i32
    %max3A_1636 = vector.broadcast %jit3A_1634 : i32 to vector<16xi32>
    %max3A_1637 = arith.maxsi %max3A_1636, %gather3A_1633 : vector<16xi32>
    %min3A_1638 = vector.broadcast %jit3A_1635 : i32 to vector<16xi32>
    %min3A_1639 = arith.minsi %min3A_1638, %max3A_1637 : vector<16xi32>
    %gather3A_1640 = tpu.vector_load_idx %arg9[%min3A_1639] : memref<100xf32, #tpu.memory_space<vmem>>[vector<16xi32>], vector<16xf32>,
    %gather3A_1641 = tpu.vector_load_idx %arg10[%min3A_1639] : memref<100xi32, #tpu.memory_space<vmem>>[vector<16xi32>], vector<16xi32>,
    %ge3A_1642 = arith.constant 0 : i32
    %ge3A_1643 = vector.broadcast %ge3A_1642 : i32 to vector<16xi32>
    %ge3A_1644 = arith.cmpi sge, %gather3A_1633, %ge3A_1643 : vector<16xi32>
    %jit3A_1645 = arith.constant 1.000000e+00 : f32
    %jit3A_1646 = arith.constant 0.000000e+00 : f32
    %broadcast_in_dim3A_1647 = vector.broadcast %jit3A_1645 : f32 to vector<16xf32>
    %broadcast_in_dim3A_1648 = vector.broadcast %jit3A_1646 : f32 to vector<16xf32>
    %select_n3A_1649 = arith.select %ge3A_1644, %broadcast_in_dim3A_1647, %broadcast_in_dim3A_1648 : vector<16xi1>, vector<16xf32>
    %min3A_1650 = arith.minimumf %select_n3A_1649, %gather3A_1640 : vector<16xf32>
    %eq3A_1651 = arith.constant -1 : i32
    %eq3A_1652 = vector.broadcast %eq3A_1651 : i32 to vector<16xi32>
    %eq3A_1653 = arith.cmpi eq, %gather3A_1633, %eq3A_1652 : vector<16xi32>
    %jit3A_1654 = arith.constant 0.000000e+00 : f32
    %broadcast_in_dim3A_1655 = vector.broadcast %jit3A_1654 : f32 to vector<16xf32>
    %select_n3A_1656 = arith.select %eq3A_1653, %broadcast_in_dim3A_1655, %min3A_1650 : vector<16xi1>, vector<16xf32>
    %eq3A_1657 = arith.constant -2 : i32
    %eq3A_1658 = vector.broadcast %eq3A_1657 : i32 to vector<16xi32>
    %eq3A_1659 = arith.cmpi eq, %gather3A_1633, %eq3A_1658 : vector<16xi32>
    %jit3A_1660 = arith.constant -1.000000e+00 : f32
    %broadcast_in_dim3A_1661 = vector.broadcast %jit3A_1660 : f32 to vector<16xf32>
    %select_n3A_1662 = arith.select %eq3A_1659, %broadcast_in_dim3A_1661, %select_n3A_1656 : vector<16xi1>, vector<16xf32>
    %lt3A_1663 = arith.constant 1.000000e+00 : f32
    %lt3A_1664 = vector.broadcast %lt3A_1663 : f32 to vector<16xf32>
    %lt3A_1665 = arith.cmpf olt, %gather3A_1640, %lt3A_1664 : vector<16xf32>
    %and3A_1666 = arith.andi %ge3A_1644, %lt3A_1665 : vector<16xi1>
    %jit3A_1667 = arith.constant -1.000000e+00 : f32
    %broadcast_in_dim3A_1668 = vector.broadcast %jit3A_1667 : f32 to vector<16xf32>
    %select_n3A_1669 = arith.select %and3A_1666, %broadcast_in_dim3A_1668, %select_n3A_1662 : vector<16xi1>, vector<16xf32>
    %eq3A_1670 = arith.constant 0 : i32
    %eq3A_1671 = vector.broadcast %eq3A_1670 : i32 to vector<16xi32>
    %eq3A_1672 = arith.cmpi eq, %gather3A_1641, %eq3A_1671 : vector<16xi32>
    %and3A_1673 = arith.andi %ge3A_1644, %eq3A_1672 : vector<16xi1>
    %jit3A_1674 = arith.constant -1.000000e+00 : f32
    %broadcast_in_dim3A_1675 = vector.broadcast %jit3A_1674 : f32 to vector<16xf32>
    %select_n3A_1676 = arith.select %and3A_1673, %broadcast_in_dim3A_1675, %select_n3A_1669 : vector<16xi1>, vector<16xf32>
    %add3A_1677 = arith.constant 336 : i32
    %add3A_1678 = vector.broadcast %add3A_1677 : i32 to vector<16xi32>
    %add3A_1679 = arith.addi %iota3A, %add3A_1678 : vector<16xi32>
    %broadcast_in_dim3A_1680 = arith.constant 0 : i32
    %broadcast_in_dim3A_1681 = vector.broadcast %broadcast_in_dim3A_1680 : i32 to vector<16xi32>
    tpu.vector_store_idx %arg11[%add3A_1679, %broadcast_in_dim3A_1681], %select_n3A_1676 : memref<640x5xf32, #tpu.memory_space<vmem>>[vector<16xi32>, vector<16xi32>], vector<16xf32>,
    %broadcast_in_dim3A_1682 = arith.constant 0 : i32
    %broadcast_in_dim3A_1683 = vector.broadcast %broadcast_in_dim3A_1682 : i32 to vector<16xi32>
    %gather3A_1684 = tpu.vector_load_idx %arg8[%min3A_1639, %broadcast_in_dim3A_1683] : memref<100x4xf32, #tpu.memory_space<vmem>>[vector<16xi32>, vector<16xi32>], vector<16xf32>,
    %add3A_1685 = arith.constant 1 : i32
    %add3A_1686 = vector.broadcast %add3A_1685 : i32 to vector<16xi32>
    %add3A_1687 = arith.addi %broadcast_in_dim3A_1683, %add3A_1686 : vector<16xi32>
    tpu.vector_store_idx %arg11[%add3A_1679, %add3A_1687], %gather3A_1684 : memref<640x5xf32, #tpu.memory_space<vmem>>[vector<16xi32>, vector<16xi32>], vector<16xf32>,
    %broadcast_in_dim3A_1688 = arith.constant 1 : i32
    %broadcast_in_dim3A_1689 = vector.broadcast %broadcast_in_dim3A_1688 : i32 to vector<16xi32>
    %gather3A_1690 = tpu.vector_load_idx %arg8[%min3A_1639, %broadcast_in_dim3A_1689] : memref<100x4xf32, #tpu.memory_space<vmem>>[vector<16xi32>, vector<16xi32>], vector<16xf32>,
    %add3A_1691 = arith.constant 1 : i32
    %add3A_1692 = vector.broadcast %add3A_1691 : i32 to vector<16xi32>
    %add3A_1693 = arith.addi %broadcast_in_dim3A_1689, %add3A_1692 : vector<16xi32>
    tpu.vector_store_idx %arg11[%add3A_1679, %add3A_1693], %gather3A_1690 : memref<640x5xf32, #tpu.memory_space<vmem>>[vector<16xi32>, vector<16xi32>], vector<16xf32>,
    %broadcast_in_dim3A_1694 = arith.constant 2 : i32
    %broadcast_in_dim3A_1695 = vector.broadcast %broadcast_in_dim3A_1694 : i32 to vector<16xi32>
    %gather3A_1696 = tpu.vector_load_idx %arg8[%min3A_1639, %broadcast_in_dim3A_1695] : memref<100x4xf32, #tpu.memory_space<vmem>>[vector<16xi32>, vector<16xi32>], vector<16xf32>,
    %add3A_1697 = arith.constant 1 : i32
    %add3A_1698 = vector.broadcast %add3A_1697 : i32 to vector<16xi32>
    %add3A_1699 = arith.addi %broadcast_in_dim3A_1695, %add3A_1698 : vector<16xi32>
    tpu.vector_store_idx %arg11[%add3A_1679, %add3A_1699], %gather3A_1696 : memref<640x5xf32, #tpu.memory_space<vmem>>[vector<16xi32>, vector<16xi32>], vector<16xf32>,
    %broadcast_in_dim3A_1700 = arith.constant 3 : i32
    %broadcast_in_dim3A_1701 = vector.broadcast %broadcast_in_dim3A_1700 : i32 to vector<16xi32>
    %gather3A_1702 = tpu.vector_load_idx %arg8[%min3A_1639, %broadcast_in_dim3A_1701] : memref<100x4xf32, #tpu.memory_space<vmem>>[vector<16xi32>, vector<16xi32>], vector<16xf32>,
    %add3A_1703 = arith.constant 1 : i32
    %add3A_1704 = vector.broadcast %add3A_1703 : i32 to vector<16xi32>
    %add3A_1705 = arith.addi %broadcast_in_dim3A_1701, %add3A_1704 : vector<16xi32>
    tpu.vector_store_idx %arg11[%add3A_1679, %add3A_1705], %gather3A_1702 : memref<640x5xf32, #tpu.memory_space<vmem>>[vector<16xi32>, vector<16xi32>], vector<16xf32>,
    %add3A_1706 = arith.constant 352 : i32
    %add3A_1707 = vector.broadcast %add3A_1706 : i32 to vector<16xi32>
    %add3A_1708 = arith.addi %iota3A, %add3A_1707 : vector<16xi32>
    %gather3A_1709 = tpu.vector_load_idx %arg7[%broadcast_in_dim3A_37, %add3A_1708] : memref<1x640xi32, #tpu.memory_space<vmem>>[vector<16xi32>, vector<16xi32>], vector<16xi32>,
    %jit3A_1710 = arith.constant 0 : i32
    %jit3A_1711 = arith.constant 99 : i32
    %max3A_1712 = vector.broadcast %jit3A_1710 : i32 to vector<16xi32>
    %max3A_1713 = arith.maxsi %max3A_1712, %gather3A_1709 : vector<16xi32>
    %min3A_1714 = vector.broadcast %jit3A_1711 : i32 to vector<16xi32>
    %min3A_1715 = arith.minsi %min3A_1714, %max3A_1713 : vector<16xi32>
    %gather3A_1716 = tpu.vector_load_idx %arg9[%min3A_1715] : memref<100xf32, #tpu.memory_space<vmem>>[vector<16xi32>], vector<16xf32>,
    %gather3A_1717 = tpu.vector_load_idx %arg10[%min3A_1715] : memref<100xi32, #tpu.memory_space<vmem>>[vector<16xi32>], vector<16xi32>,
    %ge3A_1718 = arith.constant 0 : i32
    %ge3A_1719 = vector.broadcast %ge3A_1718 : i32 to vector<16xi32>
    %ge3A_1720 = arith.cmpi sge, %gather3A_1709, %ge3A_1719 : vector<16xi32>
    %jit3A_1721 = arith.constant 1.000000e+00 : f32
    %jit3A_1722 = arith.constant 0.000000e+00 : f32
    %broadcast_in_dim3A_1723 = vector.broadcast %jit3A_1721 : f32 to vector<16xf32>
    %broadcast_in_dim3A_1724 = vector.broadcast %jit3A_1722 : f32 to vector<16xf32>
    %select_n3A_1725 = arith.select %ge3A_1720, %broadcast_in_dim3A_1723, %broadcast_in_dim3A_1724 : vector<16xi1>, vector<16xf32>
    %min3A_1726 = arith.minimumf %select_n3A_1725, %gather3A_1716 : vector<16xf32>
    %eq3A_1727 = arith.constant -1 : i32
    %eq3A_1728 = vector.broadcast %eq3A_1727 : i32 to vector<16xi32>
    %eq3A_1729 = arith.cmpi eq, %gather3A_1709, %eq3A_1728 : vector<16xi32>
    %jit3A_1730 = arith.constant 0.000000e+00 : f32
    %broadcast_in_dim3A_1731 = vector.broadcast %jit3A_1730 : f32 to vector<16xf32>
    %select_n3A_1732 = arith.select %eq3A_1729, %broadcast_in_dim3A_1731, %min3A_1726 : vector<16xi1>, vector<16xf32>
    %eq3A_1733 = arith.constant -2 : i32
    %eq3A_1734 = vector.broadcast %eq3A_1733 : i32 to vector<16xi32>
    %eq3A_1735 = arith.cmpi eq, %gather3A_1709, %eq3A_1734 : vector<16xi32>
    %jit3A_1736 = arith.constant -1.000000e+00 : f32
    %broadcast_in_dim3A_1737 = vector.broadcast %jit3A_1736 : f32 to vector<16xf32>
    %select_n3A_1738 = arith.select %eq3A_1735, %broadcast_in_dim3A_1737, %select_n3A_1732 : vector<16xi1>, vector<16xf32>
    %lt3A_1739 = arith.constant 1.000000e+00 : f32
    %lt3A_1740 = vector.broadcast %lt3A_1739 : f32 to vector<16xf32>
    %lt3A_1741 = arith.cmpf olt, %gather3A_1716, %lt3A_1740 : vector<16xf32>
    %and3A_1742 = arith.andi %ge3A_1720, %lt3A_1741 : vector<16xi1>
    %jit3A_1743 = arith.constant -1.000000e+00 : f32
    %broadcast_in_dim3A_1744 = vector.broadcast %jit3A_1743 : f32 to vector<16xf32>
    %select_n3A_1745 = arith.select %and3A_1742, %broadcast_in_dim3A_1744, %select_n3A_1738 : vector<16xi1>, vector<16xf32>
    %eq3A_1746 = arith.constant 0 : i32
    %eq3A_1747 = vector.broadcast %eq3A_1746 : i32 to vector<16xi32>
    %eq3A_1748 = arith.cmpi eq, %gather3A_1717, %eq3A_1747 : vector<16xi32>
    %and3A_1749 = arith.andi %ge3A_1720, %eq3A_1748 : vector<16xi1>
    %jit3A_1750 = arith.constant -1.000000e+00 : f32
    %broadcast_in_dim3A_1751 = vector.broadcast %jit3A_1750 : f32 to vector<16xf32>
    %select_n3A_1752 = arith.select %and3A_1749, %broadcast_in_dim3A_1751, %select_n3A_1745 : vector<16xi1>, vector<16xf32>
    %add3A_1753 = arith.constant 352 : i32
    %add3A_1754 = vector.broadcast %add3A_1753 : i32 to vector<16xi32>
    %add3A_1755 = arith.addi %iota3A, %add3A_1754 : vector<16xi32>
    %broadcast_in_dim3A_1756 = arith.constant 0 : i32
    %broadcast_in_dim3A_1757 = vector.broadcast %broadcast_in_dim3A_1756 : i32 to vector<16xi32>
    tpu.vector_store_idx %arg11[%add3A_1755, %broadcast_in_dim3A_1757], %select_n3A_1752 : memref<640x5xf32, #tpu.memory_space<vmem>>[vector<16xi32>, vector<16xi32>], vector<16xf32>,
    %broadcast_in_dim3A_1758 = arith.constant 0 : i32
    %broadcast_in_dim3A_1759 = vector.broadcast %broadcast_in_dim3A_1758 : i32 to vector<16xi32>
    %gather3A_1760 = tpu.vector_load_idx %arg8[%min3A_1715, %broadcast_in_dim3A_1759] : memref<100x4xf32, #tpu.memory_space<vmem>>[vector<16xi32>, vector<16xi32>], vector<16xf32>,
    %add3A_1761 = arith.constant 1 : i32
    %add3A_1762 = vector.broadcast %add3A_1761 : i32 to vector<16xi32>
    %add3A_1763 = arith.addi %broadcast_in_dim3A_1759, %add3A_1762 : vector<16xi32>
    tpu.vector_store_idx %arg11[%add3A_1755, %add3A_1763], %gather3A_1760 : memref<640x5xf32, #tpu.memory_space<vmem>>[vector<16xi32>, vector<16xi32>], vector<16xf32>,
    %broadcast_in_dim3A_1764 = arith.constant 1 : i32
    %broadcast_in_dim3A_1765 = vector.broadcast %broadcast_in_dim3A_1764 : i32 to vector<16xi32>
    %gather3A_1766 = tpu.vector_load_idx %arg8[%min3A_1715, %broadcast_in_dim3A_1765] : memref<100x4xf32, #tpu.memory_space<vmem>>[vector<16xi32>, vector<16xi32>], vector<16xf32>,
    %add3A_1767 = arith.constant 1 : i32
    %add3A_1768 = vector.broadcast %add3A_1767 : i32 to vector<16xi32>
    %add3A_1769 = arith.addi %broadcast_in_dim3A_1765, %add3A_1768 : vector<16xi32>
    tpu.vector_store_idx %arg11[%add3A_1755, %add3A_1769], %gather3A_1766 : memref<640x5xf32, #tpu.memory_space<vmem>>[vector<16xi32>, vector<16xi32>], vector<16xf32>,
    %broadcast_in_dim3A_1770 = arith.constant 2 : i32
    %broadcast_in_dim3A_1771 = vector.broadcast %broadcast_in_dim3A_1770 : i32 to vector<16xi32>
    %gather3A_1772 = tpu.vector_load_idx %arg8[%min3A_1715, %broadcast_in_dim3A_1771] : memref<100x4xf32, #tpu.memory_space<vmem>>[vector<16xi32>, vector<16xi32>], vector<16xf32>,
    %add3A_1773 = arith.constant 1 : i32
    %add3A_1774 = vector.broadcast %add3A_1773 : i32 to vector<16xi32>
    %add3A_1775 = arith.addi %broadcast_in_dim3A_1771, %add3A_1774 : vector<16xi32>
    tpu.vector_store_idx %arg11[%add3A_1755, %add3A_1775], %gather3A_1772 : memref<640x5xf32, #tpu.memory_space<vmem>>[vector<16xi32>, vector<16xi32>], vector<16xf32>,
    %broadcast_in_dim3A_1776 = arith.constant 3 : i32
    %broadcast_in_dim3A_1777 = vector.broadcast %broadcast_in_dim3A_1776 : i32 to vector<16xi32>
    %gather3A_1778 = tpu.vector_load_idx %arg8[%min3A_1715, %broadcast_in_dim3A_1777] : memref<100x4xf32, #tpu.memory_space<vmem>>[vector<16xi32>, vector<16xi32>], vector<16xf32>,
    %add3A_1779 = arith.constant 1 : i32
    %add3A_1780 = vector.broadcast %add3A_1779 : i32 to vector<16xi32>
    %add3A_1781 = arith.addi %broadcast_in_dim3A_1777, %add3A_1780 : vector<16xi32>
    tpu.vector_store_idx %arg11[%add3A_1755, %add3A_1781], %gather3A_1778 : memref<640x5xf32, #tpu.memory_space<vmem>>[vector<16xi32>, vector<16xi32>], vector<16xf32>,
    %add3A_1782 = arith.constant 368 : i32
    %add3A_1783 = vector.broadcast %add3A_1782 : i32 to vector<16xi32>
    %add3A_1784 = arith.addi %iota3A, %add3A_1783 : vector<16xi32>
    %gather3A_1785 = tpu.vector_load_idx %arg7[%broadcast_in_dim3A_37, %add3A_1784] : memref<1x640xi32, #tpu.memory_space<vmem>>[vector<16xi32>, vector<16xi32>], vector<16xi32>,
    %jit3A_1786 = arith.constant 0 : i32
    %jit3A_1787 = arith.constant 99 : i32
    %max3A_1788 = vector.broadcast %jit3A_1786 : i32 to vector<16xi32>
    %max3A_1789 = arith.maxsi %max3A_1788, %gather3A_1785 : vector<16xi32>
    %min3A_1790 = vector.broadcast %jit3A_1787 : i32 to vector<16xi32>
    %min3A_1791 = arith.minsi %min3A_1790, %max3A_1789 : vector<16xi32>
    %gather3A_1792 = tpu.vector_load_idx %arg9[%min3A_1791] : memref<100xf32, #tpu.memory_space<vmem>>[vector<16xi32>], vector<16xf32>,
    %gather3A_1793 = tpu.vector_load_idx %arg10[%min3A_1791] : memref<100xi32, #tpu.memory_space<vmem>>[vector<16xi32>], vector<16xi32>,
    %ge3A_1794 = arith.constant 0 : i32
    %ge3A_1795 = vector.broadcast %ge3A_1794 : i32 to vector<16xi32>
    %ge3A_1796 = arith.cmpi sge, %gather3A_1785, %ge3A_1795 : vector<16xi32>
    %jit3A_1797 = arith.constant 1.000000e+00 : f32
    %jit3A_1798 = arith.constant 0.000000e+00 : f32
    %broadcast_in_dim3A_1799 = vector.broadcast %jit3A_1797 : f32 to vector<16xf32>
    %broadcast_in_dim3A_1800 = vector.broadcast %jit3A_1798 : f32 to vector<16xf32>
    %select_n3A_1801 = arith.select %ge3A_1796, %broadcast_in_dim3A_1799, %broadcast_in_dim3A_1800 : vector<16xi1>, vector<16xf32>
    %min3A_1802 = arith.minimumf %select_n3A_1801, %gather3A_1792 : vector<16xf32>
    %eq3A_1803 = arith.constant -1 : i32
    %eq3A_1804 = vector.broadcast %eq3A_1803 : i32 to vector<16xi32>
    %eq3A_1805 = arith.cmpi eq, %gather3A_1785, %eq3A_1804 : vector<16xi32>
    %jit3A_1806 = arith.constant 0.000000e+00 : f32
    %broadcast_in_dim3A_1807 = vector.broadcast %jit3A_1806 : f32 to vector<16xf32>
    %select_n3A_1808 = arith.select %eq3A_1805, %broadcast_in_dim3A_1807, %min3A_1802 : vector<16xi1>, vector<16xf32>
    %eq3A_1809 = arith.constant -2 : i32
    %eq3A_1810 = vector.broadcast %eq3A_1809 : i32 to vector<16xi32>
    %eq3A_1811 = arith.cmpi eq, %gather3A_1785, %eq3A_1810 : vector<16xi32>
    %jit3A_1812 = arith.constant -1.000000e+00 : f32
    %broadcast_in_dim3A_1813 = vector.broadcast %jit3A_1812 : f32 to vector<16xf32>
    %select_n3A_1814 = arith.select %eq3A_1811, %broadcast_in_dim3A_1813, %select_n3A_1808 : vector<16xi1>, vector<16xf32>
    %lt3A_1815 = arith.constant 1.000000e+00 : f32
    %lt3A_1816 = vector.broadcast %lt3A_1815 : f32 to vector<16xf32>
    %lt3A_1817 = arith.cmpf olt, %gather3A_1792, %lt3A_1816 : vector<16xf32>
    %and3A_1818 = arith.andi %ge3A_1796, %lt3A_1817 : vector<16xi1>
    %jit3A_1819 = arith.constant -1.000000e+00 : f32
    %broadcast_in_dim3A_1820 = vector.broadcast %jit3A_1819 : f32 to vector<16xf32>
    %select_n3A_1821 = arith.select %and3A_1818, %broadcast_in_dim3A_1820, %select_n3A_1814 : vector<16xi1>, vector<16xf32>
    %eq3A_1822 = arith.constant 0 : i32
    %eq3A_1823 = vector.broadcast %eq3A_1822 : i32 to vector<16xi32>
    %eq3A_1824 = arith.cmpi eq, %gather3A_1793, %eq3A_1823 : vector<16xi32>
    %and3A_1825 = arith.andi %ge3A_1796, %eq3A_1824 : vector<16xi1>
    %jit3A_1826 = arith.constant -1.000000e+00 : f32
    %broadcast_in_dim3A_1827 = vector.broadcast %jit3A_1826 : f32 to vector<16xf32>
    %select_n3A_1828 = arith.select %and3A_1825, %broadcast_in_dim3A_1827, %select_n3A_1821 : vector<16xi1>, vector<16xf32>
    %add3A_1829 = arith.constant 368 : i32
    %add3A_1830 = vector.broadcast %add3A_1829 : i32 to vector<16xi32>
    %add3A_1831 = arith.addi %iota3A, %add3A_1830 : vector<16xi32>
    %broadcast_in_dim3A_1832 = arith.constant 0 : i32
    %broadcast_in_dim3A_1833 = vector.broadcast %broadcast_in_dim3A_1832 : i32 to vector<16xi32>
    tpu.vector_store_idx %arg11[%add3A_1831, %broadcast_in_dim3A_1833], %select_n3A_1828 : memref<640x5xf32, #tpu.memory_space<vmem>>[vector<16xi32>, vector<16xi32>], vector<16xf32>,
    %broadcast_in_dim3A_1834 = arith.constant 0 : i32
    %broadcast_in_dim3A_1835 = vector.broadcast %broadcast_in_dim3A_1834 : i32 to vector<16xi32>
    %gather3A_1836 = tpu.vector_load_idx %arg8[%min3A_1791, %broadcast_in_dim3A_1835] : memref<100x4xf32, #tpu.memory_space<vmem>>[vector<16xi32>, vector<16xi32>], vector<16xf32>,
    %add3A_1837 = arith.constant 1 : i32
    %add3A_1838 = vector.broadcast %add3A_1837 : i32 to vector<16xi32>
    %add3A_1839 = arith.addi %broadcast_in_dim3A_1835, %add3A_1838 : vector<16xi32>
    tpu.vector_store_idx %arg11[%add3A_1831, %add3A_1839], %gather3A_1836 : memref<640x5xf32, #tpu.memory_space<vmem>>[vector<16xi32>, vector<16xi32>], vector<16xf32>,
    %broadcast_in_dim3A_1840 = arith.constant 1 : i32
    %broadcast_in_dim3A_1841 = vector.broadcast %broadcast_in_dim3A_1840 : i32 to vector<16xi32>
    %gather3A_1842 = tpu.vector_load_idx %arg8[%min3A_1791, %broadcast_in_dim3A_1841] : memref<100x4xf32, #tpu.memory_space<vmem>>[vector<16xi32>, vector<16xi32>], vector<16xf32>,
    %add3A_1843 = arith.constant 1 : i32
    %add3A_1844 = vector.broadcast %add3A_1843 : i32 to vector<16xi32>
    %add3A_1845 = arith.addi %broadcast_in_dim3A_1841, %add3A_1844 : vector<16xi32>
    tpu.vector_store_idx %arg11[%add3A_1831, %add3A_1845], %gather3A_1842 : memref<640x5xf32, #tpu.memory_space<vmem>>[vector<16xi32>, vector<16xi32>], vector<16xf32>,
    %broadcast_in_dim3A_1846 = arith.constant 2 : i32
    %broadcast_in_dim3A_1847 = vector.broadcast %broadcast_in_dim3A_1846 : i32 to vector<16xi32>
    %gather3A_1848 = tpu.vector_load_idx %arg8[%min3A_1791, %broadcast_in_dim3A_1847] : memref<100x4xf32, #tpu.memory_space<vmem>>[vector<16xi32>, vector<16xi32>], vector<16xf32>,
    %add3A_1849 = arith.constant 1 : i32
    %add3A_1850 = vector.broadcast %add3A_1849 : i32 to vector<16xi32>
    %add3A_1851 = arith.addi %broadcast_in_dim3A_1847, %add3A_1850 : vector<16xi32>
    tpu.vector_store_idx %arg11[%add3A_1831, %add3A_1851], %gather3A_1848 : memref<640x5xf32, #tpu.memory_space<vmem>>[vector<16xi32>, vector<16xi32>], vector<16xf32>,
    %broadcast_in_dim3A_1852 = arith.constant 3 : i32
    %broadcast_in_dim3A_1853 = vector.broadcast %broadcast_in_dim3A_1852 : i32 to vector<16xi32>
    %gather3A_1854 = tpu.vector_load_idx %arg8[%min3A_1791, %broadcast_in_dim3A_1853] : memref<100x4xf32, #tpu.memory_space<vmem>>[vector<16xi32>, vector<16xi32>], vector<16xf32>,
    %add3A_1855 = arith.constant 1 : i32
    %add3A_1856 = vector.broadcast %add3A_1855 : i32 to vector<16xi32>
    %add3A_1857 = arith.addi %broadcast_in_dim3A_1853, %add3A_1856 : vector<16xi32>
    tpu.vector_store_idx %arg11[%add3A_1831, %add3A_1857], %gather3A_1854 : memref<640x5xf32, #tpu.memory_space<vmem>>[vector<16xi32>, vector<16xi32>], vector<16xf32>,
    %add3A_1858 = arith.constant 384 : i32
    %add3A_1859 = vector.broadcast %add3A_1858 : i32 to vector<16xi32>
    %add3A_1860 = arith.addi %iota3A, %add3A_1859 : vector<16xi32>
    %gather3A_1861 = tpu.vector_load_idx %arg7[%broadcast_in_dim3A_37, %add3A_1860] : memref<1x640xi32, #tpu.memory_space<vmem>>[vector<16xi32>, vector<16xi32>], vector<16xi32>,
    %jit3A_1862 = arith.constant 0 : i32
    %jit3A_1863 = arith.constant 99 : i32
    %max3A_1864 = vector.broadcast %jit3A_1862 : i32 to vector<16xi32>
    %max3A_1865 = arith.maxsi %max3A_1864, %gather3A_1861 : vector<16xi32>
    %min3A_1866 = vector.broadcast %jit3A_1863 : i32 to vector<16xi32>
    %min3A_1867 = arith.minsi %min3A_1866, %max3A_1865 : vector<16xi32>
    %gather3A_1868 = tpu.vector_load_idx %arg9[%min3A_1867] : memref<100xf32, #tpu.memory_space<vmem>>[vector<16xi32>], vector<16xf32>,
    %gather3A_1869 = tpu.vector_load_idx %arg10[%min3A_1867] : memref<100xi32, #tpu.memory_space<vmem>>[vector<16xi32>], vector<16xi32>,
    %ge3A_1870 = arith.constant 0 : i32
    %ge3A_1871 = vector.broadcast %ge3A_1870 : i32 to vector<16xi32>
    %ge3A_1872 = arith.cmpi sge, %gather3A_1861, %ge3A_1871 : vector<16xi32>
    %jit3A_1873 = arith.constant 1.000000e+00 : f32
    %jit3A_1874 = arith.constant 0.000000e+00 : f32
    %broadcast_in_dim3A_1875 = vector.broadcast %jit3A_1873 : f32 to vector<16xf32>
    %broadcast_in_dim3A_1876 = vector.broadcast %jit3A_1874 : f32 to vector<16xf32>
    %select_n3A_1877 = arith.select %ge3A_1872, %broadcast_in_dim3A_1875, %broadcast_in_dim3A_1876 : vector<16xi1>, vector<16xf32>
    %min3A_1878 = arith.minimumf %select_n3A_1877, %gather3A_1868 : vector<16xf32>
    %eq3A_1879 = arith.constant -1 : i32
    %eq3A_1880 = vector.broadcast %eq3A_1879 : i32 to vector<16xi32>
    %eq3A_1881 = arith.cmpi eq, %gather3A_1861, %eq3A_1880 : vector<16xi32>
    %jit3A_1882 = arith.constant 0.000000e+00 : f32
    %broadcast_in_dim3A_1883 = vector.broadcast %jit3A_1882 : f32 to vector<16xf32>
    %select_n3A_1884 = arith.select %eq3A_1881, %broadcast_in_dim3A_1883, %min3A_1878 : vector<16xi1>, vector<16xf32>
    %eq3A_1885 = arith.constant -2 : i32
    %eq3A_1886 = vector.broadcast %eq3A_1885 : i32 to vector<16xi32>
    %eq3A_1887 = arith.cmpi eq, %gather3A_1861, %eq3A_1886 : vector<16xi32>
    %jit3A_1888 = arith.constant -1.000000e+00 : f32
    %broadcast_in_dim3A_1889 = vector.broadcast %jit3A_1888 : f32 to vector<16xf32>
    %select_n3A_1890 = arith.select %eq3A_1887, %broadcast_in_dim3A_1889, %select_n3A_1884 : vector<16xi1>, vector<16xf32>
    %lt3A_1891 = arith.constant 1.000000e+00 : f32
    %lt3A_1892 = vector.broadcast %lt3A_1891 : f32 to vector<16xf32>
    %lt3A_1893 = arith.cmpf olt, %gather3A_1868, %lt3A_1892 : vector<16xf32>
    %and3A_1894 = arith.andi %ge3A_1872, %lt3A_1893 : vector<16xi1>
    %jit3A_1895 = arith.constant -1.000000e+00 : f32
    %broadcast_in_dim3A_1896 = vector.broadcast %jit3A_1895 : f32 to vector<16xf32>
    %select_n3A_1897 = arith.select %and3A_1894, %broadcast_in_dim3A_1896, %select_n3A_1890 : vector<16xi1>, vector<16xf32>
    %eq3A_1898 = arith.constant 0 : i32
    %eq3A_1899 = vector.broadcast %eq3A_1898 : i32 to vector<16xi32>
    %eq3A_1900 = arith.cmpi eq, %gather3A_1869, %eq3A_1899 : vector<16xi32>
    %and3A_1901 = arith.andi %ge3A_1872, %eq3A_1900 : vector<16xi1>
    %jit3A_1902 = arith.constant -1.000000e+00 : f32
    %broadcast_in_dim3A_1903 = vector.broadcast %jit3A_1902 : f32 to vector<16xf32>
    %select_n3A_1904 = arith.select %and3A_1901, %broadcast_in_dim3A_1903, %select_n3A_1897 : vector<16xi1>, vector<16xf32>
    %add3A_1905 = arith.constant 384 : i32
    %add3A_1906 = vector.broadcast %add3A_1905 : i32 to vector<16xi32>
    %add3A_1907 = arith.addi %iota3A, %add3A_1906 : vector<16xi32>
    %broadcast_in_dim3A_1908 = arith.constant 0 : i32
    %broadcast_in_dim3A_1909 = vector.broadcast %broadcast_in_dim3A_1908 : i32 to vector<16xi32>
    tpu.vector_store_idx %arg11[%add3A_1907, %broadcast_in_dim3A_1909], %select_n3A_1904 : memref<640x5xf32, #tpu.memory_space<vmem>>[vector<16xi32>, vector<16xi32>], vector<16xf32>,
    %broadcast_in_dim3A_1910 = arith.constant 0 : i32
    %broadcast_in_dim3A_1911 = vector.broadcast %broadcast_in_dim3A_1910 : i32 to vector<16xi32>
    %gather3A_1912 = tpu.vector_load_idx %arg8[%min3A_1867, %broadcast_in_dim3A_1911] : memref<100x4xf32, #tpu.memory_space<vmem>>[vector<16xi32>, vector<16xi32>], vector<16xf32>,
    %add3A_1913 = arith.constant 1 : i32
    %add3A_1914 = vector.broadcast %add3A_1913 : i32 to vector<16xi32>
    %add3A_1915 = arith.addi %broadcast_in_dim3A_1911, %add3A_1914 : vector<16xi32>
    tpu.vector_store_idx %arg11[%add3A_1907, %add3A_1915], %gather3A_1912 : memref<640x5xf32, #tpu.memory_space<vmem>>[vector<16xi32>, vector<16xi32>], vector<16xf32>,
    %broadcast_in_dim3A_1916 = arith.constant 1 : i32
    %broadcast_in_dim3A_1917 = vector.broadcast %broadcast_in_dim3A_1916 : i32 to vector<16xi32>
    %gather3A_1918 = tpu.vector_load_idx %arg8[%min3A_1867, %broadcast_in_dim3A_1917] : memref<100x4xf32, #tpu.memory_space<vmem>>[vector<16xi32>, vector<16xi32>], vector<16xf32>,
    %add3A_1919 = arith.constant 1 : i32
    %add3A_1920 = vector.broadcast %add3A_1919 : i32 to vector<16xi32>
    %add3A_1921 = arith.addi %broadcast_in_dim3A_1917, %add3A_1920 : vector<16xi32>
    tpu.vector_store_idx %arg11[%add3A_1907, %add3A_1921], %gather3A_1918 : memref<640x5xf32, #tpu.memory_space<vmem>>[vector<16xi32>, vector<16xi32>], vector<16xf32>,
    %broadcast_in_dim3A_1922 = arith.constant 2 : i32
    %broadcast_in_dim3A_1923 = vector.broadcast %broadcast_in_dim3A_1922 : i32 to vector<16xi32>
    %gather3A_1924 = tpu.vector_load_idx %arg8[%min3A_1867, %broadcast_in_dim3A_1923] : memref<100x4xf32, #tpu.memory_space<vmem>>[vector<16xi32>, vector<16xi32>], vector<16xf32>,
    %add3A_1925 = arith.constant 1 : i32
    %add3A_1926 = vector.broadcast %add3A_1925 : i32 to vector<16xi32>
    %add3A_1927 = arith.addi %broadcast_in_dim3A_1923, %add3A_1926 : vector<16xi32>
    tpu.vector_store_idx %arg11[%add3A_1907, %add3A_1927], %gather3A_1924 : memref<640x5xf32, #tpu.memory_space<vmem>>[vector<16xi32>, vector<16xi32>], vector<16xf32>,
    %broadcast_in_dim3A_1928 = arith.constant 3 : i32
    %broadcast_in_dim3A_1929 = vector.broadcast %broadcast_in_dim3A_1928 : i32 to vector<16xi32>
    %gather3A_1930 = tpu.vector_load_idx %arg8[%min3A_1867, %broadcast_in_dim3A_1929] : memref<100x4xf32, #tpu.memory_space<vmem>>[vector<16xi32>, vector<16xi32>], vector<16xf32>,
    %add3A_1931 = arith.constant 1 : i32
    %add3A_1932 = vector.broadcast %add3A_1931 : i32 to vector<16xi32>
    %add3A_1933 = arith.addi %broadcast_in_dim3A_1929, %add3A_1932 : vector<16xi32>
    tpu.vector_store_idx %arg11[%add3A_1907, %add3A_1933], %gather3A_1930 : memref<640x5xf32, #tpu.memory_space<vmem>>[vector<16xi32>, vector<16xi32>], vector<16xf32>,
    %add3A_1934 = arith.constant 400 : i32
    %add3A_1935 = vector.broadcast %add3A_1934 : i32 to vector<16xi32>
    %add3A_1936 = arith.addi %iota3A, %add3A_1935 : vector<16xi32>
    %gather3A_1937 = tpu.vector_load_idx %arg7[%broadcast_in_dim3A_37, %add3A_1936] : memref<1x640xi32, #tpu.memory_space<vmem>>[vector<16xi32>, vector<16xi32>], vector<16xi32>,
    %jit3A_1938 = arith.constant 0 : i32
    %jit3A_1939 = arith.constant 99 : i32
    %max3A_1940 = vector.broadcast %jit3A_1938 : i32 to vector<16xi32>
    %max3A_1941 = arith.maxsi %max3A_1940, %gather3A_1937 : vector<16xi32>
    %min3A_1942 = vector.broadcast %jit3A_1939 : i32 to vector<16xi32>
    %min3A_1943 = arith.minsi %min3A_1942, %max3A_1941 : vector<16xi32>
    %gather3A_1944 = tpu.vector_load_idx %arg9[%min3A_1943] : memref<100xf32, #tpu.memory_space<vmem>>[vector<16xi32>], vector<16xf32>,
    %gather3A_1945 = tpu.vector_load_idx %arg10[%min3A_1943] : memref<100xi32, #tpu.memory_space<vmem>>[vector<16xi32>], vector<16xi32>,
    %ge3A_1946 = arith.constant 0 : i32
    %ge3A_1947 = vector.broadcast %ge3A_1946 : i32 to vector<16xi32>
    %ge3A_1948 = arith.cmpi sge, %gather3A_1937, %ge3A_1947 : vector<16xi32>
    %jit3A_1949 = arith.constant 1.000000e+00 : f32
    %jit3A_1950 = arith.constant 0.000000e+00 : f32
    %broadcast_in_dim3A_1951 = vector.broadcast %jit3A_1949 : f32 to vector<16xf32>
    %broadcast_in_dim3A_1952 = vector.broadcast %jit3A_1950 : f32 to vector<16xf32>
    %select_n3A_1953 = arith.select %ge3A_1948, %broadcast_in_dim3A_1951, %broadcast_in_dim3A_1952 : vector<16xi1>, vector<16xf32>
    %min3A_1954 = arith.minimumf %select_n3A_1953, %gather3A_1944 : vector<16xf32>
    %eq3A_1955 = arith.constant -1 : i32
    %eq3A_1956 = vector.broadcast %eq3A_1955 : i32 to vector<16xi32>
    %eq3A_1957 = arith.cmpi eq, %gather3A_1937, %eq3A_1956 : vector<16xi32>
    %jit3A_1958 = arith.constant 0.000000e+00 : f32
    %broadcast_in_dim3A_1959 = vector.broadcast %jit3A_1958 : f32 to vector<16xf32>
    %select_n3A_1960 = arith.select %eq3A_1957, %broadcast_in_dim3A_1959, %min3A_1954 : vector<16xi1>, vector<16xf32>
    %eq3A_1961 = arith.constant -2 : i32
    %eq3A_1962 = vector.broadcast %eq3A_1961 : i32 to vector<16xi32>
    %eq3A_1963 = arith.cmpi eq, %gather3A_1937, %eq3A_1962 : vector<16xi32>
    %jit3A_1964 = arith.constant -1.000000e+00 : f32
    %broadcast_in_dim3A_1965 = vector.broadcast %jit3A_1964 : f32 to vector<16xf32>
    %select_n3A_1966 = arith.select %eq3A_1963, %broadcast_in_dim3A_1965, %select_n3A_1960 : vector<16xi1>, vector<16xf32>
    %lt3A_1967 = arith.constant 1.000000e+00 : f32
    %lt3A_1968 = vector.broadcast %lt3A_1967 : f32 to vector<16xf32>
    %lt3A_1969 = arith.cmpf olt, %gather3A_1944, %lt3A_1968 : vector<16xf32>
    %and3A_1970 = arith.andi %ge3A_1948, %lt3A_1969 : vector<16xi1>
    %jit3A_1971 = arith.constant -1.000000e+00 : f32
    %broadcast_in_dim3A_1972 = vector.broadcast %jit3A_1971 : f32 to vector<16xf32>
    %select_n3A_1973 = arith.select %and3A_1970, %broadcast_in_dim3A_1972, %select_n3A_1966 : vector<16xi1>, vector<16xf32>
    %eq3A_1974 = arith.constant 0 : i32
    %eq3A_1975 = vector.broadcast %eq3A_1974 : i32 to vector<16xi32>
    %eq3A_1976 = arith.cmpi eq, %gather3A_1945, %eq3A_1975 : vector<16xi32>
    %and3A_1977 = arith.andi %ge3A_1948, %eq3A_1976 : vector<16xi1>
    %jit3A_1978 = arith.constant -1.000000e+00 : f32
    %broadcast_in_dim3A_1979 = vector.broadcast %jit3A_1978 : f32 to vector<16xf32>
    %select_n3A_1980 = arith.select %and3A_1977, %broadcast_in_dim3A_1979, %select_n3A_1973 : vector<16xi1>, vector<16xf32>
    %add3A_1981 = arith.constant 400 : i32
    %add3A_1982 = vector.broadcast %add3A_1981 : i32 to vector<16xi32>
    %add3A_1983 = arith.addi %iota3A, %add3A_1982 : vector<16xi32>
    %broadcast_in_dim3A_1984 = arith.constant 0 : i32
    %broadcast_in_dim3A_1985 = vector.broadcast %broadcast_in_dim3A_1984 : i32 to vector<16xi32>
    tpu.vector_store_idx %arg11[%add3A_1983, %broadcast_in_dim3A_1985], %select_n3A_1980 : memref<640x5xf32, #tpu.memory_space<vmem>>[vector<16xi32>, vector<16xi32>], vector<16xf32>,
    %broadcast_in_dim3A_1986 = arith.constant 0 : i32
    %broadcast_in_dim3A_1987 = vector.broadcast %broadcast_in_dim3A_1986 : i32 to vector<16xi32>
    %gather3A_1988 = tpu.vector_load_idx %arg8[%min3A_1943, %broadcast_in_dim3A_1987] : memref<100x4xf32, #tpu.memory_space<vmem>>[vector<16xi32>, vector<16xi32>], vector<16xf32>,
    %add3A_1989 = arith.constant 1 : i32
    %add3A_1990 = vector.broadcast %add3A_1989 : i32 to vector<16xi32>
    %add3A_1991 = arith.addi %broadcast_in_dim3A_1987, %add3A_1990 : vector<16xi32>
    tpu.vector_store_idx %arg11[%add3A_1983, %add3A_1991], %gather3A_1988 : memref<640x5xf32, #tpu.memory_space<vmem>>[vector<16xi32>, vector<16xi32>], vector<16xf32>,
    %broadcast_in_dim3A_1992 = arith.constant 1 : i32
    %broadcast_in_dim3A_1993 = vector.broadcast %broadcast_in_dim3A_1992 : i32 to vector<16xi32>
    %gather3A_1994 = tpu.vector_load_idx %arg8[%min3A_1943, %broadcast_in_dim3A_1993] : memref<100x4xf32, #tpu.memory_space<vmem>>[vector<16xi32>, vector<16xi32>], vector<16xf32>,
    %add3A_1995 = arith.constant 1 : i32
    %add3A_1996 = vector.broadcast %add3A_1995 : i32 to vector<16xi32>
    %add3A_1997 = arith.addi %broadcast_in_dim3A_1993, %add3A_1996 : vector<16xi32>
    tpu.vector_store_idx %arg11[%add3A_1983, %add3A_1997], %gather3A_1994 : memref<640x5xf32, #tpu.memory_space<vmem>>[vector<16xi32>, vector<16xi32>], vector<16xf32>,
    %broadcast_in_dim3A_1998 = arith.constant 2 : i32
    %broadcast_in_dim3A_1999 = vector.broadcast %broadcast_in_dim3A_1998 : i32 to vector<16xi32>
    %gather3A_2000 = tpu.vector_load_idx %arg8[%min3A_1943, %broadcast_in_dim3A_1999] : memref<100x4xf32, #tpu.memory_space<vmem>>[vector<16xi32>, vector<16xi32>], vector<16xf32>,
    %add3A_2001 = arith.constant 1 : i32
    %add3A_2002 = vector.broadcast %add3A_2001 : i32 to vector<16xi32>
    %add3A_2003 = arith.addi %broadcast_in_dim3A_1999, %add3A_2002 : vector<16xi32>
    tpu.vector_store_idx %arg11[%add3A_1983, %add3A_2003], %gather3A_2000 : memref<640x5xf32, #tpu.memory_space<vmem>>[vector<16xi32>, vector<16xi32>], vector<16xf32>,
    %broadcast_in_dim3A_2004 = arith.constant 3 : i32
    %broadcast_in_dim3A_2005 = vector.broadcast %broadcast_in_dim3A_2004 : i32 to vector<16xi32>
    %gather3A_2006 = tpu.vector_load_idx %arg8[%min3A_1943, %broadcast_in_dim3A_2005] : memref<100x4xf32, #tpu.memory_space<vmem>>[vector<16xi32>, vector<16xi32>], vector<16xf32>,
    %add3A_2007 = arith.constant 1 : i32
    %add3A_2008 = vector.broadcast %add3A_2007 : i32 to vector<16xi32>
    %add3A_2009 = arith.addi %broadcast_in_dim3A_2005, %add3A_2008 : vector<16xi32>
    tpu.vector_store_idx %arg11[%add3A_1983, %add3A_2009], %gather3A_2006 : memref<640x5xf32, #tpu.memory_space<vmem>>[vector<16xi32>, vector<16xi32>], vector<16xf32>,
    %add3A_2010 = arith.constant 416 : i32
    %add3A_2011 = vector.broadcast %add3A_2010 : i32 to vector<16xi32>
    %add3A_2012 = arith.addi %iota3A, %add3A_2011 : vector<16xi32>
    %gather3A_2013 = tpu.vector_load_idx %arg7[%broadcast_in_dim3A_37, %add3A_2012] : memref<1x640xi32, #tpu.memory_space<vmem>>[vector<16xi32>, vector<16xi32>], vector<16xi32>,
    %jit3A_2014 = arith.constant 0 : i32
    %jit3A_2015 = arith.constant 99 : i32
    %max3A_2016 = vector.broadcast %jit3A_2014 : i32 to vector<16xi32>
    %max3A_2017 = arith.maxsi %max3A_2016, %gather3A_2013 : vector<16xi32>
    %min3A_2018 = vector.broadcast %jit3A_2015 : i32 to vector<16xi32>
    %min3A_2019 = arith.minsi %min3A_2018, %max3A_2017 : vector<16xi32>
    %gather3A_2020 = tpu.vector_load_idx %arg9[%min3A_2019] : memref<100xf32, #tpu.memory_space<vmem>>[vector<16xi32>], vector<16xf32>,
    %gather3A_2021 = tpu.vector_load_idx %arg10[%min3A_2019] : memref<100xi32, #tpu.memory_space<vmem>>[vector<16xi32>], vector<16xi32>,
    %ge3A_2022 = arith.constant 0 : i32
    %ge3A_2023 = vector.broadcast %ge3A_2022 : i32 to vector<16xi32>
    %ge3A_2024 = arith.cmpi sge, %gather3A_2013, %ge3A_2023 : vector<16xi32>
    %jit3A_2025 = arith.constant 1.000000e+00 : f32
    %jit3A_2026 = arith.constant 0.000000e+00 : f32
    %broadcast_in_dim3A_2027 = vector.broadcast %jit3A_2025 : f32 to vector<16xf32>
    %broadcast_in_dim3A_2028 = vector.broadcast %jit3A_2026 : f32 to vector<16xf32>
    %select_n3A_2029 = arith.select %ge3A_2024, %broadcast_in_dim3A_2027, %broadcast_in_dim3A_2028 : vector<16xi1>, vector<16xf32>
    %min3A_2030 = arith.minimumf %select_n3A_2029, %gather3A_2020 : vector<16xf32>
    %eq3A_2031 = arith.constant -1 : i32
    %eq3A_2032 = vector.broadcast %eq3A_2031 : i32 to vector<16xi32>
    %eq3A_2033 = arith.cmpi eq, %gather3A_2013, %eq3A_2032 : vector<16xi32>
    %jit3A_2034 = arith.constant 0.000000e+00 : f32
    %broadcast_in_dim3A_2035 = vector.broadcast %jit3A_2034 : f32 to vector<16xf32>
    %select_n3A_2036 = arith.select %eq3A_2033, %broadcast_in_dim3A_2035, %min3A_2030 : vector<16xi1>, vector<16xf32>
    %eq3A_2037 = arith.constant -2 : i32
    %eq3A_2038 = vector.broadcast %eq3A_2037 : i32 to vector<16xi32>
    %eq3A_2039 = arith.cmpi eq, %gather3A_2013, %eq3A_2038 : vector<16xi32>
    %jit3A_2040 = arith.constant -1.000000e+00 : f32
    %broadcast_in_dim3A_2041 = vector.broadcast %jit3A_2040 : f32 to vector<16xf32>
    %select_n3A_2042 = arith.select %eq3A_2039, %broadcast_in_dim3A_2041, %select_n3A_2036 : vector<16xi1>, vector<16xf32>
    %lt3A_2043 = arith.constant 1.000000e+00 : f32
    %lt3A_2044 = vector.broadcast %lt3A_2043 : f32 to vector<16xf32>
    %lt3A_2045 = arith.cmpf olt, %gather3A_2020, %lt3A_2044 : vector<16xf32>
    %and3A_2046 = arith.andi %ge3A_2024, %lt3A_2045 : vector<16xi1>
    %jit3A_2047 = arith.constant -1.000000e+00 : f32
    %broadcast_in_dim3A_2048 = vector.broadcast %jit3A_2047 : f32 to vector<16xf32>
    %select_n3A_2049 = arith.select %and3A_2046, %broadcast_in_dim3A_2048, %select_n3A_2042 : vector<16xi1>, vector<16xf32>
    %eq3A_2050 = arith.constant 0 : i32
    %eq3A_2051 = vector.broadcast %eq3A_2050 : i32 to vector<16xi32>
    %eq3A_2052 = arith.cmpi eq, %gather3A_2021, %eq3A_2051 : vector<16xi32>
    %and3A_2053 = arith.andi %ge3A_2024, %eq3A_2052 : vector<16xi1>
    %jit3A_2054 = arith.constant -1.000000e+00 : f32
    %broadcast_in_dim3A_2055 = vector.broadcast %jit3A_2054 : f32 to vector<16xf32>
    %select_n3A_2056 = arith.select %and3A_2053, %broadcast_in_dim3A_2055, %select_n3A_2049 : vector<16xi1>, vector<16xf32>
    %add3A_2057 = arith.constant 416 : i32
    %add3A_2058 = vector.broadcast %add3A_2057 : i32 to vector<16xi32>
    %add3A_2059 = arith.addi %iota3A, %add3A_2058 : vector<16xi32>
    %broadcast_in_dim3A_2060 = arith.constant 0 : i32
    %broadcast_in_dim3A_2061 = vector.broadcast %broadcast_in_dim3A_2060 : i32 to vector<16xi32>
    tpu.vector_store_idx %arg11[%add3A_2059, %broadcast_in_dim3A_2061], %select_n3A_2056 : memref<640x5xf32, #tpu.memory_space<vmem>>[vector<16xi32>, vector<16xi32>], vector<16xf32>,
    %broadcast_in_dim3A_2062 = arith.constant 0 : i32
    %broadcast_in_dim3A_2063 = vector.broadcast %broadcast_in_dim3A_2062 : i32 to vector<16xi32>
    %gather3A_2064 = tpu.vector_load_idx %arg8[%min3A_2019, %broadcast_in_dim3A_2063] : memref<100x4xf32, #tpu.memory_space<vmem>>[vector<16xi32>, vector<16xi32>], vector<16xf32>,
    %add3A_2065 = arith.constant 1 : i32
    %add3A_2066 = vector.broadcast %add3A_2065 : i32 to vector<16xi32>
    %add3A_2067 = arith.addi %broadcast_in_dim3A_2063, %add3A_2066 : vector<16xi32>
    tpu.vector_store_idx %arg11[%add3A_2059, %add3A_2067], %gather3A_2064 : memref<640x5xf32, #tpu.memory_space<vmem>>[vector<16xi32>, vector<16xi32>], vector<16xf32>,
    %broadcast_in_dim3A_2068 = arith.constant 1 : i32
    %broadcast_in_dim3A_2069 = vector.broadcast %broadcast_in_dim3A_2068 : i32 to vector<16xi32>
    %gather3A_2070 = tpu.vector_load_idx %arg8[%min3A_2019, %broadcast_in_dim3A_2069] : memref<100x4xf32, #tpu.memory_space<vmem>>[vector<16xi32>, vector<16xi32>], vector<16xf32>,
    %add3A_2071 = arith.constant 1 : i32
    %add3A_2072 = vector.broadcast %add3A_2071 : i32 to vector<16xi32>
    %add3A_2073 = arith.addi %broadcast_in_dim3A_2069, %add3A_2072 : vector<16xi32>
    tpu.vector_store_idx %arg11[%add3A_2059, %add3A_2073], %gather3A_2070 : memref<640x5xf32, #tpu.memory_space<vmem>>[vector<16xi32>, vector<16xi32>], vector<16xf32>,
    %broadcast_in_dim3A_2074 = arith.constant 2 : i32
    %broadcast_in_dim3A_2075 = vector.broadcast %broadcast_in_dim3A_2074 : i32 to vector<16xi32>
    %gather3A_2076 = tpu.vector_load_idx %arg8[%min3A_2019, %broadcast_in_dim3A_2075] : memref<100x4xf32, #tpu.memory_space<vmem>>[vector<16xi32>, vector<16xi32>], vector<16xf32>,
    %add3A_2077 = arith.constant 1 : i32
    %add3A_2078 = vector.broadcast %add3A_2077 : i32 to vector<16xi32>
    %add3A_2079 = arith.addi %broadcast_in_dim3A_2075, %add3A_2078 : vector<16xi32>
    tpu.vector_store_idx %arg11[%add3A_2059, %add3A_2079], %gather3A_2076 : memref<640x5xf32, #tpu.memory_space<vmem>>[vector<16xi32>, vector<16xi32>], vector<16xf32>,
    %broadcast_in_dim3A_2080 = arith.constant 3 : i32
    %broadcast_in_dim3A_2081 = vector.broadcast %broadcast_in_dim3A_2080 : i32 to vector<16xi32>
    %gather3A_2082 = tpu.vector_load_idx %arg8[%min3A_2019, %broadcast_in_dim3A_2081] : memref<100x4xf32, #tpu.memory_space<vmem>>[vector<16xi32>, vector<16xi32>], vector<16xf32>,
    %add3A_2083 = arith.constant 1 : i32
    %add3A_2084 = vector.broadcast %add3A_2083 : i32 to vector<16xi32>
    %add3A_2085 = arith.addi %broadcast_in_dim3A_2081, %add3A_2084 : vector<16xi32>
    tpu.vector_store_idx %arg11[%add3A_2059, %add3A_2085], %gather3A_2082 : memref<640x5xf32, #tpu.memory_space<vmem>>[vector<16xi32>, vector<16xi32>], vector<16xf32>,
    %add3A_2086 = arith.constant 432 : i32
    %add3A_2087 = vector.broadcast %add3A_2086 : i32 to vector<16xi32>
    %add3A_2088 = arith.addi %iota3A, %add3A_2087 : vector<16xi32>
    %gather3A_2089 = tpu.vector_load_idx %arg7[%broadcast_in_dim3A_37, %add3A_2088] : memref<1x640xi32, #tpu.memory_space<vmem>>[vector<16xi32>, vector<16xi32>], vector<16xi32>,
    %jit3A_2090 = arith.constant 0 : i32
    %jit3A_2091 = arith.constant 99 : i32
    %max3A_2092 = vector.broadcast %jit3A_2090 : i32 to vector<16xi32>
    %max3A_2093 = arith.maxsi %max3A_2092, %gather3A_2089 : vector<16xi32>
    %min3A_2094 = vector.broadcast %jit3A_2091 : i32 to vector<16xi32>
    %min3A_2095 = arith.minsi %min3A_2094, %max3A_2093 : vector<16xi32>
    %gather3A_2096 = tpu.vector_load_idx %arg9[%min3A_2095] : memref<100xf32, #tpu.memory_space<vmem>>[vector<16xi32>], vector<16xf32>,
    %gather3A_2097 = tpu.vector_load_idx %arg10[%min3A_2095] : memref<100xi32, #tpu.memory_space<vmem>>[vector<16xi32>], vector<16xi32>,
    %ge3A_2098 = arith.constant 0 : i32
    %ge3A_2099 = vector.broadcast %ge3A_2098 : i32 to vector<16xi32>
    %ge3A_2100 = arith.cmpi sge, %gather3A_2089, %ge3A_2099 : vector<16xi32>
    %jit3A_2101 = arith.constant 1.000000e+00 : f32
    %jit3A_2102 = arith.constant 0.000000e+00 : f32
    %broadcast_in_dim3A_2103 = vector.broadcast %jit3A_2101 : f32 to vector<16xf32>
    %broadcast_in_dim3A_2104 = vector.broadcast %jit3A_2102 : f32 to vector<16xf32>
    %select_n3A_2105 = arith.select %ge3A_2100, %broadcast_in_dim3A_2103, %broadcast_in_dim3A_2104 : vector<16xi1>, vector<16xf32>
    %min3A_2106 = arith.minimumf %select_n3A_2105, %gather3A_2096 : vector<16xf32>
    %eq3A_2107 = arith.constant -1 : i32
    %eq3A_2108 = vector.broadcast %eq3A_2107 : i32 to vector<16xi32>
    %eq3A_2109 = arith.cmpi eq, %gather3A_2089, %eq3A_2108 : vector<16xi32>
    %jit3A_2110 = arith.constant 0.000000e+00 : f32
    %broadcast_in_dim3A_2111 = vector.broadcast %jit3A_2110 : f32 to vector<16xf32>
    %select_n3A_2112 = arith.select %eq3A_2109, %broadcast_in_dim3A_2111, %min3A_2106 : vector<16xi1>, vector<16xf32>
    %eq3A_2113 = arith.constant -2 : i32
    %eq3A_2114 = vector.broadcast %eq3A_2113 : i32 to vector<16xi32>
    %eq3A_2115 = arith.cmpi eq, %gather3A_2089, %eq3A_2114 : vector<16xi32>
    %jit3A_2116 = arith.constant -1.000000e+00 : f32
    %broadcast_in_dim3A_2117 = vector.broadcast %jit3A_2116 : f32 to vector<16xf32>
    %select_n3A_2118 = arith.select %eq3A_2115, %broadcast_in_dim3A_2117, %select_n3A_2112 : vector<16xi1>, vector<16xf32>
    %lt3A_2119 = arith.constant 1.000000e+00 : f32
    %lt3A_2120 = vector.broadcast %lt3A_2119 : f32 to vector<16xf32>
    %lt3A_2121 = arith.cmpf olt, %gather3A_2096, %lt3A_2120 : vector<16xf32>
    %and3A_2122 = arith.andi %ge3A_2100, %lt3A_2121 : vector<16xi1>
    %jit3A_2123 = arith.constant -1.000000e+00 : f32
    %broadcast_in_dim3A_2124 = vector.broadcast %jit3A_2123 : f32 to vector<16xf32>
    %select_n3A_2125 = arith.select %and3A_2122, %broadcast_in_dim3A_2124, %select_n3A_2118 : vector<16xi1>, vector<16xf32>
    %eq3A_2126 = arith.constant 0 : i32
    %eq3A_2127 = vector.broadcast %eq3A_2126 : i32 to vector<16xi32>
    %eq3A_2128 = arith.cmpi eq, %gather3A_2097, %eq3A_2127 : vector<16xi32>
    %and3A_2129 = arith.andi %ge3A_2100, %eq3A_2128 : vector<16xi1>
    %jit3A_2130 = arith.constant -1.000000e+00 : f32
    %broadcast_in_dim3A_2131 = vector.broadcast %jit3A_2130 : f32 to vector<16xf32>
    %select_n3A_2132 = arith.select %and3A_2129, %broadcast_in_dim3A_2131, %select_n3A_2125 : vector<16xi1>, vector<16xf32>
    %add3A_2133 = arith.constant 432 : i32
    %add3A_2134 = vector.broadcast %add3A_2133 : i32 to vector<16xi32>
    %add3A_2135 = arith.addi %iota3A, %add3A_2134 : vector<16xi32>
    %broadcast_in_dim3A_2136 = arith.constant 0 : i32
    %broadcast_in_dim3A_2137 = vector.broadcast %broadcast_in_dim3A_2136 : i32 to vector<16xi32>
    tpu.vector_store_idx %arg11[%add3A_2135, %broadcast_in_dim3A_2137], %select_n3A_2132 : memref<640x5xf32, #tpu.memory_space<vmem>>[vector<16xi32>, vector<16xi32>], vector<16xf32>,
    %broadcast_in_dim3A_2138 = arith.constant 0 : i32
    %broadcast_in_dim3A_2139 = vector.broadcast %broadcast_in_dim3A_2138 : i32 to vector<16xi32>
    %gather3A_2140 = tpu.vector_load_idx %arg8[%min3A_2095, %broadcast_in_dim3A_2139] : memref<100x4xf32, #tpu.memory_space<vmem>>[vector<16xi32>, vector<16xi32>], vector<16xf32>,
    %add3A_2141 = arith.constant 1 : i32
    %add3A_2142 = vector.broadcast %add3A_2141 : i32 to vector<16xi32>
    %add3A_2143 = arith.addi %broadcast_in_dim3A_2139, %add3A_2142 : vector<16xi32>
    tpu.vector_store_idx %arg11[%add3A_2135, %add3A_2143], %gather3A_2140 : memref<640x5xf32, #tpu.memory_space<vmem>>[vector<16xi32>, vector<16xi32>], vector<16xf32>,
    %broadcast_in_dim3A_2144 = arith.constant 1 : i32
    %broadcast_in_dim3A_2145 = vector.broadcast %broadcast_in_dim3A_2144 : i32 to vector<16xi32>
    %gather3A_2146 = tpu.vector_load_idx %arg8[%min3A_2095, %broadcast_in_dim3A_2145] : memref<100x4xf32, #tpu.memory_space<vmem>>[vector<16xi32>, vector<16xi32>], vector<16xf32>,
    %add3A_2147 = arith.constant 1 : i32
    %add3A_2148 = vector.broadcast %add3A_2147 : i32 to vector<16xi32>
    %add3A_2149 = arith.addi %broadcast_in_dim3A_2145, %add3A_2148 : vector<16xi32>
    tpu.vector_store_idx %arg11[%add3A_2135, %add3A_2149], %gather3A_2146 : memref<640x5xf32, #tpu.memory_space<vmem>>[vector<16xi32>, vector<16xi32>], vector<16xf32>,
    %broadcast_in_dim3A_2150 = arith.constant 2 : i32
    %broadcast_in_dim3A_2151 = vector.broadcast %broadcast_in_dim3A_2150 : i32 to vector<16xi32>
    %gather3A_2152 = tpu.vector_load_idx %arg8[%min3A_2095, %broadcast_in_dim3A_2151] : memref<100x4xf32, #tpu.memory_space<vmem>>[vector<16xi32>, vector<16xi32>], vector<16xf32>,
    %add3A_2153 = arith.constant 1 : i32
    %add3A_2154 = vector.broadcast %add3A_2153 : i32 to vector<16xi32>
    %add3A_2155 = arith.addi %broadcast_in_dim3A_2151, %add3A_2154 : vector<16xi32>
    tpu.vector_store_idx %arg11[%add3A_2135, %add3A_2155], %gather3A_2152 : memref<640x5xf32, #tpu.memory_space<vmem>>[vector<16xi32>, vector<16xi32>], vector<16xf32>,
    %broadcast_in_dim3A_2156 = arith.constant 3 : i32
    %broadcast_in_dim3A_2157 = vector.broadcast %broadcast_in_dim3A_2156 : i32 to vector<16xi32>
    %gather3A_2158 = tpu.vector_load_idx %arg8[%min3A_2095, %broadcast_in_dim3A_2157] : memref<100x4xf32, #tpu.memory_space<vmem>>[vector<16xi32>, vector<16xi32>], vector<16xf32>,
    %add3A_2159 = arith.constant 1 : i32
    %add3A_2160 = vector.broadcast %add3A_2159 : i32 to vector<16xi32>
    %add3A_2161 = arith.addi %broadcast_in_dim3A_2157, %add3A_2160 : vector<16xi32>
    tpu.vector_store_idx %arg11[%add3A_2135, %add3A_2161], %gather3A_2158 : memref<640x5xf32, #tpu.memory_space<vmem>>[vector<16xi32>, vector<16xi32>], vector<16xf32>,
    %add3A_2162 = arith.constant 448 : i32
    %add3A_2163 = vector.broadcast %add3A_2162 : i32 to vector<16xi32>
    %add3A_2164 = arith.addi %iota3A, %add3A_2163 : vector<16xi32>
    %gather3A_2165 = tpu.vector_load_idx %arg7[%broadcast_in_dim3A_37, %add3A_2164] : memref<1x640xi32, #tpu.memory_space<vmem>>[vector<16xi32>, vector<16xi32>], vector<16xi32>,
    %jit3A_2166 = arith.constant 0 : i32
    %jit3A_2167 = arith.constant 99 : i32
    %max3A_2168 = vector.broadcast %jit3A_2166 : i32 to vector<16xi32>
    %max3A_2169 = arith.maxsi %max3A_2168, %gather3A_2165 : vector<16xi32>
    %min3A_2170 = vector.broadcast %jit3A_2167 : i32 to vector<16xi32>
    %min3A_2171 = arith.minsi %min3A_2170, %max3A_2169 : vector<16xi32>
    %gather3A_2172 = tpu.vector_load_idx %arg9[%min3A_2171] : memref<100xf32, #tpu.memory_space<vmem>>[vector<16xi32>], vector<16xf32>,
    %gather3A_2173 = tpu.vector_load_idx %arg10[%min3A_2171] : memref<100xi32, #tpu.memory_space<vmem>>[vector<16xi32>], vector<16xi32>,
    %ge3A_2174 = arith.constant 0 : i32
    %ge3A_2175 = vector.broadcast %ge3A_2174 : i32 to vector<16xi32>
    %ge3A_2176 = arith.cmpi sge, %gather3A_2165, %ge3A_2175 : vector<16xi32>
    %jit3A_2177 = arith.constant 1.000000e+00 : f32
    %jit3A_2178 = arith.constant 0.000000e+00 : f32
    %broadcast_in_dim3A_2179 = vector.broadcast %jit3A_2177 : f32 to vector<16xf32>
    %broadcast_in_dim3A_2180 = vector.broadcast %jit3A_2178 : f32 to vector<16xf32>
    %select_n3A_2181 = arith.select %ge3A_2176, %broadcast_in_dim3A_2179, %broadcast_in_dim3A_2180 : vector<16xi1>, vector<16xf32>
    %min3A_2182 = arith.minimumf %select_n3A_2181, %gather3A_2172 : vector<16xf32>
    %eq3A_2183 = arith.constant -1 : i32
    %eq3A_2184 = vector.broadcast %eq3A_2183 : i32 to vector<16xi32>
    %eq3A_2185 = arith.cmpi eq, %gather3A_2165, %eq3A_2184 : vector<16xi32>
    %jit3A_2186 = arith.constant 0.000000e+00 : f32
    %broadcast_in_dim3A_2187 = vector.broadcast %jit3A_2186 : f32 to vector<16xf32>
    %select_n3A_2188 = arith.select %eq3A_2185, %broadcast_in_dim3A_2187, %min3A_2182 : vector<16xi1>, vector<16xf32>
    %eq3A_2189 = arith.constant -2 : i32
    %eq3A_2190 = vector.broadcast %eq3A_2189 : i32 to vector<16xi32>
    %eq3A_2191 = arith.cmpi eq, %gather3A_2165, %eq3A_2190 : vector<16xi32>
    %jit3A_2192 = arith.constant -1.000000e+00 : f32
    %broadcast_in_dim3A_2193 = vector.broadcast %jit3A_2192 : f32 to vector<16xf32>
    %select_n3A_2194 = arith.select %eq3A_2191, %broadcast_in_dim3A_2193, %select_n3A_2188 : vector<16xi1>, vector<16xf32>
    %lt3A_2195 = arith.constant 1.000000e+00 : f32
    %lt3A_2196 = vector.broadcast %lt3A_2195 : f32 to vector<16xf32>
    %lt3A_2197 = arith.cmpf olt, %gather3A_2172, %lt3A_2196 : vector<16xf32>
    %and3A_2198 = arith.andi %ge3A_2176, %lt3A_2197 : vector<16xi1>
    %jit3A_2199 = arith.constant -1.000000e+00 : f32
    %broadcast_in_dim3A_2200 = vector.broadcast %jit3A_2199 : f32 to vector<16xf32>
    %select_n3A_2201 = arith.select %and3A_2198, %broadcast_in_dim3A_2200, %select_n3A_2194 : vector<16xi1>, vector<16xf32>
    %eq3A_2202 = arith.constant 0 : i32
    %eq3A_2203 = vector.broadcast %eq3A_2202 : i32 to vector<16xi32>
    %eq3A_2204 = arith.cmpi eq, %gather3A_2173, %eq3A_2203 : vector<16xi32>
    %and3A_2205 = arith.andi %ge3A_2176, %eq3A_2204 : vector<16xi1>
    %jit3A_2206 = arith.constant -1.000000e+00 : f32
    %broadcast_in_dim3A_2207 = vector.broadcast %jit3A_2206 : f32 to vector<16xf32>
    %select_n3A_2208 = arith.select %and3A_2205, %broadcast_in_dim3A_2207, %select_n3A_2201 : vector<16xi1>, vector<16xf32>
    %add3A_2209 = arith.constant 448 : i32
    %add3A_2210 = vector.broadcast %add3A_2209 : i32 to vector<16xi32>
    %add3A_2211 = arith.addi %iota3A, %add3A_2210 : vector<16xi32>
    %broadcast_in_dim3A_2212 = arith.constant 0 : i32
    %broadcast_in_dim3A_2213 = vector.broadcast %broadcast_in_dim3A_2212 : i32 to vector<16xi32>
    tpu.vector_store_idx %arg11[%add3A_2211, %broadcast_in_dim3A_2213], %select_n3A_2208 : memref<640x5xf32, #tpu.memory_space<vmem>>[vector<16xi32>, vector<16xi32>], vector<16xf32>,
    %broadcast_in_dim3A_2214 = arith.constant 0 : i32
    %broadcast_in_dim3A_2215 = vector.broadcast %broadcast_in_dim3A_2214 : i32 to vector<16xi32>
    %gather3A_2216 = tpu.vector_load_idx %arg8[%min3A_2171, %broadcast_in_dim3A_2215] : memref<100x4xf32, #tpu.memory_space<vmem>>[vector<16xi32>, vector<16xi32>], vector<16xf32>,
    %add3A_2217 = arith.constant 1 : i32
    %add3A_2218 = vector.broadcast %add3A_2217 : i32 to vector<16xi32>
    %add3A_2219 = arith.addi %broadcast_in_dim3A_2215, %add3A_2218 : vector<16xi32>
    tpu.vector_store_idx %arg11[%add3A_2211, %add3A_2219], %gather3A_2216 : memref<640x5xf32, #tpu.memory_space<vmem>>[vector<16xi32>, vector<16xi32>], vector<16xf32>,
    %broadcast_in_dim3A_2220 = arith.constant 1 : i32
    %broadcast_in_dim3A_2221 = vector.broadcast %broadcast_in_dim3A_2220 : i32 to vector<16xi32>
    %gather3A_2222 = tpu.vector_load_idx %arg8[%min3A_2171, %broadcast_in_dim3A_2221] : memref<100x4xf32, #tpu.memory_space<vmem>>[vector<16xi32>, vector<16xi32>], vector<16xf32>,
    %add3A_2223 = arith.constant 1 : i32
    %add3A_2224 = vector.broadcast %add3A_2223 : i32 to vector<16xi32>
    %add3A_2225 = arith.addi %broadcast_in_dim3A_2221, %add3A_2224 : vector<16xi32>
    tpu.vector_store_idx %arg11[%add3A_2211, %add3A_2225], %gather3A_2222 : memref<640x5xf32, #tpu.memory_space<vmem>>[vector<16xi32>, vector<16xi32>], vector<16xf32>,
    %broadcast_in_dim3A_2226 = arith.constant 2 : i32
    %broadcast_in_dim3A_2227 = vector.broadcast %broadcast_in_dim3A_2226 : i32 to vector<16xi32>
    %gather3A_2228 = tpu.vector_load_idx %arg8[%min3A_2171, %broadcast_in_dim3A_2227] : memref<100x4xf32, #tpu.memory_space<vmem>>[vector<16xi32>, vector<16xi32>], vector<16xf32>,
    %add3A_2229 = arith.constant 1 : i32
    %add3A_2230 = vector.broadcast %add3A_2229 : i32 to vector<16xi32>
    %add3A_2231 = arith.addi %broadcast_in_dim3A_2227, %add3A_2230 : vector<16xi32>
    tpu.vector_store_idx %arg11[%add3A_2211, %add3A_2231], %gather3A_2228 : memref<640x5xf32, #tpu.memory_space<vmem>>[vector<16xi32>, vector<16xi32>], vector<16xf32>,
    %broadcast_in_dim3A_2232 = arith.constant 3 : i32
    %broadcast_in_dim3A_2233 = vector.broadcast %broadcast_in_dim3A_2232 : i32 to vector<16xi32>
    %gather3A_2234 = tpu.vector_load_idx %arg8[%min3A_2171, %broadcast_in_dim3A_2233] : memref<100x4xf32, #tpu.memory_space<vmem>>[vector<16xi32>, vector<16xi32>], vector<16xf32>,
    %add3A_2235 = arith.constant 1 : i32
    %add3A_2236 = vector.broadcast %add3A_2235 : i32 to vector<16xi32>
    %add3A_2237 = arith.addi %broadcast_in_dim3A_2233, %add3A_2236 : vector<16xi32>
    tpu.vector_store_idx %arg11[%add3A_2211, %add3A_2237], %gather3A_2234 : memref<640x5xf32, #tpu.memory_space<vmem>>[vector<16xi32>, vector<16xi32>], vector<16xf32>,
    %add3A_2238 = arith.constant 464 : i32
    %add3A_2239 = vector.broadcast %add3A_2238 : i32 to vector<16xi32>
    %add3A_2240 = arith.addi %iota3A, %add3A_2239 : vector<16xi32>
    %gather3A_2241 = tpu.vector_load_idx %arg7[%broadcast_in_dim3A_37, %add3A_2240] : memref<1x640xi32, #tpu.memory_space<vmem>>[vector<16xi32>, vector<16xi32>], vector<16xi32>,
    %jit3A_2242 = arith.constant 0 : i32
    %jit3A_2243 = arith.constant 99 : i32
    %max3A_2244 = vector.broadcast %jit3A_2242 : i32 to vector<16xi32>
    %max3A_2245 = arith.maxsi %max3A_2244, %gather3A_2241 : vector<16xi32>
    %min3A_2246 = vector.broadcast %jit3A_2243 : i32 to vector<16xi32>
    %min3A_2247 = arith.minsi %min3A_2246, %max3A_2245 : vector<16xi32>
    %gather3A_2248 = tpu.vector_load_idx %arg9[%min3A_2247] : memref<100xf32, #tpu.memory_space<vmem>>[vector<16xi32>], vector<16xf32>,
    %gather3A_2249 = tpu.vector_load_idx %arg10[%min3A_2247] : memref<100xi32, #tpu.memory_space<vmem>>[vector<16xi32>], vector<16xi32>,
    %ge3A_2250 = arith.constant 0 : i32
    %ge3A_2251 = vector.broadcast %ge3A_2250 : i32 to vector<16xi32>
    %ge3A_2252 = arith.cmpi sge, %gather3A_2241, %ge3A_2251 : vector<16xi32>
    %jit3A_2253 = arith.constant 1.000000e+00 : f32
    %jit3A_2254 = arith.constant 0.000000e+00 : f32
    %broadcast_in_dim3A_2255 = vector.broadcast %jit3A_2253 : f32 to vector<16xf32>
    %broadcast_in_dim3A_2256 = vector.broadcast %jit3A_2254 : f32 to vector<16xf32>
    %select_n3A_2257 = arith.select %ge3A_2252, %broadcast_in_dim3A_2255, %broadcast_in_dim3A_2256 : vector<16xi1>, vector<16xf32>
    %min3A_2258 = arith.minimumf %select_n3A_2257, %gather3A_2248 : vector<16xf32>
    %eq3A_2259 = arith.constant -1 : i32
    %eq3A_2260 = vector.broadcast %eq3A_2259 : i32 to vector<16xi32>
    %eq3A_2261 = arith.cmpi eq, %gather3A_2241, %eq3A_2260 : vector<16xi32>
    %jit3A_2262 = arith.constant 0.000000e+00 : f32
    %broadcast_in_dim3A_2263 = vector.broadcast %jit3A_2262 : f32 to vector<16xf32>
    %select_n3A_2264 = arith.select %eq3A_2261, %broadcast_in_dim3A_2263, %min3A_2258 : vector<16xi1>, vector<16xf32>
    %eq3A_2265 = arith.constant -2 : i32
    %eq3A_2266 = vector.broadcast %eq3A_2265 : i32 to vector<16xi32>
    %eq3A_2267 = arith.cmpi eq, %gather3A_2241, %eq3A_2266 : vector<16xi32>
    %jit3A_2268 = arith.constant -1.000000e+00 : f32
    %broadcast_in_dim3A_2269 = vector.broadcast %jit3A_2268 : f32 to vector<16xf32>
    %select_n3A_2270 = arith.select %eq3A_2267, %broadcast_in_dim3A_2269, %select_n3A_2264 : vector<16xi1>, vector<16xf32>
    %lt3A_2271 = arith.constant 1.000000e+00 : f32
    %lt3A_2272 = vector.broadcast %lt3A_2271 : f32 to vector<16xf32>
    %lt3A_2273 = arith.cmpf olt, %gather3A_2248, %lt3A_2272 : vector<16xf32>
    %and3A_2274 = arith.andi %ge3A_2252, %lt3A_2273 : vector<16xi1>
    %jit3A_2275 = arith.constant -1.000000e+00 : f32
    %broadcast_in_dim3A_2276 = vector.broadcast %jit3A_2275 : f32 to vector<16xf32>
    %select_n3A_2277 = arith.select %and3A_2274, %broadcast_in_dim3A_2276, %select_n3A_2270 : vector<16xi1>, vector<16xf32>
    %eq3A_2278 = arith.constant 0 : i32
    %eq3A_2279 = vector.broadcast %eq3A_2278 : i32 to vector<16xi32>
    %eq3A_2280 = arith.cmpi eq, %gather3A_2249, %eq3A_2279 : vector<16xi32>
    %and3A_2281 = arith.andi %ge3A_2252, %eq3A_2280 : vector<16xi1>
    %jit3A_2282 = arith.constant -1.000000e+00 : f32
    %broadcast_in_dim3A_2283 = vector.broadcast %jit3A_2282 : f32 to vector<16xf32>
    %select_n3A_2284 = arith.select %and3A_2281, %broadcast_in_dim3A_2283, %select_n3A_2277 : vector<16xi1>, vector<16xf32>
    %add3A_2285 = arith.constant 464 : i32
    %add3A_2286 = vector.broadcast %add3A_2285 : i32 to vector<16xi32>
    %add3A_2287 = arith.addi %iota3A, %add3A_2286 : vector<16xi32>
    %broadcast_in_dim3A_2288 = arith.constant 0 : i32
    %broadcast_in_dim3A_2289 = vector.broadcast %broadcast_in_dim3A_2288 : i32 to vector<16xi32>
    tpu.vector_store_idx %arg11[%add3A_2287, %broadcast_in_dim3A_2289], %select_n3A_2284 : memref<640x5xf32, #tpu.memory_space<vmem>>[vector<16xi32>, vector<16xi32>], vector<16xf32>,
    %broadcast_in_dim3A_2290 = arith.constant 0 : i32
    %broadcast_in_dim3A_2291 = vector.broadcast %broadcast_in_dim3A_2290 : i32 to vector<16xi32>
    %gather3A_2292 = tpu.vector_load_idx %arg8[%min3A_2247, %broadcast_in_dim3A_2291] : memref<100x4xf32, #tpu.memory_space<vmem>>[vector<16xi32>, vector<16xi32>], vector<16xf32>,
    %add3A_2293 = arith.constant 1 : i32
    %add3A_2294 = vector.broadcast %add3A_2293 : i32 to vector<16xi32>
    %add3A_2295 = arith.addi %broadcast_in_dim3A_2291, %add3A_2294 : vector<16xi32>
    tpu.vector_store_idx %arg11[%add3A_2287, %add3A_2295], %gather3A_2292 : memref<640x5xf32, #tpu.memory_space<vmem>>[vector<16xi32>, vector<16xi32>], vector<16xf32>,
    %broadcast_in_dim3A_2296 = arith.constant 1 : i32
    %broadcast_in_dim3A_2297 = vector.broadcast %broadcast_in_dim3A_2296 : i32 to vector<16xi32>
    %gather3A_2298 = tpu.vector_load_idx %arg8[%min3A_2247, %broadcast_in_dim3A_2297] : memref<100x4xf32, #tpu.memory_space<vmem>>[vector<16xi32>, vector<16xi32>], vector<16xf32>,
    %add3A_2299 = arith.constant 1 : i32
    %add3A_2300 = vector.broadcast %add3A_2299 : i32 to vector<16xi32>
    %add3A_2301 = arith.addi %broadcast_in_dim3A_2297, %add3A_2300 : vector<16xi32>
    tpu.vector_store_idx %arg11[%add3A_2287, %add3A_2301], %gather3A_2298 : memref<640x5xf32, #tpu.memory_space<vmem>>[vector<16xi32>, vector<16xi32>], vector<16xf32>,
    %broadcast_in_dim3A_2302 = arith.constant 2 : i32
    %broadcast_in_dim3A_2303 = vector.broadcast %broadcast_in_dim3A_2302 : i32 to vector<16xi32>
    %gather3A_2304 = tpu.vector_load_idx %arg8[%min3A_2247, %broadcast_in_dim3A_2303] : memref<100x4xf32, #tpu.memory_space<vmem>>[vector<16xi32>, vector<16xi32>], vector<16xf32>,
    %add3A_2305 = arith.constant 1 : i32
    %add3A_2306 = vector.broadcast %add3A_2305 : i32 to vector<16xi32>
    %add3A_2307 = arith.addi %broadcast_in_dim3A_2303, %add3A_2306 : vector<16xi32>
    tpu.vector_store_idx %arg11[%add3A_2287, %add3A_2307], %gather3A_2304 : memref<640x5xf32, #tpu.memory_space<vmem>>[vector<16xi32>, vector<16xi32>], vector<16xf32>,
    %broadcast_in_dim3A_2308 = arith.constant 3 : i32
    %broadcast_in_dim3A_2309 = vector.broadcast %broadcast_in_dim3A_2308 : i32 to vector<16xi32>
    %gather3A_2310 = tpu.vector_load_idx %arg8[%min3A_2247, %broadcast_in_dim3A_2309] : memref<100x4xf32, #tpu.memory_space<vmem>>[vector<16xi32>, vector<16xi32>], vector<16xf32>,
    %add3A_2311 = arith.constant 1 : i32
    %add3A_2312 = vector.broadcast %add3A_2311 : i32 to vector<16xi32>
    %add3A_2313 = arith.addi %broadcast_in_dim3A_2309, %add3A_2312 : vector<16xi32>
    tpu.vector_store_idx %arg11[%add3A_2287, %add3A_2313], %gather3A_2310 : memref<640x5xf32, #tpu.memory_space<vmem>>[vector<16xi32>, vector<16xi32>], vector<16xf32>,
    %add3A_2314 = arith.constant 480 : i32
    %add3A_2315 = vector.broadcast %add3A_2314 : i32 to vector<16xi32>
    %add3A_2316 = arith.addi %iota3A, %add3A_2315 : vector<16xi32>
    %gather3A_2317 = tpu.vector_load_idx %arg7[%broadcast_in_dim3A_37, %add3A_2316] : memref<1x640xi32, #tpu.memory_space<vmem>>[vector<16xi32>, vector<16xi32>], vector<16xi32>,
    %jit3A_2318 = arith.constant 0 : i32
    %jit3A_2319 = arith.constant 99 : i32
    %max3A_2320 = vector.broadcast %jit3A_2318 : i32 to vector<16xi32>
    %max3A_2321 = arith.maxsi %max3A_2320, %gather3A_2317 : vector<16xi32>
    %min3A_2322 = vector.broadcast %jit3A_2319 : i32 to vector<16xi32>
    %min3A_2323 = arith.minsi %min3A_2322, %max3A_2321 : vector<16xi32>
    %gather3A_2324 = tpu.vector_load_idx %arg9[%min3A_2323] : memref<100xf32, #tpu.memory_space<vmem>>[vector<16xi32>], vector<16xf32>,
    %gather3A_2325 = tpu.vector_load_idx %arg10[%min3A_2323] : memref<100xi32, #tpu.memory_space<vmem>>[vector<16xi32>], vector<16xi32>,
    %ge3A_2326 = arith.constant 0 : i32
    %ge3A_2327 = vector.broadcast %ge3A_2326 : i32 to vector<16xi32>
    %ge3A_2328 = arith.cmpi sge, %gather3A_2317, %ge3A_2327 : vector<16xi32>
    %jit3A_2329 = arith.constant 1.000000e+00 : f32
    %jit3A_2330 = arith.constant 0.000000e+00 : f32
    %broadcast_in_dim3A_2331 = vector.broadcast %jit3A_2329 : f32 to vector<16xf32>
    %broadcast_in_dim3A_2332 = vector.broadcast %jit3A_2330 : f32 to vector<16xf32>
    %select_n3A_2333 = arith.select %ge3A_2328, %broadcast_in_dim3A_2331, %broadcast_in_dim3A_2332 : vector<16xi1>, vector<16xf32>
    %min3A_2334 = arith.minimumf %select_n3A_2333, %gather3A_2324 : vector<16xf32>
    %eq3A_2335 = arith.constant -1 : i32
    %eq3A_2336 = vector.broadcast %eq3A_2335 : i32 to vector<16xi32>
    %eq3A_2337 = arith.cmpi eq, %gather3A_2317, %eq3A_2336 : vector<16xi32>
    %jit3A_2338 = arith.constant 0.000000e+00 : f32
    %broadcast_in_dim3A_2339 = vector.broadcast %jit3A_2338 : f32 to vector<16xf32>
    %select_n3A_2340 = arith.select %eq3A_2337, %broadcast_in_dim3A_2339, %min3A_2334 : vector<16xi1>, vector<16xf32>
    %eq3A_2341 = arith.constant -2 : i32
    %eq3A_2342 = vector.broadcast %eq3A_2341 : i32 to vector<16xi32>
    %eq3A_2343 = arith.cmpi eq, %gather3A_2317, %eq3A_2342 : vector<16xi32>
    %jit3A_2344 = arith.constant -1.000000e+00 : f32
    %broadcast_in_dim3A_2345 = vector.broadcast %jit3A_2344 : f32 to vector<16xf32>
    %select_n3A_2346 = arith.select %eq3A_2343, %broadcast_in_dim3A_2345, %select_n3A_2340 : vector<16xi1>, vector<16xf32>
    %lt3A_2347 = arith.constant 1.000000e+00 : f32
    %lt3A_2348 = vector.broadcast %lt3A_2347 : f32 to vector<16xf32>
    %lt3A_2349 = arith.cmpf olt, %gather3A_2324, %lt3A_2348 : vector<16xf32>
    %and3A_2350 = arith.andi %ge3A_2328, %lt3A_2349 : vector<16xi1>
    %jit3A_2351 = arith.constant -1.000000e+00 : f32
    %broadcast_in_dim3A_2352 = vector.broadcast %jit3A_2351 : f32 to vector<16xf32>
    %select_n3A_2353 = arith.select %and3A_2350, %broadcast_in_dim3A_2352, %select_n3A_2346 : vector<16xi1>, vector<16xf32>
    %eq3A_2354 = arith.constant 0 : i32
    %eq3A_2355 = vector.broadcast %eq3A_2354 : i32 to vector<16xi32>
    %eq3A_2356 = arith.cmpi eq, %gather3A_2325, %eq3A_2355 : vector<16xi32>
    %and3A_2357 = arith.andi %ge3A_2328, %eq3A_2356 : vector<16xi1>
    %jit3A_2358 = arith.constant -1.000000e+00 : f32
    %broadcast_in_dim3A_2359 = vector.broadcast %jit3A_2358 : f32 to vector<16xf32>
    %select_n3A_2360 = arith.select %and3A_2357, %broadcast_in_dim3A_2359, %select_n3A_2353 : vector<16xi1>, vector<16xf32>
    %add3A_2361 = arith.constant 480 : i32
    %add3A_2362 = vector.broadcast %add3A_2361 : i32 to vector<16xi32>
    %add3A_2363 = arith.addi %iota3A, %add3A_2362 : vector<16xi32>
    %broadcast_in_dim3A_2364 = arith.constant 0 : i32
    %broadcast_in_dim3A_2365 = vector.broadcast %broadcast_in_dim3A_2364 : i32 to vector<16xi32>
    tpu.vector_store_idx %arg11[%add3A_2363, %broadcast_in_dim3A_2365], %select_n3A_2360 : memref<640x5xf32, #tpu.memory_space<vmem>>[vector<16xi32>, vector<16xi32>], vector<16xf32>,
    %broadcast_in_dim3A_2366 = arith.constant 0 : i32
    %broadcast_in_dim3A_2367 = vector.broadcast %broadcast_in_dim3A_2366 : i32 to vector<16xi32>
    %gather3A_2368 = tpu.vector_load_idx %arg8[%min3A_2323, %broadcast_in_dim3A_2367] : memref<100x4xf32, #tpu.memory_space<vmem>>[vector<16xi32>, vector<16xi32>], vector<16xf32>,
    %add3A_2369 = arith.constant 1 : i32
    %add3A_2370 = vector.broadcast %add3A_2369 : i32 to vector<16xi32>
    %add3A_2371 = arith.addi %broadcast_in_dim3A_2367, %add3A_2370 : vector<16xi32>
    tpu.vector_store_idx %arg11[%add3A_2363, %add3A_2371], %gather3A_2368 : memref<640x5xf32, #tpu.memory_space<vmem>>[vector<16xi32>, vector<16xi32>], vector<16xf32>,
    %broadcast_in_dim3A_2372 = arith.constant 1 : i32
    %broadcast_in_dim3A_2373 = vector.broadcast %broadcast_in_dim3A_2372 : i32 to vector<16xi32>
    %gather3A_2374 = tpu.vector_load_idx %arg8[%min3A_2323, %broadcast_in_dim3A_2373] : memref<100x4xf32, #tpu.memory_space<vmem>>[vector<16xi32>, vector<16xi32>], vector<16xf32>,
    %add3A_2375 = arith.constant 1 : i32
    %add3A_2376 = vector.broadcast %add3A_2375 : i32 to vector<16xi32>
    %add3A_2377 = arith.addi %broadcast_in_dim3A_2373, %add3A_2376 : vector<16xi32>
    tpu.vector_store_idx %arg11[%add3A_2363, %add3A_2377], %gather3A_2374 : memref<640x5xf32, #tpu.memory_space<vmem>>[vector<16xi32>, vector<16xi32>], vector<16xf32>,
    %broadcast_in_dim3A_2378 = arith.constant 2 : i32
    %broadcast_in_dim3A_2379 = vector.broadcast %broadcast_in_dim3A_2378 : i32 to vector<16xi32>
    %gather3A_2380 = tpu.vector_load_idx %arg8[%min3A_2323, %broadcast_in_dim3A_2379] : memref<100x4xf32, #tpu.memory_space<vmem>>[vector<16xi32>, vector<16xi32>], vector<16xf32>,
    %add3A_2381 = arith.constant 1 : i32
    %add3A_2382 = vector.broadcast %add3A_2381 : i32 to vector<16xi32>
    %add3A_2383 = arith.addi %broadcast_in_dim3A_2379, %add3A_2382 : vector<16xi32>
    tpu.vector_store_idx %arg11[%add3A_2363, %add3A_2383], %gather3A_2380 : memref<640x5xf32, #tpu.memory_space<vmem>>[vector<16xi32>, vector<16xi32>], vector<16xf32>,
    %broadcast_in_dim3A_2384 = arith.constant 3 : i32
    %broadcast_in_dim3A_2385 = vector.broadcast %broadcast_in_dim3A_2384 : i32 to vector<16xi32>
    %gather3A_2386 = tpu.vector_load_idx %arg8[%min3A_2323, %broadcast_in_dim3A_2385] : memref<100x4xf32, #tpu.memory_space<vmem>>[vector<16xi32>, vector<16xi32>], vector<16xf32>,
    %add3A_2387 = arith.constant 1 : i32
    %add3A_2388 = vector.broadcast %add3A_2387 : i32 to vector<16xi32>
    %add3A_2389 = arith.addi %broadcast_in_dim3A_2385, %add3A_2388 : vector<16xi32>
    tpu.vector_store_idx %arg11[%add3A_2363, %add3A_2389], %gather3A_2386 : memref<640x5xf32, #tpu.memory_space<vmem>>[vector<16xi32>, vector<16xi32>], vector<16xf32>,
    %add3A_2390 = arith.constant 496 : i32
    %add3A_2391 = vector.broadcast %add3A_2390 : i32 to vector<16xi32>
    %add3A_2392 = arith.addi %iota3A, %add3A_2391 : vector<16xi32>
    %gather3A_2393 = tpu.vector_load_idx %arg7[%broadcast_in_dim3A_37, %add3A_2392] : memref<1x640xi32, #tpu.memory_space<vmem>>[vector<16xi32>, vector<16xi32>], vector<16xi32>,
    %jit3A_2394 = arith.constant 0 : i32
    %jit3A_2395 = arith.constant 99 : i32
    %max3A_2396 = vector.broadcast %jit3A_2394 : i32 to vector<16xi32>
    %max3A_2397 = arith.maxsi %max3A_2396, %gather3A_2393 : vector<16xi32>
    %min3A_2398 = vector.broadcast %jit3A_2395 : i32 to vector<16xi32>
    %min3A_2399 = arith.minsi %min3A_2398, %max3A_2397 : vector<16xi32>
    %gather3A_2400 = tpu.vector_load_idx %arg9[%min3A_2399] : memref<100xf32, #tpu.memory_space<vmem>>[vector<16xi32>], vector<16xf32>,
    %gather3A_2401 = tpu.vector_load_idx %arg10[%min3A_2399] : memref<100xi32, #tpu.memory_space<vmem>>[vector<16xi32>], vector<16xi32>,
    %ge3A_2402 = arith.constant 0 : i32
    %ge3A_2403 = vector.broadcast %ge3A_2402 : i32 to vector<16xi32>
    %ge3A_2404 = arith.cmpi sge, %gather3A_2393, %ge3A_2403 : vector<16xi32>
    %jit3A_2405 = arith.constant 1.000000e+00 : f32
    %jit3A_2406 = arith.constant 0.000000e+00 : f32
    %broadcast_in_dim3A_2407 = vector.broadcast %jit3A_2405 : f32 to vector<16xf32>
    %broadcast_in_dim3A_2408 = vector.broadcast %jit3A_2406 : f32 to vector<16xf32>
    %select_n3A_2409 = arith.select %ge3A_2404, %broadcast_in_dim3A_2407, %broadcast_in_dim3A_2408 : vector<16xi1>, vector<16xf32>
    %min3A_2410 = arith.minimumf %select_n3A_2409, %gather3A_2400 : vector<16xf32>
    %eq3A_2411 = arith.constant -1 : i32
    %eq3A_2412 = vector.broadcast %eq3A_2411 : i32 to vector<16xi32>
    %eq3A_2413 = arith.cmpi eq, %gather3A_2393, %eq3A_2412 : vector<16xi32>
    %jit3A_2414 = arith.constant 0.000000e+00 : f32
    %broadcast_in_dim3A_2415 = vector.broadcast %jit3A_2414 : f32 to vector<16xf32>
    %select_n3A_2416 = arith.select %eq3A_2413, %broadcast_in_dim3A_2415, %min3A_2410 : vector<16xi1>, vector<16xf32>
    %eq3A_2417 = arith.constant -2 : i32
    %eq3A_2418 = vector.broadcast %eq3A_2417 : i32 to vector<16xi32>
    %eq3A_2419 = arith.cmpi eq, %gather3A_2393, %eq3A_2418 : vector<16xi32>
    %jit3A_2420 = arith.constant -1.000000e+00 : f32
    %broadcast_in_dim3A_2421 = vector.broadcast %jit3A_2420 : f32 to vector<16xf32>
    %select_n3A_2422 = arith.select %eq3A_2419, %broadcast_in_dim3A_2421, %select_n3A_2416 : vector<16xi1>, vector<16xf32>
    %lt3A_2423 = arith.constant 1.000000e+00 : f32
    %lt3A_2424 = vector.broadcast %lt3A_2423 : f32 to vector<16xf32>
    %lt3A_2425 = arith.cmpf olt, %gather3A_2400, %lt3A_2424 : vector<16xf32>
    %and3A_2426 = arith.andi %ge3A_2404, %lt3A_2425 : vector<16xi1>
    %jit3A_2427 = arith.constant -1.000000e+00 : f32
    %broadcast_in_dim3A_2428 = vector.broadcast %jit3A_2427 : f32 to vector<16xf32>
    %select_n3A_2429 = arith.select %and3A_2426, %broadcast_in_dim3A_2428, %select_n3A_2422 : vector<16xi1>, vector<16xf32>
    %eq3A_2430 = arith.constant 0 : i32
    %eq3A_2431 = vector.broadcast %eq3A_2430 : i32 to vector<16xi32>
    %eq3A_2432 = arith.cmpi eq, %gather3A_2401, %eq3A_2431 : vector<16xi32>
    %and3A_2433 = arith.andi %ge3A_2404, %eq3A_2432 : vector<16xi1>
    %jit3A_2434 = arith.constant -1.000000e+00 : f32
    %broadcast_in_dim3A_2435 = vector.broadcast %jit3A_2434 : f32 to vector<16xf32>
    %select_n3A_2436 = arith.select %and3A_2433, %broadcast_in_dim3A_2435, %select_n3A_2429 : vector<16xi1>, vector<16xf32>
    %add3A_2437 = arith.constant 496 : i32
    %add3A_2438 = vector.broadcast %add3A_2437 : i32 to vector<16xi32>
    %add3A_2439 = arith.addi %iota3A, %add3A_2438 : vector<16xi32>
    %broadcast_in_dim3A_2440 = arith.constant 0 : i32
    %broadcast_in_dim3A_2441 = vector.broadcast %broadcast_in_dim3A_2440 : i32 to vector<16xi32>
    tpu.vector_store_idx %arg11[%add3A_2439, %broadcast_in_dim3A_2441], %select_n3A_2436 : memref<640x5xf32, #tpu.memory_space<vmem>>[vector<16xi32>, vector<16xi32>], vector<16xf32>,
    %broadcast_in_dim3A_2442 = arith.constant 0 : i32
    %broadcast_in_dim3A_2443 = vector.broadcast %broadcast_in_dim3A_2442 : i32 to vector<16xi32>
    %gather3A_2444 = tpu.vector_load_idx %arg8[%min3A_2399, %broadcast_in_dim3A_2443] : memref<100x4xf32, #tpu.memory_space<vmem>>[vector<16xi32>, vector<16xi32>], vector<16xf32>,
    %add3A_2445 = arith.constant 1 : i32
    %add3A_2446 = vector.broadcast %add3A_2445 : i32 to vector<16xi32>
    %add3A_2447 = arith.addi %broadcast_in_dim3A_2443, %add3A_2446 : vector<16xi32>
    tpu.vector_store_idx %arg11[%add3A_2439, %add3A_2447], %gather3A_2444 : memref<640x5xf32, #tpu.memory_space<vmem>>[vector<16xi32>, vector<16xi32>], vector<16xf32>,
    %broadcast_in_dim3A_2448 = arith.constant 1 : i32
    %broadcast_in_dim3A_2449 = vector.broadcast %broadcast_in_dim3A_2448 : i32 to vector<16xi32>
    %gather3A_2450 = tpu.vector_load_idx %arg8[%min3A_2399, %broadcast_in_dim3A_2449] : memref<100x4xf32, #tpu.memory_space<vmem>>[vector<16xi32>, vector<16xi32>], vector<16xf32>,
    %add3A_2451 = arith.constant 1 : i32
    %add3A_2452 = vector.broadcast %add3A_2451 : i32 to vector<16xi32>
    %add3A_2453 = arith.addi %broadcast_in_dim3A_2449, %add3A_2452 : vector<16xi32>
    tpu.vector_store_idx %arg11[%add3A_2439, %add3A_2453], %gather3A_2450 : memref<640x5xf32, #tpu.memory_space<vmem>>[vector<16xi32>, vector<16xi32>], vector<16xf32>,
    %broadcast_in_dim3A_2454 = arith.constant 2 : i32
    %broadcast_in_dim3A_2455 = vector.broadcast %broadcast_in_dim3A_2454 : i32 to vector<16xi32>
    %gather3A_2456 = tpu.vector_load_idx %arg8[%min3A_2399, %broadcast_in_dim3A_2455] : memref<100x4xf32, #tpu.memory_space<vmem>>[vector<16xi32>, vector<16xi32>], vector<16xf32>,
    %add3A_2457 = arith.constant 1 : i32
    %add3A_2458 = vector.broadcast %add3A_2457 : i32 to vector<16xi32>
    %add3A_2459 = arith.addi %broadcast_in_dim3A_2455, %add3A_2458 : vector<16xi32>
    tpu.vector_store_idx %arg11[%add3A_2439, %add3A_2459], %gather3A_2456 : memref<640x5xf32, #tpu.memory_space<vmem>>[vector<16xi32>, vector<16xi32>], vector<16xf32>,
    %broadcast_in_dim3A_2460 = arith.constant 3 : i32
    %broadcast_in_dim3A_2461 = vector.broadcast %broadcast_in_dim3A_2460 : i32 to vector<16xi32>
    %gather3A_2462 = tpu.vector_load_idx %arg8[%min3A_2399, %broadcast_in_dim3A_2461] : memref<100x4xf32, #tpu.memory_space<vmem>>[vector<16xi32>, vector<16xi32>], vector<16xf32>,
    %add3A_2463 = arith.constant 1 : i32
    %add3A_2464 = vector.broadcast %add3A_2463 : i32 to vector<16xi32>
    %add3A_2465 = arith.addi %broadcast_in_dim3A_2461, %add3A_2464 : vector<16xi32>
    tpu.vector_store_idx %arg11[%add3A_2439, %add3A_2465], %gather3A_2462 : memref<640x5xf32, #tpu.memory_space<vmem>>[vector<16xi32>, vector<16xi32>], vector<16xf32>,
    %add3A_2466 = arith.constant 512 : i32
    %add3A_2467 = vector.broadcast %add3A_2466 : i32 to vector<16xi32>
    %add3A_2468 = arith.addi %iota3A, %add3A_2467 : vector<16xi32>
    %gather3A_2469 = tpu.vector_load_idx %arg7[%broadcast_in_dim3A_37, %add3A_2468] : memref<1x640xi32, #tpu.memory_space<vmem>>[vector<16xi32>, vector<16xi32>], vector<16xi32>,
    %jit3A_2470 = arith.constant 0 : i32
    %jit3A_2471 = arith.constant 99 : i32
    %max3A_2472 = vector.broadcast %jit3A_2470 : i32 to vector<16xi32>
    %max3A_2473 = arith.maxsi %max3A_2472, %gather3A_2469 : vector<16xi32>
    %min3A_2474 = vector.broadcast %jit3A_2471 : i32 to vector<16xi32>
    %min3A_2475 = arith.minsi %min3A_2474, %max3A_2473 : vector<16xi32>
    %gather3A_2476 = tpu.vector_load_idx %arg9[%min3A_2475] : memref<100xf32, #tpu.memory_space<vmem>>[vector<16xi32>], vector<16xf32>,
    %gather3A_2477 = tpu.vector_load_idx %arg10[%min3A_2475] : memref<100xi32, #tpu.memory_space<vmem>>[vector<16xi32>], vector<16xi32>,
    %ge3A_2478 = arith.constant 0 : i32
    %ge3A_2479 = vector.broadcast %ge3A_2478 : i32 to vector<16xi32>
    %ge3A_2480 = arith.cmpi sge, %gather3A_2469, %ge3A_2479 : vector<16xi32>
    %jit3A_2481 = arith.constant 1.000000e+00 : f32
    %jit3A_2482 = arith.constant 0.000000e+00 : f32
    %broadcast_in_dim3A_2483 = vector.broadcast %jit3A_2481 : f32 to vector<16xf32>
    %broadcast_in_dim3A_2484 = vector.broadcast %jit3A_2482 : f32 to vector<16xf32>
    %select_n3A_2485 = arith.select %ge3A_2480, %broadcast_in_dim3A_2483, %broadcast_in_dim3A_2484 : vector<16xi1>, vector<16xf32>
    %min3A_2486 = arith.minimumf %select_n3A_2485, %gather3A_2476 : vector<16xf32>
    %eq3A_2487 = arith.constant -1 : i32
    %eq3A_2488 = vector.broadcast %eq3A_2487 : i32 to vector<16xi32>
    %eq3A_2489 = arith.cmpi eq, %gather3A_2469, %eq3A_2488 : vector<16xi32>
    %jit3A_2490 = arith.constant 0.000000e+00 : f32
    %broadcast_in_dim3A_2491 = vector.broadcast %jit3A_2490 : f32 to vector<16xf32>
    %select_n3A_2492 = arith.select %eq3A_2489, %broadcast_in_dim3A_2491, %min3A_2486 : vector<16xi1>, vector<16xf32>
    %eq3A_2493 = arith.constant -2 : i32
    %eq3A_2494 = vector.broadcast %eq3A_2493 : i32 to vector<16xi32>
    %eq3A_2495 = arith.cmpi eq, %gather3A_2469, %eq3A_2494 : vector<16xi32>
    %jit3A_2496 = arith.constant -1.000000e+00 : f32
    %broadcast_in_dim3A_2497 = vector.broadcast %jit3A_2496 : f32 to vector<16xf32>
    %select_n3A_2498 = arith.select %eq3A_2495, %broadcast_in_dim3A_2497, %select_n3A_2492 : vector<16xi1>, vector<16xf32>
    %lt3A_2499 = arith.constant 1.000000e+00 : f32
    %lt3A_2500 = vector.broadcast %lt3A_2499 : f32 to vector<16xf32>
    %lt3A_2501 = arith.cmpf olt, %gather3A_2476, %lt3A_2500 : vector<16xf32>
    %and3A_2502 = arith.andi %ge3A_2480, %lt3A_2501 : vector<16xi1>
    %jit3A_2503 = arith.constant -1.000000e+00 : f32
    %broadcast_in_dim3A_2504 = vector.broadcast %jit3A_2503 : f32 to vector<16xf32>
    %select_n3A_2505 = arith.select %and3A_2502, %broadcast_in_dim3A_2504, %select_n3A_2498 : vector<16xi1>, vector<16xf32>
    %eq3A_2506 = arith.constant 0 : i32
    %eq3A_2507 = vector.broadcast %eq3A_2506 : i32 to vector<16xi32>
    %eq3A_2508 = arith.cmpi eq, %gather3A_2477, %eq3A_2507 : vector<16xi32>
    %and3A_2509 = arith.andi %ge3A_2480, %eq3A_2508 : vector<16xi1>
    %jit3A_2510 = arith.constant -1.000000e+00 : f32
    %broadcast_in_dim3A_2511 = vector.broadcast %jit3A_2510 : f32 to vector<16xf32>
    %select_n3A_2512 = arith.select %and3A_2509, %broadcast_in_dim3A_2511, %select_n3A_2505 : vector<16xi1>, vector<16xf32>
    %add3A_2513 = arith.constant 512 : i32
    %add3A_2514 = vector.broadcast %add3A_2513 : i32 to vector<16xi32>
    %add3A_2515 = arith.addi %iota3A, %add3A_2514 : vector<16xi32>
    %broadcast_in_dim3A_2516 = arith.constant 0 : i32
    %broadcast_in_dim3A_2517 = vector.broadcast %broadcast_in_dim3A_2516 : i32 to vector<16xi32>
    tpu.vector_store_idx %arg11[%add3A_2515, %broadcast_in_dim3A_2517], %select_n3A_2512 : memref<640x5xf32, #tpu.memory_space<vmem>>[vector<16xi32>, vector<16xi32>], vector<16xf32>,
    %broadcast_in_dim3A_2518 = arith.constant 0 : i32
    %broadcast_in_dim3A_2519 = vector.broadcast %broadcast_in_dim3A_2518 : i32 to vector<16xi32>
    %gather3A_2520 = tpu.vector_load_idx %arg8[%min3A_2475, %broadcast_in_dim3A_2519] : memref<100x4xf32, #tpu.memory_space<vmem>>[vector<16xi32>, vector<16xi32>], vector<16xf32>,
    %add3A_2521 = arith.constant 1 : i32
    %add3A_2522 = vector.broadcast %add3A_2521 : i32 to vector<16xi32>
    %add3A_2523 = arith.addi %broadcast_in_dim3A_2519, %add3A_2522 : vector<16xi32>
    tpu.vector_store_idx %arg11[%add3A_2515, %add3A_2523], %gather3A_2520 : memref<640x5xf32, #tpu.memory_space<vmem>>[vector<16xi32>, vector<16xi32>], vector<16xf32>,
    %broadcast_in_dim3A_2524 = arith.constant 1 : i32
    %broadcast_in_dim3A_2525 = vector.broadcast %broadcast_in_dim3A_2524 : i32 to vector<16xi32>
    %gather3A_2526 = tpu.vector_load_idx %arg8[%min3A_2475, %broadcast_in_dim3A_2525] : memref<100x4xf32, #tpu.memory_space<vmem>>[vector<16xi32>, vector<16xi32>], vector<16xf32>,
    %add3A_2527 = arith.constant 1 : i32
    %add3A_2528 = vector.broadcast %add3A_2527 : i32 to vector<16xi32>
    %add3A_2529 = arith.addi %broadcast_in_dim3A_2525, %add3A_2528 : vector<16xi32>
    tpu.vector_store_idx %arg11[%add3A_2515, %add3A_2529], %gather3A_2526 : memref<640x5xf32, #tpu.memory_space<vmem>>[vector<16xi32>, vector<16xi32>], vector<16xf32>,
    %broadcast_in_dim3A_2530 = arith.constant 2 : i32
    %broadcast_in_dim3A_2531 = vector.broadcast %broadcast_in_dim3A_2530 : i32 to vector<16xi32>
    %gather3A_2532 = tpu.vector_load_idx %arg8[%min3A_2475, %broadcast_in_dim3A_2531] : memref<100x4xf32, #tpu.memory_space<vmem>>[vector<16xi32>, vector<16xi32>], vector<16xf32>,
    %add3A_2533 = arith.constant 1 : i32
    %add3A_2534 = vector.broadcast %add3A_2533 : i32 to vector<16xi32>
    %add3A_2535 = arith.addi %broadcast_in_dim3A_2531, %add3A_2534 : vector<16xi32>
    tpu.vector_store_idx %arg11[%add3A_2515, %add3A_2535], %gather3A_2532 : memref<640x5xf32, #tpu.memory_space<vmem>>[vector<16xi32>, vector<16xi32>], vector<16xf32>,
    %broadcast_in_dim3A_2536 = arith.constant 3 : i32
    %broadcast_in_dim3A_2537 = vector.broadcast %broadcast_in_dim3A_2536 : i32 to vector<16xi32>
    %gather3A_2538 = tpu.vector_load_idx %arg8[%min3A_2475, %broadcast_in_dim3A_2537] : memref<100x4xf32, #tpu.memory_space<vmem>>[vector<16xi32>, vector<16xi32>], vector<16xf32>,
    %add3A_2539 = arith.constant 1 : i32
    %add3A_2540 = vector.broadcast %add3A_2539 : i32 to vector<16xi32>
    %add3A_2541 = arith.addi %broadcast_in_dim3A_2537, %add3A_2540 : vector<16xi32>
    tpu.vector_store_idx %arg11[%add3A_2515, %add3A_2541], %gather3A_2538 : memref<640x5xf32, #tpu.memory_space<vmem>>[vector<16xi32>, vector<16xi32>], vector<16xf32>,
    %add3A_2542 = arith.constant 528 : i32
    %add3A_2543 = vector.broadcast %add3A_2542 : i32 to vector<16xi32>
    %add3A_2544 = arith.addi %iota3A, %add3A_2543 : vector<16xi32>
    %gather3A_2545 = tpu.vector_load_idx %arg7[%broadcast_in_dim3A_37, %add3A_2544] : memref<1x640xi32, #tpu.memory_space<vmem>>[vector<16xi32>, vector<16xi32>], vector<16xi32>,
    %jit3A_2546 = arith.constant 0 : i32
    %jit3A_2547 = arith.constant 99 : i32
    %max3A_2548 = vector.broadcast %jit3A_2546 : i32 to vector<16xi32>
    %max3A_2549 = arith.maxsi %max3A_2548, %gather3A_2545 : vector<16xi32>
    %min3A_2550 = vector.broadcast %jit3A_2547 : i32 to vector<16xi32>
    %min3A_2551 = arith.minsi %min3A_2550, %max3A_2549 : vector<16xi32>
    %gather3A_2552 = tpu.vector_load_idx %arg9[%min3A_2551] : memref<100xf32, #tpu.memory_space<vmem>>[vector<16xi32>], vector<16xf32>,
    %gather3A_2553 = tpu.vector_load_idx %arg10[%min3A_2551] : memref<100xi32, #tpu.memory_space<vmem>>[vector<16xi32>], vector<16xi32>,
    %ge3A_2554 = arith.constant 0 : i32
    %ge3A_2555 = vector.broadcast %ge3A_2554 : i32 to vector<16xi32>
    %ge3A_2556 = arith.cmpi sge, %gather3A_2545, %ge3A_2555 : vector<16xi32>
    %jit3A_2557 = arith.constant 1.000000e+00 : f32
    %jit3A_2558 = arith.constant 0.000000e+00 : f32
    %broadcast_in_dim3A_2559 = vector.broadcast %jit3A_2557 : f32 to vector<16xf32>
    %broadcast_in_dim3A_2560 = vector.broadcast %jit3A_2558 : f32 to vector<16xf32>
    %select_n3A_2561 = arith.select %ge3A_2556, %broadcast_in_dim3A_2559, %broadcast_in_dim3A_2560 : vector<16xi1>, vector<16xf32>
    %min3A_2562 = arith.minimumf %select_n3A_2561, %gather3A_2552 : vector<16xf32>
    %eq3A_2563 = arith.constant -1 : i32
    %eq3A_2564 = vector.broadcast %eq3A_2563 : i32 to vector<16xi32>
    %eq3A_2565 = arith.cmpi eq, %gather3A_2545, %eq3A_2564 : vector<16xi32>
    %jit3A_2566 = arith.constant 0.000000e+00 : f32
    %broadcast_in_dim3A_2567 = vector.broadcast %jit3A_2566 : f32 to vector<16xf32>
    %select_n3A_2568 = arith.select %eq3A_2565, %broadcast_in_dim3A_2567, %min3A_2562 : vector<16xi1>, vector<16xf32>
    %eq3A_2569 = arith.constant -2 : i32
    %eq3A_2570 = vector.broadcast %eq3A_2569 : i32 to vector<16xi32>
    %eq3A_2571 = arith.cmpi eq, %gather3A_2545, %eq3A_2570 : vector<16xi32>
    %jit3A_2572 = arith.constant -1.000000e+00 : f32
    %broadcast_in_dim3A_2573 = vector.broadcast %jit3A_2572 : f32 to vector<16xf32>
    %select_n3A_2574 = arith.select %eq3A_2571, %broadcast_in_dim3A_2573, %select_n3A_2568 : vector<16xi1>, vector<16xf32>
    %lt3A_2575 = arith.constant 1.000000e+00 : f32
    %lt3A_2576 = vector.broadcast %lt3A_2575 : f32 to vector<16xf32>
    %lt3A_2577 = arith.cmpf olt, %gather3A_2552, %lt3A_2576 : vector<16xf32>
    %and3A_2578 = arith.andi %ge3A_2556, %lt3A_2577 : vector<16xi1>
    %jit3A_2579 = arith.constant -1.000000e+00 : f32
    %broadcast_in_dim3A_2580 = vector.broadcast %jit3A_2579 : f32 to vector<16xf32>
    %select_n3A_2581 = arith.select %and3A_2578, %broadcast_in_dim3A_2580, %select_n3A_2574 : vector<16xi1>, vector<16xf32>
    %eq3A_2582 = arith.constant 0 : i32
    %eq3A_2583 = vector.broadcast %eq3A_2582 : i32 to vector<16xi32>
    %eq3A_2584 = arith.cmpi eq, %gather3A_2553, %eq3A_2583 : vector<16xi32>
    %and3A_2585 = arith.andi %ge3A_2556, %eq3A_2584 : vector<16xi1>
    %jit3A_2586 = arith.constant -1.000000e+00 : f32
    %broadcast_in_dim3A_2587 = vector.broadcast %jit3A_2586 : f32 to vector<16xf32>
    %select_n3A_2588 = arith.select %and3A_2585, %broadcast_in_dim3A_2587, %select_n3A_2581 : vector<16xi1>, vector<16xf32>
    %add3A_2589 = arith.constant 528 : i32
    %add3A_2590 = vector.broadcast %add3A_2589 : i32 to vector<16xi32>
    %add3A_2591 = arith.addi %iota3A, %add3A_2590 : vector<16xi32>
    %broadcast_in_dim3A_2592 = arith.constant 0 : i32
    %broadcast_in_dim3A_2593 = vector.broadcast %broadcast_in_dim3A_2592 : i32 to vector<16xi32>
    tpu.vector_store_idx %arg11[%add3A_2591, %broadcast_in_dim3A_2593], %select_n3A_2588 : memref<640x5xf32, #tpu.memory_space<vmem>>[vector<16xi32>, vector<16xi32>], vector<16xf32>,
    %broadcast_in_dim3A_2594 = arith.constant 0 : i32
    %broadcast_in_dim3A_2595 = vector.broadcast %broadcast_in_dim3A_2594 : i32 to vector<16xi32>
    %gather3A_2596 = tpu.vector_load_idx %arg8[%min3A_2551, %broadcast_in_dim3A_2595] : memref<100x4xf32, #tpu.memory_space<vmem>>[vector<16xi32>, vector<16xi32>], vector<16xf32>,
    %add3A_2597 = arith.constant 1 : i32
    %add3A_2598 = vector.broadcast %add3A_2597 : i32 to vector<16xi32>
    %add3A_2599 = arith.addi %broadcast_in_dim3A_2595, %add3A_2598 : vector<16xi32>
    tpu.vector_store_idx %arg11[%add3A_2591, %add3A_2599], %gather3A_2596 : memref<640x5xf32, #tpu.memory_space<vmem>>[vector<16xi32>, vector<16xi32>], vector<16xf32>,
    %broadcast_in_dim3A_2600 = arith.constant 1 : i32
    %broadcast_in_dim3A_2601 = vector.broadcast %broadcast_in_dim3A_2600 : i32 to vector<16xi32>
    %gather3A_2602 = tpu.vector_load_idx %arg8[%min3A_2551, %broadcast_in_dim3A_2601] : memref<100x4xf32, #tpu.memory_space<vmem>>[vector<16xi32>, vector<16xi32>], vector<16xf32>,
    %add3A_2603 = arith.constant 1 : i32
    %add3A_2604 = vector.broadcast %add3A_2603 : i32 to vector<16xi32>
    %add3A_2605 = arith.addi %broadcast_in_dim3A_2601, %add3A_2604 : vector<16xi32>
    tpu.vector_store_idx %arg11[%add3A_2591, %add3A_2605], %gather3A_2602 : memref<640x5xf32, #tpu.memory_space<vmem>>[vector<16xi32>, vector<16xi32>], vector<16xf32>,
    %broadcast_in_dim3A_2606 = arith.constant 2 : i32
    %broadcast_in_dim3A_2607 = vector.broadcast %broadcast_in_dim3A_2606 : i32 to vector<16xi32>
    %gather3A_2608 = tpu.vector_load_idx %arg8[%min3A_2551, %broadcast_in_dim3A_2607] : memref<100x4xf32, #tpu.memory_space<vmem>>[vector<16xi32>, vector<16xi32>], vector<16xf32>,
    %add3A_2609 = arith.constant 1 : i32
    %add3A_2610 = vector.broadcast %add3A_2609 : i32 to vector<16xi32>
    %add3A_2611 = arith.addi %broadcast_in_dim3A_2607, %add3A_2610 : vector<16xi32>
    tpu.vector_store_idx %arg11[%add3A_2591, %add3A_2611], %gather3A_2608 : memref<640x5xf32, #tpu.memory_space<vmem>>[vector<16xi32>, vector<16xi32>], vector<16xf32>,
    %broadcast_in_dim3A_2612 = arith.constant 3 : i32
    %broadcast_in_dim3A_2613 = vector.broadcast %broadcast_in_dim3A_2612 : i32 to vector<16xi32>
    %gather3A_2614 = tpu.vector_load_idx %arg8[%min3A_2551, %broadcast_in_dim3A_2613] : memref<100x4xf32, #tpu.memory_space<vmem>>[vector<16xi32>, vector<16xi32>], vector<16xf32>,
    %add3A_2615 = arith.constant 1 : i32
    %add3A_2616 = vector.broadcast %add3A_2615 : i32 to vector<16xi32>
    %add3A_2617 = arith.addi %broadcast_in_dim3A_2613, %add3A_2616 : vector<16xi32>
    tpu.vector_store_idx %arg11[%add3A_2591, %add3A_2617], %gather3A_2614 : memref<640x5xf32, #tpu.memory_space<vmem>>[vector<16xi32>, vector<16xi32>], vector<16xf32>,
    %add3A_2618 = arith.constant 544 : i32
    %add3A_2619 = vector.broadcast %add3A_2618 : i32 to vector<16xi32>
    %add3A_2620 = arith.addi %iota3A, %add3A_2619 : vector<16xi32>
    %gather3A_2621 = tpu.vector_load_idx %arg7[%broadcast_in_dim3A_37, %add3A_2620] : memref<1x640xi32, #tpu.memory_space<vmem>>[vector<16xi32>, vector<16xi32>], vector<16xi32>,
    %jit3A_2622 = arith.constant 0 : i32
    %jit3A_2623 = arith.constant 99 : i32
    %max3A_2624 = vector.broadcast %jit3A_2622 : i32 to vector<16xi32>
    %max3A_2625 = arith.maxsi %max3A_2624, %gather3A_2621 : vector<16xi32>
    %min3A_2626 = vector.broadcast %jit3A_2623 : i32 to vector<16xi32>
    %min3A_2627 = arith.minsi %min3A_2626, %max3A_2625 : vector<16xi32>
    %gather3A_2628 = tpu.vector_load_idx %arg9[%min3A_2627] : memref<100xf32, #tpu.memory_space<vmem>>[vector<16xi32>], vector<16xf32>,
    %gather3A_2629 = tpu.vector_load_idx %arg10[%min3A_2627] : memref<100xi32, #tpu.memory_space<vmem>>[vector<16xi32>], vector<16xi32>,
    %ge3A_2630 = arith.constant 0 : i32
    %ge3A_2631 = vector.broadcast %ge3A_2630 : i32 to vector<16xi32>
    %ge3A_2632 = arith.cmpi sge, %gather3A_2621, %ge3A_2631 : vector<16xi32>
    %jit3A_2633 = arith.constant 1.000000e+00 : f32
    %jit3A_2634 = arith.constant 0.000000e+00 : f32
    %broadcast_in_dim3A_2635 = vector.broadcast %jit3A_2633 : f32 to vector<16xf32>
    %broadcast_in_dim3A_2636 = vector.broadcast %jit3A_2634 : f32 to vector<16xf32>
    %select_n3A_2637 = arith.select %ge3A_2632, %broadcast_in_dim3A_2635, %broadcast_in_dim3A_2636 : vector<16xi1>, vector<16xf32>
    %min3A_2638 = arith.minimumf %select_n3A_2637, %gather3A_2628 : vector<16xf32>
    %eq3A_2639 = arith.constant -1 : i32
    %eq3A_2640 = vector.broadcast %eq3A_2639 : i32 to vector<16xi32>
    %eq3A_2641 = arith.cmpi eq, %gather3A_2621, %eq3A_2640 : vector<16xi32>
    %jit3A_2642 = arith.constant 0.000000e+00 : f32
    %broadcast_in_dim3A_2643 = vector.broadcast %jit3A_2642 : f32 to vector<16xf32>
    %select_n3A_2644 = arith.select %eq3A_2641, %broadcast_in_dim3A_2643, %min3A_2638 : vector<16xi1>, vector<16xf32>
    %eq3A_2645 = arith.constant -2 : i32
    %eq3A_2646 = vector.broadcast %eq3A_2645 : i32 to vector<16xi32>
    %eq3A_2647 = arith.cmpi eq, %gather3A_2621, %eq3A_2646 : vector<16xi32>
    %jit3A_2648 = arith.constant -1.000000e+00 : f32
    %broadcast_in_dim3A_2649 = vector.broadcast %jit3A_2648 : f32 to vector<16xf32>
    %select_n3A_2650 = arith.select %eq3A_2647, %broadcast_in_dim3A_2649, %select_n3A_2644 : vector<16xi1>, vector<16xf32>
    %lt3A_2651 = arith.constant 1.000000e+00 : f32
    %lt3A_2652 = vector.broadcast %lt3A_2651 : f32 to vector<16xf32>
    %lt3A_2653 = arith.cmpf olt, %gather3A_2628, %lt3A_2652 : vector<16xf32>
    %and3A_2654 = arith.andi %ge3A_2632, %lt3A_2653 : vector<16xi1>
    %jit3A_2655 = arith.constant -1.000000e+00 : f32
    %broadcast_in_dim3A_2656 = vector.broadcast %jit3A_2655 : f32 to vector<16xf32>
    %select_n3A_2657 = arith.select %and3A_2654, %broadcast_in_dim3A_2656, %select_n3A_2650 : vector<16xi1>, vector<16xf32>
    %eq3A_2658 = arith.constant 0 : i32
    %eq3A_2659 = vector.broadcast %eq3A_2658 : i32 to vector<16xi32>
    %eq3A_2660 = arith.cmpi eq, %gather3A_2629, %eq3A_2659 : vector<16xi32>
    %and3A_2661 = arith.andi %ge3A_2632, %eq3A_2660 : vector<16xi1>
    %jit3A_2662 = arith.constant -1.000000e+00 : f32
    %broadcast_in_dim3A_2663 = vector.broadcast %jit3A_2662 : f32 to vector<16xf32>
    %select_n3A_2664 = arith.select %and3A_2661, %broadcast_in_dim3A_2663, %select_n3A_2657 : vector<16xi1>, vector<16xf32>
    %add3A_2665 = arith.constant 544 : i32
    %add3A_2666 = vector.broadcast %add3A_2665 : i32 to vector<16xi32>
    %add3A_2667 = arith.addi %iota3A, %add3A_2666 : vector<16xi32>
    %broadcast_in_dim3A_2668 = arith.constant 0 : i32
    %broadcast_in_dim3A_2669 = vector.broadcast %broadcast_in_dim3A_2668 : i32 to vector<16xi32>
    tpu.vector_store_idx %arg11[%add3A_2667, %broadcast_in_dim3A_2669], %select_n3A_2664 : memref<640x5xf32, #tpu.memory_space<vmem>>[vector<16xi32>, vector<16xi32>], vector<16xf32>,
    %broadcast_in_dim3A_2670 = arith.constant 0 : i32
    %broadcast_in_dim3A_2671 = vector.broadcast %broadcast_in_dim3A_2670 : i32 to vector<16xi32>
    %gather3A_2672 = tpu.vector_load_idx %arg8[%min3A_2627, %broadcast_in_dim3A_2671] : memref<100x4xf32, #tpu.memory_space<vmem>>[vector<16xi32>, vector<16xi32>], vector<16xf32>,
    %add3A_2673 = arith.constant 1 : i32
    %add3A_2674 = vector.broadcast %add3A_2673 : i32 to vector<16xi32>
    %add3A_2675 = arith.addi %broadcast_in_dim3A_2671, %add3A_2674 : vector<16xi32>
    tpu.vector_store_idx %arg11[%add3A_2667, %add3A_2675], %gather3A_2672 : memref<640x5xf32, #tpu.memory_space<vmem>>[vector<16xi32>, vector<16xi32>], vector<16xf32>,
    %broadcast_in_dim3A_2676 = arith.constant 1 : i32
    %broadcast_in_dim3A_2677 = vector.broadcast %broadcast_in_dim3A_2676 : i32 to vector<16xi32>
    %gather3A_2678 = tpu.vector_load_idx %arg8[%min3A_2627, %broadcast_in_dim3A_2677] : memref<100x4xf32, #tpu.memory_space<vmem>>[vector<16xi32>, vector<16xi32>], vector<16xf32>,
    %add3A_2679 = arith.constant 1 : i32
    %add3A_2680 = vector.broadcast %add3A_2679 : i32 to vector<16xi32>
    %add3A_2681 = arith.addi %broadcast_in_dim3A_2677, %add3A_2680 : vector<16xi32>
    tpu.vector_store_idx %arg11[%add3A_2667, %add3A_2681], %gather3A_2678 : memref<640x5xf32, #tpu.memory_space<vmem>>[vector<16xi32>, vector<16xi32>], vector<16xf32>,
    %broadcast_in_dim3A_2682 = arith.constant 2 : i32
    %broadcast_in_dim3A_2683 = vector.broadcast %broadcast_in_dim3A_2682 : i32 to vector<16xi32>
    %gather3A_2684 = tpu.vector_load_idx %arg8[%min3A_2627, %broadcast_in_dim3A_2683] : memref<100x4xf32, #tpu.memory_space<vmem>>[vector<16xi32>, vector<16xi32>], vector<16xf32>,
    %add3A_2685 = arith.constant 1 : i32
    %add3A_2686 = vector.broadcast %add3A_2685 : i32 to vector<16xi32>
    %add3A_2687 = arith.addi %broadcast_in_dim3A_2683, %add3A_2686 : vector<16xi32>
    tpu.vector_store_idx %arg11[%add3A_2667, %add3A_2687], %gather3A_2684 : memref<640x5xf32, #tpu.memory_space<vmem>>[vector<16xi32>, vector<16xi32>], vector<16xf32>,
    %broadcast_in_dim3A_2688 = arith.constant 3 : i32
    %broadcast_in_dim3A_2689 = vector.broadcast %broadcast_in_dim3A_2688 : i32 to vector<16xi32>
    %gather3A_2690 = tpu.vector_load_idx %arg8[%min3A_2627, %broadcast_in_dim3A_2689] : memref<100x4xf32, #tpu.memory_space<vmem>>[vector<16xi32>, vector<16xi32>], vector<16xf32>,
    %add3A_2691 = arith.constant 1 : i32
    %add3A_2692 = vector.broadcast %add3A_2691 : i32 to vector<16xi32>
    %add3A_2693 = arith.addi %broadcast_in_dim3A_2689, %add3A_2692 : vector<16xi32>
    tpu.vector_store_idx %arg11[%add3A_2667, %add3A_2693], %gather3A_2690 : memref<640x5xf32, #tpu.memory_space<vmem>>[vector<16xi32>, vector<16xi32>], vector<16xf32>,
    %add3A_2694 = arith.constant 560 : i32
    %add3A_2695 = vector.broadcast %add3A_2694 : i32 to vector<16xi32>
    %add3A_2696 = arith.addi %iota3A, %add3A_2695 : vector<16xi32>
    %gather3A_2697 = tpu.vector_load_idx %arg7[%broadcast_in_dim3A_37, %add3A_2696] : memref<1x640xi32, #tpu.memory_space<vmem>>[vector<16xi32>, vector<16xi32>], vector<16xi32>,
    %jit3A_2698 = arith.constant 0 : i32
    %jit3A_2699 = arith.constant 99 : i32
    %max3A_2700 = vector.broadcast %jit3A_2698 : i32 to vector<16xi32>
    %max3A_2701 = arith.maxsi %max3A_2700, %gather3A_2697 : vector<16xi32>
    %min3A_2702 = vector.broadcast %jit3A_2699 : i32 to vector<16xi32>
    %min3A_2703 = arith.minsi %min3A_2702, %max3A_2701 : vector<16xi32>
    %gather3A_2704 = tpu.vector_load_idx %arg9[%min3A_2703] : memref<100xf32, #tpu.memory_space<vmem>>[vector<16xi32>], vector<16xf32>,
    %gather3A_2705 = tpu.vector_load_idx %arg10[%min3A_2703] : memref<100xi32, #tpu.memory_space<vmem>>[vector<16xi32>], vector<16xi32>,
    %ge3A_2706 = arith.constant 0 : i32
    %ge3A_2707 = vector.broadcast %ge3A_2706 : i32 to vector<16xi32>
    %ge3A_2708 = arith.cmpi sge, %gather3A_2697, %ge3A_2707 : vector<16xi32>
    %jit3A_2709 = arith.constant 1.000000e+00 : f32
    %jit3A_2710 = arith.constant 0.000000e+00 : f32
    %broadcast_in_dim3A_2711 = vector.broadcast %jit3A_2709 : f32 to vector<16xf32>
    %broadcast_in_dim3A_2712 = vector.broadcast %jit3A_2710 : f32 to vector<16xf32>
    %select_n3A_2713 = arith.select %ge3A_2708, %broadcast_in_dim3A_2711, %broadcast_in_dim3A_2712 : vector<16xi1>, vector<16xf32>
    %min3A_2714 = arith.minimumf %select_n3A_2713, %gather3A_2704 : vector<16xf32>
    %eq3A_2715 = arith.constant -1 : i32
    %eq3A_2716 = vector.broadcast %eq3A_2715 : i32 to vector<16xi32>
    %eq3A_2717 = arith.cmpi eq, %gather3A_2697, %eq3A_2716 : vector<16xi32>
    %jit3A_2718 = arith.constant 0.000000e+00 : f32
    %broadcast_in_dim3A_2719 = vector.broadcast %jit3A_2718 : f32 to vector<16xf32>
    %select_n3A_2720 = arith.select %eq3A_2717, %broadcast_in_dim3A_2719, %min3A_2714 : vector<16xi1>, vector<16xf32>
    %eq3A_2721 = arith.constant -2 : i32
    %eq3A_2722 = vector.broadcast %eq3A_2721 : i32 to vector<16xi32>
    %eq3A_2723 = arith.cmpi eq, %gather3A_2697, %eq3A_2722 : vector<16xi32>
    %jit3A_2724 = arith.constant -1.000000e+00 : f32
    %broadcast_in_dim3A_2725 = vector.broadcast %jit3A_2724 : f32 to vector<16xf32>
    %select_n3A_2726 = arith.select %eq3A_2723, %broadcast_in_dim3A_2725, %select_n3A_2720 : vector<16xi1>, vector<16xf32>
    %lt3A_2727 = arith.constant 1.000000e+00 : f32
    %lt3A_2728 = vector.broadcast %lt3A_2727 : f32 to vector<16xf32>
    %lt3A_2729 = arith.cmpf olt, %gather3A_2704, %lt3A_2728 : vector<16xf32>
    %and3A_2730 = arith.andi %ge3A_2708, %lt3A_2729 : vector<16xi1>
    %jit3A_2731 = arith.constant -1.000000e+00 : f32
    %broadcast_in_dim3A_2732 = vector.broadcast %jit3A_2731 : f32 to vector<16xf32>
    %select_n3A_2733 = arith.select %and3A_2730, %broadcast_in_dim3A_2732, %select_n3A_2726 : vector<16xi1>, vector<16xf32>
    %eq3A_2734 = arith.constant 0 : i32
    %eq3A_2735 = vector.broadcast %eq3A_2734 : i32 to vector<16xi32>
    %eq3A_2736 = arith.cmpi eq, %gather3A_2705, %eq3A_2735 : vector<16xi32>
    %and3A_2737 = arith.andi %ge3A_2708, %eq3A_2736 : vector<16xi1>
    %jit3A_2738 = arith.constant -1.000000e+00 : f32
    %broadcast_in_dim3A_2739 = vector.broadcast %jit3A_2738 : f32 to vector<16xf32>
    %select_n3A_2740 = arith.select %and3A_2737, %broadcast_in_dim3A_2739, %select_n3A_2733 : vector<16xi1>, vector<16xf32>
    %add3A_2741 = arith.constant 560 : i32
    %add3A_2742 = vector.broadcast %add3A_2741 : i32 to vector<16xi32>
    %add3A_2743 = arith.addi %iota3A, %add3A_2742 : vector<16xi32>
    %broadcast_in_dim3A_2744 = arith.constant 0 : i32
    %broadcast_in_dim3A_2745 = vector.broadcast %broadcast_in_dim3A_2744 : i32 to vector<16xi32>
    tpu.vector_store_idx %arg11[%add3A_2743, %broadcast_in_dim3A_2745], %select_n3A_2740 : memref<640x5xf32, #tpu.memory_space<vmem>>[vector<16xi32>, vector<16xi32>], vector<16xf32>,
    %broadcast_in_dim3A_2746 = arith.constant 0 : i32
    %broadcast_in_dim3A_2747 = vector.broadcast %broadcast_in_dim3A_2746 : i32 to vector<16xi32>
    %gather3A_2748 = tpu.vector_load_idx %arg8[%min3A_2703, %broadcast_in_dim3A_2747] : memref<100x4xf32, #tpu.memory_space<vmem>>[vector<16xi32>, vector<16xi32>], vector<16xf32>,
    %add3A_2749 = arith.constant 1 : i32
    %add3A_2750 = vector.broadcast %add3A_2749 : i32 to vector<16xi32>
    %add3A_2751 = arith.addi %broadcast_in_dim3A_2747, %add3A_2750 : vector<16xi32>
    tpu.vector_store_idx %arg11[%add3A_2743, %add3A_2751], %gather3A_2748 : memref<640x5xf32, #tpu.memory_space<vmem>>[vector<16xi32>, vector<16xi32>], vector<16xf32>,
    %broadcast_in_dim3A_2752 = arith.constant 1 : i32
    %broadcast_in_dim3A_2753 = vector.broadcast %broadcast_in_dim3A_2752 : i32 to vector<16xi32>
    %gather3A_2754 = tpu.vector_load_idx %arg8[%min3A_2703, %broadcast_in_dim3A_2753] : memref<100x4xf32, #tpu.memory_space<vmem>>[vector<16xi32>, vector<16xi32>], vector<16xf32>,
    %add3A_2755 = arith.constant 1 : i32
    %add3A_2756 = vector.broadcast %add3A_2755 : i32 to vector<16xi32>
    %add3A_2757 = arith.addi %broadcast_in_dim3A_2753, %add3A_2756 : vector<16xi32>
    tpu.vector_store_idx %arg11[%add3A_2743, %add3A_2757], %gather3A_2754 : memref<640x5xf32, #tpu.memory_space<vmem>>[vector<16xi32>, vector<16xi32>], vector<16xf32>,
    %broadcast_in_dim3A_2758 = arith.constant 2 : i32
    %broadcast_in_dim3A_2759 = vector.broadcast %broadcast_in_dim3A_2758 : i32 to vector<16xi32>
    %gather3A_2760 = tpu.vector_load_idx %arg8[%min3A_2703, %broadcast_in_dim3A_2759] : memref<100x4xf32, #tpu.memory_space<vmem>>[vector<16xi32>, vector<16xi32>], vector<16xf32>,
    %add3A_2761 = arith.constant 1 : i32
    %add3A_2762 = vector.broadcast %add3A_2761 : i32 to vector<16xi32>
    %add3A_2763 = arith.addi %broadcast_in_dim3A_2759, %add3A_2762 : vector<16xi32>
    tpu.vector_store_idx %arg11[%add3A_2743, %add3A_2763], %gather3A_2760 : memref<640x5xf32, #tpu.memory_space<vmem>>[vector<16xi32>, vector<16xi32>], vector<16xf32>,
    %broadcast_in_dim3A_2764 = arith.constant 3 : i32
    %broadcast_in_dim3A_2765 = vector.broadcast %broadcast_in_dim3A_2764 : i32 to vector<16xi32>
    %gather3A_2766 = tpu.vector_load_idx %arg8[%min3A_2703, %broadcast_in_dim3A_2765] : memref<100x4xf32, #tpu.memory_space<vmem>>[vector<16xi32>, vector<16xi32>], vector<16xf32>,
    %add3A_2767 = arith.constant 1 : i32
    %add3A_2768 = vector.broadcast %add3A_2767 : i32 to vector<16xi32>
    %add3A_2769 = arith.addi %broadcast_in_dim3A_2765, %add3A_2768 : vector<16xi32>
    tpu.vector_store_idx %arg11[%add3A_2743, %add3A_2769], %gather3A_2766 : memref<640x5xf32, #tpu.memory_space<vmem>>[vector<16xi32>, vector<16xi32>], vector<16xf32>,
    %add3A_2770 = arith.constant 576 : i32
    %add3A_2771 = vector.broadcast %add3A_2770 : i32 to vector<16xi32>
    %add3A_2772 = arith.addi %iota3A, %add3A_2771 : vector<16xi32>
    %gather3A_2773 = tpu.vector_load_idx %arg7[%broadcast_in_dim3A_37, %add3A_2772] : memref<1x640xi32, #tpu.memory_space<vmem>>[vector<16xi32>, vector<16xi32>], vector<16xi32>,
    %jit3A_2774 = arith.constant 0 : i32
    %jit3A_2775 = arith.constant 99 : i32
    %max3A_2776 = vector.broadcast %jit3A_2774 : i32 to vector<16xi32>
    %max3A_2777 = arith.maxsi %max3A_2776, %gather3A_2773 : vector<16xi32>
    %min3A_2778 = vector.broadcast %jit3A_2775 : i32 to vector<16xi32>
    %min3A_2779 = arith.minsi %min3A_2778, %max3A_2777 : vector<16xi32>
    %gather3A_2780 = tpu.vector_load_idx %arg9[%min3A_2779] : memref<100xf32, #tpu.memory_space<vmem>>[vector<16xi32>], vector<16xf32>,
    %gather3A_2781 = tpu.vector_load_idx %arg10[%min3A_2779] : memref<100xi32, #tpu.memory_space<vmem>>[vector<16xi32>], vector<16xi32>,
    %ge3A_2782 = arith.constant 0 : i32
    %ge3A_2783 = vector.broadcast %ge3A_2782 : i32 to vector<16xi32>
    %ge3A_2784 = arith.cmpi sge, %gather3A_2773, %ge3A_2783 : vector<16xi32>
    %jit3A_2785 = arith.constant 1.000000e+00 : f32
    %jit3A_2786 = arith.constant 0.000000e+00 : f32
    %broadcast_in_dim3A_2787 = vector.broadcast %jit3A_2785 : f32 to vector<16xf32>
    %broadcast_in_dim3A_2788 = vector.broadcast %jit3A_2786 : f32 to vector<16xf32>
    %select_n3A_2789 = arith.select %ge3A_2784, %broadcast_in_dim3A_2787, %broadcast_in_dim3A_2788 : vector<16xi1>, vector<16xf32>
    %min3A_2790 = arith.minimumf %select_n3A_2789, %gather3A_2780 : vector<16xf32>
    %eq3A_2791 = arith.constant -1 : i32
    %eq3A_2792 = vector.broadcast %eq3A_2791 : i32 to vector<16xi32>
    %eq3A_2793 = arith.cmpi eq, %gather3A_2773, %eq3A_2792 : vector<16xi32>
    %jit3A_2794 = arith.constant 0.000000e+00 : f32
    %broadcast_in_dim3A_2795 = vector.broadcast %jit3A_2794 : f32 to vector<16xf32>
    %select_n3A_2796 = arith.select %eq3A_2793, %broadcast_in_dim3A_2795, %min3A_2790 : vector<16xi1>, vector<16xf32>
    %eq3A_2797 = arith.constant -2 : i32
    %eq3A_2798 = vector.broadcast %eq3A_2797 : i32 to vector<16xi32>
    %eq3A_2799 = arith.cmpi eq, %gather3A_2773, %eq3A_2798 : vector<16xi32>
    %jit3A_2800 = arith.constant -1.000000e+00 : f32
    %broadcast_in_dim3A_2801 = vector.broadcast %jit3A_2800 : f32 to vector<16xf32>
    %select_n3A_2802 = arith.select %eq3A_2799, %broadcast_in_dim3A_2801, %select_n3A_2796 : vector<16xi1>, vector<16xf32>
    %lt3A_2803 = arith.constant 1.000000e+00 : f32
    %lt3A_2804 = vector.broadcast %lt3A_2803 : f32 to vector<16xf32>
    %lt3A_2805 = arith.cmpf olt, %gather3A_2780, %lt3A_2804 : vector<16xf32>
    %and3A_2806 = arith.andi %ge3A_2784, %lt3A_2805 : vector<16xi1>
    %jit3A_2807 = arith.constant -1.000000e+00 : f32
    %broadcast_in_dim3A_2808 = vector.broadcast %jit3A_2807 : f32 to vector<16xf32>
    %select_n3A_2809 = arith.select %and3A_2806, %broadcast_in_dim3A_2808, %select_n3A_2802 : vector<16xi1>, vector<16xf32>
    %eq3A_2810 = arith.constant 0 : i32
    %eq3A_2811 = vector.broadcast %eq3A_2810 : i32 to vector<16xi32>
    %eq3A_2812 = arith.cmpi eq, %gather3A_2781, %eq3A_2811 : vector<16xi32>
    %and3A_2813 = arith.andi %ge3A_2784, %eq3A_2812 : vector<16xi1>
    %jit3A_2814 = arith.constant -1.000000e+00 : f32
    %broadcast_in_dim3A_2815 = vector.broadcast %jit3A_2814 : f32 to vector<16xf32>
    %select_n3A_2816 = arith.select %and3A_2813, %broadcast_in_dim3A_2815, %select_n3A_2809 : vector<16xi1>, vector<16xf32>
    %add3A_2817 = arith.constant 576 : i32
    %add3A_2818 = vector.broadcast %add3A_2817 : i32 to vector<16xi32>
    %add3A_2819 = arith.addi %iota3A, %add3A_2818 : vector<16xi32>
    %broadcast_in_dim3A_2820 = arith.constant 0 : i32
    %broadcast_in_dim3A_2821 = vector.broadcast %broadcast_in_dim3A_2820 : i32 to vector<16xi32>
    tpu.vector_store_idx %arg11[%add3A_2819, %broadcast_in_dim3A_2821], %select_n3A_2816 : memref<640x5xf32, #tpu.memory_space<vmem>>[vector<16xi32>, vector<16xi32>], vector<16xf32>,
    %broadcast_in_dim3A_2822 = arith.constant 0 : i32
    %broadcast_in_dim3A_2823 = vector.broadcast %broadcast_in_dim3A_2822 : i32 to vector<16xi32>
    %gather3A_2824 = tpu.vector_load_idx %arg8[%min3A_2779, %broadcast_in_dim3A_2823] : memref<100x4xf32, #tpu.memory_space<vmem>>[vector<16xi32>, vector<16xi32>], vector<16xf32>,
    %add3A_2825 = arith.constant 1 : i32
    %add3A_2826 = vector.broadcast %add3A_2825 : i32 to vector<16xi32>
    %add3A_2827 = arith.addi %broadcast_in_dim3A_2823, %add3A_2826 : vector<16xi32>
    tpu.vector_store_idx %arg11[%add3A_2819, %add3A_2827], %gather3A_2824 : memref<640x5xf32, #tpu.memory_space<vmem>>[vector<16xi32>, vector<16xi32>], vector<16xf32>,
    %broadcast_in_dim3A_2828 = arith.constant 1 : i32
    %broadcast_in_dim3A_2829 = vector.broadcast %broadcast_in_dim3A_2828 : i32 to vector<16xi32>
    %gather3A_2830 = tpu.vector_load_idx %arg8[%min3A_2779, %broadcast_in_dim3A_2829] : memref<100x4xf32, #tpu.memory_space<vmem>>[vector<16xi32>, vector<16xi32>], vector<16xf32>,
    %add3A_2831 = arith.constant 1 : i32
    %add3A_2832 = vector.broadcast %add3A_2831 : i32 to vector<16xi32>
    %add3A_2833 = arith.addi %broadcast_in_dim3A_2829, %add3A_2832 : vector<16xi32>
    tpu.vector_store_idx %arg11[%add3A_2819, %add3A_2833], %gather3A_2830 : memref<640x5xf32, #tpu.memory_space<vmem>>[vector<16xi32>, vector<16xi32>], vector<16xf32>,
    %broadcast_in_dim3A_2834 = arith.constant 2 : i32
    %broadcast_in_dim3A_2835 = vector.broadcast %broadcast_in_dim3A_2834 : i32 to vector<16xi32>
    %gather3A_2836 = tpu.vector_load_idx %arg8[%min3A_2779, %broadcast_in_dim3A_2835] : memref<100x4xf32, #tpu.memory_space<vmem>>[vector<16xi32>, vector<16xi32>], vector<16xf32>,
    %add3A_2837 = arith.constant 1 : i32
    %add3A_2838 = vector.broadcast %add3A_2837 : i32 to vector<16xi32>
    %add3A_2839 = arith.addi %broadcast_in_dim3A_2835, %add3A_2838 : vector<16xi32>
    tpu.vector_store_idx %arg11[%add3A_2819, %add3A_2839], %gather3A_2836 : memref<640x5xf32, #tpu.memory_space<vmem>>[vector<16xi32>, vector<16xi32>], vector<16xf32>,
    %broadcast_in_dim3A_2840 = arith.constant 3 : i32
    %broadcast_in_dim3A_2841 = vector.broadcast %broadcast_in_dim3A_2840 : i32 to vector<16xi32>
    %gather3A_2842 = tpu.vector_load_idx %arg8[%min3A_2779, %broadcast_in_dim3A_2841] : memref<100x4xf32, #tpu.memory_space<vmem>>[vector<16xi32>, vector<16xi32>], vector<16xf32>,
    %add3A_2843 = arith.constant 1 : i32
    %add3A_2844 = vector.broadcast %add3A_2843 : i32 to vector<16xi32>
    %add3A_2845 = arith.addi %broadcast_in_dim3A_2841, %add3A_2844 : vector<16xi32>
    tpu.vector_store_idx %arg11[%add3A_2819, %add3A_2845], %gather3A_2842 : memref<640x5xf32, #tpu.memory_space<vmem>>[vector<16xi32>, vector<16xi32>], vector<16xf32>,
    %add3A_2846 = arith.constant 592 : i32
    %add3A_2847 = vector.broadcast %add3A_2846 : i32 to vector<16xi32>
    %add3A_2848 = arith.addi %iota3A, %add3A_2847 : vector<16xi32>
    %gather3A_2849 = tpu.vector_load_idx %arg7[%broadcast_in_dim3A_37, %add3A_2848] : memref<1x640xi32, #tpu.memory_space<vmem>>[vector<16xi32>, vector<16xi32>], vector<16xi32>,
    %jit3A_2850 = arith.constant 0 : i32
    %jit3A_2851 = arith.constant 99 : i32
    %max3A_2852 = vector.broadcast %jit3A_2850 : i32 to vector<16xi32>
    %max3A_2853 = arith.maxsi %max3A_2852, %gather3A_2849 : vector<16xi32>
    %min3A_2854 = vector.broadcast %jit3A_2851 : i32 to vector<16xi32>
    %min3A_2855 = arith.minsi %min3A_2854, %max3A_2853 : vector<16xi32>
    %gather3A_2856 = tpu.vector_load_idx %arg9[%min3A_2855] : memref<100xf32, #tpu.memory_space<vmem>>[vector<16xi32>], vector<16xf32>,
    %gather3A_2857 = tpu.vector_load_idx %arg10[%min3A_2855] : memref<100xi32, #tpu.memory_space<vmem>>[vector<16xi32>], vector<16xi32>,
    %ge3A_2858 = arith.constant 0 : i32
    %ge3A_2859 = vector.broadcast %ge3A_2858 : i32 to vector<16xi32>
    %ge3A_2860 = arith.cmpi sge, %gather3A_2849, %ge3A_2859 : vector<16xi32>
    %jit3A_2861 = arith.constant 1.000000e+00 : f32
    %jit3A_2862 = arith.constant 0.000000e+00 : f32
    %broadcast_in_dim3A_2863 = vector.broadcast %jit3A_2861 : f32 to vector<16xf32>
    %broadcast_in_dim3A_2864 = vector.broadcast %jit3A_2862 : f32 to vector<16xf32>
    %select_n3A_2865 = arith.select %ge3A_2860, %broadcast_in_dim3A_2863, %broadcast_in_dim3A_2864 : vector<16xi1>, vector<16xf32>
    %min3A_2866 = arith.minimumf %select_n3A_2865, %gather3A_2856 : vector<16xf32>
    %eq3A_2867 = arith.constant -1 : i32
    %eq3A_2868 = vector.broadcast %eq3A_2867 : i32 to vector<16xi32>
    %eq3A_2869 = arith.cmpi eq, %gather3A_2849, %eq3A_2868 : vector<16xi32>
    %jit3A_2870 = arith.constant 0.000000e+00 : f32
    %broadcast_in_dim3A_2871 = vector.broadcast %jit3A_2870 : f32 to vector<16xf32>
    %select_n3A_2872 = arith.select %eq3A_2869, %broadcast_in_dim3A_2871, %min3A_2866 : vector<16xi1>, vector<16xf32>
    %eq3A_2873 = arith.constant -2 : i32
    %eq3A_2874 = vector.broadcast %eq3A_2873 : i32 to vector<16xi32>
    %eq3A_2875 = arith.cmpi eq, %gather3A_2849, %eq3A_2874 : vector<16xi32>
    %jit3A_2876 = arith.constant -1.000000e+00 : f32
    %broadcast_in_dim3A_2877 = vector.broadcast %jit3A_2876 : f32 to vector<16xf32>
    %select_n3A_2878 = arith.select %eq3A_2875, %broadcast_in_dim3A_2877, %select_n3A_2872 : vector<16xi1>, vector<16xf32>
    %lt3A_2879 = arith.constant 1.000000e+00 : f32
    %lt3A_2880 = vector.broadcast %lt3A_2879 : f32 to vector<16xf32>
    %lt3A_2881 = arith.cmpf olt, %gather3A_2856, %lt3A_2880 : vector<16xf32>
    %and3A_2882 = arith.andi %ge3A_2860, %lt3A_2881 : vector<16xi1>
    %jit3A_2883 = arith.constant -1.000000e+00 : f32
    %broadcast_in_dim3A_2884 = vector.broadcast %jit3A_2883 : f32 to vector<16xf32>
    %select_n3A_2885 = arith.select %and3A_2882, %broadcast_in_dim3A_2884, %select_n3A_2878 : vector<16xi1>, vector<16xf32>
    %eq3A_2886 = arith.constant 0 : i32
    %eq3A_2887 = vector.broadcast %eq3A_2886 : i32 to vector<16xi32>
    %eq3A_2888 = arith.cmpi eq, %gather3A_2857, %eq3A_2887 : vector<16xi32>
    %and3A_2889 = arith.andi %ge3A_2860, %eq3A_2888 : vector<16xi1>
    %jit3A_2890 = arith.constant -1.000000e+00 : f32
    %broadcast_in_dim3A_2891 = vector.broadcast %jit3A_2890 : f32 to vector<16xf32>
    %select_n3A_2892 = arith.select %and3A_2889, %broadcast_in_dim3A_2891, %select_n3A_2885 : vector<16xi1>, vector<16xf32>
    %add3A_2893 = arith.constant 592 : i32
    %add3A_2894 = vector.broadcast %add3A_2893 : i32 to vector<16xi32>
    %add3A_2895 = arith.addi %iota3A, %add3A_2894 : vector<16xi32>
    %broadcast_in_dim3A_2896 = arith.constant 0 : i32
    %broadcast_in_dim3A_2897 = vector.broadcast %broadcast_in_dim3A_2896 : i32 to vector<16xi32>
    tpu.vector_store_idx %arg11[%add3A_2895, %broadcast_in_dim3A_2897], %select_n3A_2892 : memref<640x5xf32, #tpu.memory_space<vmem>>[vector<16xi32>, vector<16xi32>], vector<16xf32>,
    %broadcast_in_dim3A_2898 = arith.constant 0 : i32
    %broadcast_in_dim3A_2899 = vector.broadcast %broadcast_in_dim3A_2898 : i32 to vector<16xi32>
    %gather3A_2900 = tpu.vector_load_idx %arg8[%min3A_2855, %broadcast_in_dim3A_2899] : memref<100x4xf32, #tpu.memory_space<vmem>>[vector<16xi32>, vector<16xi32>], vector<16xf32>,
    %add3A_2901 = arith.constant 1 : i32
    %add3A_2902 = vector.broadcast %add3A_2901 : i32 to vector<16xi32>
    %add3A_2903 = arith.addi %broadcast_in_dim3A_2899, %add3A_2902 : vector<16xi32>
    tpu.vector_store_idx %arg11[%add3A_2895, %add3A_2903], %gather3A_2900 : memref<640x5xf32, #tpu.memory_space<vmem>>[vector<16xi32>, vector<16xi32>], vector<16xf32>,
    %broadcast_in_dim3A_2904 = arith.constant 1 : i32
    %broadcast_in_dim3A_2905 = vector.broadcast %broadcast_in_dim3A_2904 : i32 to vector<16xi32>
    %gather3A_2906 = tpu.vector_load_idx %arg8[%min3A_2855, %broadcast_in_dim3A_2905] : memref<100x4xf32, #tpu.memory_space<vmem>>[vector<16xi32>, vector<16xi32>], vector<16xf32>,
    %add3A_2907 = arith.constant 1 : i32
    %add3A_2908 = vector.broadcast %add3A_2907 : i32 to vector<16xi32>
    %add3A_2909 = arith.addi %broadcast_in_dim3A_2905, %add3A_2908 : vector<16xi32>
    tpu.vector_store_idx %arg11[%add3A_2895, %add3A_2909], %gather3A_2906 : memref<640x5xf32, #tpu.memory_space<vmem>>[vector<16xi32>, vector<16xi32>], vector<16xf32>,
    %broadcast_in_dim3A_2910 = arith.constant 2 : i32
    %broadcast_in_dim3A_2911 = vector.broadcast %broadcast_in_dim3A_2910 : i32 to vector<16xi32>
    %gather3A_2912 = tpu.vector_load_idx %arg8[%min3A_2855, %broadcast_in_dim3A_2911] : memref<100x4xf32, #tpu.memory_space<vmem>>[vector<16xi32>, vector<16xi32>], vector<16xf32>,
    %add3A_2913 = arith.constant 1 : i32
    %add3A_2914 = vector.broadcast %add3A_2913 : i32 to vector<16xi32>
    %add3A_2915 = arith.addi %broadcast_in_dim3A_2911, %add3A_2914 : vector<16xi32>
    tpu.vector_store_idx %arg11[%add3A_2895, %add3A_2915], %gather3A_2912 : memref<640x5xf32, #tpu.memory_space<vmem>>[vector<16xi32>, vector<16xi32>], vector<16xf32>,
    %broadcast_in_dim3A_2916 = arith.constant 3 : i32
    %broadcast_in_dim3A_2917 = vector.broadcast %broadcast_in_dim3A_2916 : i32 to vector<16xi32>
    %gather3A_2918 = tpu.vector_load_idx %arg8[%min3A_2855, %broadcast_in_dim3A_2917] : memref<100x4xf32, #tpu.memory_space<vmem>>[vector<16xi32>, vector<16xi32>], vector<16xf32>,
    %add3A_2919 = arith.constant 1 : i32
    %add3A_2920 = vector.broadcast %add3A_2919 : i32 to vector<16xi32>
    %add3A_2921 = arith.addi %broadcast_in_dim3A_2917, %add3A_2920 : vector<16xi32>
    tpu.vector_store_idx %arg11[%add3A_2895, %add3A_2921], %gather3A_2918 : memref<640x5xf32, #tpu.memory_space<vmem>>[vector<16xi32>, vector<16xi32>], vector<16xf32>,
    %add3A_2922 = arith.constant 608 : i32
    %add3A_2923 = vector.broadcast %add3A_2922 : i32 to vector<16xi32>
    %add3A_2924 = arith.addi %iota3A, %add3A_2923 : vector<16xi32>
    %gather3A_2925 = tpu.vector_load_idx %arg7[%broadcast_in_dim3A_37, %add3A_2924] : memref<1x640xi32, #tpu.memory_space<vmem>>[vector<16xi32>, vector<16xi32>], vector<16xi32>,
    %jit3A_2926 = arith.constant 0 : i32
    %jit3A_2927 = arith.constant 99 : i32
    %max3A_2928 = vector.broadcast %jit3A_2926 : i32 to vector<16xi32>
    %max3A_2929 = arith.maxsi %max3A_2928, %gather3A_2925 : vector<16xi32>
    %min3A_2930 = vector.broadcast %jit3A_2927 : i32 to vector<16xi32>
    %min3A_2931 = arith.minsi %min3A_2930, %max3A_2929 : vector<16xi32>
    %gather3A_2932 = tpu.vector_load_idx %arg9[%min3A_2931] : memref<100xf32, #tpu.memory_space<vmem>>[vector<16xi32>], vector<16xf32>,
    %gather3A_2933 = tpu.vector_load_idx %arg10[%min3A_2931] : memref<100xi32, #tpu.memory_space<vmem>>[vector<16xi32>], vector<16xi32>,
    %ge3A_2934 = arith.constant 0 : i32
    %ge3A_2935 = vector.broadcast %ge3A_2934 : i32 to vector<16xi32>
    %ge3A_2936 = arith.cmpi sge, %gather3A_2925, %ge3A_2935 : vector<16xi32>
    %jit3A_2937 = arith.constant 1.000000e+00 : f32
    %jit3A_2938 = arith.constant 0.000000e+00 : f32
    %broadcast_in_dim3A_2939 = vector.broadcast %jit3A_2937 : f32 to vector<16xf32>
    %broadcast_in_dim3A_2940 = vector.broadcast %jit3A_2938 : f32 to vector<16xf32>
    %select_n3A_2941 = arith.select %ge3A_2936, %broadcast_in_dim3A_2939, %broadcast_in_dim3A_2940 : vector<16xi1>, vector<16xf32>
    %min3A_2942 = arith.minimumf %select_n3A_2941, %gather3A_2932 : vector<16xf32>
    %eq3A_2943 = arith.constant -1 : i32
    %eq3A_2944 = vector.broadcast %eq3A_2943 : i32 to vector<16xi32>
    %eq3A_2945 = arith.cmpi eq, %gather3A_2925, %eq3A_2944 : vector<16xi32>
    %jit3A_2946 = arith.constant 0.000000e+00 : f32
    %broadcast_in_dim3A_2947 = vector.broadcast %jit3A_2946 : f32 to vector<16xf32>
    %select_n3A_2948 = arith.select %eq3A_2945, %broadcast_in_dim3A_2947, %min3A_2942 : vector<16xi1>, vector<16xf32>
    %eq3A_2949 = arith.constant -2 : i32
    %eq3A_2950 = vector.broadcast %eq3A_2949 : i32 to vector<16xi32>
    %eq3A_2951 = arith.cmpi eq, %gather3A_2925, %eq3A_2950 : vector<16xi32>
    %jit3A_2952 = arith.constant -1.000000e+00 : f32
    %broadcast_in_dim3A_2953 = vector.broadcast %jit3A_2952 : f32 to vector<16xf32>
    %select_n3A_2954 = arith.select %eq3A_2951, %broadcast_in_dim3A_2953, %select_n3A_2948 : vector<16xi1>, vector<16xf32>
    %lt3A_2955 = arith.constant 1.000000e+00 : f32
    %lt3A_2956 = vector.broadcast %lt3A_2955 : f32 to vector<16xf32>
    %lt3A_2957 = arith.cmpf olt, %gather3A_2932, %lt3A_2956 : vector<16xf32>
    %and3A_2958 = arith.andi %ge3A_2936, %lt3A_2957 : vector<16xi1>
    %jit3A_2959 = arith.constant -1.000000e+00 : f32
    %broadcast_in_dim3A_2960 = vector.broadcast %jit3A_2959 : f32 to vector<16xf32>
    %select_n3A_2961 = arith.select %and3A_2958, %broadcast_in_dim3A_2960, %select_n3A_2954 : vector<16xi1>, vector<16xf32>
    %eq3A_2962 = arith.constant 0 : i32
    %eq3A_2963 = vector.broadcast %eq3A_2962 : i32 to vector<16xi32>
    %eq3A_2964 = arith.cmpi eq, %gather3A_2933, %eq3A_2963 : vector<16xi32>
    %and3A_2965 = arith.andi %ge3A_2936, %eq3A_2964 : vector<16xi1>
    %jit3A_2966 = arith.constant -1.000000e+00 : f32
    %broadcast_in_dim3A_2967 = vector.broadcast %jit3A_2966 : f32 to vector<16xf32>
    %select_n3A_2968 = arith.select %and3A_2965, %broadcast_in_dim3A_2967, %select_n3A_2961 : vector<16xi1>, vector<16xf32>
    %add3A_2969 = arith.constant 608 : i32
    %add3A_2970 = vector.broadcast %add3A_2969 : i32 to vector<16xi32>
    %add3A_2971 = arith.addi %iota3A, %add3A_2970 : vector<16xi32>
    %broadcast_in_dim3A_2972 = arith.constant 0 : i32
    %broadcast_in_dim3A_2973 = vector.broadcast %broadcast_in_dim3A_2972 : i32 to vector<16xi32>
    tpu.vector_store_idx %arg11[%add3A_2971, %broadcast_in_dim3A_2973], %select_n3A_2968 : memref<640x5xf32, #tpu.memory_space<vmem>>[vector<16xi32>, vector<16xi32>], vector<16xf32>,
    %broadcast_in_dim3A_2974 = arith.constant 0 : i32
    %broadcast_in_dim3A_2975 = vector.broadcast %broadcast_in_dim3A_2974 : i32 to vector<16xi32>
    %gather3A_2976 = tpu.vector_load_idx %arg8[%min3A_2931, %broadcast_in_dim3A_2975] : memref<100x4xf32, #tpu.memory_space<vmem>>[vector<16xi32>, vector<16xi32>], vector<16xf32>,
    %add3A_2977 = arith.constant 1 : i32
    %add3A_2978 = vector.broadcast %add3A_2977 : i32 to vector<16xi32>
    %add3A_2979 = arith.addi %broadcast_in_dim3A_2975, %add3A_2978 : vector<16xi32>
    tpu.vector_store_idx %arg11[%add3A_2971, %add3A_2979], %gather3A_2976 : memref<640x5xf32, #tpu.memory_space<vmem>>[vector<16xi32>, vector<16xi32>], vector<16xf32>,
    %broadcast_in_dim3A_2980 = arith.constant 1 : i32
    %broadcast_in_dim3A_2981 = vector.broadcast %broadcast_in_dim3A_2980 : i32 to vector<16xi32>
    %gather3A_2982 = tpu.vector_load_idx %arg8[%min3A_2931, %broadcast_in_dim3A_2981] : memref<100x4xf32, #tpu.memory_space<vmem>>[vector<16xi32>, vector<16xi32>], vector<16xf32>,
    %add3A_2983 = arith.constant 1 : i32
    %add3A_2984 = vector.broadcast %add3A_2983 : i32 to vector<16xi32>
    %add3A_2985 = arith.addi %broadcast_in_dim3A_2981, %add3A_2984 : vector<16xi32>
    tpu.vector_store_idx %arg11[%add3A_2971, %add3A_2985], %gather3A_2982 : memref<640x5xf32, #tpu.memory_space<vmem>>[vector<16xi32>, vector<16xi32>], vector<16xf32>,
    %broadcast_in_dim3A_2986 = arith.constant 2 : i32
    %broadcast_in_dim3A_2987 = vector.broadcast %broadcast_in_dim3A_2986 : i32 to vector<16xi32>
    %gather3A_2988 = tpu.vector_load_idx %arg8[%min3A_2931, %broadcast_in_dim3A_2987] : memref<100x4xf32, #tpu.memory_space<vmem>>[vector<16xi32>, vector<16xi32>], vector<16xf32>,
    %add3A_2989 = arith.constant 1 : i32
    %add3A_2990 = vector.broadcast %add3A_2989 : i32 to vector<16xi32>
    %add3A_2991 = arith.addi %broadcast_in_dim3A_2987, %add3A_2990 : vector<16xi32>
    tpu.vector_store_idx %arg11[%add3A_2971, %add3A_2991], %gather3A_2988 : memref<640x5xf32, #tpu.memory_space<vmem>>[vector<16xi32>, vector<16xi32>], vector<16xf32>,
    %broadcast_in_dim3A_2992 = arith.constant 3 : i32
    %broadcast_in_dim3A_2993 = vector.broadcast %broadcast_in_dim3A_2992 : i32 to vector<16xi32>
    %gather3A_2994 = tpu.vector_load_idx %arg8[%min3A_2931, %broadcast_in_dim3A_2993] : memref<100x4xf32, #tpu.memory_space<vmem>>[vector<16xi32>, vector<16xi32>], vector<16xf32>,
    %add3A_2995 = arith.constant 1 : i32
    %add3A_2996 = vector.broadcast %add3A_2995 : i32 to vector<16xi32>
    %add3A_2997 = arith.addi %broadcast_in_dim3A_2993, %add3A_2996 : vector<16xi32>
    tpu.vector_store_idx %arg11[%add3A_2971, %add3A_2997], %gather3A_2994 : memref<640x5xf32, #tpu.memory_space<vmem>>[vector<16xi32>, vector<16xi32>], vector<16xf32>,
    %add3A_2998 = arith.constant 624 : i32
    %add3A_2999 = vector.broadcast %add3A_2998 : i32 to vector<16xi32>
    %add3A_3000 = arith.addi %iota3A, %add3A_2999 : vector<16xi32>
    %gather3A_3001 = tpu.vector_load_idx %arg7[%broadcast_in_dim3A_37, %add3A_3000] : memref<1x640xi32, #tpu.memory_space<vmem>>[vector<16xi32>, vector<16xi32>], vector<16xi32>,
    %jit3A_3002 = arith.constant 0 : i32
    %jit3A_3003 = arith.constant 99 : i32
    %max3A_3004 = vector.broadcast %jit3A_3002 : i32 to vector<16xi32>
    %max3A_3005 = arith.maxsi %max3A_3004, %gather3A_3001 : vector<16xi32>
    %min3A_3006 = vector.broadcast %jit3A_3003 : i32 to vector<16xi32>
    %min3A_3007 = arith.minsi %min3A_3006, %max3A_3005 : vector<16xi32>
    %gather3A_3008 = tpu.vector_load_idx %arg9[%min3A_3007] : memref<100xf32, #tpu.memory_space<vmem>>[vector<16xi32>], vector<16xf32>,
    %gather3A_3009 = tpu.vector_load_idx %arg10[%min3A_3007] : memref<100xi32, #tpu.memory_space<vmem>>[vector<16xi32>], vector<16xi32>,
    %ge3A_3010 = arith.constant 0 : i32
    %ge3A_3011 = vector.broadcast %ge3A_3010 : i32 to vector<16xi32>
    %ge3A_3012 = arith.cmpi sge, %gather3A_3001, %ge3A_3011 : vector<16xi32>
    %jit3A_3013 = arith.constant 1.000000e+00 : f32
    %jit3A_3014 = arith.constant 0.000000e+00 : f32
    %broadcast_in_dim3A_3015 = vector.broadcast %jit3A_3013 : f32 to vector<16xf32>
    %broadcast_in_dim3A_3016 = vector.broadcast %jit3A_3014 : f32 to vector<16xf32>
    %select_n3A_3017 = arith.select %ge3A_3012, %broadcast_in_dim3A_3015, %broadcast_in_dim3A_3016 : vector<16xi1>, vector<16xf32>
    %min3A_3018 = arith.minimumf %select_n3A_3017, %gather3A_3008 : vector<16xf32>
    %eq3A_3019 = arith.constant -1 : i32
    %eq3A_3020 = vector.broadcast %eq3A_3019 : i32 to vector<16xi32>
    %eq3A_3021 = arith.cmpi eq, %gather3A_3001, %eq3A_3020 : vector<16xi32>
    %jit3A_3022 = arith.constant 0.000000e+00 : f32
    %broadcast_in_dim3A_3023 = vector.broadcast %jit3A_3022 : f32 to vector<16xf32>
    %select_n3A_3024 = arith.select %eq3A_3021, %broadcast_in_dim3A_3023, %min3A_3018 : vector<16xi1>, vector<16xf32>
    %eq3A_3025 = arith.constant -2 : i32
    %eq3A_3026 = vector.broadcast %eq3A_3025 : i32 to vector<16xi32>
    %eq3A_3027 = arith.cmpi eq, %gather3A_3001, %eq3A_3026 : vector<16xi32>
    %jit3A_3028 = arith.constant -1.000000e+00 : f32
    %broadcast_in_dim3A_3029 = vector.broadcast %jit3A_3028 : f32 to vector<16xf32>
    %select_n3A_3030 = arith.select %eq3A_3027, %broadcast_in_dim3A_3029, %select_n3A_3024 : vector<16xi1>, vector<16xf32>
    %lt3A_3031 = arith.constant 1.000000e+00 : f32
    %lt3A_3032 = vector.broadcast %lt3A_3031 : f32 to vector<16xf32>
    %lt3A_3033 = arith.cmpf olt, %gather3A_3008, %lt3A_3032 : vector<16xf32>
    %and3A_3034 = arith.andi %ge3A_3012, %lt3A_3033 : vector<16xi1>
    %jit3A_3035 = arith.constant -1.000000e+00 : f32
    %broadcast_in_dim3A_3036 = vector.broadcast %jit3A_3035 : f32 to vector<16xf32>
    %select_n3A_3037 = arith.select %and3A_3034, %broadcast_in_dim3A_3036, %select_n3A_3030 : vector<16xi1>, vector<16xf32>
    %eq3A_3038 = arith.constant 0 : i32
    %eq3A_3039 = vector.broadcast %eq3A_3038 : i32 to vector<16xi32>
    %eq3A_3040 = arith.cmpi eq, %gather3A_3009, %eq3A_3039 : vector<16xi32>
    %and3A_3041 = arith.andi %ge3A_3012, %eq3A_3040 : vector<16xi1>
    %jit3A_3042 = arith.constant -1.000000e+00 : f32
    %broadcast_in_dim3A_3043 = vector.broadcast %jit3A_3042 : f32 to vector<16xf32>
    %select_n3A_3044 = arith.select %and3A_3041, %broadcast_in_dim3A_3043, %select_n3A_3037 : vector<16xi1>, vector<16xf32>
    %add3A_3045 = arith.constant 624 : i32
    %add3A_3046 = vector.broadcast %add3A_3045 : i32 to vector<16xi32>
    %add3A_3047 = arith.addi %iota3A, %add3A_3046 : vector<16xi32>
    %broadcast_in_dim3A_3048 = arith.constant 0 : i32
    %broadcast_in_dim3A_3049 = vector.broadcast %broadcast_in_dim3A_3048 : i32 to vector<16xi32>
    tpu.vector_store_idx %arg11[%add3A_3047, %broadcast_in_dim3A_3049], %select_n3A_3044 : memref<640x5xf32, #tpu.memory_space<vmem>>[vector<16xi32>, vector<16xi32>], vector<16xf32>,
    %broadcast_in_dim3A_3050 = arith.constant 0 : i32
    %broadcast_in_dim3A_3051 = vector.broadcast %broadcast_in_dim3A_3050 : i32 to vector<16xi32>
    %gather3A_3052 = tpu.vector_load_idx %arg8[%min3A_3007, %broadcast_in_dim3A_3051] : memref<100x4xf32, #tpu.memory_space<vmem>>[vector<16xi32>, vector<16xi32>], vector<16xf32>,
    %add3A_3053 = arith.constant 1 : i32
    %add3A_3054 = vector.broadcast %add3A_3053 : i32 to vector<16xi32>
    %add3A_3055 = arith.addi %broadcast_in_dim3A_3051, %add3A_3054 : vector<16xi32>
    tpu.vector_store_idx %arg11[%add3A_3047, %add3A_3055], %gather3A_3052 : memref<640x5xf32, #tpu.memory_space<vmem>>[vector<16xi32>, vector<16xi32>], vector<16xf32>,
    %broadcast_in_dim3A_3056 = arith.constant 1 : i32
    %broadcast_in_dim3A_3057 = vector.broadcast %broadcast_in_dim3A_3056 : i32 to vector<16xi32>
    %gather3A_3058 = tpu.vector_load_idx %arg8[%min3A_3007, %broadcast_in_dim3A_3057] : memref<100x4xf32, #tpu.memory_space<vmem>>[vector<16xi32>, vector<16xi32>], vector<16xf32>,
    %add3A_3059 = arith.constant 1 : i32
    %add3A_3060 = vector.broadcast %add3A_3059 : i32 to vector<16xi32>
    %add3A_3061 = arith.addi %broadcast_in_dim3A_3057, %add3A_3060 : vector<16xi32>
    tpu.vector_store_idx %arg11[%add3A_3047, %add3A_3061], %gather3A_3058 : memref<640x5xf32, #tpu.memory_space<vmem>>[vector<16xi32>, vector<16xi32>], vector<16xf32>,
    %broadcast_in_dim3A_3062 = arith.constant 2 : i32
    %broadcast_in_dim3A_3063 = vector.broadcast %broadcast_in_dim3A_3062 : i32 to vector<16xi32>
    %gather3A_3064 = tpu.vector_load_idx %arg8[%min3A_3007, %broadcast_in_dim3A_3063] : memref<100x4xf32, #tpu.memory_space<vmem>>[vector<16xi32>, vector<16xi32>], vector<16xf32>,
    %add3A_3065 = arith.constant 1 : i32
    %add3A_3066 = vector.broadcast %add3A_3065 : i32 to vector<16xi32>
    %add3A_3067 = arith.addi %broadcast_in_dim3A_3063, %add3A_3066 : vector<16xi32>
    tpu.vector_store_idx %arg11[%add3A_3047, %add3A_3067], %gather3A_3064 : memref<640x5xf32, #tpu.memory_space<vmem>>[vector<16xi32>, vector<16xi32>], vector<16xf32>,
    %broadcast_in_dim3A_3068 = arith.constant 3 : i32
    %broadcast_in_dim3A_3069 = vector.broadcast %broadcast_in_dim3A_3068 : i32 to vector<16xi32>
    %gather3A_3070 = tpu.vector_load_idx %arg8[%min3A_3007, %broadcast_in_dim3A_3069] : memref<100x4xf32, #tpu.memory_space<vmem>>[vector<16xi32>, vector<16xi32>], vector<16xf32>,
    %add3A_3071 = arith.constant 1 : i32
    %add3A_3072 = vector.broadcast %add3A_3071 : i32 to vector<16xi32>
    %add3A_3073 = arith.addi %broadcast_in_dim3A_3069, %add3A_3072 : vector<16xi32>
    tpu.vector_store_idx %arg11[%add3A_3047, %add3A_3073], %gather3A_3070 : memref<640x5xf32, #tpu.memory_space<vmem>>[vector<16xi32>, vector<16xi32>], vector<16xf32>,
    %lt3A_3074 = arith.constant 31 : i32
    %lt3A_3075 = arith.cmpi slt, %add3A, %lt3A_3074 : i32
    %convert_element_type3A = arith.extui %lt3A_3075 : i1 to i32
    %cond3A = arith.constant 0 : i32
    %cond3A_3076 = arith.cmpi ne, %convert_element_type3A, %cond3A : i32
    scf.if %cond3A_3076 {
      "tpu.region"() ({
        %run_scoped3A = tpu.sem_alloc : memref<!tpu.dma_semaphore, #tpu.memory_space<semaphore_mem>>
        %dma_start3A_3082 = arith.constant 0 : i32
        %dma_start3A_3083 = tpu.memref_slice %arg6[%mul3A_34, %dma_start3A_3082] : memref<20000x5xf32, #tpu.memory_space<hbm>> -> memref<640x5xf32, #tpu.memory_space<hbm>>
        %dma_start3A_3084 = arith.constant 0 : i32
        %dma_start3A_3085 = tpu.memref_slice %arg6[%mul3A_34, %dma_start3A_3084] : memref<20000x5xf32, #tpu.memory_space<hbm>> -> memref<640x5xf32, #tpu.memory_space<hbm>>
        tpu.enqueue_dma source(%arg11 : memref<640x5xf32, #tpu.memory_space<vmem>>) target(%dma_start3A_3085 : memref<640x5xf32, #tpu.memory_space<hbm>>) target_semaphore(%run_scoped3A : memref<!tpu.dma_semaphore, #tpu.memory_space<semaphore_mem>>)
        %dma_wait3A_3086 = arith.constant 0 : i32
        %dma_wait3A_3087 = tpu.memref_slice %arg6[%mul3A_34, %dma_wait3A_3086] : memref<20000x5xf32, #tpu.memory_space<hbm>> -> memref<640x5xf32, #tpu.memory_space<hbm>>
        %dma_wait3A_3088 = arith.constant 0 : i32
        %dma_wait3A_3089 = tpu.memref_slice %arg6[%mul3A_34, %dma_wait3A_3088] : memref<20000x5xf32, #tpu.memory_space<hbm>> -> memref<640x5xf32, #tpu.memory_space<hbm>>
        tpu.wait_dma2 semaphore(%run_scoped3A : memref<!tpu.dma_semaphore, #tpu.memory_space<semaphore_mem>>) src(%arg11 : memref<640x5xf32, #tpu.memory_space<vmem>>) dst(%dma_wait3A_3089 : memref<640x5xf32, #tpu.memory_space<hbm>>)
        tpu.yield
      }) : () -> ()
    } else {
    }
    %eq3A_3077 = arith.constant 31 : i32
    %eq3A_3078 = arith.cmpi eq, %add3A, %eq3A_3077 : i32
    %convert_element_type3A_3079 = arith.extui %eq3A_3078 : i1 to i32
    %cond3A_3080 = arith.constant 0 : i32
    %cond3A_3081 = arith.cmpi ne, %convert_element_type3A_3079, %cond3A_3080 : i32
    scf.if %cond3A_3081 {
      "tpu.region"() ({
        %run_scoped3A = tpu.sem_alloc : memref<!tpu.dma_semaphore, #tpu.memory_space<semaphore_mem>>
        %dma_start3A_3082 = arith.constant 0 : i32
        %dma_start3A_3083 = arith.constant 0 : i32
        %dma_start3A_3084 = tpu.memref_slice %arg11[%dma_start3A_3082, %dma_start3A_3083] : memref<640x5xf32, #tpu.memory_space<vmem>> -> memref<160x5xf32, #tpu.memory_space<vmem>>
        %dma_start3A_3085 = arith.constant 0 : i32
        %dma_start3A_3086 = tpu.memref_slice %arg6[%mul3A_34, %dma_start3A_3085] : memref<20000x5xf32, #tpu.memory_space<hbm>> -> memref<160x5xf32, #tpu.memory_space<hbm>>
        %dma_start3A_3087 = arith.constant 0 : i32
        %dma_start3A_3088 = tpu.memref_slice %arg6[%mul3A_34, %dma_start3A_3087] : memref<20000x5xf32, #tpu.memory_space<hbm>> -> memref<160x5xf32, #tpu.memory_space<hbm>>
        %dma_start3A_3089 = arith.constant 0 : i32
        %dma_start3A_3090 = arith.constant 0 : i32
        %dma_start3A_3091 = tpu.memref_slice %arg11[%dma_start3A_3089, %dma_start3A_3090] : memref<640x5xf32, #tpu.memory_space<vmem>> -> memref<160x5xf32, #tpu.memory_space<vmem>>
        tpu.enqueue_dma source(%dma_start3A_3091 : memref<160x5xf32, #tpu.memory_space<vmem>>) target(%dma_start3A_3088 : memref<160x5xf32, #tpu.memory_space<hbm>>) target_semaphore(%run_scoped3A : memref<!tpu.dma_semaphore, #tpu.memory_space<semaphore_mem>>)
        %dma_wait3A_3092 = arith.constant 0 : i32
        %dma_wait3A_3093 = arith.constant 0 : i32
        %dma_wait3A_3094 = tpu.memref_slice %arg11[%dma_wait3A_3092, %dma_wait3A_3093] : memref<640x5xf32, #tpu.memory_space<vmem>> -> memref<160x5xf32, #tpu.memory_space<vmem>>
        %dma_wait3A_3095 = arith.constant 0 : i32
        %dma_wait3A_3096 = tpu.memref_slice %arg6[%mul3A_34, %dma_wait3A_3095] : memref<20000x5xf32, #tpu.memory_space<hbm>> -> memref<160x5xf32, #tpu.memory_space<hbm>>
        %dma_wait3A_3097 = arith.constant 0 : i32
        %dma_wait3A_3098 = tpu.memref_slice %arg6[%mul3A_34, %dma_wait3A_3097] : memref<20000x5xf32, #tpu.memory_space<hbm>> -> memref<160x5xf32, #tpu.memory_space<hbm>>
        %dma_wait3A_3099 = arith.constant 0 : i32
        %dma_wait3A_3100 = arith.constant 0 : i32
        %dma_wait3A_3101 = tpu.memref_slice %arg11[%dma_wait3A_3099, %dma_wait3A_3100] : memref<640x5xf32, #tpu.memory_space<vmem>> -> memref<160x5xf32, #tpu.memory_space<vmem>>
        tpu.wait_dma2 semaphore(%run_scoped3A : memref<!tpu.dma_semaphore, #tpu.memory_space<semaphore_mem>>) src(%dma_wait3A_3101 : memref<160x5xf32, #tpu.memory_space<vmem>>) dst(%dma_wait3A_3098 : memref<160x5xf32, #tpu.memory_space<hbm>>)
        tpu.yield
      }) : () -> ()
    } else {
    }
    return
  }
}

module attributes {stable_mosaic.version = 14 : i64} {
  func.func @_matcher_body(%arg0: memref<4x20000xf32, #tpu.memory_space<vmem>>, %arg1: memref<100x4xf32, #tpu.memory_space<vmem>>, %arg2: memref<8x2560xi32, #tpu.memory_space<vmem>>, %arg3: memref<8x100x2560xf32, #tpu.memory_space<vmem>>, %arg4: memref<100x128xf32, #tpu.memory_space<vmem>>) attributes {dimension_semantics = [], scalar_prefetch = 0 : i64, scratch_operands = 2 : i64, tpu.core_type = #tpu.core_type<tc>} {
    %get3A = arith.constant 0 : index
    %get3A_0 = arith.constant 0 : index
    %get3A_1 = vector.load %arg1[%get3A, %get3A_0] : memref<100x4xf32, #tpu.memory_space<vmem>>, vector<100x1xf32>
    %get3A_2 = arith.constant 0 : index
    %get3A_3 = arith.constant 1 : index
    %get3A_4 = vector.load %arg1[%get3A_2, %get3A_3] : memref<100x4xf32, #tpu.memory_space<vmem>>, vector<100x1xf32>
    %get3A_5 = arith.constant 0 : index
    %get3A_6 = arith.constant 2 : index
    %get3A_7 = vector.load %arg1[%get3A_5, %get3A_6] : memref<100x4xf32, #tpu.memory_space<vmem>>, vector<100x1xf32>
    %get3A_8 = arith.constant 0 : index
    %get3A_9 = arith.constant 3 : index
    %get3A_10 = vector.load %arg1[%get3A_8, %get3A_9] : memref<100x4xf32, #tpu.memory_space<vmem>>, vector<100x1xf32>
    %sub3A = arith.subf %get3A_7, %get3A_1 : vector<100x1xf32>
    %sub3A_11 = arith.subf %get3A_10, %get3A_4 : vector<100x1xf32>
    %mul3A = arith.mulf %sub3A, %sub3A_11 : vector<100x1xf32>
    %get3A_12 = arith.constant 0 : index
    %get3A_13 = arith.constant 0 : index
    %get3A_14 = vector.load %arg0[%get3A_12, %get3A_13] : memref<4x20000xf32, #tpu.memory_space<vmem>>, vector<1x2560xf32>
    %get3A_15 = arith.constant 1 : index
    %get3A_16 = arith.constant 0 : index
    %get3A_17 = vector.load %arg0[%get3A_15, %get3A_16] : memref<4x20000xf32, #tpu.memory_space<vmem>>, vector<1x2560xf32>
    %get3A_18 = arith.constant 2 : index
    %get3A_19 = arith.constant 0 : index
    %get3A_20 = vector.load %arg0[%get3A_18, %get3A_19] : memref<4x20000xf32, #tpu.memory_space<vmem>>, vector<1x2560xf32>
    %get3A_21 = arith.constant 3 : index
    %get3A_22 = arith.constant 0 : index
    %get3A_23 = vector.load %arg0[%get3A_21, %get3A_22] : memref<4x20000xf32, #tpu.memory_space<vmem>>, vector<1x2560xf32>
    %sub3A_24 = arith.subf %get3A_20, %get3A_14 : vector<1x2560xf32>
    %sub3A_25 = arith.subf %get3A_23, %get3A_17 : vector<1x2560xf32>
    %mul3A_26 = arith.mulf %sub3A_24, %sub3A_25 : vector<1x2560xf32>
    %min3A = vector.broadcast %get3A_7 : vector<100x1xf32> to vector<100x2560xf32>
    %min3A_27 = vector.broadcast %get3A_20 : vector<1x2560xf32> to vector<100x2560xf32>
    %min3A_28 = arith.minimumf %min3A, %min3A_27 : vector<100x2560xf32>
    %max3A = vector.broadcast %get3A_1 : vector<100x1xf32> to vector<100x2560xf32>
    %max3A_29 = vector.broadcast %get3A_14 : vector<1x2560xf32> to vector<100x2560xf32>
    %max3A_30 = arith.maximumf %max3A, %max3A_29 : vector<100x2560xf32>
    %sub3A_31 = arith.subf %min3A_28, %max3A_30 : vector<100x2560xf32>
    %max3A_32 = arith.constant 0.000000e+00 : f32
    %max3A_33 = vector.broadcast %max3A_32 : f32 to vector<100x2560xf32>
    %max3A_34 = arith.maximumf %sub3A_31, %max3A_33 : vector<100x2560xf32>
    %min3A_35 = vector.broadcast %get3A_10 : vector<100x1xf32> to vector<100x2560xf32>
    %min3A_36 = vector.broadcast %get3A_23 : vector<1x2560xf32> to vector<100x2560xf32>
    %min3A_37 = arith.minimumf %min3A_35, %min3A_36 : vector<100x2560xf32>
    %max3A_38 = vector.broadcast %get3A_4 : vector<100x1xf32> to vector<100x2560xf32>
    %max3A_39 = vector.broadcast %get3A_17 : vector<1x2560xf32> to vector<100x2560xf32>
    %max3A_40 = arith.maximumf %max3A_38, %max3A_39 : vector<100x2560xf32>
    %sub3A_41 = arith.subf %min3A_37, %max3A_40 : vector<100x2560xf32>
    %max3A_42 = arith.constant 0.000000e+00 : f32
    %max3A_43 = vector.broadcast %max3A_42 : f32 to vector<100x2560xf32>
    %max3A_44 = arith.maximumf %sub3A_41, %max3A_43 : vector<100x2560xf32>
    %mul3A_45 = arith.mulf %max3A_34, %max3A_44 : vector<100x2560xf32>
    %add3A = vector.broadcast %mul3A : vector<100x1xf32> to vector<100x2560xf32>
    %add3A_46 = vector.broadcast %mul3A_26 : vector<1x2560xf32> to vector<100x2560xf32>
    %add3A_47 = arith.addf %add3A, %add3A_46 : vector<100x2560xf32>
    %sub3A_48 = arith.subf %add3A_47, %mul3A_45 : vector<100x2560xf32>
    %div3A = arith.divf %mul3A_45, %sub3A_48 : vector<100x2560xf32>
    %swap3A = arith.constant 0 : index
    %swap3A_49 = arith.constant 0 : index
    %swap3A_50 = arith.constant 0 : index
    %swap3A_51 = vector.load %arg3[%swap3A, %swap3A_49, %swap3A_50] : memref<8x100x2560xf32, #tpu.memory_space<vmem>>, vector<1x100x2560xf32>
    %swap3A_52 = vector.shape_cast %swap3A_51 : vector<1x100x2560xf32> to vector<100x2560xf32>
    %swap3A_53 = vector.shape_cast %div3A : vector<100x2560xf32> to vector<1x100x2560xf32>
    tpu.vector_store %arg3[%swap3A, %swap3A_49, %swap3A_50], %swap3A_53 {strides = array<i32>} : memref<8x100x2560xf32, #tpu.memory_space<vmem>>, vector<1x100x2560xf32>,
    %reduce_max3A = arith.constant dense<0xFF800000> : vector<100xf32>
    %reduce_max3A_54 = vector.multi_reduction <maximumf>, %div3A, %reduce_max3A [1] : vector<100x2560xf32> to vector<100xf32>
    %broadcast_in_dim3A = vector.shape_cast %reduce_max3A_54 : vector<100xf32> to vector<100x1xf32>
    %swap3A_55 = arith.constant 0 : index
    %swap3A_56 = arith.constant 0 : index
    %swap3A_57 = vector.load %arg4[%swap3A_55, %swap3A_56] : memref<100x128xf32, #tpu.memory_space<vmem>>, vector<100x1xf32>
    tpu.vector_store %arg4[%swap3A_55, %swap3A_56], %broadcast_in_dim3A {strides = array<i32>} : memref<100x128xf32, #tpu.memory_space<vmem>>, vector<100x1xf32>,
    %get3A_58 = arith.constant 0 : index
    %get3A_59 = arith.constant 2560 : index
    %get3A_60 = vector.load %arg0[%get3A_58, %get3A_59] : memref<4x20000xf32, #tpu.memory_space<vmem>>, vector<1x2560xf32>
    %get3A_61 = arith.constant 1 : index
    %get3A_62 = arith.constant 2560 : index
    %get3A_63 = vector.load %arg0[%get3A_61, %get3A_62] : memref<4x20000xf32, #tpu.memory_space<vmem>>, vector<1x2560xf32>
    %get3A_64 = arith.constant 2 : index
    %get3A_65 = arith.constant 2560 : index
    %get3A_66 = vector.load %arg0[%get3A_64, %get3A_65] : memref<4x20000xf32, #tpu.memory_space<vmem>>, vector<1x2560xf32>
    %get3A_67 = arith.constant 3 : index
    %get3A_68 = arith.constant 2560 : index
    %get3A_69 = vector.load %arg0[%get3A_67, %get3A_68] : memref<4x20000xf32, #tpu.memory_space<vmem>>, vector<1x2560xf32>
    %sub3A_70 = arith.subf %get3A_66, %get3A_60 : vector<1x2560xf32>
    %sub3A_71 = arith.subf %get3A_69, %get3A_63 : vector<1x2560xf32>
    %mul3A_72 = arith.mulf %sub3A_70, %sub3A_71 : vector<1x2560xf32>
    %min3A_73 = vector.broadcast %get3A_7 : vector<100x1xf32> to vector<100x2560xf32>
    %min3A_74 = vector.broadcast %get3A_66 : vector<1x2560xf32> to vector<100x2560xf32>
    %min3A_75 = arith.minimumf %min3A_73, %min3A_74 : vector<100x2560xf32>
    %max3A_76 = vector.broadcast %get3A_1 : vector<100x1xf32> to vector<100x2560xf32>
    %max3A_77 = vector.broadcast %get3A_60 : vector<1x2560xf32> to vector<100x2560xf32>
    %max3A_78 = arith.maximumf %max3A_76, %max3A_77 : vector<100x2560xf32>
    %sub3A_79 = arith.subf %min3A_75, %max3A_78 : vector<100x2560xf32>
    %max3A_80 = arith.constant 0.000000e+00 : f32
    %max3A_81 = vector.broadcast %max3A_80 : f32 to vector<100x2560xf32>
    %max3A_82 = arith.maximumf %sub3A_79, %max3A_81 : vector<100x2560xf32>
    %min3A_83 = vector.broadcast %get3A_10 : vector<100x1xf32> to vector<100x2560xf32>
    %min3A_84 = vector.broadcast %get3A_69 : vector<1x2560xf32> to vector<100x2560xf32>
    %min3A_85 = arith.minimumf %min3A_83, %min3A_84 : vector<100x2560xf32>
    %max3A_86 = vector.broadcast %get3A_4 : vector<100x1xf32> to vector<100x2560xf32>
    %max3A_87 = vector.broadcast %get3A_63 : vector<1x2560xf32> to vector<100x2560xf32>
    %max3A_88 = arith.maximumf %max3A_86, %max3A_87 : vector<100x2560xf32>
    %sub3A_89 = arith.subf %min3A_85, %max3A_88 : vector<100x2560xf32>
    %max3A_90 = arith.constant 0.000000e+00 : f32
    %max3A_91 = vector.broadcast %max3A_90 : f32 to vector<100x2560xf32>
    %max3A_92 = arith.maximumf %sub3A_89, %max3A_91 : vector<100x2560xf32>
    %mul3A_93 = arith.mulf %max3A_82, %max3A_92 : vector<100x2560xf32>
    %add3A_94 = vector.broadcast %mul3A : vector<100x1xf32> to vector<100x2560xf32>
    %add3A_95 = vector.broadcast %mul3A_72 : vector<1x2560xf32> to vector<100x2560xf32>
    %add3A_96 = arith.addf %add3A_94, %add3A_95 : vector<100x2560xf32>
    %sub3A_97 = arith.subf %add3A_96, %mul3A_93 : vector<100x2560xf32>
    %div3A_98 = arith.divf %mul3A_93, %sub3A_97 : vector<100x2560xf32>
    %swap3A_99 = arith.constant 1 : index
    %swap3A_100 = arith.constant 0 : index
    %swap3A_101 = arith.constant 0 : index
    %swap3A_102 = vector.load %arg3[%swap3A_99, %swap3A_100, %swap3A_101] : memref<8x100x2560xf32, #tpu.memory_space<vmem>>, vector<1x100x2560xf32>
    %swap3A_103 = vector.shape_cast %swap3A_102 : vector<1x100x2560xf32> to vector<100x2560xf32>
    %swap3A_104 = vector.shape_cast %div3A_98 : vector<100x2560xf32> to vector<1x100x2560xf32>
    tpu.vector_store %arg3[%swap3A_99, %swap3A_100, %swap3A_101], %swap3A_104 {strides = array<i32>} : memref<8x100x2560xf32, #tpu.memory_space<vmem>>, vector<1x100x2560xf32>,
    %reduce_max3A_105 = arith.constant dense<0xFF800000> : vector<100xf32>
    %reduce_max3A_106 = vector.multi_reduction <maximumf>, %div3A_98, %reduce_max3A_105 [1] : vector<100x2560xf32> to vector<100xf32>
    %broadcast_in_dim3A_107 = vector.shape_cast %reduce_max3A_106 : vector<100xf32> to vector<100x1xf32>
    %get3A_108 = arith.constant 0 : index
    %get3A_109 = arith.constant 0 : index
    %get3A_110 = vector.load %arg4[%get3A_108, %get3A_109] : memref<100x128xf32, #tpu.memory_space<vmem>>, vector<100x1xf32>
    %max3A_111 = arith.maximumf %get3A_110, %broadcast_in_dim3A_107 : vector<100x1xf32>
    %swap3A_112 = arith.constant 0 : index
    %swap3A_113 = arith.constant 0 : index
    %swap3A_114 = vector.load %arg4[%swap3A_112, %swap3A_113] : memref<100x128xf32, #tpu.memory_space<vmem>>, vector<100x1xf32>
    tpu.vector_store %arg4[%swap3A_112, %swap3A_113], %max3A_111 {strides = array<i32>} : memref<100x128xf32, #tpu.memory_space<vmem>>, vector<100x1xf32>,
    %get3A_115 = arith.constant 0 : index
    %get3A_116 = arith.constant 5120 : index
    %get3A_117 = vector.load %arg0[%get3A_115, %get3A_116] : memref<4x20000xf32, #tpu.memory_space<vmem>>, vector<1x2560xf32>
    %get3A_118 = arith.constant 1 : index
    %get3A_119 = arith.constant 5120 : index
    %get3A_120 = vector.load %arg0[%get3A_118, %get3A_119] : memref<4x20000xf32, #tpu.memory_space<vmem>>, vector<1x2560xf32>
    %get3A_121 = arith.constant 2 : index
    %get3A_122 = arith.constant 5120 : index
    %get3A_123 = vector.load %arg0[%get3A_121, %get3A_122] : memref<4x20000xf32, #tpu.memory_space<vmem>>, vector<1x2560xf32>
    %get3A_124 = arith.constant 3 : index
    %get3A_125 = arith.constant 5120 : index
    %get3A_126 = vector.load %arg0[%get3A_124, %get3A_125] : memref<4x20000xf32, #tpu.memory_space<vmem>>, vector<1x2560xf32>
    %sub3A_127 = arith.subf %get3A_123, %get3A_117 : vector<1x2560xf32>
    %sub3A_128 = arith.subf %get3A_126, %get3A_120 : vector<1x2560xf32>
    %mul3A_129 = arith.mulf %sub3A_127, %sub3A_128 : vector<1x2560xf32>
    %min3A_130 = vector.broadcast %get3A_7 : vector<100x1xf32> to vector<100x2560xf32>
    %min3A_131 = vector.broadcast %get3A_123 : vector<1x2560xf32> to vector<100x2560xf32>
    %min3A_132 = arith.minimumf %min3A_130, %min3A_131 : vector<100x2560xf32>
    %max3A_133 = vector.broadcast %get3A_1 : vector<100x1xf32> to vector<100x2560xf32>
    %max3A_134 = vector.broadcast %get3A_117 : vector<1x2560xf32> to vector<100x2560xf32>
    %max3A_135 = arith.maximumf %max3A_133, %max3A_134 : vector<100x2560xf32>
    %sub3A_136 = arith.subf %min3A_132, %max3A_135 : vector<100x2560xf32>
    %max3A_137 = arith.constant 0.000000e+00 : f32
    %max3A_138 = vector.broadcast %max3A_137 : f32 to vector<100x2560xf32>
    %max3A_139 = arith.maximumf %sub3A_136, %max3A_138 : vector<100x2560xf32>
    %min3A_140 = vector.broadcast %get3A_10 : vector<100x1xf32> to vector<100x2560xf32>
    %min3A_141 = vector.broadcast %get3A_126 : vector<1x2560xf32> to vector<100x2560xf32>
    %min3A_142 = arith.minimumf %min3A_140, %min3A_141 : vector<100x2560xf32>
    %max3A_143 = vector.broadcast %get3A_4 : vector<100x1xf32> to vector<100x2560xf32>
    %max3A_144 = vector.broadcast %get3A_120 : vector<1x2560xf32> to vector<100x2560xf32>
    %max3A_145 = arith.maximumf %max3A_143, %max3A_144 : vector<100x2560xf32>
    %sub3A_146 = arith.subf %min3A_142, %max3A_145 : vector<100x2560xf32>
    %max3A_147 = arith.constant 0.000000e+00 : f32
    %max3A_148 = vector.broadcast %max3A_147 : f32 to vector<100x2560xf32>
    %max3A_149 = arith.maximumf %sub3A_146, %max3A_148 : vector<100x2560xf32>
    %mul3A_150 = arith.mulf %max3A_139, %max3A_149 : vector<100x2560xf32>
    %add3A_151 = vector.broadcast %mul3A : vector<100x1xf32> to vector<100x2560xf32>
    %add3A_152 = vector.broadcast %mul3A_129 : vector<1x2560xf32> to vector<100x2560xf32>
    %add3A_153 = arith.addf %add3A_151, %add3A_152 : vector<100x2560xf32>
    %sub3A_154 = arith.subf %add3A_153, %mul3A_150 : vector<100x2560xf32>
    %div3A_155 = arith.divf %mul3A_150, %sub3A_154 : vector<100x2560xf32>
    %swap3A_156 = arith.constant 2 : index
    %swap3A_157 = arith.constant 0 : index
    %swap3A_158 = arith.constant 0 : index
    %swap3A_159 = vector.load %arg3[%swap3A_156, %swap3A_157, %swap3A_158] : memref<8x100x2560xf32, #tpu.memory_space<vmem>>, vector<1x100x2560xf32>
    %swap3A_160 = vector.shape_cast %swap3A_159 : vector<1x100x2560xf32> to vector<100x2560xf32>
    %swap3A_161 = vector.shape_cast %div3A_155 : vector<100x2560xf32> to vector<1x100x2560xf32>
    tpu.vector_store %arg3[%swap3A_156, %swap3A_157, %swap3A_158], %swap3A_161 {strides = array<i32>} : memref<8x100x2560xf32, #tpu.memory_space<vmem>>, vector<1x100x2560xf32>,
    %reduce_max3A_162 = arith.constant dense<0xFF800000> : vector<100xf32>
    %reduce_max3A_163 = vector.multi_reduction <maximumf>, %div3A_155, %reduce_max3A_162 [1] : vector<100x2560xf32> to vector<100xf32>
    %broadcast_in_dim3A_164 = vector.shape_cast %reduce_max3A_163 : vector<100xf32> to vector<100x1xf32>
    %get3A_165 = arith.constant 0 : index
    %get3A_166 = arith.constant 0 : index
    %get3A_167 = vector.load %arg4[%get3A_165, %get3A_166] : memref<100x128xf32, #tpu.memory_space<vmem>>, vector<100x1xf32>
    %max3A_168 = arith.maximumf %get3A_167, %broadcast_in_dim3A_164 : vector<100x1xf32>
    %swap3A_169 = arith.constant 0 : index
    %swap3A_170 = arith.constant 0 : index
    %swap3A_171 = vector.load %arg4[%swap3A_169, %swap3A_170] : memref<100x128xf32, #tpu.memory_space<vmem>>, vector<100x1xf32>
    tpu.vector_store %arg4[%swap3A_169, %swap3A_170], %max3A_168 {strides = array<i32>} : memref<100x128xf32, #tpu.memory_space<vmem>>, vector<100x1xf32>,
    %get3A_172 = arith.constant 0 : index
    %get3A_173 = arith.constant 7680 : index
    %get3A_174 = vector.load %arg0[%get3A_172, %get3A_173] : memref<4x20000xf32, #tpu.memory_space<vmem>>, vector<1x2560xf32>
    %get3A_175 = arith.constant 1 : index
    %get3A_176 = arith.constant 7680 : index
    %get3A_177 = vector.load %arg0[%get3A_175, %get3A_176] : memref<4x20000xf32, #tpu.memory_space<vmem>>, vector<1x2560xf32>
    %get3A_178 = arith.constant 2 : index
    %get3A_179 = arith.constant 7680 : index
    %get3A_180 = vector.load %arg0[%get3A_178, %get3A_179] : memref<4x20000xf32, #tpu.memory_space<vmem>>, vector<1x2560xf32>
    %get3A_181 = arith.constant 3 : index
    %get3A_182 = arith.constant 7680 : index
    %get3A_183 = vector.load %arg0[%get3A_181, %get3A_182] : memref<4x20000xf32, #tpu.memory_space<vmem>>, vector<1x2560xf32>
    %sub3A_184 = arith.subf %get3A_180, %get3A_174 : vector<1x2560xf32>
    %sub3A_185 = arith.subf %get3A_183, %get3A_177 : vector<1x2560xf32>
    %mul3A_186 = arith.mulf %sub3A_184, %sub3A_185 : vector<1x2560xf32>
    %min3A_187 = vector.broadcast %get3A_7 : vector<100x1xf32> to vector<100x2560xf32>
    %min3A_188 = vector.broadcast %get3A_180 : vector<1x2560xf32> to vector<100x2560xf32>
    %min3A_189 = arith.minimumf %min3A_187, %min3A_188 : vector<100x2560xf32>
    %max3A_190 = vector.broadcast %get3A_1 : vector<100x1xf32> to vector<100x2560xf32>
    %max3A_191 = vector.broadcast %get3A_174 : vector<1x2560xf32> to vector<100x2560xf32>
    %max3A_192 = arith.maximumf %max3A_190, %max3A_191 : vector<100x2560xf32>
    %sub3A_193 = arith.subf %min3A_189, %max3A_192 : vector<100x2560xf32>
    %max3A_194 = arith.constant 0.000000e+00 : f32
    %max3A_195 = vector.broadcast %max3A_194 : f32 to vector<100x2560xf32>
    %max3A_196 = arith.maximumf %sub3A_193, %max3A_195 : vector<100x2560xf32>
    %min3A_197 = vector.broadcast %get3A_10 : vector<100x1xf32> to vector<100x2560xf32>
    %min3A_198 = vector.broadcast %get3A_183 : vector<1x2560xf32> to vector<100x2560xf32>
    %min3A_199 = arith.minimumf %min3A_197, %min3A_198 : vector<100x2560xf32>
    %max3A_200 = vector.broadcast %get3A_4 : vector<100x1xf32> to vector<100x2560xf32>
    %max3A_201 = vector.broadcast %get3A_177 : vector<1x2560xf32> to vector<100x2560xf32>
    %max3A_202 = arith.maximumf %max3A_200, %max3A_201 : vector<100x2560xf32>
    %sub3A_203 = arith.subf %min3A_199, %max3A_202 : vector<100x2560xf32>
    %max3A_204 = arith.constant 0.000000e+00 : f32
    %max3A_205 = vector.broadcast %max3A_204 : f32 to vector<100x2560xf32>
    %max3A_206 = arith.maximumf %sub3A_203, %max3A_205 : vector<100x2560xf32>
    %mul3A_207 = arith.mulf %max3A_196, %max3A_206 : vector<100x2560xf32>
    %add3A_208 = vector.broadcast %mul3A : vector<100x1xf32> to vector<100x2560xf32>
    %add3A_209 = vector.broadcast %mul3A_186 : vector<1x2560xf32> to vector<100x2560xf32>
    %add3A_210 = arith.addf %add3A_208, %add3A_209 : vector<100x2560xf32>
    %sub3A_211 = arith.subf %add3A_210, %mul3A_207 : vector<100x2560xf32>
    %div3A_212 = arith.divf %mul3A_207, %sub3A_211 : vector<100x2560xf32>
    %swap3A_213 = arith.constant 3 : index
    %swap3A_214 = arith.constant 0 : index
    %swap3A_215 = arith.constant 0 : index
    %swap3A_216 = vector.load %arg3[%swap3A_213, %swap3A_214, %swap3A_215] : memref<8x100x2560xf32, #tpu.memory_space<vmem>>, vector<1x100x2560xf32>
    %swap3A_217 = vector.shape_cast %swap3A_216 : vector<1x100x2560xf32> to vector<100x2560xf32>
    %swap3A_218 = vector.shape_cast %div3A_212 : vector<100x2560xf32> to vector<1x100x2560xf32>
    tpu.vector_store %arg3[%swap3A_213, %swap3A_214, %swap3A_215], %swap3A_218 {strides = array<i32>} : memref<8x100x2560xf32, #tpu.memory_space<vmem>>, vector<1x100x2560xf32>,
    %reduce_max3A_219 = arith.constant dense<0xFF800000> : vector<100xf32>
    %reduce_max3A_220 = vector.multi_reduction <maximumf>, %div3A_212, %reduce_max3A_219 [1] : vector<100x2560xf32> to vector<100xf32>
    %broadcast_in_dim3A_221 = vector.shape_cast %reduce_max3A_220 : vector<100xf32> to vector<100x1xf32>
    %get3A_222 = arith.constant 0 : index
    %get3A_223 = arith.constant 0 : index
    %get3A_224 = vector.load %arg4[%get3A_222, %get3A_223] : memref<100x128xf32, #tpu.memory_space<vmem>>, vector<100x1xf32>
    %max3A_225 = arith.maximumf %get3A_224, %broadcast_in_dim3A_221 : vector<100x1xf32>
    %swap3A_226 = arith.constant 0 : index
    %swap3A_227 = arith.constant 0 : index
    %swap3A_228 = vector.load %arg4[%swap3A_226, %swap3A_227] : memref<100x128xf32, #tpu.memory_space<vmem>>, vector<100x1xf32>
    tpu.vector_store %arg4[%swap3A_226, %swap3A_227], %max3A_225 {strides = array<i32>} : memref<100x128xf32, #tpu.memory_space<vmem>>, vector<100x1xf32>,
    %get3A_229 = arith.constant 0 : index
    %get3A_230 = arith.constant 10240 : index
    %get3A_231 = vector.load %arg0[%get3A_229, %get3A_230] : memref<4x20000xf32, #tpu.memory_space<vmem>>, vector<1x2560xf32>
    %get3A_232 = arith.constant 1 : index
    %get3A_233 = arith.constant 10240 : index
    %get3A_234 = vector.load %arg0[%get3A_232, %get3A_233] : memref<4x20000xf32, #tpu.memory_space<vmem>>, vector<1x2560xf32>
    %get3A_235 = arith.constant 2 : index
    %get3A_236 = arith.constant 10240 : index
    %get3A_237 = vector.load %arg0[%get3A_235, %get3A_236] : memref<4x20000xf32, #tpu.memory_space<vmem>>, vector<1x2560xf32>
    %get3A_238 = arith.constant 3 : index
    %get3A_239 = arith.constant 10240 : index
    %get3A_240 = vector.load %arg0[%get3A_238, %get3A_239] : memref<4x20000xf32, #tpu.memory_space<vmem>>, vector<1x2560xf32>
    %sub3A_241 = arith.subf %get3A_237, %get3A_231 : vector<1x2560xf32>
    %sub3A_242 = arith.subf %get3A_240, %get3A_234 : vector<1x2560xf32>
    %mul3A_243 = arith.mulf %sub3A_241, %sub3A_242 : vector<1x2560xf32>
    %min3A_244 = vector.broadcast %get3A_7 : vector<100x1xf32> to vector<100x2560xf32>
    %min3A_245 = vector.broadcast %get3A_237 : vector<1x2560xf32> to vector<100x2560xf32>
    %min3A_246 = arith.minimumf %min3A_244, %min3A_245 : vector<100x2560xf32>
    %max3A_247 = vector.broadcast %get3A_1 : vector<100x1xf32> to vector<100x2560xf32>
    %max3A_248 = vector.broadcast %get3A_231 : vector<1x2560xf32> to vector<100x2560xf32>
    %max3A_249 = arith.maximumf %max3A_247, %max3A_248 : vector<100x2560xf32>
    %sub3A_250 = arith.subf %min3A_246, %max3A_249 : vector<100x2560xf32>
    %max3A_251 = arith.constant 0.000000e+00 : f32
    %max3A_252 = vector.broadcast %max3A_251 : f32 to vector<100x2560xf32>
    %max3A_253 = arith.maximumf %sub3A_250, %max3A_252 : vector<100x2560xf32>
    %min3A_254 = vector.broadcast %get3A_10 : vector<100x1xf32> to vector<100x2560xf32>
    %min3A_255 = vector.broadcast %get3A_240 : vector<1x2560xf32> to vector<100x2560xf32>
    %min3A_256 = arith.minimumf %min3A_254, %min3A_255 : vector<100x2560xf32>
    %max3A_257 = vector.broadcast %get3A_4 : vector<100x1xf32> to vector<100x2560xf32>
    %max3A_258 = vector.broadcast %get3A_234 : vector<1x2560xf32> to vector<100x2560xf32>
    %max3A_259 = arith.maximumf %max3A_257, %max3A_258 : vector<100x2560xf32>
    %sub3A_260 = arith.subf %min3A_256, %max3A_259 : vector<100x2560xf32>
    %max3A_261 = arith.constant 0.000000e+00 : f32
    %max3A_262 = vector.broadcast %max3A_261 : f32 to vector<100x2560xf32>
    %max3A_263 = arith.maximumf %sub3A_260, %max3A_262 : vector<100x2560xf32>
    %mul3A_264 = arith.mulf %max3A_253, %max3A_263 : vector<100x2560xf32>
    %add3A_265 = vector.broadcast %mul3A : vector<100x1xf32> to vector<100x2560xf32>
    %add3A_266 = vector.broadcast %mul3A_243 : vector<1x2560xf32> to vector<100x2560xf32>
    %add3A_267 = arith.addf %add3A_265, %add3A_266 : vector<100x2560xf32>
    %sub3A_268 = arith.subf %add3A_267, %mul3A_264 : vector<100x2560xf32>
    %div3A_269 = arith.divf %mul3A_264, %sub3A_268 : vector<100x2560xf32>
    %swap3A_270 = arith.constant 4 : index
    %swap3A_271 = arith.constant 0 : index
    %swap3A_272 = arith.constant 0 : index
    %swap3A_273 = vector.load %arg3[%swap3A_270, %swap3A_271, %swap3A_272] : memref<8x100x2560xf32, #tpu.memory_space<vmem>>, vector<1x100x2560xf32>
    %swap3A_274 = vector.shape_cast %swap3A_273 : vector<1x100x2560xf32> to vector<100x2560xf32>
    %swap3A_275 = vector.shape_cast %div3A_269 : vector<100x2560xf32> to vector<1x100x2560xf32>
    tpu.vector_store %arg3[%swap3A_270, %swap3A_271, %swap3A_272], %swap3A_275 {strides = array<i32>} : memref<8x100x2560xf32, #tpu.memory_space<vmem>>, vector<1x100x2560xf32>,
    %reduce_max3A_276 = arith.constant dense<0xFF800000> : vector<100xf32>
    %reduce_max3A_277 = vector.multi_reduction <maximumf>, %div3A_269, %reduce_max3A_276 [1] : vector<100x2560xf32> to vector<100xf32>
    %broadcast_in_dim3A_278 = vector.shape_cast %reduce_max3A_277 : vector<100xf32> to vector<100x1xf32>
    %get3A_279 = arith.constant 0 : index
    %get3A_280 = arith.constant 0 : index
    %get3A_281 = vector.load %arg4[%get3A_279, %get3A_280] : memref<100x128xf32, #tpu.memory_space<vmem>>, vector<100x1xf32>
    %max3A_282 = arith.maximumf %get3A_281, %broadcast_in_dim3A_278 : vector<100x1xf32>
    %swap3A_283 = arith.constant 0 : index
    %swap3A_284 = arith.constant 0 : index
    %swap3A_285 = vector.load %arg4[%swap3A_283, %swap3A_284] : memref<100x128xf32, #tpu.memory_space<vmem>>, vector<100x1xf32>
    tpu.vector_store %arg4[%swap3A_283, %swap3A_284], %max3A_282 {strides = array<i32>} : memref<100x128xf32, #tpu.memory_space<vmem>>, vector<100x1xf32>,
    %get3A_286 = arith.constant 0 : index
    %get3A_287 = arith.constant 12800 : index
    %get3A_288 = vector.load %arg0[%get3A_286, %get3A_287] : memref<4x20000xf32, #tpu.memory_space<vmem>>, vector<1x2560xf32>
    %get3A_289 = arith.constant 1 : index
    %get3A_290 = arith.constant 12800 : index
    %get3A_291 = vector.load %arg0[%get3A_289, %get3A_290] : memref<4x20000xf32, #tpu.memory_space<vmem>>, vector<1x2560xf32>
    %get3A_292 = arith.constant 2 : index
    %get3A_293 = arith.constant 12800 : index
    %get3A_294 = vector.load %arg0[%get3A_292, %get3A_293] : memref<4x20000xf32, #tpu.memory_space<vmem>>, vector<1x2560xf32>
    %get3A_295 = arith.constant 3 : index
    %get3A_296 = arith.constant 12800 : index
    %get3A_297 = vector.load %arg0[%get3A_295, %get3A_296] : memref<4x20000xf32, #tpu.memory_space<vmem>>, vector<1x2560xf32>
    %sub3A_298 = arith.subf %get3A_294, %get3A_288 : vector<1x2560xf32>
    %sub3A_299 = arith.subf %get3A_297, %get3A_291 : vector<1x2560xf32>
    %mul3A_300 = arith.mulf %sub3A_298, %sub3A_299 : vector<1x2560xf32>
    %min3A_301 = vector.broadcast %get3A_7 : vector<100x1xf32> to vector<100x2560xf32>
    %min3A_302 = vector.broadcast %get3A_294 : vector<1x2560xf32> to vector<100x2560xf32>
    %min3A_303 = arith.minimumf %min3A_301, %min3A_302 : vector<100x2560xf32>
    %max3A_304 = vector.broadcast %get3A_1 : vector<100x1xf32> to vector<100x2560xf32>
    %max3A_305 = vector.broadcast %get3A_288 : vector<1x2560xf32> to vector<100x2560xf32>
    %max3A_306 = arith.maximumf %max3A_304, %max3A_305 : vector<100x2560xf32>
    %sub3A_307 = arith.subf %min3A_303, %max3A_306 : vector<100x2560xf32>
    %max3A_308 = arith.constant 0.000000e+00 : f32
    %max3A_309 = vector.broadcast %max3A_308 : f32 to vector<100x2560xf32>
    %max3A_310 = arith.maximumf %sub3A_307, %max3A_309 : vector<100x2560xf32>
    %min3A_311 = vector.broadcast %get3A_10 : vector<100x1xf32> to vector<100x2560xf32>
    %min3A_312 = vector.broadcast %get3A_297 : vector<1x2560xf32> to vector<100x2560xf32>
    %min3A_313 = arith.minimumf %min3A_311, %min3A_312 : vector<100x2560xf32>
    %max3A_314 = vector.broadcast %get3A_4 : vector<100x1xf32> to vector<100x2560xf32>
    %max3A_315 = vector.broadcast %get3A_291 : vector<1x2560xf32> to vector<100x2560xf32>
    %max3A_316 = arith.maximumf %max3A_314, %max3A_315 : vector<100x2560xf32>
    %sub3A_317 = arith.subf %min3A_313, %max3A_316 : vector<100x2560xf32>
    %max3A_318 = arith.constant 0.000000e+00 : f32
    %max3A_319 = vector.broadcast %max3A_318 : f32 to vector<100x2560xf32>
    %max3A_320 = arith.maximumf %sub3A_317, %max3A_319 : vector<100x2560xf32>
    %mul3A_321 = arith.mulf %max3A_310, %max3A_320 : vector<100x2560xf32>
    %add3A_322 = vector.broadcast %mul3A : vector<100x1xf32> to vector<100x2560xf32>
    %add3A_323 = vector.broadcast %mul3A_300 : vector<1x2560xf32> to vector<100x2560xf32>
    %add3A_324 = arith.addf %add3A_322, %add3A_323 : vector<100x2560xf32>
    %sub3A_325 = arith.subf %add3A_324, %mul3A_321 : vector<100x2560xf32>
    %div3A_326 = arith.divf %mul3A_321, %sub3A_325 : vector<100x2560xf32>
    %swap3A_327 = arith.constant 5 : index
    %swap3A_328 = arith.constant 0 : index
    %swap3A_329 = arith.constant 0 : index
    %swap3A_330 = vector.load %arg3[%swap3A_327, %swap3A_328, %swap3A_329] : memref<8x100x2560xf32, #tpu.memory_space<vmem>>, vector<1x100x2560xf32>
    %swap3A_331 = vector.shape_cast %swap3A_330 : vector<1x100x2560xf32> to vector<100x2560xf32>
    %swap3A_332 = vector.shape_cast %div3A_326 : vector<100x2560xf32> to vector<1x100x2560xf32>
    tpu.vector_store %arg3[%swap3A_327, %swap3A_328, %swap3A_329], %swap3A_332 {strides = array<i32>} : memref<8x100x2560xf32, #tpu.memory_space<vmem>>, vector<1x100x2560xf32>,
    %reduce_max3A_333 = arith.constant dense<0xFF800000> : vector<100xf32>
    %reduce_max3A_334 = vector.multi_reduction <maximumf>, %div3A_326, %reduce_max3A_333 [1] : vector<100x2560xf32> to vector<100xf32>
    %broadcast_in_dim3A_335 = vector.shape_cast %reduce_max3A_334 : vector<100xf32> to vector<100x1xf32>
    %get3A_336 = arith.constant 0 : index
    %get3A_337 = arith.constant 0 : index
    %get3A_338 = vector.load %arg4[%get3A_336, %get3A_337] : memref<100x128xf32, #tpu.memory_space<vmem>>, vector<100x1xf32>
    %max3A_339 = arith.maximumf %get3A_338, %broadcast_in_dim3A_335 : vector<100x1xf32>
    %swap3A_340 = arith.constant 0 : index
    %swap3A_341 = arith.constant 0 : index
    %swap3A_342 = vector.load %arg4[%swap3A_340, %swap3A_341] : memref<100x128xf32, #tpu.memory_space<vmem>>, vector<100x1xf32>
    tpu.vector_store %arg4[%swap3A_340, %swap3A_341], %max3A_339 {strides = array<i32>} : memref<100x128xf32, #tpu.memory_space<vmem>>, vector<100x1xf32>,
    %get3A_343 = arith.constant 0 : index
    %get3A_344 = arith.constant 15360 : index
    %get3A_345 = vector.load %arg0[%get3A_343, %get3A_344] : memref<4x20000xf32, #tpu.memory_space<vmem>>, vector<1x2560xf32>
    %get3A_346 = arith.constant 1 : index
    %get3A_347 = arith.constant 15360 : index
    %get3A_348 = vector.load %arg0[%get3A_346, %get3A_347] : memref<4x20000xf32, #tpu.memory_space<vmem>>, vector<1x2560xf32>
    %get3A_349 = arith.constant 2 : index
    %get3A_350 = arith.constant 15360 : index
    %get3A_351 = vector.load %arg0[%get3A_349, %get3A_350] : memref<4x20000xf32, #tpu.memory_space<vmem>>, vector<1x2560xf32>
    %get3A_352 = arith.constant 3 : index
    %get3A_353 = arith.constant 15360 : index
    %get3A_354 = vector.load %arg0[%get3A_352, %get3A_353] : memref<4x20000xf32, #tpu.memory_space<vmem>>, vector<1x2560xf32>
    %sub3A_355 = arith.subf %get3A_351, %get3A_345 : vector<1x2560xf32>
    %sub3A_356 = arith.subf %get3A_354, %get3A_348 : vector<1x2560xf32>
    %mul3A_357 = arith.mulf %sub3A_355, %sub3A_356 : vector<1x2560xf32>
    %min3A_358 = vector.broadcast %get3A_7 : vector<100x1xf32> to vector<100x2560xf32>
    %min3A_359 = vector.broadcast %get3A_351 : vector<1x2560xf32> to vector<100x2560xf32>
    %min3A_360 = arith.minimumf %min3A_358, %min3A_359 : vector<100x2560xf32>
    %max3A_361 = vector.broadcast %get3A_1 : vector<100x1xf32> to vector<100x2560xf32>
    %max3A_362 = vector.broadcast %get3A_345 : vector<1x2560xf32> to vector<100x2560xf32>
    %max3A_363 = arith.maximumf %max3A_361, %max3A_362 : vector<100x2560xf32>
    %sub3A_364 = arith.subf %min3A_360, %max3A_363 : vector<100x2560xf32>
    %max3A_365 = arith.constant 0.000000e+00 : f32
    %max3A_366 = vector.broadcast %max3A_365 : f32 to vector<100x2560xf32>
    %max3A_367 = arith.maximumf %sub3A_364, %max3A_366 : vector<100x2560xf32>
    %min3A_368 = vector.broadcast %get3A_10 : vector<100x1xf32> to vector<100x2560xf32>
    %min3A_369 = vector.broadcast %get3A_354 : vector<1x2560xf32> to vector<100x2560xf32>
    %min3A_370 = arith.minimumf %min3A_368, %min3A_369 : vector<100x2560xf32>
    %max3A_371 = vector.broadcast %get3A_4 : vector<100x1xf32> to vector<100x2560xf32>
    %max3A_372 = vector.broadcast %get3A_348 : vector<1x2560xf32> to vector<100x2560xf32>
    %max3A_373 = arith.maximumf %max3A_371, %max3A_372 : vector<100x2560xf32>
    %sub3A_374 = arith.subf %min3A_370, %max3A_373 : vector<100x2560xf32>
    %max3A_375 = arith.constant 0.000000e+00 : f32
    %max3A_376 = vector.broadcast %max3A_375 : f32 to vector<100x2560xf32>
    %max3A_377 = arith.maximumf %sub3A_374, %max3A_376 : vector<100x2560xf32>
    %mul3A_378 = arith.mulf %max3A_367, %max3A_377 : vector<100x2560xf32>
    %add3A_379 = vector.broadcast %mul3A : vector<100x1xf32> to vector<100x2560xf32>
    %add3A_380 = vector.broadcast %mul3A_357 : vector<1x2560xf32> to vector<100x2560xf32>
    %add3A_381 = arith.addf %add3A_379, %add3A_380 : vector<100x2560xf32>
    %sub3A_382 = arith.subf %add3A_381, %mul3A_378 : vector<100x2560xf32>
    %div3A_383 = arith.divf %mul3A_378, %sub3A_382 : vector<100x2560xf32>
    %swap3A_384 = arith.constant 6 : index
    %swap3A_385 = arith.constant 0 : index
    %swap3A_386 = arith.constant 0 : index
    %swap3A_387 = vector.load %arg3[%swap3A_384, %swap3A_385, %swap3A_386] : memref<8x100x2560xf32, #tpu.memory_space<vmem>>, vector<1x100x2560xf32>
    %swap3A_388 = vector.shape_cast %swap3A_387 : vector<1x100x2560xf32> to vector<100x2560xf32>
    %swap3A_389 = vector.shape_cast %div3A_383 : vector<100x2560xf32> to vector<1x100x2560xf32>
    tpu.vector_store %arg3[%swap3A_384, %swap3A_385, %swap3A_386], %swap3A_389 {strides = array<i32>} : memref<8x100x2560xf32, #tpu.memory_space<vmem>>, vector<1x100x2560xf32>,
    %reduce_max3A_390 = arith.constant dense<0xFF800000> : vector<100xf32>
    %reduce_max3A_391 = vector.multi_reduction <maximumf>, %div3A_383, %reduce_max3A_390 [1] : vector<100x2560xf32> to vector<100xf32>
    %broadcast_in_dim3A_392 = vector.shape_cast %reduce_max3A_391 : vector<100xf32> to vector<100x1xf32>
    %get3A_393 = arith.constant 0 : index
    %get3A_394 = arith.constant 0 : index
    %get3A_395 = vector.load %arg4[%get3A_393, %get3A_394] : memref<100x128xf32, #tpu.memory_space<vmem>>, vector<100x1xf32>
    %max3A_396 = arith.maximumf %get3A_395, %broadcast_in_dim3A_392 : vector<100x1xf32>
    %swap3A_397 = arith.constant 0 : index
    %swap3A_398 = arith.constant 0 : index
    %swap3A_399 = vector.load %arg4[%swap3A_397, %swap3A_398] : memref<100x128xf32, #tpu.memory_space<vmem>>, vector<100x1xf32>
    tpu.vector_store %arg4[%swap3A_397, %swap3A_398], %max3A_396 {strides = array<i32>} : memref<100x128xf32, #tpu.memory_space<vmem>>, vector<100x1xf32>,
    %get3A_400 = arith.constant 0 : index
    %get3A_401 = arith.constant 17920 : index
    %get3A_402 = vector.load %arg0[%get3A_400, %get3A_401] : memref<4x20000xf32, #tpu.memory_space<vmem>>, vector<1x2080xf32>
    %get3A_403 = arith.constant 1 : index
    %get3A_404 = arith.constant 17920 : index
    %get3A_405 = vector.load %arg0[%get3A_403, %get3A_404] : memref<4x20000xf32, #tpu.memory_space<vmem>>, vector<1x2080xf32>
    %get3A_406 = arith.constant 2 : index
    %get3A_407 = arith.constant 17920 : index
    %get3A_408 = vector.load %arg0[%get3A_406, %get3A_407] : memref<4x20000xf32, #tpu.memory_space<vmem>>, vector<1x2080xf32>
    %get3A_409 = arith.constant 3 : index
    %get3A_410 = arith.constant 17920 : index
    %get3A_411 = vector.load %arg0[%get3A_409, %get3A_410] : memref<4x20000xf32, #tpu.memory_space<vmem>>, vector<1x2080xf32>
    %sub3A_412 = arith.subf %get3A_408, %get3A_402 : vector<1x2080xf32>
    %sub3A_413 = arith.subf %get3A_411, %get3A_405 : vector<1x2080xf32>
    %mul3A_414 = arith.mulf %sub3A_412, %sub3A_413 : vector<1x2080xf32>
    %min3A_415 = vector.broadcast %get3A_7 : vector<100x1xf32> to vector<100x2080xf32>
    %min3A_416 = vector.broadcast %get3A_408 : vector<1x2080xf32> to vector<100x2080xf32>
    %min3A_417 = arith.minimumf %min3A_415, %min3A_416 : vector<100x2080xf32>
    %max3A_418 = vector.broadcast %get3A_1 : vector<100x1xf32> to vector<100x2080xf32>
    %max3A_419 = vector.broadcast %get3A_402 : vector<1x2080xf32> to vector<100x2080xf32>
    %max3A_420 = arith.maximumf %max3A_418, %max3A_419 : vector<100x2080xf32>
    %sub3A_421 = arith.subf %min3A_417, %max3A_420 : vector<100x2080xf32>
    %max3A_422 = arith.constant 0.000000e+00 : f32
    %max3A_423 = vector.broadcast %max3A_422 : f32 to vector<100x2080xf32>
    %max3A_424 = arith.maximumf %sub3A_421, %max3A_423 : vector<100x2080xf32>
    %min3A_425 = vector.broadcast %get3A_10 : vector<100x1xf32> to vector<100x2080xf32>
    %min3A_426 = vector.broadcast %get3A_411 : vector<1x2080xf32> to vector<100x2080xf32>
    %min3A_427 = arith.minimumf %min3A_425, %min3A_426 : vector<100x2080xf32>
    %max3A_428 = vector.broadcast %get3A_4 : vector<100x1xf32> to vector<100x2080xf32>
    %max3A_429 = vector.broadcast %get3A_405 : vector<1x2080xf32> to vector<100x2080xf32>
    %max3A_430 = arith.maximumf %max3A_428, %max3A_429 : vector<100x2080xf32>
    %sub3A_431 = arith.subf %min3A_427, %max3A_430 : vector<100x2080xf32>
    %max3A_432 = arith.constant 0.000000e+00 : f32
    %max3A_433 = vector.broadcast %max3A_432 : f32 to vector<100x2080xf32>
    %max3A_434 = arith.maximumf %sub3A_431, %max3A_433 : vector<100x2080xf32>
    %mul3A_435 = arith.mulf %max3A_424, %max3A_434 : vector<100x2080xf32>
    %add3A_436 = vector.broadcast %mul3A : vector<100x1xf32> to vector<100x2080xf32>
    %add3A_437 = vector.broadcast %mul3A_414 : vector<1x2080xf32> to vector<100x2080xf32>
    %add3A_438 = arith.addf %add3A_436, %add3A_437 : vector<100x2080xf32>
    %sub3A_439 = arith.subf %add3A_438, %mul3A_435 : vector<100x2080xf32>
    %div3A_440 = arith.divf %mul3A_435, %sub3A_439 : vector<100x2080xf32>
    %swap3A_441 = arith.constant 7 : index
    %swap3A_442 = arith.constant 0 : index
    %swap3A_443 = arith.constant 0 : index
    %swap3A_444 = vector.load %arg3[%swap3A_441, %swap3A_442, %swap3A_443] : memref<8x100x2560xf32, #tpu.memory_space<vmem>>, vector<1x100x2080xf32>
    %swap3A_445 = vector.shape_cast %swap3A_444 : vector<1x100x2080xf32> to vector<100x2080xf32>
    %swap3A_446 = vector.shape_cast %div3A_440 : vector<100x2080xf32> to vector<1x100x2080xf32>
    tpu.vector_store %arg3[%swap3A_441, %swap3A_442, %swap3A_443], %swap3A_446 {strides = array<i32>} : memref<8x100x2560xf32, #tpu.memory_space<vmem>>, vector<1x100x2080xf32>,
    %reduce_max3A_447 = arith.constant dense<0xFF800000> : vector<100xf32>
    %reduce_max3A_448 = vector.multi_reduction <maximumf>, %div3A_440, %reduce_max3A_447 [1] : vector<100x2080xf32> to vector<100xf32>
    %broadcast_in_dim3A_449 = vector.shape_cast %reduce_max3A_448 : vector<100xf32> to vector<100x1xf32>
    %get3A_450 = arith.constant 0 : index
    %get3A_451 = arith.constant 0 : index
    %get3A_452 = vector.load %arg4[%get3A_450, %get3A_451] : memref<100x128xf32, #tpu.memory_space<vmem>>, vector<100x1xf32>
    %max3A_453 = arith.maximumf %get3A_452, %broadcast_in_dim3A_449 : vector<100x1xf32>
    %swap3A_454 = arith.constant 0 : index
    %swap3A_455 = arith.constant 0 : index
    %swap3A_456 = vector.load %arg4[%swap3A_454, %swap3A_455] : memref<100x128xf32, #tpu.memory_space<vmem>>, vector<100x1xf32>
    tpu.vector_store %arg4[%swap3A_454, %swap3A_455], %max3A_453 {strides = array<i32>} : memref<100x128xf32, #tpu.memory_space<vmem>>, vector<100x1xf32>,
    %get3A_457 = arith.constant 0 : index
    %get3A_458 = arith.constant 0 : index
    %get3A_459 = vector.load %arg4[%get3A_457, %get3A_458] : memref<100x128xf32, #tpu.memory_space<vmem>>, vector<100x1xf32>
    %get3A_460 = arith.constant 0 : index
    %get3A_461 = arith.constant 0 : index
    %get3A_462 = arith.constant 0 : index
    %get3A_463 = vector.load %arg3[%get3A_460, %get3A_461, %get3A_462] : memref<8x100x2560xf32, #tpu.memory_space<vmem>>, vector<1x100x2560xf32>
    %get3A_464 = vector.shape_cast %get3A_463 : vector<1x100x2560xf32> to vector<100x2560xf32>
    %iota3A = tpu.iota {dimensions = array<i32: 0>} : vector<100x2560xi32>
    %reduce_max3A_465 = arith.constant dense<0xFF800000> : vector<2560xf32>
    %reduce_max3A_466 = vector.multi_reduction <maximumf>, %get3A_464, %reduce_max3A_465 [0] : vector<100x2560xf32> to vector<2560xf32>
    %broadcast_in_dim3A_467 = vector.shape_cast %reduce_max3A_466 : vector<2560xf32> to vector<1x2560xf32>
    %eq3A = vector.broadcast %broadcast_in_dim3A_467 : vector<1x2560xf32> to vector<100x2560xf32>
    %eq3A_468 = arith.cmpf oeq, %get3A_464, %eq3A : vector<100x2560xf32>
    %jit3A = arith.constant 100 : i32
    %broadcast_in_dim3A_469 = vector.broadcast %jit3A : i32 to vector<100x2560xi32>
    %select_n3A = arith.select %eq3A_468, %iota3A, %broadcast_in_dim3A_469 : vector<100x2560xi1>, vector<100x2560xi32>
    %reduce_min3A = arith.constant dense<2147483647> : vector<2560xi32>
    %reduce_min3A_470 = vector.multi_reduction <minsi>, %select_n3A, %reduce_min3A [0] : vector<100x2560xi32> to vector<2560xi32>
    %broadcast_in_dim3A_471 = vector.shape_cast %reduce_min3A_470 : vector<2560xi32> to vector<1x2560xi32>
    %eq3A_472 = vector.broadcast %get3A_459 : vector<100x1xf32> to vector<100x2560xf32>
    %eq3A_473 = arith.cmpf oeq, %get3A_464, %eq3A_472 : vector<100x2560xf32>
    %reduce_or3A = arith.constant 1.000000e+00 : f32
    %reduce_or3A_474 = arith.constant 0.000000e+00 : f32
    %reduce_or3A_475 = vector.broadcast %reduce_or3A : f32 to vector<100x2560xf32>
    %reduce_or3A_476 = vector.broadcast %reduce_or3A_474 : f32 to vector<100x2560xf32>
    %reduce_or3A_477 = arith.select %eq3A_473, %reduce_or3A_475, %reduce_or3A_476 : vector<100x2560xi1>, vector<100x2560xf32>
    %reduce_or3A_478 = arith.constant dense<0xFF800000> : vector<2560xf32>
    %reduce_or3A_479 = vector.multi_reduction <maximumf>, %reduce_or3A_477, %reduce_or3A_478 [0] : vector<100x2560xf32> to vector<2560xf32>
    %reduce_or3A_480 = arith.constant 0.000000e+00 : f32
    %reduce_or3A_481 = vector.broadcast %reduce_or3A_480 : f32 to vector<2560xf32>
    %reduce_or3A_482 = arith.cmpf ogt, %reduce_or3A_479, %reduce_or3A_481 : vector<2560xf32>
    %broadcast_in_dim3A_483 = vector.shape_cast %reduce_or3A_482 : vector<2560xi1> to vector<1x2560xi1>
    %lt3A = arith.constant 3.000000e-01 : f32
    %lt3A_484 = vector.broadcast %lt3A : f32 to vector<1x2560xf32>
    %lt3A_485 = arith.cmpf olt, %broadcast_in_dim3A_467, %lt3A_484 : vector<1x2560xf32>
    %lt3A_486 = arith.constant 0.699999988 : f32
    %lt3A_487 = vector.broadcast %lt3A_486 : f32 to vector<1x2560xf32>
    %lt3A_488 = arith.cmpf olt, %broadcast_in_dim3A_467, %lt3A_487 : vector<1x2560xf32>
    %jit3A_489 = arith.constant -2 : i32
    %broadcast_in_dim3A_490 = vector.broadcast %jit3A_489 : i32 to vector<1x2560xi32>
    %select_n3A_491 = arith.select %lt3A_488, %broadcast_in_dim3A_490, %broadcast_in_dim3A_471 : vector<1x2560xi1>, vector<1x2560xi32>
    %jit3A_492 = arith.constant -1 : i32
    %broadcast_in_dim3A_493 = vector.broadcast %jit3A_492 : i32 to vector<1x2560xi32>
    %select_n3A_494 = arith.select %lt3A_485, %broadcast_in_dim3A_493, %select_n3A_491 : vector<1x2560xi1>, vector<1x2560xi32>
    %select_n3A_495 = arith.select %broadcast_in_dim3A_483, %broadcast_in_dim3A_471, %select_n3A_494 : vector<1x2560xi1>, vector<1x2560xi32>
    %swap3A_496 = arith.constant 0 : index
    %swap3A_497 = arith.constant 0 : index
    %swap3A_498 = vector.load %arg2[%swap3A_496, %swap3A_497] : memref<8x2560xi32, #tpu.memory_space<vmem>>, vector<1x2560xi32>
    tpu.vector_store %arg2[%swap3A_496, %swap3A_497], %select_n3A_495 {strides = array<i32>} : memref<8x2560xi32, #tpu.memory_space<vmem>>, vector<1x2560xi32>,
    %get3A_499 = arith.constant 1 : index
    %get3A_500 = arith.constant 0 : index
    %get3A_501 = arith.constant 0 : index
    %get3A_502 = vector.load %arg3[%get3A_499, %get3A_500, %get3A_501] : memref<8x100x2560xf32, #tpu.memory_space<vmem>>, vector<1x100x2560xf32>
    %get3A_503 = vector.shape_cast %get3A_502 : vector<1x100x2560xf32> to vector<100x2560xf32>
    %iota3A_504 = tpu.iota {dimensions = array<i32: 0>} : vector<100x2560xi32>
    %reduce_max3A_505 = arith.constant dense<0xFF800000> : vector<2560xf32>
    %reduce_max3A_506 = vector.multi_reduction <maximumf>, %get3A_503, %reduce_max3A_505 [0] : vector<100x2560xf32> to vector<2560xf32>
    %broadcast_in_dim3A_507 = vector.shape_cast %reduce_max3A_506 : vector<2560xf32> to vector<1x2560xf32>
    %eq3A_508 = vector.broadcast %broadcast_in_dim3A_507 : vector<1x2560xf32> to vector<100x2560xf32>
    %eq3A_509 = arith.cmpf oeq, %get3A_503, %eq3A_508 : vector<100x2560xf32>
    %jit3A_510 = arith.constant 100 : i32
    %broadcast_in_dim3A_511 = vector.broadcast %jit3A_510 : i32 to vector<100x2560xi32>
    %select_n3A_512 = arith.select %eq3A_509, %iota3A_504, %broadcast_in_dim3A_511 : vector<100x2560xi1>, vector<100x2560xi32>
    %reduce_min3A_513 = arith.constant dense<2147483647> : vector<2560xi32>
    %reduce_min3A_514 = vector.multi_reduction <minsi>, %select_n3A_512, %reduce_min3A_513 [0] : vector<100x2560xi32> to vector<2560xi32>
    %broadcast_in_dim3A_515 = vector.shape_cast %reduce_min3A_514 : vector<2560xi32> to vector<1x2560xi32>
    %eq3A_516 = vector.broadcast %get3A_459 : vector<100x1xf32> to vector<100x2560xf32>
    %eq3A_517 = arith.cmpf oeq, %get3A_503, %eq3A_516 : vector<100x2560xf32>
    %reduce_or3A_518 = arith.constant 1.000000e+00 : f32
    %reduce_or3A_519 = arith.constant 0.000000e+00 : f32
    %reduce_or3A_520 = vector.broadcast %reduce_or3A_518 : f32 to vector<100x2560xf32>
    %reduce_or3A_521 = vector.broadcast %reduce_or3A_519 : f32 to vector<100x2560xf32>
    %reduce_or3A_522 = arith.select %eq3A_517, %reduce_or3A_520, %reduce_or3A_521 : vector<100x2560xi1>, vector<100x2560xf32>
    %reduce_or3A_523 = arith.constant dense<0xFF800000> : vector<2560xf32>
    %reduce_or3A_524 = vector.multi_reduction <maximumf>, %reduce_or3A_522, %reduce_or3A_523 [0] : vector<100x2560xf32> to vector<2560xf32>
    %reduce_or3A_525 = arith.constant 0.000000e+00 : f32
    %reduce_or3A_526 = vector.broadcast %reduce_or3A_525 : f32 to vector<2560xf32>
    %reduce_or3A_527 = arith.cmpf ogt, %reduce_or3A_524, %reduce_or3A_526 : vector<2560xf32>
    %broadcast_in_dim3A_528 = vector.shape_cast %reduce_or3A_527 : vector<2560xi1> to vector<1x2560xi1>
    %lt3A_529 = arith.constant 3.000000e-01 : f32
    %lt3A_530 = vector.broadcast %lt3A_529 : f32 to vector<1x2560xf32>
    %lt3A_531 = arith.cmpf olt, %broadcast_in_dim3A_507, %lt3A_530 : vector<1x2560xf32>
    %lt3A_532 = arith.constant 0.699999988 : f32
    %lt3A_533 = vector.broadcast %lt3A_532 : f32 to vector<1x2560xf32>
    %lt3A_534 = arith.cmpf olt, %broadcast_in_dim3A_507, %lt3A_533 : vector<1x2560xf32>
    %jit3A_535 = arith.constant -2 : i32
    %broadcast_in_dim3A_536 = vector.broadcast %jit3A_535 : i32 to vector<1x2560xi32>
    %select_n3A_537 = arith.select %lt3A_534, %broadcast_in_dim3A_536, %broadcast_in_dim3A_515 : vector<1x2560xi1>, vector<1x2560xi32>
    %jit3A_538 = arith.constant -1 : i32
    %broadcast_in_dim3A_539 = vector.broadcast %jit3A_538 : i32 to vector<1x2560xi32>
    %select_n3A_540 = arith.select %lt3A_531, %broadcast_in_dim3A_539, %select_n3A_537 : vector<1x2560xi1>, vector<1x2560xi32>
    %select_n3A_541 = arith.select %broadcast_in_dim3A_528, %broadcast_in_dim3A_515, %select_n3A_540 : vector<1x2560xi1>, vector<1x2560xi32>
    %swap3A_542 = arith.constant 1 : index
    %swap3A_543 = arith.constant 0 : index
    %swap3A_544 = vector.load %arg2[%swap3A_542, %swap3A_543] : memref<8x2560xi32, #tpu.memory_space<vmem>>, vector<1x2560xi32>
    tpu.vector_store %arg2[%swap3A_542, %swap3A_543], %select_n3A_541 {strides = array<i32>} : memref<8x2560xi32, #tpu.memory_space<vmem>>, vector<1x2560xi32>,
    %get3A_545 = arith.constant 2 : index
    %get3A_546 = arith.constant 0 : index
    %get3A_547 = arith.constant 0 : index
    %get3A_548 = vector.load %arg3[%get3A_545, %get3A_546, %get3A_547] : memref<8x100x2560xf32, #tpu.memory_space<vmem>>, vector<1x100x2560xf32>
    %get3A_549 = vector.shape_cast %get3A_548 : vector<1x100x2560xf32> to vector<100x2560xf32>
    %iota3A_550 = tpu.iota {dimensions = array<i32: 0>} : vector<100x2560xi32>
    %reduce_max3A_551 = arith.constant dense<0xFF800000> : vector<2560xf32>
    %reduce_max3A_552 = vector.multi_reduction <maximumf>, %get3A_549, %reduce_max3A_551 [0] : vector<100x2560xf32> to vector<2560xf32>
    %broadcast_in_dim3A_553 = vector.shape_cast %reduce_max3A_552 : vector<2560xf32> to vector<1x2560xf32>
    %eq3A_554 = vector.broadcast %broadcast_in_dim3A_553 : vector<1x2560xf32> to vector<100x2560xf32>
    %eq3A_555 = arith.cmpf oeq, %get3A_549, %eq3A_554 : vector<100x2560xf32>
    %jit3A_556 = arith.constant 100 : i32
    %broadcast_in_dim3A_557 = vector.broadcast %jit3A_556 : i32 to vector<100x2560xi32>
    %select_n3A_558 = arith.select %eq3A_555, %iota3A_550, %broadcast_in_dim3A_557 : vector<100x2560xi1>, vector<100x2560xi32>
    %reduce_min3A_559 = arith.constant dense<2147483647> : vector<2560xi32>
    %reduce_min3A_560 = vector.multi_reduction <minsi>, %select_n3A_558, %reduce_min3A_559 [0] : vector<100x2560xi32> to vector<2560xi32>
    %broadcast_in_dim3A_561 = vector.shape_cast %reduce_min3A_560 : vector<2560xi32> to vector<1x2560xi32>
    %eq3A_562 = vector.broadcast %get3A_459 : vector<100x1xf32> to vector<100x2560xf32>
    %eq3A_563 = arith.cmpf oeq, %get3A_549, %eq3A_562 : vector<100x2560xf32>
    %reduce_or3A_564 = arith.constant 1.000000e+00 : f32
    %reduce_or3A_565 = arith.constant 0.000000e+00 : f32
    %reduce_or3A_566 = vector.broadcast %reduce_or3A_564 : f32 to vector<100x2560xf32>
    %reduce_or3A_567 = vector.broadcast %reduce_or3A_565 : f32 to vector<100x2560xf32>
    %reduce_or3A_568 = arith.select %eq3A_563, %reduce_or3A_566, %reduce_or3A_567 : vector<100x2560xi1>, vector<100x2560xf32>
    %reduce_or3A_569 = arith.constant dense<0xFF800000> : vector<2560xf32>
    %reduce_or3A_570 = vector.multi_reduction <maximumf>, %reduce_or3A_568, %reduce_or3A_569 [0] : vector<100x2560xf32> to vector<2560xf32>
    %reduce_or3A_571 = arith.constant 0.000000e+00 : f32
    %reduce_or3A_572 = vector.broadcast %reduce_or3A_571 : f32 to vector<2560xf32>
    %reduce_or3A_573 = arith.cmpf ogt, %reduce_or3A_570, %reduce_or3A_572 : vector<2560xf32>
    %broadcast_in_dim3A_574 = vector.shape_cast %reduce_or3A_573 : vector<2560xi1> to vector<1x2560xi1>
    %lt3A_575 = arith.constant 3.000000e-01 : f32
    %lt3A_576 = vector.broadcast %lt3A_575 : f32 to vector<1x2560xf32>
    %lt3A_577 = arith.cmpf olt, %broadcast_in_dim3A_553, %lt3A_576 : vector<1x2560xf32>
    %lt3A_578 = arith.constant 0.699999988 : f32
    %lt3A_579 = vector.broadcast %lt3A_578 : f32 to vector<1x2560xf32>
    %lt3A_580 = arith.cmpf olt, %broadcast_in_dim3A_553, %lt3A_579 : vector<1x2560xf32>
    %jit3A_581 = arith.constant -2 : i32
    %broadcast_in_dim3A_582 = vector.broadcast %jit3A_581 : i32 to vector<1x2560xi32>
    %select_n3A_583 = arith.select %lt3A_580, %broadcast_in_dim3A_582, %broadcast_in_dim3A_561 : vector<1x2560xi1>, vector<1x2560xi32>
    %jit3A_584 = arith.constant -1 : i32
    %broadcast_in_dim3A_585 = vector.broadcast %jit3A_584 : i32 to vector<1x2560xi32>
    %select_n3A_586 = arith.select %lt3A_577, %broadcast_in_dim3A_585, %select_n3A_583 : vector<1x2560xi1>, vector<1x2560xi32>
    %select_n3A_587 = arith.select %broadcast_in_dim3A_574, %broadcast_in_dim3A_561, %select_n3A_586 : vector<1x2560xi1>, vector<1x2560xi32>
    %swap3A_588 = arith.constant 2 : index
    %swap3A_589 = arith.constant 0 : index
    %swap3A_590 = vector.load %arg2[%swap3A_588, %swap3A_589] : memref<8x2560xi32, #tpu.memory_space<vmem>>, vector<1x2560xi32>
    tpu.vector_store %arg2[%swap3A_588, %swap3A_589], %select_n3A_587 {strides = array<i32>} : memref<8x2560xi32, #tpu.memory_space<vmem>>, vector<1x2560xi32>,
    %get3A_591 = arith.constant 3 : index
    %get3A_592 = arith.constant 0 : index
    %get3A_593 = arith.constant 0 : index
    %get3A_594 = vector.load %arg3[%get3A_591, %get3A_592, %get3A_593] : memref<8x100x2560xf32, #tpu.memory_space<vmem>>, vector<1x100x2560xf32>
    %get3A_595 = vector.shape_cast %get3A_594 : vector<1x100x2560xf32> to vector<100x2560xf32>
    %iota3A_596 = tpu.iota {dimensions = array<i32: 0>} : vector<100x2560xi32>
    %reduce_max3A_597 = arith.constant dense<0xFF800000> : vector<2560xf32>
    %reduce_max3A_598 = vector.multi_reduction <maximumf>, %get3A_595, %reduce_max3A_597 [0] : vector<100x2560xf32> to vector<2560xf32>
    %broadcast_in_dim3A_599 = vector.shape_cast %reduce_max3A_598 : vector<2560xf32> to vector<1x2560xf32>
    %eq3A_600 = vector.broadcast %broadcast_in_dim3A_599 : vector<1x2560xf32> to vector<100x2560xf32>
    %eq3A_601 = arith.cmpf oeq, %get3A_595, %eq3A_600 : vector<100x2560xf32>
    %jit3A_602 = arith.constant 100 : i32
    %broadcast_in_dim3A_603 = vector.broadcast %jit3A_602 : i32 to vector<100x2560xi32>
    %select_n3A_604 = arith.select %eq3A_601, %iota3A_596, %broadcast_in_dim3A_603 : vector<100x2560xi1>, vector<100x2560xi32>
    %reduce_min3A_605 = arith.constant dense<2147483647> : vector<2560xi32>
    %reduce_min3A_606 = vector.multi_reduction <minsi>, %select_n3A_604, %reduce_min3A_605 [0] : vector<100x2560xi32> to vector<2560xi32>
    %broadcast_in_dim3A_607 = vector.shape_cast %reduce_min3A_606 : vector<2560xi32> to vector<1x2560xi32>
    %eq3A_608 = vector.broadcast %get3A_459 : vector<100x1xf32> to vector<100x2560xf32>
    %eq3A_609 = arith.cmpf oeq, %get3A_595, %eq3A_608 : vector<100x2560xf32>
    %reduce_or3A_610 = arith.constant 1.000000e+00 : f32
    %reduce_or3A_611 = arith.constant 0.000000e+00 : f32
    %reduce_or3A_612 = vector.broadcast %reduce_or3A_610 : f32 to vector<100x2560xf32>
    %reduce_or3A_613 = vector.broadcast %reduce_or3A_611 : f32 to vector<100x2560xf32>
    %reduce_or3A_614 = arith.select %eq3A_609, %reduce_or3A_612, %reduce_or3A_613 : vector<100x2560xi1>, vector<100x2560xf32>
    %reduce_or3A_615 = arith.constant dense<0xFF800000> : vector<2560xf32>
    %reduce_or3A_616 = vector.multi_reduction <maximumf>, %reduce_or3A_614, %reduce_or3A_615 [0] : vector<100x2560xf32> to vector<2560xf32>
    %reduce_or3A_617 = arith.constant 0.000000e+00 : f32
    %reduce_or3A_618 = vector.broadcast %reduce_or3A_617 : f32 to vector<2560xf32>
    %reduce_or3A_619 = arith.cmpf ogt, %reduce_or3A_616, %reduce_or3A_618 : vector<2560xf32>
    %broadcast_in_dim3A_620 = vector.shape_cast %reduce_or3A_619 : vector<2560xi1> to vector<1x2560xi1>
    %lt3A_621 = arith.constant 3.000000e-01 : f32
    %lt3A_622 = vector.broadcast %lt3A_621 : f32 to vector<1x2560xf32>
    %lt3A_623 = arith.cmpf olt, %broadcast_in_dim3A_599, %lt3A_622 : vector<1x2560xf32>
    %lt3A_624 = arith.constant 0.699999988 : f32
    %lt3A_625 = vector.broadcast %lt3A_624 : f32 to vector<1x2560xf32>
    %lt3A_626 = arith.cmpf olt, %broadcast_in_dim3A_599, %lt3A_625 : vector<1x2560xf32>
    %jit3A_627 = arith.constant -2 : i32
    %broadcast_in_dim3A_628 = vector.broadcast %jit3A_627 : i32 to vector<1x2560xi32>
    %select_n3A_629 = arith.select %lt3A_626, %broadcast_in_dim3A_628, %broadcast_in_dim3A_607 : vector<1x2560xi1>, vector<1x2560xi32>
    %jit3A_630 = arith.constant -1 : i32
    %broadcast_in_dim3A_631 = vector.broadcast %jit3A_630 : i32 to vector<1x2560xi32>
    %select_n3A_632 = arith.select %lt3A_623, %broadcast_in_dim3A_631, %select_n3A_629 : vector<1x2560xi1>, vector<1x2560xi32>
    %select_n3A_633 = arith.select %broadcast_in_dim3A_620, %broadcast_in_dim3A_607, %select_n3A_632 : vector<1x2560xi1>, vector<1x2560xi32>
    %swap3A_634 = arith.constant 3 : index
    %swap3A_635 = arith.constant 0 : index
    %swap3A_636 = vector.load %arg2[%swap3A_634, %swap3A_635] : memref<8x2560xi32, #tpu.memory_space<vmem>>, vector<1x2560xi32>
    tpu.vector_store %arg2[%swap3A_634, %swap3A_635], %select_n3A_633 {strides = array<i32>} : memref<8x2560xi32, #tpu.memory_space<vmem>>, vector<1x2560xi32>,
    %get3A_637 = arith.constant 4 : index
    %get3A_638 = arith.constant 0 : index
    %get3A_639 = arith.constant 0 : index
    %get3A_640 = vector.load %arg3[%get3A_637, %get3A_638, %get3A_639] : memref<8x100x2560xf32, #tpu.memory_space<vmem>>, vector<1x100x2560xf32>
    %get3A_641 = vector.shape_cast %get3A_640 : vector<1x100x2560xf32> to vector<100x2560xf32>
    %iota3A_642 = tpu.iota {dimensions = array<i32: 0>} : vector<100x2560xi32>
    %reduce_max3A_643 = arith.constant dense<0xFF800000> : vector<2560xf32>
    %reduce_max3A_644 = vector.multi_reduction <maximumf>, %get3A_641, %reduce_max3A_643 [0] : vector<100x2560xf32> to vector<2560xf32>
    %broadcast_in_dim3A_645 = vector.shape_cast %reduce_max3A_644 : vector<2560xf32> to vector<1x2560xf32>
    %eq3A_646 = vector.broadcast %broadcast_in_dim3A_645 : vector<1x2560xf32> to vector<100x2560xf32>
    %eq3A_647 = arith.cmpf oeq, %get3A_641, %eq3A_646 : vector<100x2560xf32>
    %jit3A_648 = arith.constant 100 : i32
    %broadcast_in_dim3A_649 = vector.broadcast %jit3A_648 : i32 to vector<100x2560xi32>
    %select_n3A_650 = arith.select %eq3A_647, %iota3A_642, %broadcast_in_dim3A_649 : vector<100x2560xi1>, vector<100x2560xi32>
    %reduce_min3A_651 = arith.constant dense<2147483647> : vector<2560xi32>
    %reduce_min3A_652 = vector.multi_reduction <minsi>, %select_n3A_650, %reduce_min3A_651 [0] : vector<100x2560xi32> to vector<2560xi32>
    %broadcast_in_dim3A_653 = vector.shape_cast %reduce_min3A_652 : vector<2560xi32> to vector<1x2560xi32>
    %eq3A_654 = vector.broadcast %get3A_459 : vector<100x1xf32> to vector<100x2560xf32>
    %eq3A_655 = arith.cmpf oeq, %get3A_641, %eq3A_654 : vector<100x2560xf32>
    %reduce_or3A_656 = arith.constant 1.000000e+00 : f32
    %reduce_or3A_657 = arith.constant 0.000000e+00 : f32
    %reduce_or3A_658 = vector.broadcast %reduce_or3A_656 : f32 to vector<100x2560xf32>
    %reduce_or3A_659 = vector.broadcast %reduce_or3A_657 : f32 to vector<100x2560xf32>
    %reduce_or3A_660 = arith.select %eq3A_655, %reduce_or3A_658, %reduce_or3A_659 : vector<100x2560xi1>, vector<100x2560xf32>
    %reduce_or3A_661 = arith.constant dense<0xFF800000> : vector<2560xf32>
    %reduce_or3A_662 = vector.multi_reduction <maximumf>, %reduce_or3A_660, %reduce_or3A_661 [0] : vector<100x2560xf32> to vector<2560xf32>
    %reduce_or3A_663 = arith.constant 0.000000e+00 : f32
    %reduce_or3A_664 = vector.broadcast %reduce_or3A_663 : f32 to vector<2560xf32>
    %reduce_or3A_665 = arith.cmpf ogt, %reduce_or3A_662, %reduce_or3A_664 : vector<2560xf32>
    %broadcast_in_dim3A_666 = vector.shape_cast %reduce_or3A_665 : vector<2560xi1> to vector<1x2560xi1>
    %lt3A_667 = arith.constant 3.000000e-01 : f32
    %lt3A_668 = vector.broadcast %lt3A_667 : f32 to vector<1x2560xf32>
    %lt3A_669 = arith.cmpf olt, %broadcast_in_dim3A_645, %lt3A_668 : vector<1x2560xf32>
    %lt3A_670 = arith.constant 0.699999988 : f32
    %lt3A_671 = vector.broadcast %lt3A_670 : f32 to vector<1x2560xf32>
    %lt3A_672 = arith.cmpf olt, %broadcast_in_dim3A_645, %lt3A_671 : vector<1x2560xf32>
    %jit3A_673 = arith.constant -2 : i32
    %broadcast_in_dim3A_674 = vector.broadcast %jit3A_673 : i32 to vector<1x2560xi32>
    %select_n3A_675 = arith.select %lt3A_672, %broadcast_in_dim3A_674, %broadcast_in_dim3A_653 : vector<1x2560xi1>, vector<1x2560xi32>
    %jit3A_676 = arith.constant -1 : i32
    %broadcast_in_dim3A_677 = vector.broadcast %jit3A_676 : i32 to vector<1x2560xi32>
    %select_n3A_678 = arith.select %lt3A_669, %broadcast_in_dim3A_677, %select_n3A_675 : vector<1x2560xi1>, vector<1x2560xi32>
    %select_n3A_679 = arith.select %broadcast_in_dim3A_666, %broadcast_in_dim3A_653, %select_n3A_678 : vector<1x2560xi1>, vector<1x2560xi32>
    %swap3A_680 = arith.constant 4 : index
    %swap3A_681 = arith.constant 0 : index
    %swap3A_682 = vector.load %arg2[%swap3A_680, %swap3A_681] : memref<8x2560xi32, #tpu.memory_space<vmem>>, vector<1x2560xi32>
    tpu.vector_store %arg2[%swap3A_680, %swap3A_681], %select_n3A_679 {strides = array<i32>} : memref<8x2560xi32, #tpu.memory_space<vmem>>, vector<1x2560xi32>,
    %get3A_683 = arith.constant 5 : index
    %get3A_684 = arith.constant 0 : index
    %get3A_685 = arith.constant 0 : index
    %get3A_686 = vector.load %arg3[%get3A_683, %get3A_684, %get3A_685] : memref<8x100x2560xf32, #tpu.memory_space<vmem>>, vector<1x100x2560xf32>
    %get3A_687 = vector.shape_cast %get3A_686 : vector<1x100x2560xf32> to vector<100x2560xf32>
    %iota3A_688 = tpu.iota {dimensions = array<i32: 0>} : vector<100x2560xi32>
    %reduce_max3A_689 = arith.constant dense<0xFF800000> : vector<2560xf32>
    %reduce_max3A_690 = vector.multi_reduction <maximumf>, %get3A_687, %reduce_max3A_689 [0] : vector<100x2560xf32> to vector<2560xf32>
    %broadcast_in_dim3A_691 = vector.shape_cast %reduce_max3A_690 : vector<2560xf32> to vector<1x2560xf32>
    %eq3A_692 = vector.broadcast %broadcast_in_dim3A_691 : vector<1x2560xf32> to vector<100x2560xf32>
    %eq3A_693 = arith.cmpf oeq, %get3A_687, %eq3A_692 : vector<100x2560xf32>
    %jit3A_694 = arith.constant 100 : i32
    %broadcast_in_dim3A_695 = vector.broadcast %jit3A_694 : i32 to vector<100x2560xi32>
    %select_n3A_696 = arith.select %eq3A_693, %iota3A_688, %broadcast_in_dim3A_695 : vector<100x2560xi1>, vector<100x2560xi32>
    %reduce_min3A_697 = arith.constant dense<2147483647> : vector<2560xi32>
    %reduce_min3A_698 = vector.multi_reduction <minsi>, %select_n3A_696, %reduce_min3A_697 [0] : vector<100x2560xi32> to vector<2560xi32>
    %broadcast_in_dim3A_699 = vector.shape_cast %reduce_min3A_698 : vector<2560xi32> to vector<1x2560xi32>
    %eq3A_700 = vector.broadcast %get3A_459 : vector<100x1xf32> to vector<100x2560xf32>
    %eq3A_701 = arith.cmpf oeq, %get3A_687, %eq3A_700 : vector<100x2560xf32>
    %reduce_or3A_702 = arith.constant 1.000000e+00 : f32
    %reduce_or3A_703 = arith.constant 0.000000e+00 : f32
    %reduce_or3A_704 = vector.broadcast %reduce_or3A_702 : f32 to vector<100x2560xf32>
    %reduce_or3A_705 = vector.broadcast %reduce_or3A_703 : f32 to vector<100x2560xf32>
    %reduce_or3A_706 = arith.select %eq3A_701, %reduce_or3A_704, %reduce_or3A_705 : vector<100x2560xi1>, vector<100x2560xf32>
    %reduce_or3A_707 = arith.constant dense<0xFF800000> : vector<2560xf32>
    %reduce_or3A_708 = vector.multi_reduction <maximumf>, %reduce_or3A_706, %reduce_or3A_707 [0] : vector<100x2560xf32> to vector<2560xf32>
    %reduce_or3A_709 = arith.constant 0.000000e+00 : f32
    %reduce_or3A_710 = vector.broadcast %reduce_or3A_709 : f32 to vector<2560xf32>
    %reduce_or3A_711 = arith.cmpf ogt, %reduce_or3A_708, %reduce_or3A_710 : vector<2560xf32>
    %broadcast_in_dim3A_712 = vector.shape_cast %reduce_or3A_711 : vector<2560xi1> to vector<1x2560xi1>
    %lt3A_713 = arith.constant 3.000000e-01 : f32
    %lt3A_714 = vector.broadcast %lt3A_713 : f32 to vector<1x2560xf32>
    %lt3A_715 = arith.cmpf olt, %broadcast_in_dim3A_691, %lt3A_714 : vector<1x2560xf32>
    %lt3A_716 = arith.constant 0.699999988 : f32
    %lt3A_717 = vector.broadcast %lt3A_716 : f32 to vector<1x2560xf32>
    %lt3A_718 = arith.cmpf olt, %broadcast_in_dim3A_691, %lt3A_717 : vector<1x2560xf32>
    %jit3A_719 = arith.constant -2 : i32
    %broadcast_in_dim3A_720 = vector.broadcast %jit3A_719 : i32 to vector<1x2560xi32>
    %select_n3A_721 = arith.select %lt3A_718, %broadcast_in_dim3A_720, %broadcast_in_dim3A_699 : vector<1x2560xi1>, vector<1x2560xi32>
    %jit3A_722 = arith.constant -1 : i32
    %broadcast_in_dim3A_723 = vector.broadcast %jit3A_722 : i32 to vector<1x2560xi32>
    %select_n3A_724 = arith.select %lt3A_715, %broadcast_in_dim3A_723, %select_n3A_721 : vector<1x2560xi1>, vector<1x2560xi32>
    %select_n3A_725 = arith.select %broadcast_in_dim3A_712, %broadcast_in_dim3A_699, %select_n3A_724 : vector<1x2560xi1>, vector<1x2560xi32>
    %swap3A_726 = arith.constant 5 : index
    %swap3A_727 = arith.constant 0 : index
    %swap3A_728 = vector.load %arg2[%swap3A_726, %swap3A_727] : memref<8x2560xi32, #tpu.memory_space<vmem>>, vector<1x2560xi32>
    tpu.vector_store %arg2[%swap3A_726, %swap3A_727], %select_n3A_725 {strides = array<i32>} : memref<8x2560xi32, #tpu.memory_space<vmem>>, vector<1x2560xi32>,
    %get3A_729 = arith.constant 6 : index
    %get3A_730 = arith.constant 0 : index
    %get3A_731 = arith.constant 0 : index
    %get3A_732 = vector.load %arg3[%get3A_729, %get3A_730, %get3A_731] : memref<8x100x2560xf32, #tpu.memory_space<vmem>>, vector<1x100x2560xf32>
    %get3A_733 = vector.shape_cast %get3A_732 : vector<1x100x2560xf32> to vector<100x2560xf32>
    %iota3A_734 = tpu.iota {dimensions = array<i32: 0>} : vector<100x2560xi32>
    %reduce_max3A_735 = arith.constant dense<0xFF800000> : vector<2560xf32>
    %reduce_max3A_736 = vector.multi_reduction <maximumf>, %get3A_733, %reduce_max3A_735 [0] : vector<100x2560xf32> to vector<2560xf32>
    %broadcast_in_dim3A_737 = vector.shape_cast %reduce_max3A_736 : vector<2560xf32> to vector<1x2560xf32>
    %eq3A_738 = vector.broadcast %broadcast_in_dim3A_737 : vector<1x2560xf32> to vector<100x2560xf32>
    %eq3A_739 = arith.cmpf oeq, %get3A_733, %eq3A_738 : vector<100x2560xf32>
    %jit3A_740 = arith.constant 100 : i32
    %broadcast_in_dim3A_741 = vector.broadcast %jit3A_740 : i32 to vector<100x2560xi32>
    %select_n3A_742 = arith.select %eq3A_739, %iota3A_734, %broadcast_in_dim3A_741 : vector<100x2560xi1>, vector<100x2560xi32>
    %reduce_min3A_743 = arith.constant dense<2147483647> : vector<2560xi32>
    %reduce_min3A_744 = vector.multi_reduction <minsi>, %select_n3A_742, %reduce_min3A_743 [0] : vector<100x2560xi32> to vector<2560xi32>
    %broadcast_in_dim3A_745 = vector.shape_cast %reduce_min3A_744 : vector<2560xi32> to vector<1x2560xi32>
    %eq3A_746 = vector.broadcast %get3A_459 : vector<100x1xf32> to vector<100x2560xf32>
    %eq3A_747 = arith.cmpf oeq, %get3A_733, %eq3A_746 : vector<100x2560xf32>
    %reduce_or3A_748 = arith.constant 1.000000e+00 : f32
    %reduce_or3A_749 = arith.constant 0.000000e+00 : f32
    %reduce_or3A_750 = vector.broadcast %reduce_or3A_748 : f32 to vector<100x2560xf32>
    %reduce_or3A_751 = vector.broadcast %reduce_or3A_749 : f32 to vector<100x2560xf32>
    %reduce_or3A_752 = arith.select %eq3A_747, %reduce_or3A_750, %reduce_or3A_751 : vector<100x2560xi1>, vector<100x2560xf32>
    %reduce_or3A_753 = arith.constant dense<0xFF800000> : vector<2560xf32>
    %reduce_or3A_754 = vector.multi_reduction <maximumf>, %reduce_or3A_752, %reduce_or3A_753 [0] : vector<100x2560xf32> to vector<2560xf32>
    %reduce_or3A_755 = arith.constant 0.000000e+00 : f32
    %reduce_or3A_756 = vector.broadcast %reduce_or3A_755 : f32 to vector<2560xf32>
    %reduce_or3A_757 = arith.cmpf ogt, %reduce_or3A_754, %reduce_or3A_756 : vector<2560xf32>
    %broadcast_in_dim3A_758 = vector.shape_cast %reduce_or3A_757 : vector<2560xi1> to vector<1x2560xi1>
    %lt3A_759 = arith.constant 3.000000e-01 : f32
    %lt3A_760 = vector.broadcast %lt3A_759 : f32 to vector<1x2560xf32>
    %lt3A_761 = arith.cmpf olt, %broadcast_in_dim3A_737, %lt3A_760 : vector<1x2560xf32>
    %lt3A_762 = arith.constant 0.699999988 : f32
    %lt3A_763 = vector.broadcast %lt3A_762 : f32 to vector<1x2560xf32>
    %lt3A_764 = arith.cmpf olt, %broadcast_in_dim3A_737, %lt3A_763 : vector<1x2560xf32>
    %jit3A_765 = arith.constant -2 : i32
    %broadcast_in_dim3A_766 = vector.broadcast %jit3A_765 : i32 to vector<1x2560xi32>
    %select_n3A_767 = arith.select %lt3A_764, %broadcast_in_dim3A_766, %broadcast_in_dim3A_745 : vector<1x2560xi1>, vector<1x2560xi32>
    %jit3A_768 = arith.constant -1 : i32
    %broadcast_in_dim3A_769 = vector.broadcast %jit3A_768 : i32 to vector<1x2560xi32>
    %select_n3A_770 = arith.select %lt3A_761, %broadcast_in_dim3A_769, %select_n3A_767 : vector<1x2560xi1>, vector<1x2560xi32>
    %select_n3A_771 = arith.select %broadcast_in_dim3A_758, %broadcast_in_dim3A_745, %select_n3A_770 : vector<1x2560xi1>, vector<1x2560xi32>
    %swap3A_772 = arith.constant 6 : index
    %swap3A_773 = arith.constant 0 : index
    %swap3A_774 = vector.load %arg2[%swap3A_772, %swap3A_773] : memref<8x2560xi32, #tpu.memory_space<vmem>>, vector<1x2560xi32>
    tpu.vector_store %arg2[%swap3A_772, %swap3A_773], %select_n3A_771 {strides = array<i32>} : memref<8x2560xi32, #tpu.memory_space<vmem>>, vector<1x2560xi32>,
    %get3A_775 = arith.constant 7 : index
    %get3A_776 = arith.constant 0 : index
    %get3A_777 = arith.constant 0 : index
    %get3A_778 = vector.load %arg3[%get3A_775, %get3A_776, %get3A_777] : memref<8x100x2560xf32, #tpu.memory_space<vmem>>, vector<1x100x2080xf32>
    %get3A_779 = vector.shape_cast %get3A_778 : vector<1x100x2080xf32> to vector<100x2080xf32>
    %iota3A_780 = tpu.iota {dimensions = array<i32: 0>} : vector<100x2080xi32>
    %reduce_max3A_781 = arith.constant dense<0xFF800000> : vector<2080xf32>
    %reduce_max3A_782 = vector.multi_reduction <maximumf>, %get3A_779, %reduce_max3A_781 [0] : vector<100x2080xf32> to vector<2080xf32>
    %broadcast_in_dim3A_783 = vector.shape_cast %reduce_max3A_782 : vector<2080xf32> to vector<1x2080xf32>
    %eq3A_784 = vector.broadcast %broadcast_in_dim3A_783 : vector<1x2080xf32> to vector<100x2080xf32>
    %eq3A_785 = arith.cmpf oeq, %get3A_779, %eq3A_784 : vector<100x2080xf32>
    %jit3A_786 = arith.constant 100 : i32
    %broadcast_in_dim3A_787 = vector.broadcast %jit3A_786 : i32 to vector<100x2080xi32>
    %select_n3A_788 = arith.select %eq3A_785, %iota3A_780, %broadcast_in_dim3A_787 : vector<100x2080xi1>, vector<100x2080xi32>
    %reduce_min3A_789 = arith.constant dense<2147483647> : vector<2080xi32>
    %reduce_min3A_790 = vector.multi_reduction <minsi>, %select_n3A_788, %reduce_min3A_789 [0] : vector<100x2080xi32> to vector<2080xi32>
    %broadcast_in_dim3A_791 = vector.shape_cast %reduce_min3A_790 : vector<2080xi32> to vector<1x2080xi32>
    %eq3A_792 = vector.broadcast %get3A_459 : vector<100x1xf32> to vector<100x2080xf32>
    %eq3A_793 = arith.cmpf oeq, %get3A_779, %eq3A_792 : vector<100x2080xf32>
    %reduce_or3A_794 = arith.constant 1.000000e+00 : f32
    %reduce_or3A_795 = arith.constant 0.000000e+00 : f32
    %reduce_or3A_796 = vector.broadcast %reduce_or3A_794 : f32 to vector<100x2080xf32>
    %reduce_or3A_797 = vector.broadcast %reduce_or3A_795 : f32 to vector<100x2080xf32>
    %reduce_or3A_798 = arith.select %eq3A_793, %reduce_or3A_796, %reduce_or3A_797 : vector<100x2080xi1>, vector<100x2080xf32>
    %reduce_or3A_799 = arith.constant dense<0xFF800000> : vector<2080xf32>
    %reduce_or3A_800 = vector.multi_reduction <maximumf>, %reduce_or3A_798, %reduce_or3A_799 [0] : vector<100x2080xf32> to vector<2080xf32>
    %reduce_or3A_801 = arith.constant 0.000000e+00 : f32
    %reduce_or3A_802 = vector.broadcast %reduce_or3A_801 : f32 to vector<2080xf32>
    %reduce_or3A_803 = arith.cmpf ogt, %reduce_or3A_800, %reduce_or3A_802 : vector<2080xf32>
    %broadcast_in_dim3A_804 = vector.shape_cast %reduce_or3A_803 : vector<2080xi1> to vector<1x2080xi1>
    %lt3A_805 = arith.constant 3.000000e-01 : f32
    %lt3A_806 = vector.broadcast %lt3A_805 : f32 to vector<1x2080xf32>
    %lt3A_807 = arith.cmpf olt, %broadcast_in_dim3A_783, %lt3A_806 : vector<1x2080xf32>
    %lt3A_808 = arith.constant 0.699999988 : f32
    %lt3A_809 = vector.broadcast %lt3A_808 : f32 to vector<1x2080xf32>
    %lt3A_810 = arith.cmpf olt, %broadcast_in_dim3A_783, %lt3A_809 : vector<1x2080xf32>
    %jit3A_811 = arith.constant -2 : i32
    %broadcast_in_dim3A_812 = vector.broadcast %jit3A_811 : i32 to vector<1x2080xi32>
    %select_n3A_813 = arith.select %lt3A_810, %broadcast_in_dim3A_812, %broadcast_in_dim3A_791 : vector<1x2080xi1>, vector<1x2080xi32>
    %jit3A_814 = arith.constant -1 : i32
    %broadcast_in_dim3A_815 = vector.broadcast %jit3A_814 : i32 to vector<1x2080xi32>
    %select_n3A_816 = arith.select %lt3A_807, %broadcast_in_dim3A_815, %select_n3A_813 : vector<1x2080xi1>, vector<1x2080xi32>
    %select_n3A_817 = arith.select %broadcast_in_dim3A_804, %broadcast_in_dim3A_791, %select_n3A_816 : vector<1x2080xi1>, vector<1x2080xi32>
    %swap3A_818 = arith.constant 7 : index
    %swap3A_819 = arith.constant 0 : index
    %swap3A_820 = vector.load %arg2[%swap3A_818, %swap3A_819] : memref<8x2560xi32, #tpu.memory_space<vmem>>, vector<1x2080xi32>
    tpu.vector_store %arg2[%swap3A_818, %swap3A_819], %select_n3A_817 {strides = array<i32>} : memref<8x2560xi32, #tpu.memory_space<vmem>>, vector<1x2080xi32>,
    return
  }
}

</mosaic_0001>

<sc_bundles>
// kernel: kernel.4.cloned.1.call-start
scs
__scs_entry_jumppad:
0x0: {  	(pc) =	sbr.rel $0x88, $3  }
0x1: {  	(tag) =	ssettag $0x0;
	lr =	simm.s32 $0x1  }
0x2: {  	[smem:$0x3F9D] =	sst lr;
	_ =	strace $0xD0000000  }
0x3: {  	_ = 	snop  }
0x4: {  	_ = 	snop  }
0x5: {  	_ = 	snop  }
0x6: {  	_ = 	snop  }
0x7: {  	_ = 	snop  }
__scs_overlays_trampoline_lowered:
0x8: {  	[smem:$0x3FAC] =	sst s0  }
0x9: {  	[smem:$0x3FAD] =	sst s1  }
0xa: {  	[smem:$0x3FAE] =	sst s2  }
0xb: {  	[smem:$0x3FAF] =	sst s3  }
0xc: {  	[smem:$0x3FB0] =	sst s4  }
0xd: {  	[smem:$0x3FB1] =	sst s5  }
0xe: {  	[smem:$0x3FB2] =	sst s6  }
0xf: {  	[smem:$0x3FB3] =	sst s7  }
0x10: {  	[smem:$0x3FB4] =	sst s8  }
0x11: {  	[smem:$0x3FB5] =	sst s9;
	s0 =	simm.s32 @!p0 $0x0  }
0x12: {  	s1 =	sld [smem:$0x3F9B];
	s0 =	simm.s32 @p0 $0x1  }
0x13: {  	[smem:$0x3FB6] =	sst s0;
	s0 =	simm.s32 @!p1 $0x0  }
0x14: {  	s2 =	sld [smem:$0x3F9A];
	s0 =	simm.s32 @p1 $0x1  }
0x15: {  	[smem:$0x3FB7] =	sst s0;
	s0 =	simm.s32 @!p2 $0x0  }
0x16: {  	s3 =	sld [smem:$0x3FDB];
	s0 =	simm.s32 @p2 $0x1  }
0x17: {  	s4 =	simm.s32 $0x1BF5;
	[smem:$0x3FB9] =	sst s0  }
0x18: {  	s0 =	sld [smem:$0x3F9C];
	_ =	swait.ge [sflag:s4], $0x0  }
0x19: {  	s7 =	sld [smem:$0x3F9D]  }
0x1a: {  	s8 =	sadd.s32 $0xFFFFE003, lr  }
0x1b: {  	s9 =	sadd.s32 $0xFFFFFEF7, lr;
	s5 =	simm.s32 $0xFFFFFFFF;
	p2 =	slt.u32 s8, $0xFFFFF086  }
0x1c: {  	p1 =	slt.u32 s9, $0xF7A;
	s5 =	simm.s32 @!p2 $0x0  }
0x1d: {  	s5 =	simm.s32 @p1 $0x1;
	p0 =	seq.s32 s7, s2  }
0x1e: {  	s7 =	smul.u32 @!p0 $0xF7A, s2;
	p2 =	seq.s32 @!p0 s5, $0x0  }
0x1f: {  	s9 =	smul.u32 $0xF7A, s1;
	s8 =	simm.s32 @!p0 $0x1BF5;
	p2 =	por !p2, p0  }
0x20: {  	[sflag:s8] =	ssyncset.s32 @!p0 $0xFFFFF086;
	s6 =	sadd.s32 @!p0 s3, s7;
	s7 =	simm.s32 @!p0 $0x108  }
0x21: {  	s3 =	sadd.s32 s3, s9;
	s6 =	sadd.s32 @!p0 $0x88, s6;
	s7 =	simm.s32 @p2 $0x1082  }
0x22: {  	[simem:s7], [sflag:s8] =	dma.local @!p0 [hbm:s6], $0xF7A  }
0x23: {  	s9 =	sor.u32 $0xD0000000, s2;
	s6 =	simm.s32 $0x108;
	_ =	swait.ge @!p0 [sflag:s8], $0x0  }
0x24: {  	s3 =	sadd.s32 $0x88, s3;
	s6 =	simm.s32 @!p1 $0x1082;
	[sflag:s4] =	ssyncset.s32 $0xFFFFF086  }
0x25: {  	[simem:s6], [sflag:s4] =	dma.local [hbm:s3], $0xF7A  }
0x26: {  	[smem:$0x3F9D] =	sst s1;
	(tag) =	ssettag s2;
	_ =	strace s9  }
0x27: {  	s1 =	sld [smem:$0x3FAD]  }
0x28: {  	s2 =	sld [smem:$0x3FAE]  }
0x29: {  	s4 =	sld [smem:$0x3FB0]  }
0x2a: {  	p0 =	seq.s32 s5, $0x0;
	s5 =	sld [smem:$0x3FB1]  }
0x2b: {  	s6 =	sld [smem:$0x3FB2]  }
0x2c: {  	s7 =	sld [smem:$0x3FB3]  }
0x2d: {  	s3 =	simm.s32 $0x108;
	s8 =	sld [smem:$0x3FB4]  }
0x2e: {  	s3 =	simm.s32 @!p0 $0x1082;
	s9 =	sld [smem:$0x3FB5]  }
0x2f: {  	lr =	sadd.s32 s0, s3;
	s0 =	sld [smem:$0x3FAC]  }
0x30: {  	s3 =	sld [smem:$0x3FAF]  }
0x31: {  	[smem:$0x3FB8] =	sst s10  }
0x32: {  	s10 =	sld [smem:$0x3FB6];
	_ =	sdelay $0x3  }
0x33: {  	p0 =	seq.s32 s10, $0x1;
	s10 =	sld [smem:$0x3FB8];
	_ =	sdelay $0x3  }
0x34: {  	[smem:$0x3FB8] =	sst s10  }
0x35: {  	s10 =	sld [smem:$0x3FB7];
	_ =	sdelay $0x3  }
0x36: {  	p1 =	seq.s32 s10, $0x1;
	s10 =	sld [smem:$0x3FB8];
	_ =	sdelay $0x3  }
0x37: {  	[smem:$0x3FB8] =	sst s10  }
0x38: {  	s10 =	sld [smem:$0x3FB9]  }
0x39: {  	_ = 	snop;
	(pc) =	sbr.ind lr, $3  }
0x3a: {  	_ = 	snop  }
0x3b: {  	_ = 	snop  }
0x3c: {  	p2 =	seq.s32 s10, $0x1;
	s10 =	sld [smem:$0x3FB8]  }
0x3d: {  	_ =	shalt  }
0x3e: {  	_ =	shalt  }
0x3f: {  	_ =	shalt  }
0x40: {  	_ =	shalt  }
0x41: {  	_ =	shalt  }
0x42: {  	_ =	shalt  }
0x43: {  	_ =	shalt  }
0x44: {  	_ =	shalt  }
0x45: {  	_ =	shalt  }
0x46: {  	_ =	shalt  }
0x47: {  	_ =	shalt  }
0x48: {  	_ =	shalt  }
0x49: {  	_ =	shalt  }
0x4a: {  	_ =	shalt  }
0x4b: {  	_ =	shalt  }
0x4c: {  	_ =	shalt  }
0x4d: {  	_ =	shalt  }
0x4e: {  	_ =	shalt  }
0x4f: {  	_ =	shalt  }
0x50: {  	_ =	shalt  }
0x51: {  	_ =	shalt  }
0x52: {  	_ =	shalt  }
0x53: {  	_ =	shalt  }
0x54: {  	_ =	shalt  }
0x55: {  	_ =	shalt  }
0x56: {  	_ =	shalt  }
0x57: {  	_ =	shalt  }
0x58: {  	_ =	shalt  }
0x59: {  	_ =	shalt  }
0x5a: {  	_ =	shalt  }
0x5b: {  	_ =	shalt  }
0x5c: {  	_ =	shalt  }
0x5d: {  	_ =	shalt  }
0x5e: {  	_ =	shalt  }
0x5f: {  	_ =	shalt  }
0x60: {  	_ =	shalt  }
0x61: {  	_ =	shalt  }
0x62: {  	_ =	shalt  }
0x63: {  	_ =	shalt  }
0x64: {  	_ =	shalt  }
0x65: {  	_ =	shalt  }
0x66: {  	_ =	shalt  }
0x67: {  	_ =	shalt  }
0x68: {  	_ =	shalt  }
0x69: {  	_ =	shalt  }
0x6a: {  	_ =	shalt  }
0x6b: {  	_ =	shalt  }
0x6c: {  	_ =	shalt  }
0x6d: {  	_ =	shalt  }
0x6e: {  	_ =	shalt  }
0x6f: {  	_ =	shalt  }
0x70: {  	_ =	shalt  }
0x71: {  	_ =	shalt  }
0x72: {  	_ =	shalt  }
0x73: {  	_ =	shalt  }
0x74: {  	_ =	shalt  }
0x75: {  	_ =	shalt  }
0x76: {  	_ =	shalt  }
0x77: {  	_ =	shalt  }
0x78: {  	_ =	shalt  }
0x79: {  	_ =	shalt  }
0x7a: {  	_ =	shalt  }
0x7b: {  	_ =	shalt  }
0x7c: {  	_ =	shalt  }
0x7d: {  	_ =	shalt  }
0x7e: {  	_ =	shalt  }
0x7f: {  	_ =	shalt  }
0x80: {  	_ =	shalt  }
0x81: {  	_ =	shalt  }
0x82: {  	_ =	shalt  }
0x83: {  	_ =	shalt  }
0x84: {  	_ =	shalt  }
0x85: {  	_ =	shalt  }
0x86: {  	_ =	shalt  }
0x87: {  	_ =	shalt  }
.Lfunc_end0:
.L_simem_size_0:
called_computation_lowered:
.L_overlay_start_0:
0x88: {  	s2 =	sld [smem:$0x3FD9]  }
0x89: {  	s3 =	sld [smem:$0x3FFE];
	_ =	sdelay $0x1  }
0x8a: {  	s1 =	srdreg.scid  }
0x8b: {  	s0 =	sand.u32 $0x1, s1  }
0x8c: {  	s17 =	sshll.u32 s0, $0xA;
	s2 =	sadd.s32 s3, s2  }
0x8d: {  	s2 =	sadd.s32 s2, s17  }
0x8e: {  	[smem:$0x3FC4] =	sst s2  }
0x8f: {  	_ = 	snop  }
0x90: {  	s2 =	sld [smem:$0x3FC7]  }
0x91: {  	s18 =	sld [smem:$0x3FC6]  }
0x92: {  	s4 =	sld [smem:$0x3FD0];
	(tm) =	ssettm $0x1  }
0x93: {  	s5 =	sld [smem:$0x3FFB];
	_ =	sdelay $0x3  }
0x94: {  	_ =	strace s5  }
0x95: {  	s5 =	sld [smem:$0x3FFC];
	_ =	sdelay $0x3  }
0x96: {  	_ =	strace s5  }
0x97: {  	s5 =	sld [smem:$0x3FFD];
	_ =	sdelay $0x3  }
0x98: {  	_ =	strace s5  }
0x99: {  	_ =	strace $0x8FFFFFFF  }
0x9a: {  	s19 =	sld [smem:$0x3FDB];
	_ =	sdelay $0x1  }
0x9b: {  	s6 =	simm.s32 $_scs_section_size  }
0x9c: {  	s7 =	simm.s32 $_size__tile_overlayer_lowered;
	s8 =	simm.s32 $_tile_overlayer_lowered  }
0x9d: {  	s22 =	simm.s32 $0x1BFF;
	s21 =	sshll.u32 s8, $0x1;
	s5 =	sadd.s32 s6, s19  }
0x9e: {  	s9 =	simm.s32 $0x0;
	s20 =	sshll.u32 s7, $0x1;
	s7 =	sadd.s32 s21, s5  }
0x9f: {  	[timem:s9], [sflag:s22] =	dma.local [hbm:s7], s20  }
0xa0: {  	_ =	swait.ge [sflag:s22], s20  }
0xa1: {  	s6 =	ssub.s32 $0x0, s20;
	[sflag:s22] =	ssyncset.done $0x0  }
0xa2: {  	[sflag:s22] =	ssyncadd.s32 s6;
	_ =	sdelay $0x1  }
0xa3: {  	s23 =	simm.s32 $0x1B8B  }
0xa4: {  	_ =	swait.ge [sflag:s23], $0x1  }
0xa5: {  	[sflag:s23] =	ssyncset.done $0x0  }
0xa6: {  	s25 =	simm.s32 $0x1B8E;
	s24 =	sld [smem:$0x3FFE];
	[sflag:s23] =	ssyncadd.s32 $0xFFFFFFFF  }
0xa7: {  	s26 =	simm.s32 $execute0_lowered;
	[smem:$0x3FD2] =	sst s25  }
0xa8: {  	s7 =	sshll.u32 s26, $0x1;
	_ =	strace $0x80000046;
	[dreg:$0x1] =	wrdreg $0xFFFFFFFF  }
0xa9: {  	s28 =	simm.s32 $_size_execute0_lowered;
	s5 =	sadd.s32 s5, s7;
	[dreg:$0x0] =	wrdreg $0x0  }
0xaa: {  	s7 =	sshll.u32 s28, $0x1;
	[dreg:$0x2] =	wrdreg s5  }
0xab: {  	[dreg:$0x3] =	wrdreg s7  }
0xac: {  	[dreg:$0x4] =	wrdreg $0xC0  }
0xad: {  	_ =	task [dreg:s9], $0x5FFFF  }
0xae: {  	[dreg:$0x1] =	wrdreg $0xFFFFFFFF  }
0xaf: {  	[dreg:$0x0] =	wrdreg $0x60  }
0xb0: {  	[dreg:$0x2] =	wrdreg s4  }
0xb1: {  	[dreg:$0x3] =	wrdreg s24  }
0xb2: {  	[dreg:$0x4] =	wrdreg s2  }
0xb3: {  	[dreg:$0x5] =	wrdreg s18  }
0xb4: {  	[dreg:$0x6] =	wrdreg $0x9  }
0xb5: {  	_ =	task.clear_ibuf [dreg:s9], $0x7FFFF;
	_ =	strace $0x90000046  }
0xb6: {  	s29 =	simm.s32 $0x9;
	_ =	strace $0x80000048  }
0xb7: {  	_ =	swait.ge [sflag:s29], $0x1  }
0xb8: {  	[sflag:s29] =	ssyncadd.s32 $0xFFFFFFFF  }
0xb9: {  	_ =	strace $0x90000048  }
0xba: {  	_ =	sfence  }
0xbb: {  	s30 =	sld [smem:$0x0];
	_ =	sdelay $0x2  }
0xbc: {  	s31 =	sshll.u32 s1, $0xD;
	s1 =	sshrl.u32 s1, $0x2  }
0xbd: {  	s3 =	sand.u32 $0x4000, s31;
	s1 =	sadd.s32 s1, s30  }
0xbe: {  	s0 =	sor.u32 s3, s0;
	s1 =	sshll.u32 s1, $0x11  }
0xbf: {  	s0 =	sor.u32 s1, s0  }
0xc0: {  	s0 =	sadd.s32 $0x8F2B, s0  }
0xc1: {  	[sflag:s0] =	ssyncadd.remote.s32 $0x1  }
0xc2: {  	_ =	sfence.sel $0xFFFF  }
0xc3: {  	[dreg:$0x0] =	wrdreg $0xFFFFFFFF;
	(pc) =	sbr.abs _section_cstart, $3  }
0xc4: {  	[dreg:$0x1] =	wrdreg $0xFFFFFFFF  }
0xc5: {  	_ =	task.clear_ibuf [dreg:s9], $0x2FFFF;
	_ =	strace $0x9FFFFFFF  }
0xc6: {  	(tm) =	ssettm $0x7FFFFFFF  }
0xc7: {  	_ =	shalt  }
tec
execute0_lowered:
.L_overlay_start_1:
0x0: {  	(tag) =	ssettag $0x1  }
0x1: {  	v0 =	vlaneseq.u32  }
0x2: {  	v2 =	vimm.f32 $0.0e+00;
	v1 =	vmul.u32 $0x80, v0;
	v13 =	vor.u32 $0x20, v0  }
0x3: {  	v19 =	vor.u32 $0x30, v0;
	v25 =	vor.u32 $0x40, v0;
	v31 =	vor.u32 $0x50, v0  }
0x4: {  	v37 =	vor.u32 $0x60, v0;
	v43 =	vor.u32 $0x70, v0;
	v49 =	vor.u32 $0x80, v0  }
0x5: {  	v55 =	vor.u32 $0x90, v0;
	v61 =	vor.u32 $0xA0, v0;
	v3 =	vor.u32 $0x1, v1  }
0x6: {  	v8 =	vor.u32 $0x800, v1;
	v9 =	vor.u32 $0x801, v1;
	v10 =	vor.u32 $0x802, v1  }
0x7: {  	v11 =	vor.u32 $0x803, v1;
	v12 =	vor.u32 $0x804, v1;
	v14 =	vor.u32 $0x1000, v1  }
0x8: {  	s6 =	rddreg [dreg:$0x0];
	v15 =	vor.u32 $0x1001, v1;
	v16 =	vor.u32 $0x1002, v1;
	v17 =	vor.u32 $0x1003, v1  }
0x9: {  	s8 =	rddreg [dreg:$0x1];
	v18 =	vor.u32 $0x1004, v1;
	v20 =	vor.u32 $0x1800, v1;
	v21 =	vor.u32 $0x1801, v1  }
0xa: {  	s0 =	rddreg [dreg:$0x2];
	s2 =	srdreg.scid;
	v22 =	vor.u32 $0x1802, v1;
	v23 =	vor.u32 $0x1803, v1;
	v24 =	vor.u32 $0x1804, v1  }
0xb: {  	s1 =	stileid.u32;
	s3 =	rddreg [dreg:$0x3];
	s4 =	simm.s32 $0x0;
	v26 =	vor.u32 $0x2000, v1;
	v27 =	vor.u32 $0x2001, v1;
	v28 =	vor.u32 $0x2002, v1  }
0xc: {  	s14 =	simm.s32 $0x3700;
	s15 =	simm.s32 $0x1;
	s16 =	simm.s32 $0x2;
	v29 =	vor.u32 $0x2003, v1;
	v30 =	vor.u32 $0x2004, v1;
	v32 =	vor.u32 $0x2800, v1  }
0xd: {  	s17 =	simm.s32 $0x3;
	s18 =	simm.s32 $0x4;
	s19 =	simm.s32 $0x3780;
	v33 =	vor.u32 $0x2801, v1;
	v34 =	vor.u32 $0x2802, v1;
	v35 =	vor.u32 $0x2803, v1  }
0xe: {  	s5 =	sand.u32 $0x1, s2;
	s7 =	sshll.u32 s1, $0x1;
	s2 =	rddreg [dreg:$0x4];
	v36 =	vor.u32 $0x2804, v1;
	v38 =	vor.u32 $0x3000, v1;
	v39 =	vor.u32 $0x3001, v1  }
0xf: {  	[smem:$0x7FF] =	sst s4;
	s9 =	sshll.u32 s1, $0x6;
	s10 =	sor.u32 s5, s7;
	v40 =	vor.u32 $0x3002, v1;
	v41 =	vor.u32 $0x3003, v1;
	v42 =	vor.u32 $0x3004, v1  }
0x10: {  	s12 =	ssub.s32 $0x2, s5;
	s9 =	sand.u32 $0x380, s9;
	s5 =	sadd.s32 $0x800, s8;
	v44 =	vor.u32 $0x3800, v1;
	v45 =	vor.u32 $0x3801, v1;
	v46 =	vor.u32 $0x3802, v1  }
0x11: {  	s7 =	sand.u32 $0x3, s10;
	s11 =	smul.u32 $0x2800, s10;
	s13 =	sshrl.u32 s12, $0x1;
	v47 =	vor.u32 $0x3803, v1;
	v48 =	vor.u32 $0x3804, v1;
	[tilespmem:$0x1FFB0] =	vst v3;
	v3 =	vor.u32 $0x2, v1  }
0x12: {  	v50 =	vor.u32 $0x4000, v1;
	v51 =	vor.u32 $0x4001, v1;
	p0 =	seq.s32 s10, $0x1F;
	s10 =	simm.s32 $0x80;
	s7 =	smul.u32 $0x1400, s7;
	[tilespmem:$0x1FFC0] =	vst v3;
	v3 =	vor.u32 $0x3, v1  }
0x13: {  	v52 =	vor.u32 $0x4002, v1;
	v53 =	vor.u32 $0x4003, v1;
	s31 =	ssub.s32 s12, s13;
	s12 =	simm.s32 $0x280;
	s13 =	simm.s32 $0x3680;
	[tilespmem:$0x1FFD0] =	vst v3;
	v3 =	vor.u32 $0x4, v1  }
0x14: {  	v54 =	vor.u32 $0x4004, v1;
	v56 =	vor.u32 $0x4800, v1;
	s30 =	sadd.s32 s11, s8;
	s8 =	sadd.s32 $0x4E800, s8;
	s7 =	sor.u32 s9, s7;
	[tilespmem:$0x1FFE0] =	vst v3;
	v3 =	vor.u32 $0x10, v0  }
0x15: {  	v57 =	vor.u32 $0x4801, v1;
	v58 =	vor.u32 $0x4802, v1;
	v59 =	vor.u32 $0x4803, v1;
	s11 =	simm.s32 $0x400;
	s9 =	smax.u32 s31, $0x1;
	s7 =	sshrl.u32 s7, $0x3;
	[tilespmem:$0x1FFF0] =	vst v3  }
0x16: {  	v60 =	vor.u32 $0x4804, v1;
	v62 =	vor.u32 $0x5000, v1;
	v63 =	vor.u32 $0x5001, v1;
	s6 =	sadd.s32 s6, s7;
	s7 =	sadd.s32 $0x1000, s30;
	_ =	strace $0x80000047  }
.LBB2_1:
0x17: {  	[tilespmem:s4], [sflag:$0x1] =	stream.strided.gather [hbm4b:s6+s10], $0x280, s11, s10, $0x38;
	[tilespmem:$0x17780] =	vst v63  }
0x18: {  	_ = 	snop  }
0x19: {  	[tilespmem:s12], [sflag:$0x2] =	stream.linear.gather [hbm4b:s5+s4], $0x3200, $0x38;
	[tilespmem:$0x17780] =	vst v63  }
0x1a: {  	_ = 	snop  }
0x1b: {  	[tilespmem:s13], [sflag:$0x3] =	stream.linear.gather [hbm4b:s0+s4], $0x80, $0x38;
	[tilespmem:$0x17780] =	vst v63  }
0x1c: {  	_ = 	snop  }
0x1d: {  	[tilespmem:s14], [sflag:$0x4] =	stream.linear.gather [hbm4b:s3+s4], $0x80, $0x38;
	[tilespmem:$0x17780] =	vst v63  }
0x1e: {  	_ =	swait.ge [sflag:s15], $0x280  }
0x1f: {  	[sflag:s15] =	ssyncset.done $0x0  }
0x20: {  	[sflag:s15] =	ssyncadd.s32 $0xFFFFFD80  }
0x21: {  	_ =	swait.ge [sflag:s16], $0x3200  }
0x22: {  	[sflag:s16] =	ssyncset.done $0x0  }
0x23: {  	[sflag:s16] =	ssyncadd.s32 $0xFFFFCE00  }
0x24: {  	_ =	swait.ge [sflag:s17], $0x80  }
0x25: {  	[sflag:s17] =	ssyncset.done $0x0  }
0x26: {  	[sflag:s17] =	ssyncadd.s32 $0xFFFFFF80  }
0x27: {  	_ =	swait.ge [sflag:s18], $0x80  }
0x28: {  	[sflag:s18] =	ssyncset.done $0x0  }
0x29: {  	[sflag:s18] =	ssyncadd.s32 $0xFFFFFF80  }
0x2a: {  	v3 =	vld.idx.msk [tilespmem:v0+s4+$0x0], $0xffff;
	_ =	sdelay $0x4  }
0x2b: {  	vm0 =	vgt.s32 v3, $0x0  }
0x2c: {  	v4 =	vnsel vm0, $0x0, v3  }
0x2d: {  	v4 =	vmin.u32 v4, $0x63;
	_ =	sdelay $0x4  }
0x2e: {  	v5 =	vld.idx.msk [tilespmem:v4+s13+$0x0], $0xffff  }
0x2f: {  	v6 =	vld.idx.msk [tilespmem:v4+s14+$0x0], $0xffff;
	_ =	sdelay $0x2  }
0x30: {  	vm15 =	vgt.s32 v3, $0xFFFFFFFF;
	vm1 =	veq.s32 v3, $0xFFFFFFFE  }
0x31: {  	vm4 =	veq.s32 v3, $0xFFFFFFFF;
	v7 =	vsel vm15, $0x3F800000, v2;
	vm2 =	vlt.f32 v5, $1.000000000e+00  }
0x32: {  	v4 =	vshll.u32 v4, $0x7;
	vm3 =	veq.s32 v6, $0x0;
	vm2 =	vmand vm15, vm2  }
0x33: {  	v7 =	vmin.f32 v7, v5;
	vm0 =	vmand vm15, vm3;
	vm1 =	vmor vm1, vm2  }
0x34: {  	v6 =	vld [tilespmem:$0x1FFB0];
	v3 =	vsel vm4, $0x0, v7;
	vm0 =	vmor vm0, vm1  }
0x35: {  	v3 =	vsel vm0, $0xBF800000, v3  }
0x36: {  	[tilespmem:v1+s19+$0x0] =	vst.idx.msk $0xffff, v3  }
0x37: {  	v3 =	vld.idx.msk [tilespmem:v4+s12+$0x0], $0xffff;
	_ =	sdelay $0x2  }
0x38: {  	v5 =	vor.u32 $0x1, v4;
	_ =	sdelay $0x1  }
0x39: {  	[tilespmem:v6+s19+$0x0] =	vst.idx.msk $0xffff, v3;
	v6 =	vld [tilespmem:$0x1FFC0];
	_ =	sdelay $0x2  }
0x3a: {  	v3 =	vld.idx.msk [tilespmem:v5+s12+$0x0], $0xffff  }
0x3b: {  	v5 =	vor.u32 $0x2, v4;
	_ =	sdelay $0x3  }
0x3c: {  	[tilespmem:v6+s19+$0x0] =	vst.idx.msk $0xffff, v3  }
0x3d: {  	v3 =	vld.idx.msk [tilespmem:v5+s12+$0x0], $0xffff  }
0x3e: {  	v5 =	vld [tilespmem:$0x1FFD0];
	_ =	sdelay $0x3  }
0x3f: {  	v4 =	vor.u32 $0x3, v4;
	_ =	sdelay $0x3  }
0x40: {  	[tilespmem:v5+s19+$0x0] =	vst.idx.msk $0xffff, v3  }
0x41: {  	v3 =	vld.idx.msk [tilespmem:v4+s12+$0x0], $0xffff  }
0x42: {  	v4 =	vld [tilespmem:$0x1FFE0];
	_ =	sdelay $0x7  }
0x43: {  	[tilespmem:v4+s19+$0x0] =	vst.idx.msk $0xffff, v3;
	v3 =	vld [tilespmem:$0x1FFF0];
	_ =	sdelay $0x7  }
0x44: {  	v3 =	vld.idx.msk [tilespmem:v3+s4+$0x0], $0xffff;
	_ =	sdelay $0x4  }
0x45: {  	vm5 =	vgt.s32 v3, $0x0  }
0x46: {  	v4 =	vnsel vm5, $0x0, v3  }
0x47: {  	v4 =	vmin.u32 v4, $0x63;
	_ =	sdelay $0x4  }
0x48: {  	v5 =	vld.idx.msk [tilespmem:v4+s13+$0x0], $0xffff  }
0x49: {  	v6 =	vld.idx.msk [tilespmem:v4+s14+$0x0], $0xffff;
	_ =	sdelay $0x2  }
0x4a: {  	vm6 =	vgt.s32 v3, $0xFFFFFFFF;
	vm7 =	veq.s32 v3, $0xFFFFFFFE  }
0x4b: {  	vm10 =	veq.s32 v3, $0xFFFFFFFF;
	v7 =	vsel vm6, $0x3F800000, v2;
	vm8 =	vlt.f32 v5, $1.000000000e+00  }
0x4c: {  	v4 =	vshll.u32 v4, $0x7;
	vm9 =	veq.s32 v6, $0x0;
	vm2 =	vmand vm6, vm8  }
0x4d: {  	v7 =	vmin.f32 v7, v5;
	vm0 =	vmand vm6, vm9;
	vm1 =	vmor vm7, vm2  }
0x4e: {  	v3 =	vsel vm10, $0x0, v7;
	vm0 =	vmor vm0, vm1  }
0x4f: {  	v3 =	vsel vm0, $0xBF800000, v3  }
0x50: {  	[tilespmem:v8+s19+$0x0] =	vst.idx.msk $0xffff, v3  }
0x51: {  	v3 =	vld.idx.msk [tilespmem:v4+s12+$0x0], $0xffff  }
0x52: {  	v5 =	vor.u32 $0x1, v4;
	_ =	sdelay $0x3  }
0x53: {  	[tilespmem:v9+s19+$0x0] =	vst.idx.msk $0xffff, v3  }
0x54: {  	v3 =	vld.idx.msk [tilespmem:v5+s12+$0x0], $0xffff  }
0x55: {  	v5 =	vor.u32 $0x2, v4;
	_ =	sdelay $0x3  }
0x56: {  	[tilespmem:v10+s19+$0x0] =	vst.idx.msk $0xffff, v3  }
0x57: {  	v3 =	vld.idx.msk [tilespmem:v5+s12+$0x0], $0xffff  }
0x58: {  	v4 =	vor.u32 $0x3, v4;
	_ =	sdelay $0x3  }
0x59: {  	[tilespmem:v11+s19+$0x0] =	vst.idx.msk $0xffff, v3  }
0x5a: {  	v3 =	vld.idx.msk [tilespmem:v4+s12+$0x0], $0xffff;
	_ =	sdelay $0x4  }
0x5b: {  	[tilespmem:v12+s19+$0x0] =	vst.idx.msk $0xffff, v3  }
0x5c: {  	v3 =	vld.idx.msk [tilespmem:v13+s4+$0x0], $0xffff;
	_ =	sdelay $0x4  }
0x5d: {  	vm11 =	vgt.s32 v3, $0x0  }
0x5e: {  	v4 =	vnsel vm11, $0x0, v3  }
0x5f: {  	v4 =	vmin.u32 v4, $0x63;
	_ =	sdelay $0x4  }
0x60: {  	v5 =	vld.idx.msk [tilespmem:v4+s13+$0x0], $0xffff  }
0x61: {  	v6 =	vld.idx.msk [tilespmem:v4+s14+$0x0], $0xffff;
	_ =	sdelay $0x2  }
0x62: {  	vm12 =	vgt.s32 v3, $0xFFFFFFFF;
	vm13 =	veq.s32 v3, $0xFFFFFFFE  }
0x63: {  	vm4 =	veq.s32 v3, $0xFFFFFFFF;
	v7 =	vsel vm12, $0x3F800000, v2;
	vm14 =	vlt.f32 v5, $1.000000000e+00  }
0x64: {  	v4 =	vshll.u32 v4, $0x7;
	vm15 =	veq.s32 v6, $0x0;
	vm2 =	vmand vm12, vm14  }
0x65: {  	v7 =	vmin.f32 v7, v5;
	vm0 =	vmand vm12, vm15;
	vm1 =	vmor vm13, vm2  }
0x66: {  	v3 =	vsel vm4, $0x0, v7;
	vm0 =	vmor vm0, vm1  }
0x67: {  	v3 =	vsel vm0, $0xBF800000, v3  }
0x68: {  	[tilespmem:v14+s19+$0x0] =	vst.idx.msk $0xffff, v3  }
0x69: {  	v3 =	vld.idx.msk [tilespmem:v4+s12+$0x0], $0xffff  }
0x6a: {  	v5 =	vor.u32 $0x1, v4;
	_ =	sdelay $0x3  }
0x6b: {  	[tilespmem:v15+s19+$0x0] =	vst.idx.msk $0xffff, v3  }
0x6c: {  	v3 =	vld.idx.msk [tilespmem:v5+s12+$0x0], $0xffff  }
0x6d: {  	v5 =	vor.u32 $0x2, v4;
	_ =	sdelay $0x3  }
0x6e: {  	[tilespmem:v16+s19+$0x0] =	vst.idx.msk $0xffff, v3  }
0x6f: {  	v3 =	vld.idx.msk [tilespmem:v5+s12+$0x0], $0xffff  }
0x70: {  	v4 =	vor.u32 $0x3, v4;
	_ =	sdelay $0x3  }
0x71: {  	[tilespmem:v17+s19+$0x0] =	vst.idx.msk $0xffff, v3  }
0x72: {  	v3 =	vld.idx.msk [tilespmem:v4+s12+$0x0], $0xffff;
	_ =	sdelay $0x4  }
0x73: {  	[tilespmem:v18+s19+$0x0] =	vst.idx.msk $0xffff, v3  }
0x74: {  	v3 =	vld.idx.msk [tilespmem:v19+s4+$0x0], $0xffff;
	_ =	sdelay $0x4  }
0x75: {  	vm5 =	vgt.s32 v3, $0x0  }
0x76: {  	v4 =	vnsel vm5, $0x0, v3  }
0x77: {  	v4 =	vmin.u32 v4, $0x63;
	_ =	sdelay $0x4  }
0x78: {  	v5 =	vld.idx.msk [tilespmem:v4+s13+$0x0], $0xffff  }
0x79: {  	v6 =	vld.idx.msk [tilespmem:v4+s14+$0x0], $0xffff;
	_ =	sdelay $0x2  }
0x7a: {  	vm6 =	vgt.s32 v3, $0xFFFFFFFF;
	vm7 =	veq.s32 v3, $0xFFFFFFFE  }
0x7b: {  	vm10 =	veq.s32 v3, $0xFFFFFFFF;
	v7 =	vsel vm6, $0x3F800000, v2;
	vm8 =	vlt.f32 v5, $1.000000000e+00  }
0x7c: {  	v4 =	vshll.u32 v4, $0x7;
	vm9 =	veq.s32 v6, $0x0;
	vm2 =	vmand vm6, vm8  }
0x7d: {  	v7 =	vmin.f32 v7, v5;
	vm0 =	vmand vm6, vm9;
	vm1 =	vmor vm7, vm2  }
0x7e: {  	v3 =	vsel vm10, $0x0, v7;
	vm0 =	vmor vm0, vm1  }
0x7f: {  	v3 =	vsel vm0, $0xBF800000, v3  }
0x80: {  	[tilespmem:v20+s19+$0x0] =	vst.idx.msk $0xffff, v3  }
0x81: {  	v3 =	vld.idx.msk [tilespmem:v4+s12+$0x0], $0xffff  }
0x82: {  	v5 =	vor.u32 $0x1, v4;
	_ =	sdelay $0x3  }
0x83: {  	[tilespmem:v21+s19+$0x0] =	vst.idx.msk $0xffff, v3  }
0x84: {  	v3 =	vld.idx.msk [tilespmem:v5+s12+$0x0], $0xffff  }
0x85: {  	v5 =	vor.u32 $0x2, v4;
	_ =	sdelay $0x3  }
0x86: {  	[tilespmem:v22+s19+$0x0] =	vst.idx.msk $0xffff, v3  }
0x87: {  	v3 =	vld.idx.msk [tilespmem:v5+s12+$0x0], $0xffff  }
0x88: {  	v4 =	vor.u32 $0x3, v4;
	_ =	sdelay $0x3  }
0x89: {  	[tilespmem:v23+s19+$0x0] =	vst.idx.msk $0xffff, v3  }
0x8a: {  	v3 =	vld.idx.msk [tilespmem:v4+s12+$0x0], $0xffff;
	_ =	sdelay $0x4  }
0x8b: {  	[tilespmem:v24+s19+$0x0] =	vst.idx.msk $0xffff, v3  }
0x8c: {  	v3 =	vld.idx.msk [tilespmem:v25+s4+$0x0], $0xffff;
	_ =	sdelay $0x4  }
0x8d: {  	vm11 =	vgt.s32 v3, $0x0  }
0x8e: {  	v4 =	vnsel vm11, $0x0, v3  }
0x8f: {  	v4 =	vmin.u32 v4, $0x63;
	_ =	sdelay $0x4  }
0x90: {  	v5 =	vld.idx.msk [tilespmem:v4+s13+$0x0], $0xffff  }
0x91: {  	v6 =	vld.idx.msk [tilespmem:v4+s14+$0x0], $0xffff;
	_ =	sdelay $0x2  }
0x92: {  	vm12 =	vgt.s32 v3, $0xFFFFFFFF;
	vm13 =	veq.s32 v3, $0xFFFFFFFE  }
0x93: {  	vm4 =	veq.s32 v3, $0xFFFFFFFF;
	v7 =	vsel vm12, $0x3F800000, v2;
	vm14 =	vlt.f32 v5, $1.000000000e+00  }
0x94: {  	v4 =	vshll.u32 v4, $0x7;
	vm15 =	veq.s32 v6, $0x0;
	vm2 =	vmand vm12, vm14  }
0x95: {  	v7 =	vmin.f32 v7, v5;
	vm0 =	vmand vm12, vm15;
	vm1 =	vmor vm13, vm2  }
0x96: {  	v3 =	vsel vm4, $0x0, v7;
	vm0 =	vmor vm0, vm1  }
0x97: {  	v3 =	vsel vm0, $0xBF800000, v3  }
0x98: {  	[tilespmem:v26+s19+$0x0] =	vst.idx.msk $0xffff, v3  }
0x99: {  	v3 =	vld.idx.msk [tilespmem:v4+s12+$0x0], $0xffff  }
0x9a: {  	v5 =	vor.u32 $0x1, v4;
	_ =	sdelay $0x3  }
0x9b: {  	[tilespmem:v27+s19+$0x0] =	vst.idx.msk $0xffff, v3  }
0x9c: {  	v3 =	vld.idx.msk [tilespmem:v5+s12+$0x0], $0xffff  }
0x9d: {  	v5 =	vor.u32 $0x2, v4;
	_ =	sdelay $0x3  }
0x9e: {  	[tilespmem:v28+s19+$0x0] =	vst.idx.msk $0xffff, v3  }
0x9f: {  	v3 =	vld.idx.msk [tilespmem:v5+s12+$0x0], $0xffff  }
0xa0: {  	v4 =	vor.u32 $0x3, v4;
	_ =	sdelay $0x3  }
0xa1: {  	[tilespmem:v29+s19+$0x0] =	vst.idx.msk $0xffff, v3  }
0xa2: {  	v3 =	vld.idx.msk [tilespmem:v4+s12+$0x0], $0xffff;
	_ =	sdelay $0x4  }
0xa3: {  	[tilespmem:v30+s19+$0x0] =	vst.idx.msk $0xffff, v3  }
0xa4: {  	v3 =	vld.idx.msk [tilespmem:v31+s4+$0x0], $0xffff;
	_ =	sdelay $0x4  }
0xa5: {  	vm5 =	vgt.s32 v3, $0x0  }
0xa6: {  	v4 =	vnsel vm5, $0x0, v3  }
0xa7: {  	v4 =	vmin.u32 v4, $0x63;
	_ =	sdelay $0x4  }
0xa8: {  	v5 =	vld.idx.msk [tilespmem:v4+s13+$0x0], $0xffff  }
0xa9: {  	v6 =	vld.idx.msk [tilespmem:v4+s14+$0x0], $0xffff;
	_ =	sdelay $0x2  }
0xaa: {  	vm6 =	vgt.s32 v3, $0xFFFFFFFF;
	vm7 =	veq.s32 v3, $0xFFFFFFFE  }
0xab: {  	vm10 =	veq.s32 v3, $0xFFFFFFFF;
	v7 =	vsel vm6, $0x3F800000, v2;
	vm8 =	vlt.f32 v5, $1.000000000e+00  }
0xac: {  	v4 =	vshll.u32 v4, $0x7;
	vm9 =	veq.s32 v6, $0x0;
	vm2 =	vmand vm6, vm8  }
0xad: {  	v7 =	vmin.f32 v7, v5;
	vm0 =	vmand vm6, vm9;
	vm1 =	vmor vm7, vm2  }
0xae: {  	v3 =	vsel vm10, $0x0, v7;
	vm0 =	vmor vm0, vm1  }
0xaf: {  	v3 =	vsel vm0, $0xBF800000, v3  }
0xb0: {  	[tilespmem:v32+s19+$0x0] =	vst.idx.msk $0xffff, v3  }
0xb1: {  	v3 =	vld.idx.msk [tilespmem:v4+s12+$0x0], $0xffff  }
0xb2: {  	v5 =	vor.u32 $0x1, v4;
	_ =	sdelay $0x3  }
0xb3: {  	[tilespmem:v33+s19+$0x0] =	vst.idx.msk $0xffff, v3  }
0xb4: {  	v3 =	vld.idx.msk [tilespmem:v5+s12+$0x0], $0xffff  }
0xb5: {  	v5 =	vor.u32 $0x2, v4;
	_ =	sdelay $0x3  }
0xb6: {  	[tilespmem:v34+s19+$0x0] =	vst.idx.msk $0xffff, v3  }
0xb7: {  	v3 =	vld.idx.msk [tilespmem:v5+s12+$0x0], $0xffff  }
0xb8: {  	v4 =	vor.u32 $0x3, v4;
	_ =	sdelay $0x3  }
0xb9: {  	[tilespmem:v35+s19+$0x0] =	vst.idx.msk $0xffff, v3  }
0xba: {  	v3 =	vld.idx.msk [tilespmem:v4+s12+$0x0], $0xffff;
	_ =	sdelay $0x4  }
0xbb: {  	[tilespmem:v36+s19+$0x0] =	vst.idx.msk $0xffff, v3  }
0xbc: {  	v3 =	vld.idx.msk [tilespmem:v37+s4+$0x0], $0xffff;
	_ =	sdelay $0x4  }
0xbd: {  	vm11 =	vgt.s32 v3, $0x0  }
0xbe: {  	v4 =	vnsel vm11, $0x0, v3  }
0xbf: {  	v4 =	vmin.u32 v4, $0x63;
	_ =	sdelay $0x4  }
0xc0: {  	v5 =	vld.idx.msk [tilespmem:v4+s13+$0x0], $0xffff  }
0xc1: {  	v6 =	vld.idx.msk [tilespmem:v4+s14+$0x0], $0xffff;
	_ =	sdelay $0x2  }
0xc2: {  	vm12 =	vgt.s32 v3, $0xFFFFFFFF;
	vm13 =	veq.s32 v3, $0xFFFFFFFE  }
0xc3: {  	vm4 =	veq.s32 v3, $0xFFFFFFFF;
	v7 =	vsel vm12, $0x3F800000, v2;
	vm14 =	vlt.f32 v5, $1.000000000e+00  }
0xc4: {  	v4 =	vshll.u32 v4, $0x7;
	vm15 =	veq.s32 v6, $0x0;
	vm2 =	vmand vm12, vm14  }
0xc5: {  	v7 =	vmin.f32 v7, v5;
	vm0 =	vmand vm12, vm15;
	vm1 =	vmor vm13, vm2  }
0xc6: {  	v3 =	vsel vm4, $0x0, v7;
	vm0 =	vmor vm0, vm1  }
0xc7: {  	v3 =	vsel vm0, $0xBF800000, v3  }
0xc8: {  	[tilespmem:v38+s19+$0x0] =	vst.idx.msk $0xffff, v3  }
0xc9: {  	v3 =	vld.idx.msk [tilespmem:v4+s12+$0x0], $0xffff  }
0xca: {  	v5 =	vor.u32 $0x1, v4;
	_ =	sdelay $0x3  }
0xcb: {  	[tilespmem:v39+s19+$0x0] =	vst.idx.msk $0xffff, v3  }
0xcc: {  	v3 =	vld.idx.msk [tilespmem:v5+s12+$0x0], $0xffff  }
0xcd: {  	v5 =	vor.u32 $0x2, v4;
	_ =	sdelay $0x3  }
0xce: {  	[tilespmem:v40+s19+$0x0] =	vst.idx.msk $0xffff, v3  }
0xcf: {  	v3 =	vld.idx.msk [tilespmem:v5+s12+$0x0], $0xffff  }
0xd0: {  	v4 =	vor.u32 $0x3, v4;
	_ =	sdelay $0x3  }
0xd1: {  	[tilespmem:v41+s19+$0x0] =	vst.idx.msk $0xffff, v3  }
0xd2: {  	v3 =	vld.idx.msk [tilespmem:v4+s12+$0x0], $0xffff;
	_ =	sdelay $0x4  }
0xd3: {  	[tilespmem:v42+s19+$0x0] =	vst.idx.msk $0xffff, v3  }
0xd4: {  	v3 =	vld.idx.msk [tilespmem:v43+s4+$0x0], $0xffff;
	_ =	sdelay $0x4  }
0xd5: {  	vm5 =	vgt.s32 v3, $0x0  }
0xd6: {  	v4 =	vnsel vm5, $0x0, v3  }
0xd7: {  	v4 =	vmin.u32 v4, $0x63;
	_ =	sdelay $0x4  }
0xd8: {  	v5 =	vld.idx.msk [tilespmem:v4+s13+$0x0], $0xffff  }
0xd9: {  	v6 =	vld.idx.msk [tilespmem:v4+s14+$0x0], $0xffff;
	_ =	sdelay $0x2  }
0xda: {  	vm6 =	vgt.s32 v3, $0xFFFFFFFF;
	vm7 =	veq.s32 v3, $0xFFFFFFFE  }
0xdb: {  	vm10 =	veq.s32 v3, $0xFFFFFFFF;
	v7 =	vsel vm6, $0x3F800000, v2;
	vm8 =	vlt.f32 v5, $1.000000000e+00  }
0xdc: {  	v4 =	vshll.u32 v4, $0x7;
	vm9 =	veq.s32 v6, $0x0;
	vm2 =	vmand vm6, vm8  }
0xdd: {  	v7 =	vmin.f32 v7, v5;
	vm0 =	vmand vm6, vm9;
	vm1 =	vmor vm7, vm2  }
0xde: {  	v3 =	vsel vm10, $0x0, v7;
	vm0 =	vmor vm0, vm1  }
0xdf: {  	v3 =	vsel vm0, $0xBF800000, v3  }
0xe0: {  	[tilespmem:v44+s19+$0x0] =	vst.idx.msk $0xffff, v3  }
0xe1: {  	v3 =	vld.idx.msk [tilespmem:v4+s12+$0x0], $0xffff  }
0xe2: {  	v5 =	vor.u32 $0x1, v4;
	_ =	sdelay $0x3  }
0xe3: {  	[tilespmem:v45+s19+$0x0] =	vst.idx.msk $0xffff, v3  }
0xe4: {  	v3 =	vld.idx.msk [tilespmem:v5+s12+$0x0], $0xffff  }
0xe5: {  	v5 =	vor.u32 $0x2, v4;
	_ =	sdelay $0x3  }
0xe6: {  	[tilespmem:v46+s19+$0x0] =	vst.idx.msk $0xffff, v3  }
0xe7: {  	v3 =	vld.idx.msk [tilespmem:v5+s12+$0x0], $0xffff  }
0xe8: {  	v4 =	vor.u32 $0x3, v4;
	_ =	sdelay $0x3  }
0xe9: {  	[tilespmem:v47+s19+$0x0] =	vst.idx.msk $0xffff, v3  }
0xea: {  	v3 =	vld.idx.msk [tilespmem:v4+s12+$0x0], $0xffff;
	_ =	sdelay $0x4  }
0xeb: {  	[tilespmem:v48+s19+$0x0] =	vst.idx.msk $0xffff, v3  }
0xec: {  	v3 =	vld.idx.msk [tilespmem:v49+s4+$0x0], $0xffff;
	_ =	sdelay $0x4  }
0xed: {  	vm11 =	vgt.s32 v3, $0x0  }
0xee: {  	v4 =	vnsel vm11, $0x0, v3  }
0xef: {  	v4 =	vmin.u32 v4, $0x63;
	_ =	sdelay $0x4  }
0xf0: {  	v5 =	vld.idx.msk [tilespmem:v4+s13+$0x0], $0xffff  }
0xf1: {  	v6 =	vld.idx.msk [tilespmem:v4+s14+$0x0], $0xffff;
	_ =	sdelay $0x2  }
0xf2: {  	vm12 =	vgt.s32 v3, $0xFFFFFFFF;
	vm13 =	veq.s32 v3, $0xFFFFFFFE  }
0xf3: {  	vm4 =	veq.s32 v3, $0xFFFFFFFF;
	v7 =	vsel vm12, $0x3F800000, v2;
	vm14 =	vlt.f32 v5, $1.000000000e+00  }
0xf4: {  	v4 =	vshll.u32 v4, $0x7;
	vm15 =	veq.s32 v6, $0x0;
	vm2 =	vmand vm12, vm14  }
0xf5: {  	v7 =	vmin.f32 v7, v5;
	vm0 =	vmand vm12, vm15;
	vm1 =	vmor vm13, vm2  }
0xf6: {  	v3 =	vsel vm4, $0x0, v7;
	vm0 =	vmor vm0, vm1  }
0xf7: {  	v3 =	vsel vm0, $0xBF800000, v3  }
0xf8: {  	[tilespmem:v50+s19+$0x0] =	vst.idx.msk $0xffff, v3  }
0xf9: {  	v3 =	vld.idx.msk [tilespmem:v4+s12+$0x0], $0xffff  }
0xfa: {  	v5 =	vor.u32 $0x1, v4;
	_ =	sdelay $0x3  }
0xfb: {  	[tilespmem:v51+s19+$0x0] =	vst.idx.msk $0xffff, v3  }
0xfc: {  	v3 =	vld.idx.msk [tilespmem:v5+s12+$0x0], $0xffff  }
0xfd: {  	v5 =	vor.u32 $0x2, v4;
	_ =	sdelay $0x3  }
0xfe: {  	[tilespmem:v52+s19+$0x0] =	vst.idx.msk $0xffff, v3  }
0xff: {  	v3 =	vld.idx.msk [tilespmem:v5+s12+$0x0], $0xffff  }
0x100: {  	v4 =	vor.u32 $0x3, v4;
	_ =	sdelay $0x3  }
0x101: {  	[tilespmem:v53+s19+$0x0] =	vst.idx.msk $0xffff, v3  }
0x102: {  	v3 =	vld.idx.msk [tilespmem:v4+s12+$0x0], $0xffff;
	_ =	sdelay $0x4  }
0x103: {  	[tilespmem:v54+s19+$0x0] =	vst.idx.msk $0xffff, v3  }
0x104: {  	v3 =	vld.idx.msk [tilespmem:v55+s4+$0x0], $0xffff;
	_ =	sdelay $0x4  }
0x105: {  	vm5 =	vgt.s32 v3, $0x0  }
0x106: {  	v4 =	vnsel vm5, $0x0, v3  }
0x107: {  	v4 =	vmin.u32 v4, $0x63;
	_ =	sdelay $0x4  }
0x108: {  	v5 =	vld.idx.msk [tilespmem:v4+s13+$0x0], $0xffff  }
0x109: {  	v6 =	vld.idx.msk [tilespmem:v4+s14+$0x0], $0xffff;
	_ =	sdelay $0x2  }
0x10a: {  	vm6 =	vgt.s32 v3, $0xFFFFFFFF;
	vm7 =	veq.s32 v3, $0xFFFFFFFE  }
0x10b: {  	vm10 =	veq.s32 v3, $0xFFFFFFFF;
	v7 =	vsel vm6, $0x3F800000, v2;
	vm8 =	vlt.f32 v5, $1.000000000e+00  }
0x10c: {  	v4 =	vshll.u32 v4, $0x7;
	vm9 =	veq.s32 v6, $0x0;
	vm2 =	vmand vm6, vm8  }
0x10d: {  	v7 =	vmin.f32 v7, v5;
	vm0 =	vmand vm6, vm9;
	vm1 =	vmor vm7, vm2  }
0x10e: {  	v3 =	vsel vm10, $0x0, v7;
	vm0 =	vmor vm0, vm1  }
0x10f: {  	v3 =	vsel vm0, $0xBF800000, v3  }
0x110: {  	[tilespmem:v56+s19+$0x0] =	vst.idx.msk $0xffff, v3  }
0x111: {  	v3 =	vld.idx.msk [tilespmem:v4+s12+$0x0], $0xffff  }
0x112: {  	v5 =	vor.u32 $0x1, v4;
	_ =	sdelay $0x3  }
0x113: {  	[tilespmem:v57+s19+$0x0] =	vst.idx.msk $0xffff, v3  }
0x114: {  	v3 =	vld.idx.msk [tilespmem:v5+s12+$0x0], $0xffff  }
0x115: {  	v5 =	vor.u32 $0x2, v4;
	_ =	sdelay $0x3  }
0x116: {  	[tilespmem:v58+s19+$0x0] =	vst.idx.msk $0xffff, v3  }
0x117: {  	v3 =	vld.idx.msk [tilespmem:v5+s12+$0x0], $0xffff  }
0x118: {  	v4 =	vor.u32 $0x3, v4;
	_ =	sdelay $0x3  }
0x119: {  	[tilespmem:v59+s19+$0x0] =	vst.idx.msk $0xffff, v3  }
0x11a: {  	v3 =	vld.idx.msk [tilespmem:v4+s12+$0x0], $0xffff;
	_ =	sdelay $0x4  }
0x11b: {  	[tilespmem:v60+s19+$0x0] =	vst.idx.msk $0xffff, v3  }
0x11c: {  	v3 =	vld.idx.msk [tilespmem:v61+s4+$0x0], $0xffff;
	_ =	sdelay $0x4  }
0x11d: {  	vm11 =	vgt.s32 v3, $0x0  }
0x11e: {  	v4 =	vnsel vm11, $0x0, v3  }
0x11f: {  	v4 =	vmin.u32 v4, $0x63;
	_ =	sdelay $0x4  }
0x120: {  	v5 =	vld.idx.msk [tilespmem:v4+s13+$0x0], $0xffff  }
0x121: {  	v6 =	vld.idx.msk [tilespmem:v4+s14+$0x0], $0xffff;
	_ =	sdelay $0x2  }
0x122: {  	vm12 =	vgt.s32 v3, $0xFFFFFFFF;
	vm13 =	veq.s32 v3, $0xFFFFFFFE  }
0x123: {  	vm4 =	veq.s32 v3, $0xFFFFFFFF;
	v7 =	vsel vm12, $0x3F800000, v2;
	vm14 =	vlt.f32 v5, $1.000000000e+00  }
0x124: {  	v4 =	vshll.u32 v4, $0x7;
	vm15 =	veq.s32 v6, $0x0;
	vm2 =	vmand vm12, vm14  }
0x125: {  	v7 =	vmin.f32 v7, v5;
	vm0 =	vmand vm12, vm15;
	vm1 =	vmor vm13, vm2  }
0x126: {  	v3 =	vsel vm4, $0x0, v7;
	vm0 =	vmor vm0, vm1  }
0x127: {  	v3 =	vsel vm0, $0xBF800000, v3  }
0x128: {  	[tilespmem:v62+s19+$0x0] =	vst.idx.msk $0xffff, v3  }
0x129: {  	v3 =	vld.idx.msk [tilespmem:v4+s12+$0x0], $0xffff  }
0x12a: {  	v5 =	vor.u32 $0x1, v4;
	_ =	sdelay $0x3  }
0x12b: {  	[tilespmem:v63+s19+$0x0] =	vst.idx.msk $0xffff, v3  }
0x12c: {  	v3 =	vld.idx.msk [tilespmem:v5+s12+$0x0], $0xffff;
	v5 =	vor.u32 $0x5002, v1  }
0x12d: {  	v6 =	vor.u32 $0x2, v4;
	_ =	sdelay $0x3  }
0x12e: {  	[tilespmem:v5+s19+$0x0] =	vst.idx.msk $0xffff, v3  }
0x12f: {  	v5 =	vor.u32 $0x5003, v1;
	v3 =	vld.idx.msk [tilespmem:v6+s12+$0x0], $0xffff  }
0x130: {  	v4 =	vor.u32 $0x3, v4;
	_ =	sdelay $0x3  }
0x131: {  	[tilespmem:v5+s19+$0x0] =	vst.idx.msk $0xffff, v3  }
0x132: {  	v3 =	vld.idx.msk [tilespmem:v4+s12+$0x0], $0xffff;
	v4 =	vor.u32 $0x5004, v1  }
0x133: {  	v5 =	vor.u32 $0xB0, v0;
	_ =	sdelay $0x3  }
0x134: {  	[tilespmem:v4+s19+$0x0] =	vst.idx.msk $0xffff, v3  }
0x135: {  	v3 =	vld.idx.msk [tilespmem:v5+s4+$0x0], $0xffff;
	_ =	sdelay $0x4  }
0x136: {  	vm5 =	vgt.s32 v3, $0x0  }
0x137: {  	v4 =	vnsel vm5, $0x0, v3  }
0x138: {  	v4 =	vmin.u32 v4, $0x63;
	_ =	sdelay $0x4  }
0x139: {  	v5 =	vld.idx.msk [tilespmem:v4+s13+$0x0], $0xffff  }
0x13a: {  	v6 =	vld.idx.msk [tilespmem:v4+s14+$0x0], $0xffff;
	_ =	sdelay $0x1  }
0x13b: {  	vm6 =	vgt.s32 v3, $0xFFFFFFFF  }
0x13c: {  	vm7 =	veq.s32 v3, $0xFFFFFFFE;
	v7 =	vsel vm6, $0x3F800000, v2  }
0x13d: {  	v7 =	vmin.f32 v7, v5;
	vm8 =	vlt.f32 v5, $1.000000000e+00;
	v5 =	vor.u32 $0x5800, v1  }
0x13e: {  	v4 =	vshll.u32 v4, $0x7;
	vm9 =	veq.s32 v6, $0x0;
	vm2 =	vmand vm6, vm8  }
0x13f: {  	vm10 =	veq.s32 v3, $0xFFFFFFFF;
	vm0 =	vmand vm6, vm9;
	vm1 =	vmor vm7, vm2  }
0x140: {  	v3 =	vsel vm10, $0x0, v7;
	vm0 =	vmor vm0, vm1  }
0x141: {  	v3 =	vsel vm0, $0xBF800000, v3  }
0x142: {  	[tilespmem:v5+s19+$0x0] =	vst.idx.msk $0xffff, v3  }
0x143: {  	v5 =	vor.u32 $0x5801, v1;
	v3 =	vld.idx.msk [tilespmem:v4+s12+$0x0], $0xffff  }
0x144: {  	v6 =	vor.u32 $0x1, v4;
	_ =	sdelay $0x3  }
0x145: {  	[tilespmem:v5+s19+$0x0] =	vst.idx.msk $0xffff, v3  }
0x146: {  	v5 =	vor.u32 $0x5802, v1;
	v3 =	vld.idx.msk [tilespmem:v6+s12+$0x0], $0xffff  }
0x147: {  	v6 =	vor.u32 $0x2, v4;
	_ =	sdelay $0x3  }
0x148: {  	[tilespmem:v5+s19+$0x0] =	vst.idx.msk $0xffff, v3  }
0x149: {  	v5 =	vor.u32 $0x5803, v1;
	v3 =	vld.idx.msk [tilespmem:v6+s12+$0x0], $0xffff  }
0x14a: {  	v4 =	vor.u32 $0x3, v4;
	_ =	sdelay $0x3  }
0x14b: {  	[tilespmem:v5+s19+$0x0] =	vst.idx.msk $0xffff, v3  }
0x14c: {  	v3 =	vld.idx.msk [tilespmem:v4+s12+$0x0], $0xffff;
	v4 =	vor.u32 $0x5804, v1  }
0x14d: {  	v5 =	vor.u32 $0xC0, v0;
	_ =	sdelay $0x3  }
0x14e: {  	[tilespmem:v4+s19+$0x0] =	vst.idx.msk $0xffff, v3  }
0x14f: {  	v3 =	vld.idx.msk [tilespmem:v5+s4+$0x0], $0xffff;
	_ =	sdelay $0x4  }
0x150: {  	vm11 =	vgt.s32 v3, $0x0  }
0x151: {  	v4 =	vnsel vm11, $0x0, v3  }
0x152: {  	v4 =	vmin.u32 v4, $0x63;
	_ =	sdelay $0x4  }
0x153: {  	v5 =	vld.idx.msk [tilespmem:v4+s13+$0x0], $0xffff  }
0x154: {  	v6 =	vld.idx.msk [tilespmem:v4+s14+$0x0], $0xffff;
	_ =	sdelay $0x1  }
0x155: {  	vm12 =	vgt.s32 v3, $0xFFFFFFFF  }
0x156: {  	vm13 =	veq.s32 v3, $0xFFFFFFFE;
	v7 =	vsel vm12, $0x3F800000, v2  }
0x157: {  	v7 =	vmin.f32 v7, v5;
	vm14 =	vlt.f32 v5, $1.000000000e+00;
	v5 =	vor.u32 $0x6000, v1  }
0x158: {  	v4 =	vshll.u32 v4, $0x7;
	vm15 =	veq.s32 v6, $0x0;
	vm2 =	vmand vm12, vm14  }
0x159: {  	vm4 =	veq.s32 v3, $0xFFFFFFFF;
	vm0 =	vmand vm12, vm15;
	vm1 =	vmor vm13, vm2  }
0x15a: {  	v3 =	vsel vm4, $0x0, v7;
	vm0 =	vmor vm0, vm1  }
0x15b: {  	v3 =	vsel vm0, $0xBF800000, v3  }
0x15c: {  	[tilespmem:v5+s19+$0x0] =	vst.idx.msk $0xffff, v3  }
0x15d: {  	v5 =	vor.u32 $0x6001, v1;
	v3 =	vld.idx.msk [tilespmem:v4+s12+$0x0], $0xffff  }
0x15e: {  	v6 =	vor.u32 $0x1, v4;
	_ =	sdelay $0x3  }
0x15f: {  	[tilespmem:v5+s19+$0x0] =	vst.idx.msk $0xffff, v3  }
0x160: {  	v5 =	vor.u32 $0x6002, v1;
	v3 =	vld.idx.msk [tilespmem:v6+s12+$0x0], $0xffff  }
0x161: {  	v6 =	vor.u32 $0x2, v4;
	_ =	sdelay $0x3  }
0x162: {  	[tilespmem:v5+s19+$0x0] =	vst.idx.msk $0xffff, v3  }
0x163: {  	v5 =	vor.u32 $0x6003, v1;
	v3 =	vld.idx.msk [tilespmem:v6+s12+$0x0], $0xffff  }
0x164: {  	v4 =	vor.u32 $0x3, v4;
	_ =	sdelay $0x3  }
0x165: {  	[tilespmem:v5+s19+$0x0] =	vst.idx.msk $0xffff, v3  }
0x166: {  	v3 =	vld.idx.msk [tilespmem:v4+s12+$0x0], $0xffff;
	v4 =	vor.u32 $0x6004, v1  }
0x167: {  	v5 =	vor.u32 $0xD0, v0;
	_ =	sdelay $0x3  }
0x168: {  	[tilespmem:v4+s19+$0x0] =	vst.idx.msk $0xffff, v3  }
0x169: {  	v3 =	vld.idx.msk [tilespmem:v5+s4+$0x0], $0xffff;
	_ =	sdelay $0x4  }
0x16a: {  	vm5 =	vgt.s32 v3, $0x0  }
0x16b: {  	v4 =	vnsel vm5, $0x0, v3  }
0x16c: {  	v4 =	vmin.u32 v4, $0x63;
	_ =	sdelay $0x4  }
0x16d: {  	v5 =	vld.idx.msk [tilespmem:v4+s13+$0x0], $0xffff  }
0x16e: {  	v6 =	vld.idx.msk [tilespmem:v4+s14+$0x0], $0xffff;
	_ =	sdelay $0x1  }
0x16f: {  	vm6 =	vgt.s32 v3, $0xFFFFFFFF  }
0x170: {  	vm7 =	veq.s32 v3, $0xFFFFFFFE;
	v7 =	vsel vm6, $0x3F800000, v2  }
0x171: {  	v7 =	vmin.f32 v7, v5;
	vm8 =	vlt.f32 v5, $1.000000000e+00;
	v5 =	vor.u32 $0x6800, v1  }
0x172: {  	v4 =	vshll.u32 v4, $0x7;
	vm9 =	veq.s32 v6, $0x0;
	vm2 =	vmand vm6, vm8  }
0x173: {  	vm10 =	veq.s32 v3, $0xFFFFFFFF;
	vm0 =	vmand vm6, vm9;
	vm1 =	vmor vm7, vm2  }
0x174: {  	v3 =	vsel vm10, $0x0, v7;
	vm0 =	vmor vm0, vm1  }
0x175: {  	v3 =	vsel vm0, $0xBF800000, v3  }
0x176: {  	[tilespmem:v5+s19+$0x0] =	vst.idx.msk $0xffff, v3  }
0x177: {  	v5 =	vor.u32 $0x6801, v1;
	v3 =	vld.idx.msk [tilespmem:v4+s12+$0x0], $0xffff  }
0x178: {  	v6 =	vor.u32 $0x1, v4;
	_ =	sdelay $0x3  }
0x179: {  	[tilespmem:v5+s19+$0x0] =	vst.idx.msk $0xffff, v3  }
0x17a: {  	v5 =	vor.u32 $0x6802, v1;
	v3 =	vld.idx.msk [tilespmem:v6+s12+$0x0], $0xffff  }
0x17b: {  	v6 =	vor.u32 $0x2, v4;
	_ =	sdelay $0x3  }
0x17c: {  	[tilespmem:v5+s19+$0x0] =	vst.idx.msk $0xffff, v3  }
0x17d: {  	v5 =	vor.u32 $0x6803, v1;
	v3 =	vld.idx.msk [tilespmem:v6+s12+$0x0], $0xffff  }
0x17e: {  	v4 =	vor.u32 $0x3, v4;
	_ =	sdelay $0x3  }
0x17f: {  	[tilespmem:v5+s19+$0x0] =	vst.idx.msk $0xffff, v3  }
0x180: {  	v3 =	vld.idx.msk [tilespmem:v4+s12+$0x0], $0xffff;
	v4 =	vor.u32 $0x6804, v1  }
0x181: {  	v5 =	vor.u32 $0xE0, v0;
	_ =	sdelay $0x3  }
0x182: {  	[tilespmem:v4+s19+$0x0] =	vst.idx.msk $0xffff, v3  }
0x183: {  	v3 =	vld.idx.msk [tilespmem:v5+s4+$0x0], $0xffff;
	_ =	sdelay $0x4  }
0x184: {  	vm11 =	vgt.s32 v3, $0x0  }
0x185: {  	v4 =	vnsel vm11, $0x0, v3  }
0x186: {  	v4 =	vmin.u32 v4, $0x63;
	_ =	sdelay $0x4  }
0x187: {  	v5 =	vld.idx.msk [tilespmem:v4+s13+$0x0], $0xffff  }
0x188: {  	v6 =	vld.idx.msk [tilespmem:v4+s14+$0x0], $0xffff;
	_ =	sdelay $0x1  }
0x189: {  	vm12 =	vgt.s32 v3, $0xFFFFFFFF  }
0x18a: {  	vm13 =	veq.s32 v3, $0xFFFFFFFE;
	v7 =	vsel vm12, $0x3F800000, v2  }
0x18b: {  	v7 =	vmin.f32 v7, v5;
	vm14 =	vlt.f32 v5, $1.000000000e+00;
	v5 =	vor.u32 $0x7000, v1  }
0x18c: {  	v4 =	vshll.u32 v4, $0x7;
	vm15 =	veq.s32 v6, $0x0;
	vm2 =	vmand vm12, vm14  }
0x18d: {  	vm4 =	veq.s32 v3, $0xFFFFFFFF;
	vm0 =	vmand vm12, vm15;
	vm1 =	vmor vm13, vm2  }
0x18e: {  	v3 =	vsel vm4, $0x0, v7;
	vm0 =	vmor vm0, vm1  }
0x18f: {  	v3 =	vsel vm0, $0xBF800000, v3  }
0x190: {  	[tilespmem:v5+s19+$0x0] =	vst.idx.msk $0xffff, v3  }
0x191: {  	v5 =	vor.u32 $0x7001, v1;
	v3 =	vld.idx.msk [tilespmem:v4+s12+$0x0], $0xffff  }
0x192: {  	v6 =	vor.u32 $0x1, v4;
	_ =	sdelay $0x3  }
0x193: {  	[tilespmem:v5+s19+$0x0] =	vst.idx.msk $0xffff, v3  }
0x194: {  	v5 =	vor.u32 $0x7002, v1;
	v3 =	vld.idx.msk [tilespmem:v6+s12+$0x0], $0xffff  }
0x195: {  	v6 =	vor.u32 $0x2, v4;
	_ =	sdelay $0x3  }
0x196: {  	[tilespmem:v5+s19+$0x0] =	vst.idx.msk $0xffff, v3  }
0x197: {  	v5 =	vor.u32 $0x7003, v1;
	v3 =	vld.idx.msk [tilespmem:v6+s12+$0x0], $0xffff  }
0x198: {  	v4 =	vor.u32 $0x3, v4;
	_ =	sdelay $0x3  }
0x199: {  	[tilespmem:v5+s19+$0x0] =	vst.idx.msk $0xffff, v3  }
0x19a: {  	v3 =	vld.idx.msk [tilespmem:v4+s12+$0x0], $0xffff;
	v4 =	vor.u32 $0x7004, v1  }
0x19b: {  	v5 =	vor.u32 $0xF0, v0;
	_ =	sdelay $0x3  }
0x19c: {  	[tilespmem:v4+s19+$0x0] =	vst.idx.msk $0xffff, v3  }
0x19d: {  	v3 =	vld.idx.msk [tilespmem:v5+s4+$0x0], $0xffff;
	_ =	sdelay $0x4  }
0x19e: {  	vm5 =	vgt.s32 v3, $0x0  }
0x19f: {  	v4 =	vnsel vm5, $0x0, v3  }
0x1a0: {  	v4 =	vmin.u32 v4, $0x63;
	_ =	sdelay $0x4  }
0x1a1: {  	v5 =	vld.idx.msk [tilespmem:v4+s13+$0x0], $0xffff  }
0x1a2: {  	v6 =	vld.idx.msk [tilespmem:v4+s14+$0x0], $0xffff;
	_ =	sdelay $0x1  }
0x1a3: {  	vm6 =	vgt.s32 v3, $0xFFFFFFFF  }
0x1a4: {  	vm7 =	veq.s32 v3, $0xFFFFFFFE;
	v7 =	vsel vm6, $0x3F800000, v2  }
0x1a5: {  	v7 =	vmin.f32 v7, v5;
	vm8 =	vlt.f32 v5, $1.000000000e+00;
	v5 =	vor.u32 $0x7800, v1  }
0x1a6: {  	v4 =	vshll.u32 v4, $0x7;
	vm9 =	veq.s32 v6, $0x0;
	vm2 =	vmand vm6, vm8  }
0x1a7: {  	vm10 =	veq.s32 v3, $0xFFFFFFFF;
	vm0 =	vmand vm6, vm9;
	vm1 =	vmor vm7, vm2  }
0x1a8: {  	v3 =	vsel vm10, $0x0, v7;
	vm0 =	vmor vm0, vm1  }
0x1a9: {  	v3 =	vsel vm0, $0xBF800000, v3  }
0x1aa: {  	[tilespmem:v5+s19+$0x0] =	vst.idx.msk $0xffff, v3  }
0x1ab: {  	v5 =	vor.u32 $0x7801, v1;
	v3 =	vld.idx.msk [tilespmem:v4+s12+$0x0], $0xffff  }
0x1ac: {  	v6 =	vor.u32 $0x1, v4;
	_ =	sdelay $0x3  }
0x1ad: {  	[tilespmem:v5+s19+$0x0] =	vst.idx.msk $0xffff, v3  }
0x1ae: {  	v5 =	vor.u32 $0x7802, v1;
	v3 =	vld.idx.msk [tilespmem:v6+s12+$0x0], $0xffff  }
0x1af: {  	v6 =	vor.u32 $0x2, v4;
	_ =	sdelay $0x3  }
0x1b0: {  	[tilespmem:v5+s19+$0x0] =	vst.idx.msk $0xffff, v3  }
0x1b1: {  	v5 =	vor.u32 $0x7803, v1;
	v3 =	vld.idx.msk [tilespmem:v6+s12+$0x0], $0xffff  }
0x1b2: {  	v4 =	vor.u32 $0x3, v4;
	_ =	sdelay $0x3  }
0x1b3: {  	[tilespmem:v5+s19+$0x0] =	vst.idx.msk $0xffff, v3  }
0x1b4: {  	v3 =	vld.idx.msk [tilespmem:v4+s12+$0x0], $0xffff;
	v4 =	vor.u32 $0x7804, v1  }
0x1b5: {  	v5 =	vor.u32 $0x100, v0;
	_ =	sdelay $0x3  }
0x1b6: {  	[tilespmem:v4+s19+$0x0] =	vst.idx.msk $0xffff, v3  }
0x1b7: {  	v3 =	vld.idx.msk [tilespmem:v5+s4+$0x0], $0xffff;
	_ =	sdelay $0x4  }
0x1b8: {  	vm11 =	vgt.s32 v3, $0x0  }
0x1b9: {  	v4 =	vnsel vm11, $0x0, v3  }
0x1ba: {  	v4 =	vmin.u32 v4, $0x63;
	_ =	sdelay $0x4  }
0x1bb: {  	v5 =	vld.idx.msk [tilespmem:v4+s13+$0x0], $0xffff  }
0x1bc: {  	v6 =	vld.idx.msk [tilespmem:v4+s14+$0x0], $0xffff;
	_ =	sdelay $0x1  }
0x1bd: {  	vm12 =	vgt.s32 v3, $0xFFFFFFFF  }
0x1be: {  	vm13 =	veq.s32 v3, $0xFFFFFFFE;
	v7 =	vsel vm12, $0x3F800000, v2  }
0x1bf: {  	v7 =	vmin.f32 v7, v5;
	vm14 =	vlt.f32 v5, $1.000000000e+00;
	v5 =	vor.u32 $0x8000, v1  }
0x1c0: {  	v4 =	vshll.u32 v4, $0x7;
	vm15 =	veq.s32 v6, $0x0;
	vm2 =	vmand vm12, vm14  }
0x1c1: {  	vm4 =	veq.s32 v3, $0xFFFFFFFF;
	vm0 =	vmand vm12, vm15;
	vm1 =	vmor vm13, vm2  }
0x1c2: {  	v3 =	vsel vm4, $0x0, v7;
	vm0 =	vmor vm0, vm1  }
0x1c3: {  	v3 =	vsel vm0, $0xBF800000, v3  }
0x1c4: {  	[tilespmem:v5+s19+$0x0] =	vst.idx.msk $0xffff, v3  }
0x1c5: {  	v5 =	vor.u32 $0x8001, v1;
	v3 =	vld.idx.msk [tilespmem:v4+s12+$0x0], $0xffff  }
0x1c6: {  	v6 =	vor.u32 $0x1, v4;
	_ =	sdelay $0x3  }
0x1c7: {  	[tilespmem:v5+s19+$0x0] =	vst.idx.msk $0xffff, v3  }
0x1c8: {  	v5 =	vor.u32 $0x8002, v1;
	v3 =	vld.idx.msk [tilespmem:v6+s12+$0x0], $0xffff  }
0x1c9: {  	v6 =	vor.u32 $0x2, v4;
	_ =	sdelay $0x3  }
0x1ca: {  	[tilespmem:v5+s19+$0x0] =	vst.idx.msk $0xffff, v3  }
0x1cb: {  	v5 =	vor.u32 $0x8003, v1;
	v3 =	vld.idx.msk [tilespmem:v6+s12+$0x0], $0xffff  }
0x1cc: {  	v4 =	vor.u32 $0x3, v4;
	_ =	sdelay $0x3  }
0x1cd: {  	[tilespmem:v5+s19+$0x0] =	vst.idx.msk $0xffff, v3  }
0x1ce: {  	v3 =	vld.idx.msk [tilespmem:v4+s12+$0x0], $0xffff;
	v4 =	vor.u32 $0x8004, v1  }
0x1cf: {  	v5 =	vor.u32 $0x110, v0;
	_ =	sdelay $0x3  }
0x1d0: {  	[tilespmem:v4+s19+$0x0] =	vst.idx.msk $0xffff, v3  }
0x1d1: {  	v3 =	vld.idx.msk [tilespmem:v5+s4+$0x0], $0xffff;
	_ =	sdelay $0x4  }
0x1d2: {  	vm5 =	vgt.s32 v3, $0x0  }
0x1d3: {  	v4 =	vnsel vm5, $0x0, v3  }
0x1d4: {  	v4 =	vmin.u32 v4, $0x63;
	_ =	sdelay $0x4  }
0x1d5: {  	v5 =	vld.idx.msk [tilespmem:v4+s13+$0x0], $0xffff  }
0x1d6: {  	v6 =	vld.idx.msk [tilespmem:v4+s14+$0x0], $0xffff;
	_ =	sdelay $0x1  }
0x1d7: {  	vm6 =	vgt.s32 v3, $0xFFFFFFFF  }
0x1d8: {  	vm7 =	veq.s32 v3, $0xFFFFFFFE;
	v7 =	vsel vm6, $0x3F800000, v2  }
0x1d9: {  	v7 =	vmin.f32 v7, v5;
	vm8 =	vlt.f32 v5, $1.000000000e+00;
	v5 =	vor.u32 $0x8800, v1  }
0x1da: {  	v4 =	vshll.u32 v4, $0x7;
	vm9 =	veq.s32 v6, $0x0;
	vm2 =	vmand vm6, vm8  }
0x1db: {  	vm10 =	veq.s32 v3, $0xFFFFFFFF;
	vm0 =	vmand vm6, vm9;
	vm1 =	vmor vm7, vm2  }
0x1dc: {  	v3 =	vsel vm10, $0x0, v7;
	vm0 =	vmor vm0, vm1  }
0x1dd: {  	v3 =	vsel vm0, $0xBF800000, v3  }
0x1de: {  	[tilespmem:v5+s19+$0x0] =	vst.idx.msk $0xffff, v3  }
0x1df: {  	v5 =	vor.u32 $0x8801, v1;
	v3 =	vld.idx.msk [tilespmem:v4+s12+$0x0], $0xffff  }
0x1e0: {  	v6 =	vor.u32 $0x1, v4;
	_ =	sdelay $0x3  }
0x1e1: {  	[tilespmem:v5+s19+$0x0] =	vst.idx.msk $0xffff, v3  }
0x1e2: {  	v5 =	vor.u32 $0x8802, v1;
	v3 =	vld.idx.msk [tilespmem:v6+s12+$0x0], $0xffff  }
0x1e3: {  	v6 =	vor.u32 $0x2, v4;
	_ =	sdelay $0x3  }
0x1e4: {  	[tilespmem:v5+s19+$0x0] =	vst.idx.msk $0xffff, v3  }
0x1e5: {  	v5 =	vor.u32 $0x8803, v1;
	v3 =	vld.idx.msk [tilespmem:v6+s12+$0x0], $0xffff  }
0x1e6: {  	v4 =	vor.u32 $0x3, v4;
	_ =	sdelay $0x3  }
0x1e7: {  	[tilespmem:v5+s19+$0x0] =	vst.idx.msk $0xffff, v3  }
0x1e8: {  	v3 =	vld.idx.msk [tilespmem:v4+s12+$0x0], $0xffff;
	v4 =	vor.u32 $0x8804, v1  }
0x1e9: {  	v5 =	vor.u32 $0x120, v0;
	_ =	sdelay $0x3  }
0x1ea: {  	[tilespmem:v4+s19+$0x0] =	vst.idx.msk $0xffff, v3  }
0x1eb: {  	v3 =	vld.idx.msk [tilespmem:v5+s4+$0x0], $0xffff;
	_ =	sdelay $0x4  }
0x1ec: {  	vm11 =	vgt.s32 v3, $0x0  }
0x1ed: {  	v4 =	vnsel vm11, $0x0, v3  }
0x1ee: {  	v4 =	vmin.u32 v4, $0x63;
	_ =	sdelay $0x4  }
0x1ef: {  	v5 =	vld.idx.msk [tilespmem:v4+s13+$0x0], $0xffff  }
0x1f0: {  	v6 =	vld.idx.msk [tilespmem:v4+s14+$0x0], $0xffff;
	_ =	sdelay $0x1  }
0x1f1: {  	vm12 =	vgt.s32 v3, $0xFFFFFFFF  }
0x1f2: {  	vm13 =	veq.s32 v3, $0xFFFFFFFE;
	v7 =	vsel vm12, $0x3F800000, v2  }
0x1f3: {  	v7 =	vmin.f32 v7, v5;
	vm14 =	vlt.f32 v5, $1.000000000e+00;
	v5 =	vor.u32 $0x9000, v1  }
0x1f4: {  	v4 =	vshll.u32 v4, $0x7;
	vm15 =	veq.s32 v6, $0x0;
	vm2 =	vmand vm12, vm14  }
0x1f5: {  	vm4 =	veq.s32 v3, $0xFFFFFFFF;
	vm0 =	vmand vm12, vm15;
	vm1 =	vmor vm13, vm2  }
0x1f6: {  	v3 =	vsel vm4, $0x0, v7;
	vm0 =	vmor vm0, vm1  }
0x1f7: {  	v3 =	vsel vm0, $0xBF800000, v3  }
0x1f8: {  	[tilespmem:v5+s19+$0x0] =	vst.idx.msk $0xffff, v3  }
0x1f9: {  	v5 =	vor.u32 $0x9001, v1;
	v3 =	vld.idx.msk [tilespmem:v4+s12+$0x0], $0xffff  }
0x1fa: {  	v6 =	vor.u32 $0x1, v4;
	_ =	sdelay $0x3  }
0x1fb: {  	[tilespmem:v5+s19+$0x0] =	vst.idx.msk $0xffff, v3  }
0x1fc: {  	v5 =	vor.u32 $0x9002, v1;
	v3 =	vld.idx.msk [tilespmem:v6+s12+$0x0], $0xffff  }
0x1fd: {  	v6 =	vor.u32 $0x2, v4;
	_ =	sdelay $0x3  }
0x1fe: {  	[tilespmem:v5+s19+$0x0] =	vst.idx.msk $0xffff, v3  }
0x1ff: {  	v5 =	vor.u32 $0x9003, v1;
	v3 =	vld.idx.msk [tilespmem:v6+s12+$0x0], $0xffff  }
0x200: {  	v4 =	vor.u32 $0x3, v4;
	_ =	sdelay $0x3  }
0x201: {  	[tilespmem:v5+s19+$0x0] =	vst.idx.msk $0xffff, v3  }
0x202: {  	v3 =	vld.idx.msk [tilespmem:v4+s12+$0x0], $0xffff;
	v4 =	vor.u32 $0x9004, v1  }
0x203: {  	v5 =	vor.u32 $0x130, v0;
	_ =	sdelay $0x3  }
0x204: {  	[tilespmem:v4+s19+$0x0] =	vst.idx.msk $0xffff, v3  }
0x205: {  	v3 =	vld.idx.msk [tilespmem:v5+s4+$0x0], $0xffff;
	_ =	sdelay $0x4  }
0x206: {  	vm5 =	vgt.s32 v3, $0x0  }
0x207: {  	v4 =	vnsel vm5, $0x0, v3  }
0x208: {  	v4 =	vmin.u32 v4, $0x63;
	_ =	sdelay $0x4  }
0x209: {  	v5 =	vld.idx.msk [tilespmem:v4+s13+$0x0], $0xffff  }
0x20a: {  	v6 =	vld.idx.msk [tilespmem:v4+s14+$0x0], $0xffff;
	_ =	sdelay $0x1  }
0x20b: {  	vm6 =	vgt.s32 v3, $0xFFFFFFFF  }
0x20c: {  	vm7 =	veq.s32 v3, $0xFFFFFFFE;
	v7 =	vsel vm6, $0x3F800000, v2  }
0x20d: {  	v7 =	vmin.f32 v7, v5;
	vm8 =	vlt.f32 v5, $1.000000000e+00;
	v5 =	vor.u32 $0x9800, v1  }
0x20e: {  	v4 =	vshll.u32 v4, $0x7;
	vm9 =	veq.s32 v6, $0x0;
	vm2 =	vmand vm6, vm8  }
0x20f: {  	vm10 =	veq.s32 v3, $0xFFFFFFFF;
	vm0 =	vmand vm6, vm9;
	vm1 =	vmor vm7, vm2  }
0x210: {  	v3 =	vsel vm10, $0x0, v7;
	vm0 =	vmor vm0, vm1  }
0x211: {  	v3 =	vsel vm0, $0xBF800000, v3  }
0x212: {  	[tilespmem:v5+s19+$0x0] =	vst.idx.msk $0xffff, v3  }
0x213: {  	v5 =	vor.u32 $0x9801, v1;
	v3 =	vld.idx.msk [tilespmem:v4+s12+$0x0], $0xffff  }
0x214: {  	v6 =	vor.u32 $0x1, v4;
	_ =	sdelay $0x3  }
0x215: {  	[tilespmem:v5+s19+$0x0] =	vst.idx.msk $0xffff, v3  }
0x216: {  	v5 =	vor.u32 $0x9802, v1;
	v3 =	vld.idx.msk [tilespmem:v6+s12+$0x0], $0xffff  }
0x217: {  	v6 =	vor.u32 $0x2, v4;
	_ =	sdelay $0x3  }
0x218: {  	[tilespmem:v5+s19+$0x0] =	vst.idx.msk $0xffff, v3  }
0x219: {  	v5 =	vor.u32 $0x9803, v1;
	v3 =	vld.idx.msk [tilespmem:v6+s12+$0x0], $0xffff  }
0x21a: {  	v4 =	vor.u32 $0x3, v4;
	_ =	sdelay $0x3  }
0x21b: {  	[tilespmem:v5+s19+$0x0] =	vst.idx.msk $0xffff, v3  }
0x21c: {  	v3 =	vld.idx.msk [tilespmem:v4+s12+$0x0], $0xffff;
	v4 =	vor.u32 $0x9804, v1  }
0x21d: {  	v5 =	vor.u32 $0x140, v0;
	_ =	sdelay $0x3  }
0x21e: {  	[tilespmem:v4+s19+$0x0] =	vst.idx.msk $0xffff, v3  }
0x21f: {  	v3 =	vld.idx.msk [tilespmem:v5+s4+$0x0], $0xffff;
	_ =	sdelay $0x4  }
0x220: {  	vm11 =	vgt.s32 v3, $0x0  }
0x221: {  	v4 =	vnsel vm11, $0x0, v3  }
0x222: {  	v4 =	vmin.u32 v4, $0x63;
	_ =	sdelay $0x4  }
0x223: {  	v5 =	vld.idx.msk [tilespmem:v4+s13+$0x0], $0xffff  }
0x224: {  	v6 =	vld.idx.msk [tilespmem:v4+s14+$0x0], $0xffff;
	_ =	sdelay $0x1  }
0x225: {  	vm12 =	vgt.s32 v3, $0xFFFFFFFF  }
0x226: {  	vm13 =	veq.s32 v3, $0xFFFFFFFE;
	v7 =	vsel vm12, $0x3F800000, v2  }
0x227: {  	v7 =	vmin.f32 v7, v5;
	vm14 =	vlt.f32 v5, $1.000000000e+00;
	v5 =	vor.u32 $0xA000, v1  }
0x228: {  	v4 =	vshll.u32 v4, $0x7;
	vm15 =	veq.s32 v6, $0x0;
	vm2 =	vmand vm12, vm14  }
0x229: {  	vm4 =	veq.s32 v3, $0xFFFFFFFF;
	vm0 =	vmand vm12, vm15;
	vm1 =	vmor vm13, vm2  }
0x22a: {  	v3 =	vsel vm4, $0x0, v7;
	vm0 =	vmor vm0, vm1  }
0x22b: {  	v3 =	vsel vm0, $0xBF800000, v3  }
0x22c: {  	[tilespmem:v5+s19+$0x0] =	vst.idx.msk $0xffff, v3  }
0x22d: {  	v5 =	vor.u32 $0xA001, v1;
	v3 =	vld.idx.msk [tilespmem:v4+s12+$0x0], $0xffff  }
0x22e: {  	v6 =	vor.u32 $0x1, v4;
	_ =	sdelay $0x3  }
0x22f: {  	[tilespmem:v5+s19+$0x0] =	vst.idx.msk $0xffff, v3  }
0x230: {  	v5 =	vor.u32 $0xA002, v1;
	v3 =	vld.idx.msk [tilespmem:v6+s12+$0x0], $0xffff  }
0x231: {  	v6 =	vor.u32 $0x2, v4;
	_ =	sdelay $0x3  }
0x232: {  	[tilespmem:v5+s19+$0x0] =	vst.idx.msk $0xffff, v3  }
0x233: {  	v5 =	vor.u32 $0xA003, v1;
	v3 =	vld.idx.msk [tilespmem:v6+s12+$0x0], $0xffff  }
0x234: {  	v4 =	vor.u32 $0x3, v4;
	_ =	sdelay $0x3  }
0x235: {  	[tilespmem:v5+s19+$0x0] =	vst.idx.msk $0xffff, v3  }
0x236: {  	v3 =	vld.idx.msk [tilespmem:v4+s12+$0x0], $0xffff;
	v4 =	vor.u32 $0xA004, v1  }
0x237: {  	v5 =	vor.u32 $0x150, v0;
	_ =	sdelay $0x3  }
0x238: {  	[tilespmem:v4+s19+$0x0] =	vst.idx.msk $0xffff, v3  }
0x239: {  	v3 =	vld.idx.msk [tilespmem:v5+s4+$0x0], $0xffff;
	_ =	sdelay $0x4  }
0x23a: {  	vm5 =	vgt.s32 v3, $0x0  }
0x23b: {  	v4 =	vnsel vm5, $0x0, v3  }
0x23c: {  	v4 =	vmin.u32 v4, $0x63;
	_ =	sdelay $0x4  }
0x23d: {  	v5 =	vld.idx.msk [tilespmem:v4+s13+$0x0], $0xffff  }
0x23e: {  	v6 =	vld.idx.msk [tilespmem:v4+s14+$0x0], $0xffff;
	_ =	sdelay $0x1  }
0x23f: {  	vm6 =	vgt.s32 v3, $0xFFFFFFFF  }
0x240: {  	vm7 =	veq.s32 v3, $0xFFFFFFFE;
	v7 =	vsel vm6, $0x3F800000, v2  }
0x241: {  	v7 =	vmin.f32 v7, v5;
	vm8 =	vlt.f32 v5, $1.000000000e+00;
	v5 =	vor.u32 $0xA800, v1  }
0x242: {  	v4 =	vshll.u32 v4, $0x7;
	vm9 =	veq.s32 v6, $0x0;
	vm2 =	vmand vm6, vm8  }
0x243: {  	vm10 =	veq.s32 v3, $0xFFFFFFFF;
	vm0 =	vmand vm6, vm9;
	vm1 =	vmor vm7, vm2  }
0x244: {  	v3 =	vsel vm10, $0x0, v7;
	vm0 =	vmor vm0, vm1  }
0x245: {  	v3 =	vsel vm0, $0xBF800000, v3  }
0x246: {  	[tilespmem:v5+s19+$0x0] =	vst.idx.msk $0xffff, v3  }
0x247: {  	v5 =	vor.u32 $0xA801, v1;
	v3 =	vld.idx.msk [tilespmem:v4+s12+$0x0], $0xffff  }
0x248: {  	v6 =	vor.u32 $0x1, v4;
	_ =	sdelay $0x3  }
0x249: {  	[tilespmem:v5+s19+$0x0] =	vst.idx.msk $0xffff, v3  }
0x24a: {  	v5 =	vor.u32 $0xA802, v1;
	v3 =	vld.idx.msk [tilespmem:v6+s12+$0x0], $0xffff  }
0x24b: {  	v6 =	vor.u32 $0x2, v4;
	_ =	sdelay $0x3  }
0x24c: {  	[tilespmem:v5+s19+$0x0] =	vst.idx.msk $0xffff, v3  }
0x24d: {  	v5 =	vor.u32 $0xA803, v1;
	v3 =	vld.idx.msk [tilespmem:v6+s12+$0x0], $0xffff  }
0x24e: {  	v4 =	vor.u32 $0x3, v4;
	_ =	sdelay $0x3  }
0x24f: {  	[tilespmem:v5+s19+$0x0] =	vst.idx.msk $0xffff, v3  }
0x250: {  	v3 =	vld.idx.msk [tilespmem:v4+s12+$0x0], $0xffff;
	v4 =	vor.u32 $0xA804, v1  }
0x251: {  	v5 =	vor.u32 $0x160, v0;
	_ =	sdelay $0x3  }
0x252: {  	[tilespmem:v4+s19+$0x0] =	vst.idx.msk $0xffff, v3  }
0x253: {  	v3 =	vld.idx.msk [tilespmem:v5+s4+$0x0], $0xffff;
	_ =	sdelay $0x4  }
0x254: {  	vm11 =	vgt.s32 v3, $0x0  }
0x255: {  	v4 =	vnsel vm11, $0x0, v3  }
0x256: {  	v4 =	vmin.u32 v4, $0x63;
	_ =	sdelay $0x4  }
0x257: {  	v5 =	vld.idx.msk [tilespmem:v4+s13+$0x0], $0xffff  }
0x258: {  	v6 =	vld.idx.msk [tilespmem:v4+s14+$0x0], $0xffff;
	_ =	sdelay $0x1  }
0x259: {  	vm12 =	vgt.s32 v3, $0xFFFFFFFF  }
0x25a: {  	vm13 =	veq.s32 v3, $0xFFFFFFFE;
	v7 =	vsel vm12, $0x3F800000, v2  }
0x25b: {  	v7 =	vmin.f32 v7, v5;
	vm14 =	vlt.f32 v5, $1.000000000e+00;
	v5 =	vor.u32 $0xB000, v1  }
0x25c: {  	v4 =	vshll.u32 v4, $0x7;
	vm15 =	veq.s32 v6, $0x0;
	vm2 =	vmand vm12, vm14  }
0x25d: {  	vm4 =	veq.s32 v3, $0xFFFFFFFF;
	vm0 =	vmand vm12, vm15;
	vm1 =	vmor vm13, vm2  }
0x25e: {  	v3 =	vsel vm4, $0x0, v7;
	vm0 =	vmor vm0, vm1  }
0x25f: {  	v3 =	vsel vm0, $0xBF800000, v3  }
0x260: {  	[tilespmem:v5+s19+$0x0] =	vst.idx.msk $0xffff, v3  }
0x261: {  	v5 =	vor.u32 $0xB001, v1;
	v3 =	vld.idx.msk [tilespmem:v4+s12+$0x0], $0xffff  }
0x262: {  	v6 =	vor.u32 $0x1, v4;
	_ =	sdelay $0x3  }
0x263: {  	[tilespmem:v5+s19+$0x0] =	vst.idx.msk $0xffff, v3  }
0x264: {  	v5 =	vor.u32 $0xB002, v1;
	v3 =	vld.idx.msk [tilespmem:v6+s12+$0x0], $0xffff  }
0x265: {  	v6 =	vor.u32 $0x2, v4;
	_ =	sdelay $0x3  }
0x266: {  	[tilespmem:v5+s19+$0x0] =	vst.idx.msk $0xffff, v3  }
0x267: {  	v5 =	vor.u32 $0xB003, v1;
	v3 =	vld.idx.msk [tilespmem:v6+s12+$0x0], $0xffff  }
0x268: {  	v4 =	vor.u32 $0x3, v4;
	_ =	sdelay $0x3  }
0x269: {  	[tilespmem:v5+s19+$0x0] =	vst.idx.msk $0xffff, v3  }
0x26a: {  	v3 =	vld.idx.msk [tilespmem:v4+s12+$0x0], $0xffff;
	v4 =	vor.u32 $0xB004, v1  }
0x26b: {  	v5 =	vor.u32 $0x170, v0;
	_ =	sdelay $0x3  }
0x26c: {  	[tilespmem:v4+s19+$0x0] =	vst.idx.msk $0xffff, v3  }
0x26d: {  	v3 =	vld.idx.msk [tilespmem:v5+s4+$0x0], $0xffff;
	_ =	sdelay $0x4  }
0x26e: {  	vm5 =	vgt.s32 v3, $0x0  }
0x26f: {  	v4 =	vnsel vm5, $0x0, v3  }
0x270: {  	v4 =	vmin.u32 v4, $0x63;
	_ =	sdelay $0x4  }
0x271: {  	v5 =	vld.idx.msk [tilespmem:v4+s13+$0x0], $0xffff  }
0x272: {  	v6 =	vld.idx.msk [tilespmem:v4+s14+$0x0], $0xffff;
	_ =	sdelay $0x1  }
0x273: {  	vm6 =	vgt.s32 v3, $0xFFFFFFFF  }
0x274: {  	vm7 =	veq.s32 v3, $0xFFFFFFFE;
	v7 =	vsel vm6, $0x3F800000, v2  }
0x275: {  	v7 =	vmin.f32 v7, v5;
	vm8 =	vlt.f32 v5, $1.000000000e+00;
	v5 =	vor.u32 $0xB800, v1  }
0x276: {  	v4 =	vshll.u32 v4, $0x7;
	vm9 =	veq.s32 v6, $0x0;
	vm2 =	vmand vm6, vm8  }
0x277: {  	vm10 =	veq.s32 v3, $0xFFFFFFFF;
	vm0 =	vmand vm6, vm9;
	vm1 =	vmor vm7, vm2  }
0x278: {  	v3 =	vsel vm10, $0x0, v7;
	vm0 =	vmor vm0, vm1  }
0x279: {  	v3 =	vsel vm0, $0xBF800000, v3  }
0x27a: {  	[tilespmem:v5+s19+$0x0] =	vst.idx.msk $0xffff, v3  }
0x27b: {  	v5 =	vor.u32 $0xB801, v1;
	v3 =	vld.idx.msk [tilespmem:v4+s12+$0x0], $0xffff  }
0x27c: {  	v6 =	vor.u32 $0x1, v4;
	_ =	sdelay $0x3  }
0x27d: {  	[tilespmem:v5+s19+$0x0] =	vst.idx.msk $0xffff, v3  }
0x27e: {  	v5 =	vor.u32 $0xB802, v1;
	v3 =	vld.idx.msk [tilespmem:v6+s12+$0x0], $0xffff  }
0x27f: {  	v6 =	vor.u32 $0x2, v4;
	_ =	sdelay $0x3  }
0x280: {  	[tilespmem:v5+s19+$0x0] =	vst.idx.msk $0xffff, v3  }
0x281: {  	v5 =	vor.u32 $0xB803, v1;
	v3 =	vld.idx.msk [tilespmem:v6+s12+$0x0], $0xffff  }
0x282: {  	v4 =	vor.u32 $0x3, v4;
	_ =	sdelay $0x3  }
0x283: {  	[tilespmem:v5+s19+$0x0] =	vst.idx.msk $0xffff, v3  }
0x284: {  	v3 =	vld.idx.msk [tilespmem:v4+s12+$0x0], $0xffff;
	v4 =	vor.u32 $0xB804, v1  }
0x285: {  	v5 =	vor.u32 $0x180, v0;
	_ =	sdelay $0x3  }
0x286: {  	[tilespmem:v4+s19+$0x0] =	vst.idx.msk $0xffff, v3  }
0x287: {  	v3 =	vld.idx.msk [tilespmem:v5+s4+$0x0], $0xffff;
	_ =	sdelay $0x4  }
0x288: {  	vm11 =	vgt.s32 v3, $0x0  }
0x289: {  	v4 =	vnsel vm11, $0x0, v3  }
0x28a: {  	v4 =	vmin.u32 v4, $0x63;
	_ =	sdelay $0x4  }
0x28b: {  	v5 =	vld.idx.msk [tilespmem:v4+s13+$0x0], $0xffff  }
0x28c: {  	v6 =	vld.idx.msk [tilespmem:v4+s14+$0x0], $0xffff;
	_ =	sdelay $0x1  }
0x28d: {  	vm12 =	vgt.s32 v3, $0xFFFFFFFF  }
0x28e: {  	vm13 =	veq.s32 v3, $0xFFFFFFFE;
	v7 =	vsel vm12, $0x3F800000, v2  }
0x28f: {  	v7 =	vmin.f32 v7, v5;
	vm14 =	vlt.f32 v5, $1.000000000e+00;
	v5 =	vor.u32 $0xC000, v1  }
0x290: {  	v4 =	vshll.u32 v4, $0x7;
	vm15 =	veq.s32 v6, $0x0;
	vm2 =	vmand vm12, vm14  }
0x291: {  	vm4 =	veq.s32 v3, $0xFFFFFFFF;
	vm0 =	vmand vm12, vm15;
	vm1 =	vmor vm13, vm2  }
0x292: {  	v3 =	vsel vm4, $0x0, v7;
	vm0 =	vmor vm0, vm1  }
0x293: {  	v3 =	vsel vm0, $0xBF800000, v3  }
0x294: {  	[tilespmem:v5+s19+$0x0] =	vst.idx.msk $0xffff, v3  }
0x295: {  	v5 =	vor.u32 $0xC001, v1;
	v3 =	vld.idx.msk [tilespmem:v4+s12+$0x0], $0xffff  }
0x296: {  	v6 =	vor.u32 $0x1, v4;
	_ =	sdelay $0x3  }
0x297: {  	[tilespmem:v5+s19+$0x0] =	vst.idx.msk $0xffff, v3  }
0x298: {  	v5 =	vor.u32 $0xC002, v1;
	v3 =	vld.idx.msk [tilespmem:v6+s12+$0x0], $0xffff  }
0x299: {  	v6 =	vor.u32 $0x2, v4;
	_ =	sdelay $0x3  }
0x29a: {  	[tilespmem:v5+s19+$0x0] =	vst.idx.msk $0xffff, v3  }
0x29b: {  	v5 =	vor.u32 $0xC003, v1;
	v3 =	vld.idx.msk [tilespmem:v6+s12+$0x0], $0xffff  }
0x29c: {  	v4 =	vor.u32 $0x3, v4;
	_ =	sdelay $0x3  }
0x29d: {  	[tilespmem:v5+s19+$0x0] =	vst.idx.msk $0xffff, v3  }
0x29e: {  	v3 =	vld.idx.msk [tilespmem:v4+s12+$0x0], $0xffff;
	v4 =	vor.u32 $0xC004, v1  }
0x29f: {  	v5 =	vor.u32 $0x190, v0;
	_ =	sdelay $0x3  }
0x2a0: {  	[tilespmem:v4+s19+$0x0] =	vst.idx.msk $0xffff, v3  }
0x2a1: {  	v3 =	vld.idx.msk [tilespmem:v5+s4+$0x0], $0xffff;
	_ =	sdelay $0x4  }
0x2a2: {  	vm5 =	vgt.s32 v3, $0x0  }
0x2a3: {  	v4 =	vnsel vm5, $0x0, v3  }
0x2a4: {  	v4 =	vmin.u32 v4, $0x63;
	_ =	sdelay $0x4  }
0x2a5: {  	v5 =	vld.idx.msk [tilespmem:v4+s13+$0x0], $0xffff  }
0x2a6: {  	v6 =	vld.idx.msk [tilespmem:v4+s14+$0x0], $0xffff;
	_ =	sdelay $0x1  }
0x2a7: {  	vm6 =	vgt.s32 v3, $0xFFFFFFFF  }
0x2a8: {  	vm7 =	veq.s32 v3, $0xFFFFFFFE;
	v7 =	vsel vm6, $0x3F800000, v2  }
0x2a9: {  	v7 =	vmin.f32 v7, v5;
	vm8 =	vlt.f32 v5, $1.000000000e+00;
	v5 =	vor.u32 $0xC800, v1  }
0x2aa: {  	v4 =	vshll.u32 v4, $0x7;
	vm9 =	veq.s32 v6, $0x0;
	vm2 =	vmand vm6, vm8  }
0x2ab: {  	vm10 =	veq.s32 v3, $0xFFFFFFFF;
	vm0 =	vmand vm6, vm9;
	vm1 =	vmor vm7, vm2  }
0x2ac: {  	v3 =	vsel vm10, $0x0, v7;
	vm0 =	vmor vm0, vm1  }
0x2ad: {  	v3 =	vsel vm0, $0xBF800000, v3  }
0x2ae: {  	[tilespmem:v5+s19+$0x0] =	vst.idx.msk $0xffff, v3  }
0x2af: {  	v5 =	vor.u32 $0xC801, v1;
	v3 =	vld.idx.msk [tilespmem:v4+s12+$0x0], $0xffff  }
0x2b0: {  	v6 =	vor.u32 $0x1, v4;
	_ =	sdelay $0x3  }
0x2b1: {  	[tilespmem:v5+s19+$0x0] =	vst.idx.msk $0xffff, v3  }
0x2b2: {  	v5 =	vor.u32 $0xC802, v1;
	v3 =	vld.idx.msk [tilespmem:v6+s12+$0x0], $0xffff  }
0x2b3: {  	v6 =	vor.u32 $0x2, v4;
	_ =	sdelay $0x3  }
0x2b4: {  	[tilespmem:v5+s19+$0x0] =	vst.idx.msk $0xffff, v3  }
0x2b5: {  	v5 =	vor.u32 $0xC803, v1;
	v3 =	vld.idx.msk [tilespmem:v6+s12+$0x0], $0xffff  }
0x2b6: {  	v4 =	vor.u32 $0x3, v4;
	_ =	sdelay $0x3  }
0x2b7: {  	[tilespmem:v5+s19+$0x0] =	vst.idx.msk $0xffff, v3  }
0x2b8: {  	v3 =	vld.idx.msk [tilespmem:v4+s12+$0x0], $0xffff;
	v4 =	vor.u32 $0xC804, v1  }
0x2b9: {  	v5 =	vor.u32 $0x1A0, v0;
	_ =	sdelay $0x3  }
0x2ba: {  	[tilespmem:v4+s19+$0x0] =	vst.idx.msk $0xffff, v3  }
0x2bb: {  	v3 =	vld.idx.msk [tilespmem:v5+s4+$0x0], $0xffff;
	_ =	sdelay $0x4  }
0x2bc: {  	vm11 =	vgt.s32 v3, $0x0  }
0x2bd: {  	v4 =	vnsel vm11, $0x0, v3  }
0x2be: {  	v4 =	vmin.u32 v4, $0x63;
	_ =	sdelay $0x4  }
0x2bf: {  	v5 =	vld.idx.msk [tilespmem:v4+s13+$0x0], $0xffff  }
0x2c0: {  	v6 =	vld.idx.msk [tilespmem:v4+s14+$0x0], $0xffff;
	_ =	sdelay $0x1  }
0x2c1: {  	vm12 =	vgt.s32 v3, $0xFFFFFFFF  }
0x2c2: {  	vm13 =	veq.s32 v3, $0xFFFFFFFE;
	v7 =	vsel vm12, $0x3F800000, v2  }
0x2c3: {  	v7 =	vmin.f32 v7, v5;
	vm14 =	vlt.f32 v5, $1.000000000e+00;
	v5 =	vor.u32 $0xD000, v1  }
0x2c4: {  	v4 =	vshll.u32 v4, $0x7;
	vm15 =	veq.s32 v6, $0x0;
	vm2 =	vmand vm12, vm14  }
0x2c5: {  	vm4 =	veq.s32 v3, $0xFFFFFFFF;
	vm0 =	vmand vm12, vm15;
	vm1 =	vmor vm13, vm2  }
0x2c6: {  	v3 =	vsel vm4, $0x0, v7;
	vm0 =	vmor vm0, vm1  }
0x2c7: {  	v3 =	vsel vm0, $0xBF800000, v3  }
0x2c8: {  	[tilespmem:v5+s19+$0x0] =	vst.idx.msk $0xffff, v3  }
0x2c9: {  	v5 =	vor.u32 $0xD001, v1;
	v3 =	vld.idx.msk [tilespmem:v4+s12+$0x0], $0xffff  }
0x2ca: {  	v6 =	vor.u32 $0x1, v4;
	_ =	sdelay $0x3  }
0x2cb: {  	[tilespmem:v5+s19+$0x0] =	vst.idx.msk $0xffff, v3  }
0x2cc: {  	v5 =	vor.u32 $0xD002, v1;
	v3 =	vld.idx.msk [tilespmem:v6+s12+$0x0], $0xffff  }
0x2cd: {  	v6 =	vor.u32 $0x2, v4;
	_ =	sdelay $0x3  }
0x2ce: {  	[tilespmem:v5+s19+$0x0] =	vst.idx.msk $0xffff, v3  }
0x2cf: {  	v5 =	vor.u32 $0xD003, v1;
	v3 =	vld.idx.msk [tilespmem:v6+s12+$0x0], $0xffff  }
0x2d0: {  	v4 =	vor.u32 $0x3, v4;
	_ =	sdelay $0x3  }
0x2d1: {  	[tilespmem:v5+s19+$0x0] =	vst.idx.msk $0xffff, v3  }
0x2d2: {  	v3 =	vld.idx.msk [tilespmem:v4+s12+$0x0], $0xffff;
	v4 =	vor.u32 $0xD004, v1  }
0x2d3: {  	v5 =	vor.u32 $0x1B0, v0;
	_ =	sdelay $0x3  }
0x2d4: {  	[tilespmem:v4+s19+$0x0] =	vst.idx.msk $0xffff, v3  }
0x2d5: {  	v3 =	vld.idx.msk [tilespmem:v5+s4+$0x0], $0xffff;
	_ =	sdelay $0x4  }
0x2d6: {  	vm5 =	vgt.s32 v3, $0x0  }
0x2d7: {  	v4 =	vnsel vm5, $0x0, v3  }
0x2d8: {  	v4 =	vmin.u32 v4, $0x63;
	_ =	sdelay $0x4  }
0x2d9: {  	v5 =	vld.idx.msk [tilespmem:v4+s13+$0x0], $0xffff  }
0x2da: {  	v6 =	vld.idx.msk [tilespmem:v4+s14+$0x0], $0xffff;
	_ =	sdelay $0x1  }
0x2db: {  	vm6 =	vgt.s32 v3, $0xFFFFFFFF  }
0x2dc: {  	vm7 =	veq.s32 v3, $0xFFFFFFFE;
	v7 =	vsel vm6, $0x3F800000, v2  }
0x2dd: {  	v7 =	vmin.f32 v7, v5;
	vm8 =	vlt.f32 v5, $1.000000000e+00;
	v5 =	vor.u32 $0xD800, v1  }
0x2de: {  	v4 =	vshll.u32 v4, $0x7;
	vm9 =	veq.s32 v6, $0x0;
	vm2 =	vmand vm6, vm8  }
0x2df: {  	vm10 =	veq.s32 v3, $0xFFFFFFFF;
	vm0 =	vmand vm6, vm9;
	vm1 =	vmor vm7, vm2  }
0x2e0: {  	v3 =	vsel vm10, $0x0, v7;
	vm0 =	vmor vm0, vm1  }
0x2e1: {  	v3 =	vsel vm0, $0xBF800000, v3  }
0x2e2: {  	[tilespmem:v5+s19+$0x0] =	vst.idx.msk $0xffff, v3  }
0x2e3: {  	v5 =	vor.u32 $0xD801, v1;
	v3 =	vld.idx.msk [tilespmem:v4+s12+$0x0], $0xffff  }
0x2e4: {  	v6 =	vor.u32 $0x1, v4;
	_ =	sdelay $0x3  }
0x2e5: {  	[tilespmem:v5+s19+$0x0] =	vst.idx.msk $0xffff, v3  }
0x2e6: {  	v5 =	vor.u32 $0xD802, v1;
	v3 =	vld.idx.msk [tilespmem:v6+s12+$0x0], $0xffff  }
0x2e7: {  	v6 =	vor.u32 $0x2, v4;
	_ =	sdelay $0x3  }
0x2e8: {  	[tilespmem:v5+s19+$0x0] =	vst.idx.msk $0xffff, v3  }
0x2e9: {  	v5 =	vor.u32 $0xD803, v1;
	v3 =	vld.idx.msk [tilespmem:v6+s12+$0x0], $0xffff  }
0x2ea: {  	v4 =	vor.u32 $0x3, v4;
	_ =	sdelay $0x3  }
0x2eb: {  	[tilespmem:v5+s19+$0x0] =	vst.idx.msk $0xffff, v3  }
0x2ec: {  	v3 =	vld.idx.msk [tilespmem:v4+s12+$0x0], $0xffff;
	v4 =	vor.u32 $0xD804, v1  }
0x2ed: {  	v5 =	vor.u32 $0x1C0, v0;
	_ =	sdelay $0x3  }
0x2ee: {  	[tilespmem:v4+s19+$0x0] =	vst.idx.msk $0xffff, v3  }
0x2ef: {  	v3 =	vld.idx.msk [tilespmem:v5+s4+$0x0], $0xffff;
	_ =	sdelay $0x4  }
0x2f0: {  	vm11 =	vgt.s32 v3, $0x0  }
0x2f1: {  	v4 =	vnsel vm11, $0x0, v3  }
0x2f2: {  	v4 =	vmin.u32 v4, $0x63;
	_ =	sdelay $0x4  }
0x2f3: {  	v5 =	vld.idx.msk [tilespmem:v4+s13+$0x0], $0xffff  }
0x2f4: {  	v6 =	vld.idx.msk [tilespmem:v4+s14+$0x0], $0xffff;
	_ =	sdelay $0x1  }
0x2f5: {  	vm12 =	vgt.s32 v3, $0xFFFFFFFF  }
0x2f6: {  	vm13 =	veq.s32 v3, $0xFFFFFFFE;
	v7 =	vsel vm12, $0x3F800000, v2  }
0x2f7: {  	v7 =	vmin.f32 v7, v5;
	vm14 =	vlt.f32 v5, $1.000000000e+00;
	v5 =	vor.u32 $0xE000, v1  }
0x2f8: {  	v4 =	vshll.u32 v4, $0x7;
	vm15 =	veq.s32 v6, $0x0;
	vm2 =	vmand vm12, vm14  }
0x2f9: {  	vm4 =	veq.s32 v3, $0xFFFFFFFF;
	vm0 =	vmand vm12, vm15;
	vm1 =	vmor vm13, vm2  }
0x2fa: {  	v3 =	vsel vm4, $0x0, v7;
	vm0 =	vmor vm0, vm1  }
0x2fb: {  	v3 =	vsel vm0, $0xBF800000, v3  }
0x2fc: {  	[tilespmem:v5+s19+$0x0] =	vst.idx.msk $0xffff, v3  }
0x2fd: {  	v5 =	vor.u32 $0xE001, v1;
	v3 =	vld.idx.msk [tilespmem:v4+s12+$0x0], $0xffff  }
0x2fe: {  	v6 =	vor.u32 $0x1, v4;
	_ =	sdelay $0x3  }
0x2ff: {  	[tilespmem:v5+s19+$0x0] =	vst.idx.msk $0xffff, v3  }
0x300: {  	v5 =	vor.u32 $0xE002, v1;
	v3 =	vld.idx.msk [tilespmem:v6+s12+$0x0], $0xffff  }
0x301: {  	v6 =	vor.u32 $0x2, v4;
	_ =	sdelay $0x3  }
0x302: {  	[tilespmem:v5+s19+$0x0] =	vst.idx.msk $0xffff, v3  }
0x303: {  	v5 =	vor.u32 $0xE003, v1;
	v3 =	vld.idx.msk [tilespmem:v6+s12+$0x0], $0xffff  }
0x304: {  	v4 =	vor.u32 $0x3, v4;
	_ =	sdelay $0x3  }
0x305: {  	[tilespmem:v5+s19+$0x0] =	vst.idx.msk $0xffff, v3  }
0x306: {  	v3 =	vld.idx.msk [tilespmem:v4+s12+$0x0], $0xffff;
	v4 =	vor.u32 $0xE004, v1  }
0x307: {  	v5 =	vor.u32 $0x1D0, v0;
	_ =	sdelay $0x3  }
0x308: {  	[tilespmem:v4+s19+$0x0] =	vst.idx.msk $0xffff, v3  }
0x309: {  	v3 =	vld.idx.msk [tilespmem:v5+s4+$0x0], $0xffff;
	_ =	sdelay $0x4  }
0x30a: {  	vm5 =	vgt.s32 v3, $0x0  }
0x30b: {  	v4 =	vnsel vm5, $0x0, v3  }
0x30c: {  	v4 =	vmin.u32 v4, $0x63;
	_ =	sdelay $0x4  }
0x30d: {  	v5 =	vld.idx.msk [tilespmem:v4+s13+$0x0], $0xffff  }
0x30e: {  	v6 =	vld.idx.msk [tilespmem:v4+s14+$0x0], $0xffff;
	_ =	sdelay $0x1  }
0x30f: {  	vm6 =	vgt.s32 v3, $0xFFFFFFFF  }
0x310: {  	vm7 =	veq.s32 v3, $0xFFFFFFFE;
	v7 =	vsel vm6, $0x3F800000, v2  }
0x311: {  	v7 =	vmin.f32 v7, v5;
	vm8 =	vlt.f32 v5, $1.000000000e+00;
	v5 =	vor.u32 $0xE800, v1  }
0x312: {  	v4 =	vshll.u32 v4, $0x7;
	vm9 =	veq.s32 v6, $0x0;
	vm2 =	vmand vm6, vm8  }
0x313: {  	vm10 =	veq.s32 v3, $0xFFFFFFFF;
	vm0 =	vmand vm6, vm9;
	vm1 =	vmor vm7, vm2  }
0x314: {  	v3 =	vsel vm10, $0x0, v7;
	vm0 =	vmor vm0, vm1  }
0x315: {  	v3 =	vsel vm0, $0xBF800000, v3  }
0x316: {  	[tilespmem:v5+s19+$0x0] =	vst.idx.msk $0xffff, v3  }
0x317: {  	v5 =	vor.u32 $0xE801, v1;
	v3 =	vld.idx.msk [tilespmem:v4+s12+$0x0], $0xffff  }
0x318: {  	v6 =	vor.u32 $0x1, v4;
	_ =	sdelay $0x3  }
0x319: {  	[tilespmem:v5+s19+$0x0] =	vst.idx.msk $0xffff, v3  }
0x31a: {  	v5 =	vor.u32 $0xE802, v1;
	v3 =	vld.idx.msk [tilespmem:v6+s12+$0x0], $0xffff  }
0x31b: {  	v6 =	vor.u32 $0x2, v4;
	_ =	sdelay $0x3  }
0x31c: {  	[tilespmem:v5+s19+$0x0] =	vst.idx.msk $0xffff, v3  }
0x31d: {  	v5 =	vor.u32 $0xE803, v1;
	v3 =	vld.idx.msk [tilespmem:v6+s12+$0x0], $0xffff  }
0x31e: {  	v4 =	vor.u32 $0x3, v4;
	_ =	sdelay $0x3  }
0x31f: {  	[tilespmem:v5+s19+$0x0] =	vst.idx.msk $0xffff, v3  }
0x320: {  	v3 =	vld.idx.msk [tilespmem:v4+s12+$0x0], $0xffff;
	v4 =	vor.u32 $0xE804, v1  }
0x321: {  	v5 =	vor.u32 $0x1E0, v0;
	_ =	sdelay $0x3  }
0x322: {  	[tilespmem:v4+s19+$0x0] =	vst.idx.msk $0xffff, v3  }
0x323: {  	v3 =	vld.idx.msk [tilespmem:v5+s4+$0x0], $0xffff;
	_ =	sdelay $0x4  }
0x324: {  	vm11 =	vgt.s32 v3, $0x0  }
0x325: {  	v4 =	vnsel vm11, $0x0, v3  }
0x326: {  	v4 =	vmin.u32 v4, $0x63;
	_ =	sdelay $0x4  }
0x327: {  	v5 =	vld.idx.msk [tilespmem:v4+s13+$0x0], $0xffff  }
0x328: {  	v6 =	vld.idx.msk [tilespmem:v4+s14+$0x0], $0xffff;
	_ =	sdelay $0x1  }
0x329: {  	vm12 =	vgt.s32 v3, $0xFFFFFFFF  }
0x32a: {  	vm13 =	veq.s32 v3, $0xFFFFFFFE;
	v7 =	vsel vm12, $0x3F800000, v2  }
0x32b: {  	v7 =	vmin.f32 v7, v5;
	vm14 =	vlt.f32 v5, $1.000000000e+00;
	v5 =	vor.u32 $0xF000, v1  }
0x32c: {  	v4 =	vshll.u32 v4, $0x7;
	vm15 =	veq.s32 v6, $0x0;
	vm2 =	vmand vm12, vm14  }
0x32d: {  	vm4 =	veq.s32 v3, $0xFFFFFFFF;
	vm0 =	vmand vm12, vm15;
	vm1 =	vmor vm13, vm2  }
0x32e: {  	v3 =	vsel vm4, $0x0, v7;
	vm0 =	vmor vm0, vm1  }
0x32f: {  	v3 =	vsel vm0, $0xBF800000, v3  }
0x330: {  	[tilespmem:v5+s19+$0x0] =	vst.idx.msk $0xffff, v3  }
0x331: {  	v5 =	vor.u32 $0xF001, v1;
	v3 =	vld.idx.msk [tilespmem:v4+s12+$0x0], $0xffff  }
0x332: {  	v6 =	vor.u32 $0x1, v4;
	_ =	sdelay $0x3  }
0x333: {  	[tilespmem:v5+s19+$0x0] =	vst.idx.msk $0xffff, v3  }
0x334: {  	v5 =	vor.u32 $0xF002, v1;
	v3 =	vld.idx.msk [tilespmem:v6+s12+$0x0], $0xffff  }
0x335: {  	v6 =	vor.u32 $0x2, v4;
	_ =	sdelay $0x3  }
0x336: {  	[tilespmem:v5+s19+$0x0] =	vst.idx.msk $0xffff, v3  }
0x337: {  	v5 =	vor.u32 $0xF003, v1;
	v3 =	vld.idx.msk [tilespmem:v6+s12+$0x0], $0xffff  }
0x338: {  	v4 =	vor.u32 $0x3, v4;
	_ =	sdelay $0x3  }
0x339: {  	[tilespmem:v5+s19+$0x0] =	vst.idx.msk $0xffff, v3  }
0x33a: {  	v3 =	vld.idx.msk [tilespmem:v4+s12+$0x0], $0xffff;
	v4 =	vor.u32 $0xF004, v1  }
0x33b: {  	v5 =	vor.u32 $0x1F0, v0;
	_ =	sdelay $0x3  }
0x33c: {  	[tilespmem:v4+s19+$0x0] =	vst.idx.msk $0xffff, v3  }
0x33d: {  	v3 =	vld.idx.msk [tilespmem:v5+s4+$0x0], $0xffff;
	_ =	sdelay $0x4  }
0x33e: {  	vm5 =	vgt.s32 v3, $0x0  }
0x33f: {  	v4 =	vnsel vm5, $0x0, v3  }
0x340: {  	v4 =	vmin.u32 v4, $0x63;
	_ =	sdelay $0x4  }
0x341: {  	v5 =	vld.idx.msk [tilespmem:v4+s13+$0x0], $0xffff  }
0x342: {  	v6 =	vld.idx.msk [tilespmem:v4+s14+$0x0], $0xffff;
	_ =	sdelay $0x1  }
0x343: {  	vm6 =	vgt.s32 v3, $0xFFFFFFFF  }
0x344: {  	vm7 =	veq.s32 v3, $0xFFFFFFFE;
	v7 =	vsel vm6, $0x3F800000, v2  }
0x345: {  	v7 =	vmin.f32 v7, v5;
	vm8 =	vlt.f32 v5, $1.000000000e+00;
	v5 =	vor.u32 $0xF800, v1  }
0x346: {  	v4 =	vshll.u32 v4, $0x7;
	vm9 =	veq.s32 v6, $0x0;
	vm2 =	vmand vm6, vm8  }
0x347: {  	vm10 =	veq.s32 v3, $0xFFFFFFFF;
	vm0 =	vmand vm6, vm9;
	vm1 =	vmor vm7, vm2  }
0x348: {  	v3 =	vsel vm10, $0x0, v7;
	vm0 =	vmor vm0, vm1  }
0x349: {  	v3 =	vsel vm0, $0xBF800000, v3  }
0x34a: {  	[tilespmem:v5+s19+$0x0] =	vst.idx.msk $0xffff, v3  }
0x34b: {  	v5 =	vor.u32 $0xF801, v1;
	v3 =	vld.idx.msk [tilespmem:v4+s12+$0x0], $0xffff  }
0x34c: {  	v6 =	vor.u32 $0x1, v4;
	_ =	sdelay $0x3  }
0x34d: {  	[tilespmem:v5+s19+$0x0] =	vst.idx.msk $0xffff, v3  }
0x34e: {  	v5 =	vor.u32 $0xF802, v1;
	v3 =	vld.idx.msk [tilespmem:v6+s12+$0x0], $0xffff  }
0x34f: {  	v6 =	vor.u32 $0x2, v4;
	_ =	sdelay $0x3  }
0x350: {  	[tilespmem:v5+s19+$0x0] =	vst.idx.msk $0xffff, v3  }
0x351: {  	v5 =	vor.u32 $0xF803, v1;
	v3 =	vld.idx.msk [tilespmem:v6+s12+$0x0], $0xffff  }
0x352: {  	v4 =	vor.u32 $0x3, v4;
	_ =	sdelay $0x3  }
0x353: {  	[tilespmem:v5+s19+$0x0] =	vst.idx.msk $0xffff, v3  }
0x354: {  	v3 =	vld.idx.msk [tilespmem:v4+s12+$0x0], $0xffff;
	v4 =	vor.u32 $0xF804, v1  }
0x355: {  	v5 =	vor.u32 $0x200, v0;
	_ =	sdelay $0x3  }
0x356: {  	[tilespmem:v4+s19+$0x0] =	vst.idx.msk $0xffff, v3  }
0x357: {  	v3 =	vld.idx.msk [tilespmem:v5+s4+$0x0], $0xffff;
	_ =	sdelay $0x4  }
0x358: {  	vm11 =	vgt.s32 v3, $0x0  }
0x359: {  	v4 =	vnsel vm11, $0x0, v3  }
0x35a: {  	v4 =	vmin.u32 v4, $0x63;
	_ =	sdelay $0x4  }
0x35b: {  	v5 =	vld.idx.msk [tilespmem:v4+s13+$0x0], $0xffff  }
0x35c: {  	v6 =	vld.idx.msk [tilespmem:v4+s14+$0x0], $0xffff;
	_ =	sdelay $0x1  }
0x35d: {  	vm12 =	vgt.s32 v3, $0xFFFFFFFF  }
0x35e: {  	vm13 =	veq.s32 v3, $0xFFFFFFFE;
	v7 =	vsel vm12, $0x3F800000, v2  }
0x35f: {  	v7 =	vmin.f32 v7, v5;
	vm14 =	vlt.f32 v5, $1.000000000e+00;
	v5 =	vor.u32 $0x10000, v1  }
0x360: {  	v4 =	vshll.u32 v4, $0x7;
	vm15 =	veq.s32 v6, $0x0;
	vm2 =	vmand vm12, vm14  }
0x361: {  	vm4 =	veq.s32 v3, $0xFFFFFFFF;
	vm0 =	vmand vm12, vm15;
	vm1 =	vmor vm13, vm2  }
0x362: {  	v3 =	vsel vm4, $0x0, v7;
	vm0 =	vmor vm0, vm1  }
0x363: {  	v3 =	vsel vm0, $0xBF800000, v3  }
0x364: {  	[tilespmem:v5+s19+$0x0] =	vst.idx.msk $0xffff, v3  }
0x365: {  	v5 =	vor.u32 $0x10001, v1;
	v3 =	vld.idx.msk [tilespmem:v4+s12+$0x0], $0xffff  }
0x366: {  	v6 =	vor.u32 $0x1, v4;
	_ =	sdelay $0x3  }
0x367: {  	[tilespmem:v5+s19+$0x0] =	vst.idx.msk $0xffff, v3  }
0x368: {  	v5 =	vor.u32 $0x10002, v1;
	v3 =	vld.idx.msk [tilespmem:v6+s12+$0x0], $0xffff  }
0x369: {  	v6 =	vor.u32 $0x2, v4;
	_ =	sdelay $0x3  }
0x36a: {  	[tilespmem:v5+s19+$0x0] =	vst.idx.msk $0xffff, v3  }
0x36b: {  	v5 =	vor.u32 $0x10003, v1;
	v3 =	vld.idx.msk [tilespmem:v6+s12+$0x0], $0xffff  }
0x36c: {  	v4 =	vor.u32 $0x3, v4;
	_ =	sdelay $0x3  }
0x36d: {  	[tilespmem:v5+s19+$0x0] =	vst.idx.msk $0xffff, v3  }
0x36e: {  	v3 =	vld.idx.msk [tilespmem:v4+s12+$0x0], $0xffff;
	v4 =	vor.u32 $0x10004, v1  }
0x36f: {  	v5 =	vor.u32 $0x210, v0;
	_ =	sdelay $0x3  }
0x370: {  	[tilespmem:v4+s19+$0x0] =	vst.idx.msk $0xffff, v3  }
0x371: {  	v3 =	vld.idx.msk [tilespmem:v5+s4+$0x0], $0xffff;
	_ =	sdelay $0x4  }
0x372: {  	vm5 =	vgt.s32 v3, $0x0  }
0x373: {  	v4 =	vnsel vm5, $0x0, v3  }
0x374: {  	v4 =	vmin.u32 v4, $0x63;
	_ =	sdelay $0x4  }
0x375: {  	v5 =	vld.idx.msk [tilespmem:v4+s13+$0x0], $0xffff  }
0x376: {  	v6 =	vld.idx.msk [tilespmem:v4+s14+$0x0], $0xffff;
	_ =	sdelay $0x1  }
0x377: {  	vm6 =	vgt.s32 v3, $0xFFFFFFFF  }
0x378: {  	vm7 =	veq.s32 v3, $0xFFFFFFFE;
	v7 =	vsel vm6, $0x3F800000, v2  }
0x379: {  	v7 =	vmin.f32 v7, v5;
	vm8 =	vlt.f32 v5, $1.000000000e+00;
	v5 =	vor.u32 $0x10800, v1  }
0x37a: {  	v4 =	vshll.u32 v4, $0x7;
	vm9 =	veq.s32 v6, $0x0;
	vm2 =	vmand vm6, vm8  }
0x37b: {  	vm10 =	veq.s32 v3, $0xFFFFFFFF;
	vm0 =	vmand vm6, vm9;
	vm1 =	vmor vm7, vm2  }
0x37c: {  	v3 =	vsel vm10, $0x0, v7;
	vm0 =	vmor vm0, vm1  }
0x37d: {  	v3 =	vsel vm0, $0xBF800000, v3  }
0x37e: {  	[tilespmem:v5+s19+$0x0] =	vst.idx.msk $0xffff, v3  }
0x37f: {  	v5 =	vor.u32 $0x10801, v1;
	v3 =	vld.idx.msk [tilespmem:v4+s12+$0x0], $0xffff  }
0x380: {  	v6 =	vor.u32 $0x1, v4;
	_ =	sdelay $0x3  }
0x381: {  	[tilespmem:v5+s19+$0x0] =	vst.idx.msk $0xffff, v3  }
0x382: {  	v5 =	vor.u32 $0x10802, v1;
	v3 =	vld.idx.msk [tilespmem:v6+s12+$0x0], $0xffff  }
0x383: {  	v6 =	vor.u32 $0x2, v4;
	_ =	sdelay $0x3  }
0x384: {  	[tilespmem:v5+s19+$0x0] =	vst.idx.msk $0xffff, v3  }
0x385: {  	v5 =	vor.u32 $0x10803, v1;
	v3 =	vld.idx.msk [tilespmem:v6+s12+$0x0], $0xffff  }
0x386: {  	v4 =	vor.u32 $0x3, v4;
	_ =	sdelay $0x3  }
0x387: {  	[tilespmem:v5+s19+$0x0] =	vst.idx.msk $0xffff, v3  }
0x388: {  	v3 =	vld.idx.msk [tilespmem:v4+s12+$0x0], $0xffff;
	v4 =	vor.u32 $0x10804, v1  }
0x389: {  	v5 =	vor.u32 $0x220, v0;
	_ =	sdelay $0x3  }
0x38a: {  	[tilespmem:v4+s19+$0x0] =	vst.idx.msk $0xffff, v3  }
0x38b: {  	v3 =	vld.idx.msk [tilespmem:v5+s4+$0x0], $0xffff;
	_ =	sdelay $0x4  }
0x38c: {  	vm11 =	vgt.s32 v3, $0x0  }
0x38d: {  	v4 =	vnsel vm11, $0x0, v3  }
0x38e: {  	v4 =	vmin.u32 v4, $0x63;
	_ =	sdelay $0x4  }
0x38f: {  	v5 =	vld.idx.msk [tilespmem:v4+s13+$0x0], $0xffff  }
0x390: {  	v6 =	vld.idx.msk [tilespmem:v4+s14+$0x0], $0xffff;
	_ =	sdelay $0x1  }
0x391: {  	vm12 =	vgt.s32 v3, $0xFFFFFFFF  }
0x392: {  	vm13 =	veq.s32 v3, $0xFFFFFFFE;
	v7 =	vsel vm12, $0x3F800000, v2  }
0x393: {  	v7 =	vmin.f32 v7, v5;
	vm14 =	vlt.f32 v5, $1.000000000e+00;
	v5 =	vor.u32 $0x11000, v1  }
0x394: {  	v4 =	vshll.u32 v4, $0x7;
	vm15 =	veq.s32 v6, $0x0;
	vm2 =	vmand vm12, vm14  }
0x395: {  	vm6 =	veq.s32 v3, $0xFFFFFFFF;
	vm0 =	vmand vm12, vm15;
	vm1 =	vmor vm13, vm2  }
0x396: {  	v3 =	vsel vm6, $0x0, v7;
	vm0 =	vmor vm0, vm1  }
0x397: {  	v3 =	vsel vm0, $0xBF800000, v3  }
0x398: {  	[tilespmem:v5+s19+$0x0] =	vst.idx.msk $0xffff, v3  }
0x399: {  	v5 =	vor.u32 $0x11001, v1;
	v3 =	vld.idx.msk [tilespmem:v4+s12+$0x0], $0xffff  }
0x39a: {  	v6 =	vor.u32 $0x1, v4;
	_ =	sdelay $0x3  }
0x39b: {  	[tilespmem:v5+s19+$0x0] =	vst.idx.msk $0xffff, v3  }
0x39c: {  	v5 =	vor.u32 $0x11002, v1;
	v3 =	vld.idx.msk [tilespmem:v6+s12+$0x0], $0xffff  }
0x39d: {  	v6 =	vor.u32 $0x2, v4;
	_ =	sdelay $0x3  }
0x39e: {  	[tilespmem:v5+s19+$0x0] =	vst.idx.msk $0xffff, v3  }
0x39f: {  	v5 =	vor.u32 $0x11003, v1;
	v3 =	vld.idx.msk [tilespmem:v6+s12+$0x0], $0xffff  }
0x3a0: {  	v4 =	vor.u32 $0x3, v4;
	_ =	sdelay $0x3  }
0x3a1: {  	[tilespmem:v5+s19+$0x0] =	vst.idx.msk $0xffff, v3  }
0x3a2: {  	v3 =	vld.idx.msk [tilespmem:v4+s12+$0x0], $0xffff;
	v4 =	vor.u32 $0x11004, v1  }
0x3a3: {  	v5 =	vor.u32 $0x230, v0;
	_ =	sdelay $0x3  }
0x3a4: {  	[tilespmem:v4+s19+$0x0] =	vst.idx.msk $0xffff, v3  }
0x3a5: {  	v3 =	vld.idx.msk [tilespmem:v5+s4+$0x0], $0xffff;
	_ =	sdelay $0x4  }
0x3a6: {  	vm7 =	vgt.s32 v3, $0x0  }
0x3a7: {  	v4 =	vnsel vm7, $0x0, v3  }
0x3a8: {  	v4 =	vmin.u32 v4, $0x63;
	_ =	sdelay $0x4  }
0x3a9: {  	v5 =	vld.idx.msk [tilespmem:v4+s13+$0x0], $0xffff  }
0x3aa: {  	v6 =	vld.idx.msk [tilespmem:v4+s14+$0x0], $0xffff;
	_ =	sdelay $0x1  }
0x3ab: {  	vm8 =	vgt.s32 v3, $0xFFFFFFFF  }
0x3ac: {  	vm9 =	veq.s32 v3, $0xFFFFFFFE;
	v7 =	vsel vm8, $0x3F800000, v2  }
0x3ad: {  	v7 =	vmin.f32 v7, v5;
	vm10 =	vlt.f32 v5, $1.000000000e+00;
	v5 =	vor.u32 $0x11800, v1  }
0x3ae: {  	v4 =	vshll.u32 v4, $0x7;
	vm11 =	veq.s32 v6, $0x0;
	vm2 =	vmand vm8, vm10  }
0x3af: {  	vm12 =	veq.s32 v3, $0xFFFFFFFF;
	vm0 =	vmand vm8, vm11;
	vm1 =	vmor vm9, vm2  }
0x3b0: {  	v3 =	vsel vm12, $0x0, v7;
	vm0 =	vmor vm0, vm1  }
0x3b1: {  	v3 =	vsel vm0, $0xBF800000, v3  }
0x3b2: {  	[tilespmem:v5+s19+$0x0] =	vst.idx.msk $0xffff, v3  }
0x3b3: {  	v5 =	vor.u32 $0x11801, v1;
	v3 =	vld.idx.msk [tilespmem:v4+s12+$0x0], $0xffff  }
0x3b4: {  	v6 =	vor.u32 $0x1, v4;
	_ =	sdelay $0x3  }
0x3b5: {  	[tilespmem:v5+s19+$0x0] =	vst.idx.msk $0xffff, v3  }
0x3b6: {  	v5 =	vor.u32 $0x11802, v1;
	v3 =	vld.idx.msk [tilespmem:v6+s12+$0x0], $0xffff  }
0x3b7: {  	v6 =	vor.u32 $0x2, v4;
	_ =	sdelay $0x3  }
0x3b8: {  	[tilespmem:v5+s19+$0x0] =	vst.idx.msk $0xffff, v3  }
0x3b9: {  	v5 =	vor.u32 $0x11803, v1;
	v3 =	vld.idx.msk [tilespmem:v6+s12+$0x0], $0xffff  }
0x3ba: {  	v4 =	vor.u32 $0x3, v4;
	_ =	sdelay $0x3  }
0x3bb: {  	[tilespmem:v5+s19+$0x0] =	vst.idx.msk $0xffff, v3  }
0x3bc: {  	v3 =	vld.idx.msk [tilespmem:v4+s12+$0x0], $0xffff;
	v4 =	vor.u32 $0x11804, v1  }
0x3bd: {  	v5 =	vor.u32 $0x240, v0;
	_ =	sdelay $0x3  }
0x3be: {  	[tilespmem:v4+s19+$0x0] =	vst.idx.msk $0xffff, v3  }
0x3bf: {  	v3 =	vld.idx.msk [tilespmem:v5+s4+$0x0], $0xffff;
	_ =	sdelay $0x4  }
0x3c0: {  	vm13 =	vgt.s32 v3, $0x0  }
0x3c1: {  	v4 =	vnsel vm13, $0x0, v3  }
0x3c2: {  	v4 =	vmin.u32 v4, $0x63;
	_ =	sdelay $0x4  }
0x3c3: {  	v5 =	vld.idx.msk [tilespmem:v4+s13+$0x0], $0xffff  }
0x3c4: {  	v6 =	vld.idx.msk [tilespmem:v4+s14+$0x0], $0xffff;
	_ =	sdelay $0x1  }
0x3c5: {  	vm14 =	vgt.s32 v3, $0xFFFFFFFF  }
0x3c6: {  	vm15 =	veq.s32 v3, $0xFFFFFFFE;
	v7 =	vsel vm14, $0x3F800000, v2  }
0x3c7: {  	v7 =	vmin.f32 v7, v5;
	vm5 =	vlt.f32 v5, $1.000000000e+00;
	v5 =	vor.u32 $0x12000, v1  }
0x3c8: {  	v4 =	vshll.u32 v4, $0x7;
	vm6 =	veq.s32 v6, $0x0;
	vm2 =	vmand vm14, vm5  }
0x3c9: {  	vm7 =	veq.s32 v3, $0xFFFFFFFF;
	vm0 =	vmand vm14, vm6;
	vm1 =	vmor vm15, vm2  }
0x3ca: {  	v3 =	vsel vm7, $0x0, v7;
	vm0 =	vmor vm0, vm1  }
0x3cb: {  	v3 =	vsel vm0, $0xBF800000, v3  }
0x3cc: {  	[tilespmem:v5+s19+$0x0] =	vst.idx.msk $0xffff, v3  }
0x3cd: {  	v5 =	vor.u32 $0x12001, v1;
	v3 =	vld.idx.msk [tilespmem:v4+s12+$0x0], $0xffff  }
0x3ce: {  	v6 =	vor.u32 $0x1, v4;
	_ =	sdelay $0x3  }
0x3cf: {  	[tilespmem:v5+s19+$0x0] =	vst.idx.msk $0xffff, v3  }
0x3d0: {  	v5 =	vor.u32 $0x12002, v1;
	v3 =	vld.idx.msk [tilespmem:v6+s12+$0x0], $0xffff  }
0x3d1: {  	v6 =	vor.u32 $0x2, v4;
	_ =	sdelay $0x3  }
0x3d2: {  	[tilespmem:v5+s19+$0x0] =	vst.idx.msk $0xffff, v3  }
0x3d3: {  	v5 =	vor.u32 $0x12003, v1;
	v3 =	vld.idx.msk [tilespmem:v6+s12+$0x0], $0xffff  }
0x3d4: {  	v4 =	vor.u32 $0x3, v4;
	_ =	sdelay $0x3  }
0x3d5: {  	[tilespmem:v5+s19+$0x0] =	vst.idx.msk $0xffff, v3  }
0x3d6: {  	v3 =	vld.idx.msk [tilespmem:v4+s12+$0x0], $0xffff;
	v4 =	vor.u32 $0x12004, v1  }
0x3d7: {  	v5 =	vor.u32 $0x250, v0;
	_ =	sdelay $0x3  }
0x3d8: {  	[tilespmem:v4+s19+$0x0] =	vst.idx.msk $0xffff, v3  }
0x3d9: {  	v3 =	vld.idx.msk [tilespmem:v5+s4+$0x0], $0xffff;
	_ =	sdelay $0x4  }
0x3da: {  	vm8 =	vgt.s32 v3, $0x0  }
0x3db: {  	v4 =	vnsel vm8, $0x0, v3  }
0x3dc: {  	v4 =	vmin.u32 v4, $0x63;
	_ =	sdelay $0x4  }
0x3dd: {  	v5 =	vld.idx.msk [tilespmem:v4+s13+$0x0], $0xffff  }
0x3de: {  	v6 =	vld.idx.msk [tilespmem:v4+s14+$0x0], $0xffff;
	_ =	sdelay $0x1  }
0x3df: {  	vm9 =	vgt.s32 v3, $0xFFFFFFFF  }
0x3e0: {  	vm10 =	veq.s32 v3, $0xFFFFFFFE;
	v7 =	vsel vm9, $0x3F800000, v2  }
0x3e1: {  	v7 =	vmin.f32 v7, v5;
	vm11 =	vlt.f32 v5, $1.000000000e+00;
	v5 =	vor.u32 $0x12800, v1  }
0x3e2: {  	v4 =	vshll.u32 v4, $0x7;
	vm12 =	veq.s32 v6, $0x0;
	vm2 =	vmand vm9, vm11  }
0x3e3: {  	vm13 =	veq.s32 v3, $0xFFFFFFFF;
	vm0 =	vmand vm9, vm12;
	vm1 =	vmor vm10, vm2  }
0x3e4: {  	v3 =	vsel vm13, $0x0, v7;
	vm0 =	vmor vm0, vm1  }
0x3e5: {  	v3 =	vsel vm0, $0xBF800000, v3  }
0x3e6: {  	[tilespmem:v5+s19+$0x0] =	vst.idx.msk $0xffff, v3  }
0x3e7: {  	v5 =	vor.u32 $0x12801, v1;
	v3 =	vld.idx.msk [tilespmem:v4+s12+$0x0], $0xffff  }
0x3e8: {  	v6 =	vor.u32 $0x1, v4;
	_ =	sdelay $0x3  }
0x3e9: {  	[tilespmem:v5+s19+$0x0] =	vst.idx.msk $0xffff, v3  }
0x3ea: {  	v5 =	vor.u32 $0x12802, v1;
	v3 =	vld.idx.msk [tilespmem:v6+s12+$0x0], $0xffff  }
0x3eb: {  	v6 =	vor.u32 $0x2, v4;
	_ =	sdelay $0x3  }
0x3ec: {  	[tilespmem:v5+s19+$0x0] =	vst.idx.msk $0xffff, v3  }
0x3ed: {  	v5 =	vor.u32 $0x12803, v1;
	v3 =	vld.idx.msk [tilespmem:v6+s12+$0x0], $0xffff  }
0x3ee: {  	v4 =	vor.u32 $0x3, v4;
	_ =	sdelay $0x3  }
0x3ef: {  	[tilespmem:v5+s19+$0x0] =	vst.idx.msk $0xffff, v3  }
0x3f0: {  	v3 =	vld.idx.msk [tilespmem:v4+s12+$0x0], $0xffff;
	v4 =	vor.u32 $0x12804, v1  }
0x3f1: {  	v5 =	vor.u32 $0x260, v0;
	_ =	sdelay $0x3  }
0x3f2: {  	[tilespmem:v4+s19+$0x0] =	vst.idx.msk $0xffff, v3  }
0x3f3: {  	v3 =	vld.idx.msk [tilespmem:v5+s4+$0x0], $0xffff;
	_ =	sdelay $0x4  }
0x3f4: {  	vm14 =	vgt.s32 v3, $0x0  }
0x3f5: {  	v4 =	vnsel vm14, $0x0, v3  }
0x3f6: {  	v4 =	vmin.u32 v4, $0x63;
	_ =	sdelay $0x4  }
0x3f7: {  	v5 =	vld.idx.msk [tilespmem:v4+s13+$0x0], $0xffff  }
0x3f8: {  	v6 =	vld.idx.msk [tilespmem:v4+s14+$0x0], $0xffff;
	_ =	sdelay $0x1  }
0x3f9: {  	vm15 =	vgt.s32 v3, $0xFFFFFFFF  }
0x3fa: {  	vm6 =	veq.s32 v3, $0xFFFFFFFE;
	v7 =	vsel vm15, $0x3F800000, v2  }
0x3fb: {  	v7 =	vmin.f32 v7, v5;
	vm7 =	vlt.f32 v5, $1.000000000e+00;
	v5 =	vor.u32 $0x13000, v1  }
0x3fc: {  	v4 =	vshll.u32 v4, $0x7;
	vm8 =	veq.s32 v6, $0x0;
	vm2 =	vmand vm15, vm7  }
0x3fd: {  	vm9 =	veq.s32 v3, $0xFFFFFFFF;
	vm0 =	vmand vm15, vm8;
	vm1 =	vmor vm6, vm2  }
0x3fe: {  	v3 =	vsel vm9, $0x0, v7;
	vm0 =	vmor vm0, vm1  }
0x3ff: {  	v3 =	vsel vm0, $0xBF800000, v3  }
0x400: {  	[tilespmem:v5+s19+$0x0] =	vst.idx.msk $0xffff, v3  }
0x401: {  	v5 =	vor.u32 $0x13001, v1;
	v3 =	vld.idx.msk [tilespmem:v4+s12+$0x0], $0xffff  }
0x402: {  	v6 =	vor.u32 $0x1, v4;
	_ =	sdelay $0x3  }
0x403: {  	[tilespmem:v5+s19+$0x0] =	vst.idx.msk $0xffff, v3  }
0x404: {  	v5 =	vor.u32 $0x13002, v1;
	v3 =	vld.idx.msk [tilespmem:v6+s12+$0x0], $0xffff  }
0x405: {  	v6 =	vor.u32 $0x2, v4;
	_ =	sdelay $0x3  }
0x406: {  	[tilespmem:v5+s19+$0x0] =	vst.idx.msk $0xffff, v3  }
0x407: {  	v5 =	vor.u32 $0x13003, v1;
	v3 =	vld.idx.msk [tilespmem:v6+s12+$0x0], $0xffff  }
0x408: {  	v4 =	vor.u32 $0x3, v4;
	_ =	sdelay $0x3  }
0x409: {  	[tilespmem:v5+s19+$0x0] =	vst.idx.msk $0xffff, v3  }
0x40a: {  	v3 =	vld.idx.msk [tilespmem:v4+s12+$0x0], $0xffff;
	v4 =	vor.u32 $0x13004, v1  }
0x40b: {  	v5 =	vor.u32 $0x270, v0;
	_ =	sdelay $0x3  }
0x40c: {  	[tilespmem:v4+s19+$0x0] =	vst.idx.msk $0xffff, v3  }
0x40d: {  	v3 =	vld.idx.msk [tilespmem:v5+s4+$0x0], $0xffff;
	_ =	sdelay $0x4  }
0x40e: {  	vm10 =	vgt.s32 v3, $0x0  }
0x40f: {  	v4 =	vnsel vm10, $0x0, v3  }
0x410: {  	v4 =	vmin.u32 v4, $0x63;
	_ =	sdelay $0x4  }
0x411: {  	v5 =	vld.idx.msk [tilespmem:v4+s13+$0x0], $0xffff  }
0x412: {  	v6 =	vld.idx.msk [tilespmem:v4+s14+$0x0], $0xffff;
	_ =	sdelay $0x1  }
0x413: {  	vm11 =	vgt.s32 v3, $0xFFFFFFFF  }
0x414: {  	vm14 =	veq.s32 v3, $0xFFFFFFFE;
	v7 =	vsel vm11, $0x3F800000, v2  }
0x415: {  	v7 =	vmin.f32 v7, v5;
	vm12 =	vlt.f32 v5, $1.000000000e+00;
	v5 =	vor.u32 $0x13800, v1  }
0x416: {  	v4 =	vshll.u32 v4, $0x7;
	vm13 =	veq.s32 v6, $0x0;
	vm1 =	vmand vm11, vm12  }
0x417: {  	vm15 =	veq.s32 v3, $0xFFFFFFFF;
	vm0 =	vmand vm11, vm13;
	vm1 =	vmor vm14, vm1  }
0x418: {  	v3 =	vsel vm15, $0x0, v7;
	vm0 =	vmor vm0, vm1  }
0x419: {  	v3 =	vsel vm0, $0xBF800000, v3  }
0x41a: {  	[tilespmem:v5+s19+$0x0] =	vst.idx.msk $0xffff, v3  }
0x41b: {  	v5 =	vor.u32 $0x13801, v1;
	v3 =	vld.idx.msk [tilespmem:v4+s12+$0x0], $0xffff  }
0x41c: {  	v6 =	vor.u32 $0x1, v4;
	_ =	sdelay $0x3  }
0x41d: {  	[tilespmem:v5+s19+$0x0] =	vst.idx.msk $0xffff, v3  }
0x41e: {  	v5 =	vor.u32 $0x13802, v1;
	v3 =	vld.idx.msk [tilespmem:v6+s12+$0x0], $0xffff  }
0x41f: {  	v6 =	vor.u32 $0x2, v4;
	_ =	sdelay $0x3  }
0x420: {  	[tilespmem:v5+s19+$0x0] =	vst.idx.msk $0xffff, v3  }
0x421: {  	v5 =	vor.u32 $0x13803, v1;
	v3 =	vld.idx.msk [tilespmem:v6+s12+$0x0], $0xffff  }
0x422: {  	v4 =	vor.u32 $0x3, v4;
	_ =	sdelay $0x3  }
0x423: {  	[tilespmem:v5+s19+$0x0] =	vst.idx.msk $0xffff, v3  }
0x424: {  	v3 =	vld.idx.msk [tilespmem:v4+s12+$0x0], $0xffff;
	v4 =	vor.u32 $0x13804, v1;
	_ =	sdelay $0x4  }
0x425: {  	s20 =	simm.s32 @p0 $0x0;
	s21 =	simm.s32 @p0 $0x3780;
	[tilespmem:v4+s19+$0x0] =	vst.idx.msk $0xffff, v3  }
0x426: {  	[hbm4b:s8+s20] =	stream.linear.scatter @p0 [tilespmem:s21], [sflag:$0x5], $0x5000, $0x38;
	[tilespmem:$0x17780] =	vst v63  }
0x427: {  	s20 =	simm.s32 @p0 $0x5  }
0x428: {  	s9 =	sadd.s32 $0xFFFFFFFF, s9;
	_ =	swait.ge @p0 [sflag:s20], $0x5000  }
0x429: {  	p1 =	sne.s32 s9, $0x0;
	[sflag:s20] =	ssyncset.done @p0 $0x0  }
0x42a: {  	s21 =	simm.s32 @!p0 $0x3780;
	[sflag:s20] =	ssyncadd.s32 @p0 $0xFFFFB000;
	s20 =	simm.s32 @!p0 $0x0  }
0x42b: {  	[hbm4b:s7+s20] =	stream.linear.scatter @!p0 [tilespmem:s21], [sflag:$0x5], $0x14000, $0x38;
	[tilespmem:$0x17780] =	vst v63  }
.Ltmp0:
0x42c: {  	_ = 	snop;
	(pc) =	sbr.rel @p1 .LBB2_1-.Ltmp0, $4  }
0x42d: {  	s20 =	simm.s32 @!p0 $0x5  }
0x42e: {  	_ =	swait.ge @!p0 [sflag:s20], $0x14000  }
0x42f: {  	[sflag:s20] =	ssyncset.done @!p0 $0x0  }
0x430: {  	[sflag:s20] =	ssyncadd.s32 @!p0 $0xFFFEC000  }
0x431: {  	_ =	sfence.sel $0x180000  }
0x432: {  	[bflag:$0x0] =	sbarrier.arrive $0xFFFF  }
0x433: {  	p0 =	sne.s32 s1, $0x0;
	_ =	strace $0x90000047  }
0x434: {  	s0 =	sadd.s32 @!p0 $0x100000, s2;
	[bflag:$0x2] =	sbarrier.arrive $0xFFFF  }
0x435: {  	[sflag:s0] =	ssyncadd.tile.s32 @!p0 $0x1;
	_ =	shalt  }
.Lfunc_end2:
_tile_overlayer_lowered:
.L_overlay_start_2:
0x436: {  	(tag) =	ssettag $0x2  }
0x437: {  	s0 =	rddreg [dreg:$0x0];
	s2 =	stileid.u32  }
0x438: {  	s1 =	rddreg [dreg:$0x1];
	p0 =	sne.s32 s2, $0x0  }
0x439: {  	s3 =	rddreg [dreg:$0x2];
	[bflag:$0x3] =	sbarrier.arrive $0xFFFF;
	s2 =	simm.s32 @!p0 $0x1C05  }
0x43a: {  	[timem:s3], [sflag:s2] =	dma.local @!p0 [hbm:s0], s1  }
0x43b: {  	s0 =	simm.s32 @!p0 $0x5  }
0x43c: {  	_ =	swait.ge @!p0 [sflag:s0], s1  }
0x43d: {  	s1 =	ssub.s32 @!p0 $0x0, s1;
	[sflag:s0] =	ssyncset.done @!p0 $0x0  }
0x43e: {  	[sflag:s0] =	ssyncadd.s32 @!p0 s1  }
0x43f: {  	[bflag:$0x3] =	sbarrier.arrive $0xFFFF  }
0x440: {  	_ =	shalt  }

</sc_bundles>
